<compile_context>
chip_gen: v7x
topology: tpu7x:2x2x1
jax: 0.10.2.dev20260603
libtpu: 0.0.44.dev20260713+nightly
codegen_flags: <defaults>
</compile_context>

<pallas_src>
import functools

import jax
import jax.numpy as jnp
import numpy as np
from jax import lax
from jax.experimental import pallas as pl
from jax.experimental.pallas import tpu as pltpu
from jax.experimental.pallas import tpu_sc as plsc

_N = 10000
_E = 320000
_H = 128
_OUT = 2
_MNN = 1000
_L = 4
_EPS = 1e-5

_C = 128
_EPAD = 327680
_NCHUNK = _EPAD // _C
_NS = 16
_NC = 2
_CPT = _NCHUNK // (_NC * _NS)
_RPT = 632
_NROW = _NS * _RPT
_DW = 16


_MESH = plsc.VectorSubcoreMesh(core_axis_name="c", subcore_axis_name="s")

_PAD_N = _EPAD - _E
_PAD_PACKED = (np.arange(_PAD_N, dtype=np.int64) % _N
               | ((np.arange(_PAD_N, dtype=np.int64) % (_NROW - _N) + _N)
                  << 16)).astype(np.int32)


def _sc_agg_body(x_hbm, packed_hbm, agg_hbm,
                 packed_v, srcr, dstr, rows0, rows1, acc_sh, sem0, sem1):
    cid = lax.axis_index("c")
    sid = lax.axis_index("s")
    rows = pl.ds(sid * _RPT, _RPT)
    chunks = pl.ds((cid * _NS + sid) * _CPT * _C, _CPT * _C)

    pltpu.sync_copy(packed_hbm.at[chunks], packed_v)

    z16 = jnp.zeros((16,), jnp.float32)

    def zrow(r, carry):
        for c in range(_H // 16):
            rows0[r, pl.ds(c * 16, 16)] = z16
        return carry

    lax.fori_loop(0, _C, zrow, 0, unroll=False)
    for j in range(5):
        n = _C if j < 4 else _RPT - 4 * _C
        pltpu.sync_copy(rows0.at[pl.ds(0, n)],
                        acc_sh.at[pl.ds(sid * _RPT + j * _C, n)])
    plsc.subcore_barrier()

    def unpack(k, slot):
        for c in range(_C // 16):
            w = packed_v[pl.ds(k * _C + c * 16, 16)]
            srcr[slot, pl.ds(c * 16, 16)] = w & 0xFFFF
            dstr[slot, pl.ds(c * 16, 16)] = lax.shift_right_logical(w, 16)

    def gather(slot, buf, sem):
        pltpu.async_copy(x_hbm.at[srcr.at[slot]], buf, sem)

    def gwait(buf, sem):
        pltpu.make_async_copy(x_hbm.at[srcr.at[0]], buf, sem).wait()

    def scatter(buf, slot):
        pltpu.sync_copy(buf, acc_sh.at[dstr.at[slot]], add=True)

    unpack(0, 0)
    gather(0, rows0, sem0)

    def body2(i, carry):
        k0 = 2 * i
        unpack(k0 + 1, 1)
        gather(1, rows1, sem1)
        gwait(rows0, sem0)
        scatter(rows0, 0)

        @pl.when(i < _CPT // 2 - 1)
        def _():
            unpack(k0 + 2, 0)
            gather(0, rows0, sem0)

        gwait(rows1, sem1)
        scatter(rows1, 1)
        return carry

    lax.fori_loop(0, _CPT // 2, body2, 0, unroll=False)
    plsc.subcore_barrier()

    pltpu.sync_copy(acc_sh.at[rows], agg_hbm.at[cid, rows])


_sc_agg = pl.kernel(
    _sc_agg_body,
    out_type=jax.ShapeDtypeStruct((_NC, _NROW, _H), jnp.float32),
    mesh=_MESH,
    scratch_types=(
        pltpu.VMEM((_CPT * _C,), jnp.int32),
        pltpu.VMEM((2, _C), jnp.int32),
        pltpu.VMEM((2, _C), jnp.int32),
        pltpu.VMEM((_C, _H), jnp.float32),
        pltpu.VMEM((_C, _H), jnp.float32),
        pltpu.VMEM_SHARED((_NROW, _H), jnp.float32),
        pltpu.SemaphoreType.DMA,
        pltpu.SemaphoreType.DMA,
    ),
)


def _sc_deg_body(packed_hbm, zerosd_hbm, ones_hbm, deg_hbm,
                 packed_v, dstr, ones_v, deg_sh, gsem):
    cid = lax.axis_index("c")
    sid = lax.axis_index("s")
    rows = pl.ds(sid * _RPT, _RPT)
    chunks = pl.ds((cid * _NS + sid) * _CPT * _C, _CPT * _C)

    pltpu.sync_copy(packed_hbm.at[chunks], packed_v)
    pltpu.sync_copy(zerosd_hbm, deg_sh.at[rows])
    pltpu.sync_copy(ones_hbm, ones_v)
    plsc.subcore_barrier()

    def chunk(k, carry):
        for c in range(_C // 16):
            w = packed_v[pl.ds(k * _C + c * 16, 16)]
            dstr[0, pl.ds(c * 16, 16)] = lax.shift_right_logical(w, 16)
        pltpu.sync_copy(ones_v, deg_sh.at[dstr.at[0]], add=True)
        return carry

    lax.fori_loop(0, _CPT, chunk, 0, unroll=False)
    plsc.subcore_barrier()
    pltpu.sync_copy(deg_sh.at[rows], deg_hbm.at[cid, rows])


_sc_deg = pl.kernel(
    _sc_deg_body,
    out_type=jax.ShapeDtypeStruct((_NC, _NROW, _DW), jnp.float32),
    mesh=_MESH,
    compiler_params=pltpu.CompilerParams(use_tc_tiling_on_sc=False),
    scratch_types=(
        pltpu.VMEM((_CPT * _C,), jnp.int32),
        pltpu.VMEM((1, _C), jnp.int32),
        pltpu.VMEM((_C, _DW), jnp.float32),
        pltpu.VMEM_SHARED((_NROW, _DW), jnp.float32),
        pltpu.SemaphoreType.DMA,
    ),
)


def _tc_pack_body(ei, out):
    out[...] = jnp.bitwise_or(ei[0, :], jnp.left_shift(ei[1, :], 16))


_tc_pack = pl.pallas_call(
    _tc_pack_body,
    out_shape=jax.ShapeDtypeStruct((_E,), jnp.int32),
)


def _tc_concat4_body(a, b, c, d, out):
    out[:, 0:32] = a[...]
    out[:, 32:64] = b[...]
    out[:, 64:96] = c[...]
    out[:, 96:128] = d[...]


_tc_concat4 = pl.pallas_call(
    _tc_concat4_body,
    out_shape=jax.ShapeDtypeStruct((_N, _H), jnp.float32),
)


def _tc_pre_body(x_ref, wr, b, out):
    out[...] = (jnp.dot(x_ref[...], wr[...],
                        preferred_element_type=jnp.float32) + b[...])


_tc_pre = pl.pallas_call(
    _tc_pre_body,
    out_shape=jax.ShapeDtypeStruct((_N, _H), jnp.float32),
)


def _tc_post_body(aggp, yr, degn, wl, g, bb, out):
    agg = aggp[0, :_N, :] + aggp[1, :_N, :]
    deg = jnp.maximum(degn[0] + degn[1], 1.0)
    y = (jnp.dot(agg / deg, wl[...], preferred_element_type=jnp.float32)
         + yr[...])
    mu = jnp.mean(y, axis=0, keepdims=True)
    var = jnp.mean((y - mu) ** 2, axis=0, keepdims=True)
    y = (y - mu) * lax.rsqrt(var + _EPS) * g[...] + bb[...]
    out[...] = jnp.maximum(y, 0.0)


_tc_post = pl.pallas_call(
    _tc_post_body,
    out_shape=jax.ShapeDtypeStruct((_N, _H), jnp.float32),
)


_B = _N * _H // _MNN // _H


def _tc_head_body(x2d, w1, b1, w2, b2, g, bb, v1, c1, v2, c2, out):
    h = jnp.dot(x2d[...], w1[...], preferred_element_type=jnp.float32)
    h = jnp.maximum(h + b1[...], 0.0)
    h3 = h.reshape(_B, _H, _H)
    t = jnp.sum(h3 * w2[0, :], axis=-1) + b2[...]
    mu = jnp.mean(t, axis=0, keepdims=True)
    var = jnp.mean((t - mu) ** 2, axis=0, keepdims=True)
    t = (t - mu) * lax.rsqrt(var + _EPS) * g[...] + bb[...]
    t = jnp.maximum(t, 0.0)
    hh = jnp.maximum(
        jnp.dot(t, v1[...], preferred_element_type=jnp.float32) + c1[...], 0.0)
    out[...] = (jnp.dot(hh, v2[...], preferred_element_type=jnp.float32)
                + c2[...])


_tc_head = pl.pallas_call(
    _tc_head_body,
    out_shape=jax.ShapeDtypeStruct((_B, _OUT), jnp.float32),
)


def kernel(x_ori, gamora0, gamora1, gamora2, edge_index, Wl, bl, Wr, bn_g,
           bn_b, m1_W1, m1_b1, m1_W2, m1_b2, bn2_g, bn2_b, m2_W1, m2_b1,
           m2_W2, m2_b2):
    x = _tc_concat4(x_ori, gamora0, gamora1, gamora2)

    packed = jnp.concatenate([_tc_pack(edge_index),
                              jnp.asarray(_PAD_PACKED)])
    zerosd = jnp.zeros((_RPT, _DW), jnp.float32)
    ones = jnp.ones((_C, _DW), jnp.float32)

    degw = _sc_deg(packed, zerosd, ones)
    degn = degw[:, :_N, 0:1]
    for i in range(_L):
        aggp = _sc_agg(x, packed)
        yr = _tc_pre(x, Wr[i], bl[i].reshape(1, _H))
        x = _tc_post(aggp, yr, degn, Wl[i], bn_g[i].reshape(1, _H),
                     bn_b[i].reshape(1, _H))

    x2d = x.reshape(_N * _H // _MNN, _MNN)
    return _tc_head(x2d, m1_W1, m1_b1.reshape(1, _H), m1_W2.reshape(1, _H),
                    m1_b2.reshape(1, 1), bn2_g.reshape(1, _H),
                    bn2_b.reshape(1, _H), m2_W1, m2_b1.reshape(1, _H),
                    m2_W2, m2_b2.reshape(1, _OUT))

# --- scband reference (transcript-rebuilt; emitter-appended) ---
"""Pipeline reference for scband-graph-sage-22411139350716 (READ-ONLY COPY).

The authoritative reference and input builder live on the scoring server;
editing this copy changes nothing except your own understanding.
"""

import jax, jax.numpy as jnp
import numpy as np

N = 10000
E = 320000
DG = 32
H = 128
MNN = 1000
OUT = 2
L = 4
EPS = 1e-5


def setup_inputs(seed: int = 0) -> dict:
    key = jax.random.key(seed)
    ks = jax.random.split(key, 24)
    s = 0.05
    inp = {}
    inp["x_ori"] = jax.random.normal(ks[0], (N, DG), dtype=jnp.float32)
    inp["gamora0"] = jax.random.normal(ks[1], (N, DG), dtype=jnp.float32)
    inp["gamora1"] = jax.random.normal(ks[2], (N, DG), dtype=jnp.float32)
    inp["gamora2"] = jax.random.normal(ks[3], (N, DG), dtype=jnp.float32)
    inp["edge_index"] = jax.random.randint(ks[4], (2, E), 0, N, dtype=jnp.int32)
    # SAGEConv params (in_dim == hidden_dim == 128 so all 4 layers stack)
    inp["Wl"] = jax.random.normal(ks[5], (L, H, H), dtype=jnp.float32) * s
    inp["bl"] = jnp.zeros((L, H), dtype=jnp.float32)
    inp["Wr"] = jax.random.normal(ks[6], (L, H, H), dtype=jnp.float32) * s
    # per-layer BatchNorm
    inp["bn_g"] = jnp.ones((L, H), dtype=jnp.float32)
    inp["bn_b"] = jnp.zeros((L, H), dtype=jnp.float32)
    # mlp1: [max_num_nodes, hidden_dim, 1]
    inp["m1_W1"] = jax.random.normal(ks[7], (MNN, H), dtype=jnp.float32) * s
    inp["m1_b1"] = jnp.zeros((H,), dtype=jnp.float32)
    inp["m1_W2"] = jax.random.normal(ks[8], (H, 1), dtype=jnp.float32) * s
    inp["m1_b2"] = jnp.zeros((1,), dtype=jnp.float32)
    # final BatchNorm
    inp["bn2_g"] = jnp.ones((H,), dtype=jnp.float32)
    inp["bn2_b"] = jnp.zeros((H,), dtype=jnp.float32)
    # mlp2: [hidden_dim, hidden_dim, out_dim]
    inp["m2_W1"] = jax.random.normal(ks[9], (H, H), dtype=jnp.float32) * s
    inp["m2_b1"] = jnp.zeros((H,), dtype=jnp.float32)
    inp["m2_W2"] = jax.random.normal(ks[10], (H, OUT), dtype=jnp.float32) * s
    inp["m2_b2"] = jnp.zeros((OUT,), dtype=jnp.float32)
    return inp


def _batchnorm(x, g, b):
    mu = jnp.mean(x, axis=0)
    var = jnp.var(x, axis=0)
    return (x - mu) / jnp.sqrt(var + EPS) * g + b


def reference(x_ori, gamora0, gamora1, gamora2, edge_index, Wl, bl, Wr, bn_g, bn_b,
              m1_W1, m1_b1, m1_W2, m1_b2, bn2_g, bn2_b, m2_W1, m2_b1, m2_W2, m2_b2):
    x = jnp.concatenate([x_ori, gamora0, gamora1, gamora2], axis=1)
    src = edge_index[0]
    dst = edge_index[1]
    deg = jnp.zeros((N,), dtype=jnp.float32).at[dst].add(1.0)
    deg = jnp.maximum(deg, 1.0)
    for i in range(L):
        # SAGEConv: mean-aggregate neighbor features, then lin_l(agg) + lin_r(x)
        msg = jnp.take(x, src, axis=0)
        agg = jnp.zeros((N, x.shape[1]), dtype=x.dtype).at[dst].add(msg)
        agg = agg / deg[:, None]
        x = agg @ Wl[i] + bl[i] + x @ Wr[i]
        x = _batchnorm(x, bn_g[i], bn_b[i])
        x = jax.nn.relu(x)
        # dropout p=0.0 -> identity
    x = x.reshape(-1, x.shape[1], MNN)
    # mlp1 over last dim: MNN -> H (relu) -> 1
    h = jax.nn.relu(jnp.einsum('bhm,mk->bhk', x, m1_W1) + m1_b1)
    h = jnp.einsum('bhk,ko->bho', h, m1_W2) + m1_b2
    x = h[:, :, 0]
    x = _batchnorm(x, bn2_g, bn2_b)
    x = jax.nn.relu(x)
    # mlp2: H -> H (relu) -> OUT
    x = jax.nn.relu(x @ m2_W1 + m2_b1)
    x = x @ m2_W2 + m2_b2
    return x

if __name__ == "__main__":
    import jax
    _d = setup_inputs()
    print(jax.jit(kernel)(*tuple(_d.values())))

</pallas_src>

<mosaic_0001>
#map = affine_map<(d0, d1) -> (0, 0)>
#map1 = affine_map<(d0, d1) -> (0)>
#map2 = affine_map<(d0, d1) -> (0, 0, 0)>
module attributes {stable_mosaic.version = 14 : i64} {
  func.func @_sc_agg_body(%arg0: i32, %arg1: i32, %arg2: memref<10000x128xf32, #tpu.memory_space<hbm>>, %arg3: memref<327680xi32, #tpu.memory_space<hbm>>, %arg4: memref<2x10112x128xf32, #tpu.memory_space<hbm>>, %arg5: memref<10240xi32, #tpu.memory_space<vmem>>, %arg6: memref<2x128xi32, #tpu.memory_space<vmem>>, %arg7: memref<2x128xi32, #tpu.memory_space<vmem>>, %arg8: memref<128x128xf32, #tpu.memory_space<vmem>>, %arg9: memref<128x128xf32, #tpu.memory_space<vmem>>, %arg10: memref<10112x128xf32, #tpu.memory_space<vmem_shared>>, %arg11: memref<!tpu.dma_semaphore, #tpu.memory_space<semaphore_mem>>, %arg12: memref<!tpu.dma_semaphore, #tpu.memory_space<semaphore_mem>>) attributes {dimension_semantics = [#tpu.dimension_semantics<core_parallel>, #tpu.dimension_semantics<subcore_parallel>], iteration_bounds = array<i64: 2, 16>, scalar_prefetch = 0 : i64, scratch_operands = 8 : i64, tpu.core_type = #tpu.core_type<sc_vector_subcore>, window_params = [{transform_indices = #map}, {transform_indices = #map1}, {transform_indices = #map2}]} {
    %mul3A = arith.constant 632 : i32
    %mul3A_0 = arith.muli %arg1, %mul3A : i32
    %mul3A_1 = arith.constant 16 : i32
    %mul3A_2 = arith.muli %arg0, %mul3A_1 : i32
    %add3A = arith.addi %mul3A_2, %arg1 : i32
    %mul3A_3 = arith.constant 80 : i32
    %mul3A_4 = arith.muli %add3A, %mul3A_3 : i32
    %mul3A_5 = arith.constant 128 : i32
    %mul3A_6 = arith.muli %mul3A_4, %mul3A_5 : i32
    "tpu.region"() ({
      %run_scoped3A = tpu.sem_alloc : memref<!tpu.dma_semaphore, #tpu.memory_space<semaphore_mem>>
      %dma_start3A_210 = tpu.memref_slice %arg3[%mul3A_6] : memref<327680xi32, #tpu.memory_space<hbm>> -> memref<10240xi32, #tpu.memory_space<hbm>>
      %dma_start3A_211 = tpu.memref_slice %arg3[%mul3A_6] : memref<327680xi32, #tpu.memory_space<hbm>> -> memref<10240xi32, #tpu.memory_space<hbm>>
      tpu.enqueue_dma source(%dma_start3A_211 : memref<10240xi32, #tpu.memory_space<hbm>>) target(%arg5 : memref<10240xi32, #tpu.memory_space<vmem>>) target_semaphore(%run_scoped3A : memref<!tpu.dma_semaphore, #tpu.memory_space<semaphore_mem>>)
      %dma_wait3A = tpu.memref_slice %arg3[%mul3A_6] : memref<327680xi32, #tpu.memory_space<hbm>> -> memref<10240xi32, #tpu.memory_space<hbm>>
      %dma_wait3A_212 = tpu.memref_slice %arg3[%mul3A_6] : memref<327680xi32, #tpu.memory_space<hbm>> -> memref<10240xi32, #tpu.memory_space<hbm>>
      tpu.wait_dma2 semaphore(%run_scoped3A : memref<!tpu.dma_semaphore, #tpu.memory_space<semaphore_mem>>) src(%dma_wait3A_212 : memref<10240xi32, #tpu.memory_space<hbm>>) dst(%arg5 : memref<10240xi32, #tpu.memory_space<vmem>>)
      tpu.yield
    }) : () -> ()
    %broadcast_in_dim3A = arith.constant 0.000000e+00 : f32
    %broadcast_in_dim3A_7 = vector.broadcast %broadcast_in_dim3A : f32 to vector<16xf32>
    %scan3A = arith.constant 0 : i32
    %scan3A_8 = arith.constant 0 : i32
    %scan3A_9 = arith.constant 128 : i32
    %scan3A_10 = arith.addi %scan3A_8, %scan3A_9 : i32
    %scan3A_11 = arith.constant 1 : i32
    scf.for %scan3A_210 = %scan3A_8 to %scan3A_10 step %scan3A_11  : i32 {
      %swap3A_211 = arith.index_cast %scan3A_210 : i32 to index
      %swap3A_212 = arith.constant 0 : index
      %swap3A_213 = tpu.vector_load %arg8[%swap3A_211, %swap3A_212] {strides = array<i32>} : memref<128x128xf32, #tpu.memory_space<vmem>>, vector<1x16xf32>,
      %swap3A_214 = vector.shape_cast %swap3A_213 : vector<1x16xf32> to vector<16xf32>
      %swap3A_215 = vector.shape_cast %broadcast_in_dim3A_7 : vector<16xf32> to vector<1x16xf32>
      tpu.vector_store %arg8[%swap3A_211, %swap3A_212], %swap3A_215 {strides = array<i32>} : memref<128x128xf32, #tpu.memory_space<vmem>>, vector<1x16xf32>,
      %swap3A_216 = arith.index_cast %scan3A_210 : i32 to index
      %swap3A_217 = arith.constant 16 : index
      %swap3A_218 = tpu.vector_load %arg8[%swap3A_216, %swap3A_217] {strides = array<i32>} : memref<128x128xf32, #tpu.memory_space<vmem>>, vector<1x16xf32>,
      %swap3A_219 = vector.shape_cast %swap3A_218 : vector<1x16xf32> to vector<16xf32>
      %swap3A_220 = vector.shape_cast %broadcast_in_dim3A_7 : vector<16xf32> to vector<1x16xf32>
      tpu.vector_store %arg8[%swap3A_216, %swap3A_217], %swap3A_220 {strides = array<i32>} : memref<128x128xf32, #tpu.memory_space<vmem>>, vector<1x16xf32>,
      %swap3A_221 = arith.index_cast %scan3A_210 : i32 to index
      %swap3A_222 = arith.constant 32 : index
      %swap3A_223 = tpu.vector_load %arg8[%swap3A_221, %swap3A_222] {strides = array<i32>} : memref<128x128xf32, #tpu.memory_space<vmem>>, vector<1x16xf32>,
      %swap3A_224 = vector.shape_cast %swap3A_223 : vector<1x16xf32> to vector<16xf32>
      %swap3A_225 = vector.shape_cast %broadcast_in_dim3A_7 : vector<16xf32> to vector<1x16xf32>
      tpu.vector_store %arg8[%swap3A_221, %swap3A_222], %swap3A_225 {strides = array<i32>} : memref<128x128xf32, #tpu.memory_space<vmem>>, vector<1x16xf32>,
      %swap3A_226 = arith.index_cast %scan3A_210 : i32 to index
      %swap3A_227 = arith.constant 48 : index
      %swap3A_228 = tpu.vector_load %arg8[%swap3A_226, %swap3A_227] {strides = array<i32>} : memref<128x128xf32, #tpu.memory_space<vmem>>, vector<1x16xf32>,
      %swap3A_229 = vector.shape_cast %swap3A_228 : vector<1x16xf32> to vector<16xf32>
      %swap3A_230 = vector.shape_cast %broadcast_in_dim3A_7 : vector<16xf32> to vector<1x16xf32>
      tpu.vector_store %arg8[%swap3A_226, %swap3A_227], %swap3A_230 {strides = array<i32>} : memref<128x128xf32, #tpu.memory_space<vmem>>, vector<1x16xf32>,
      %swap3A_231 = arith.index_cast %scan3A_210 : i32 to index
      %swap3A_232 = arith.constant 64 : index
      %swap3A_233 = tpu.vector_load %arg8[%swap3A_231, %swap3A_232] {strides = array<i32>} : memref<128x128xf32, #tpu.memory_space<vmem>>, vector<1x16xf32>,
      %swap3A_234 = vector.shape_cast %swap3A_233 : vector<1x16xf32> to vector<16xf32>
      %swap3A_235 = vector.shape_cast %broadcast_in_dim3A_7 : vector<16xf32> to vector<1x16xf32>
      tpu.vector_store %arg8[%swap3A_231, %swap3A_232], %swap3A_235 {strides = array<i32>} : memref<128x128xf32, #tpu.memory_space<vmem>>, vector<1x16xf32>,
      %swap3A_236 = arith.index_cast %scan3A_210 : i32 to index
      %swap3A_237 = arith.constant 80 : index
      %swap3A_238 = tpu.vector_load %arg8[%swap3A_236, %swap3A_237] {strides = array<i32>} : memref<128x128xf32, #tpu.memory_space<vmem>>, vector<1x16xf32>,
      %swap3A_239 = vector.shape_cast %swap3A_238 : vector<1x16xf32> to vector<16xf32>
      %swap3A_240 = vector.shape_cast %broadcast_in_dim3A_7 : vector<16xf32> to vector<1x16xf32>
      tpu.vector_store %arg8[%swap3A_236, %swap3A_237], %swap3A_240 {strides = array<i32>} : memref<128x128xf32, #tpu.memory_space<vmem>>, vector<1x16xf32>,
      %swap3A_241 = arith.index_cast %scan3A_210 : i32 to index
      %swap3A_242 = arith.constant 96 : index
      %swap3A_243 = tpu.vector_load %arg8[%swap3A_241, %swap3A_242] {strides = array<i32>} : memref<128x128xf32, #tpu.memory_space<vmem>>, vector<1x16xf32>,
      %swap3A_244 = vector.shape_cast %swap3A_243 : vector<1x16xf32> to vector<16xf32>
      %swap3A_245 = vector.shape_cast %broadcast_in_dim3A_7 : vector<16xf32> to vector<1x16xf32>
      tpu.vector_store %arg8[%swap3A_241, %swap3A_242], %swap3A_245 {strides = array<i32>} : memref<128x128xf32, #tpu.memory_space<vmem>>, vector<1x16xf32>,
      %swap3A_246 = arith.index_cast %scan3A_210 : i32 to index
      %swap3A_247 = arith.constant 112 : index
      %swap3A_248 = tpu.vector_load %arg8[%swap3A_246, %swap3A_247] {strides = array<i32>} : memref<128x128xf32, #tpu.memory_space<vmem>>, vector<1x16xf32>,
      %swap3A_249 = vector.shape_cast %swap3A_248 : vector<1x16xf32> to vector<16xf32>
      %swap3A_250 = vector.shape_cast %broadcast_in_dim3A_7 : vector<16xf32> to vector<1x16xf32>
      tpu.vector_store %arg8[%swap3A_246, %swap3A_247], %swap3A_250 {strides = array<i32>} : memref<128x128xf32, #tpu.memory_space<vmem>>, vector<1x16xf32>,
    }
    %scan3A_12 = arith.constant 128 : i32
    %mul3A_13 = arith.constant 632 : i32
    %mul3A_14 = arith.muli %arg1, %mul3A_13 : i32
    %add3A_15 = arith.constant 0 : i32
    %add3A_16 = arith.addi %mul3A_14, %add3A_15 : i32
    "tpu.region"() ({
      %run_scoped3A = tpu.sem_alloc : memref<!tpu.dma_semaphore, #tpu.memory_space<semaphore_mem>>
      %dma_start3A_210 = arith.constant 0 : i32
      %dma_start3A_211 = arith.constant 0 : i32
      %dma_start3A_212 = tpu.memref_slice %arg8[%dma_start3A_210, %dma_start3A_211] : memref<128x128xf32, #tpu.memory_space<vmem>> -> memref<128x128xf32, #tpu.memory_space<vmem>>
      %dma_start3A_213 = arith.constant 0 : i32
      %dma_start3A_214 = tpu.memref_slice %arg10[%add3A_16, %dma_start3A_213] : memref<10112x128xf32, #tpu.memory_space<vmem_shared>> -> memref<128x128xf32, #tpu.memory_space<vmem_shared>>
      %dma_start3A_215 = arith.constant 0 : i32
      %dma_start3A_216 = tpu.memref_slice %arg10[%add3A_16, %dma_start3A_215] : memref<10112x128xf32, #tpu.memory_space<vmem_shared>> -> memref<128x128xf32, #tpu.memory_space<vmem_shared>>
      %dma_start3A_217 = arith.constant 0 : i32
      %dma_start3A_218 = arith.constant 0 : i32
      %dma_start3A_219 = tpu.memref_slice %arg8[%dma_start3A_217, %dma_start3A_218] : memref<128x128xf32, #tpu.memory_space<vmem>> -> memref<128x128xf32, #tpu.memory_space<vmem>>
      tpu.enqueue_dma source(%dma_start3A_219 : memref<128x128xf32, #tpu.memory_space<vmem>>) target(%dma_start3A_216 : memref<128x128xf32, #tpu.memory_space<vmem_shared>>) target_semaphore(%run_scoped3A : memref<!tpu.dma_semaphore, #tpu.memory_space<semaphore_mem>>)
      %dma_wait3A = arith.constant 0 : i32
      %dma_wait3A_220 = arith.constant 0 : i32
      %dma_wait3A_221 = tpu.memref_slice %arg8[%dma_wait3A, %dma_wait3A_220] : memref<128x128xf32, #tpu.memory_space<vmem>> -> memref<128x128xf32, #tpu.memory_space<vmem>>
      %dma_wait3A_222 = arith.constant 0 : i32
      %dma_wait3A_223 = tpu.memref_slice %arg10[%add3A_16, %dma_wait3A_222] : memref<10112x128xf32, #tpu.memory_space<vmem_shared>> -> memref<128x128xf32, #tpu.memory_space<vmem_shared>>
      %dma_wait3A_224 = arith.constant 0 : i32
      %dma_wait3A_225 = tpu.memref_slice %arg10[%add3A_16, %dma_wait3A_224] : memref<10112x128xf32, #tpu.memory_space<vmem_shared>> -> memref<128x128xf32, #tpu.memory_space<vmem_shared>>
      %dma_wait3A_226 = arith.constant 0 : i32
      %dma_wait3A_227 = arith.constant 0 : i32
      %dma_wait3A_228 = tpu.memref_slice %arg8[%dma_wait3A_226, %dma_wait3A_227] : memref<128x128xf32, #tpu.memory_space<vmem>> -> memref<128x128xf32, #tpu.memory_space<vmem>>
      tpu.wait_dma2 semaphore(%run_scoped3A : memref<!tpu.dma_semaphore, #tpu.memory_space<semaphore_mem>>) src(%dma_wait3A_228 : memref<128x128xf32, #tpu.memory_space<vmem>>) dst(%dma_wait3A_225 : memref<128x128xf32, #tpu.memory_space<vmem_shared>>)
      tpu.yield
    }) : () -> ()
    %mul3A_17 = arith.constant 632 : i32
    %mul3A_18 = arith.muli %arg1, %mul3A_17 : i32
    %add3A_19 = arith.constant 128 : i32
    %add3A_20 = arith.addi %mul3A_18, %add3A_19 : i32
    "tpu.region"() ({
      %run_scoped3A = tpu.sem_alloc : memref<!tpu.dma_semaphore, #tpu.memory_space<semaphore_mem>>
      %dma_start3A_210 = arith.constant 0 : i32
      %dma_start3A_211 = arith.constant 0 : i32
      %dma_start3A_212 = tpu.memref_slice %arg8[%dma_start3A_210, %dma_start3A_211] : memref<128x128xf32, #tpu.memory_space<vmem>> -> memref<128x128xf32, #tpu.memory_space<vmem>>
      %dma_start3A_213 = arith.constant 0 : i32
      %dma_start3A_214 = tpu.memref_slice %arg10[%add3A_20, %dma_start3A_213] : memref<10112x128xf32, #tpu.memory_space<vmem_shared>> -> memref<128x128xf32, #tpu.memory_space<vmem_shared>>
      %dma_start3A_215 = arith.constant 0 : i32
      %dma_start3A_216 = tpu.memref_slice %arg10[%add3A_20, %dma_start3A_215] : memref<10112x128xf32, #tpu.memory_space<vmem_shared>> -> memref<128x128xf32, #tpu.memory_space<vmem_shared>>
      %dma_start3A_217 = arith.constant 0 : i32
      %dma_start3A_218 = arith.constant 0 : i32
      %dma_start3A_219 = tpu.memref_slice %arg8[%dma_start3A_217, %dma_start3A_218] : memref<128x128xf32, #tpu.memory_space<vmem>> -> memref<128x128xf32, #tpu.memory_space<vmem>>
      tpu.enqueue_dma source(%dma_start3A_219 : memref<128x128xf32, #tpu.memory_space<vmem>>) target(%dma_start3A_216 : memref<128x128xf32, #tpu.memory_space<vmem_shared>>) target_semaphore(%run_scoped3A : memref<!tpu.dma_semaphore, #tpu.memory_space<semaphore_mem>>)
      %dma_wait3A = arith.constant 0 : i32
      %dma_wait3A_220 = arith.constant 0 : i32
      %dma_wait3A_221 = tpu.memref_slice %arg8[%dma_wait3A, %dma_wait3A_220] : memref<128x128xf32, #tpu.memory_space<vmem>> -> memref<128x128xf32, #tpu.memory_space<vmem>>
      %dma_wait3A_222 = arith.constant 0 : i32
      %dma_wait3A_223 = tpu.memref_slice %arg10[%add3A_20, %dma_wait3A_222] : memref<10112x128xf32, #tpu.memory_space<vmem_shared>> -> memref<128x128xf32, #tpu.memory_space<vmem_shared>>
      %dma_wait3A_224 = arith.constant 0 : i32
      %dma_wait3A_225 = tpu.memref_slice %arg10[%add3A_20, %dma_wait3A_224] : memref<10112x128xf32, #tpu.memory_space<vmem_shared>> -> memref<128x128xf32, #tpu.memory_space<vmem_shared>>
      %dma_wait3A_226 = arith.constant 0 : i32
      %dma_wait3A_227 = arith.constant 0 : i32
      %dma_wait3A_228 = tpu.memref_slice %arg8[%dma_wait3A_226, %dma_wait3A_227] : memref<128x128xf32, #tpu.memory_space<vmem>> -> memref<128x128xf32, #tpu.memory_space<vmem>>
      tpu.wait_dma2 semaphore(%run_scoped3A : memref<!tpu.dma_semaphore, #tpu.memory_space<semaphore_mem>>) src(%dma_wait3A_228 : memref<128x128xf32, #tpu.memory_space<vmem>>) dst(%dma_wait3A_225 : memref<128x128xf32, #tpu.memory_space<vmem_shared>>)
      tpu.yield
    }) : () -> ()
    %mul3A_21 = arith.constant 632 : i32
    %mul3A_22 = arith.muli %arg1, %mul3A_21 : i32
    %add3A_23 = arith.constant 256 : i32
    %add3A_24 = arith.addi %mul3A_22, %add3A_23 : i32
    "tpu.region"() ({
      %run_scoped3A = tpu.sem_alloc : memref<!tpu.dma_semaphore, #tpu.memory_space<semaphore_mem>>
      %dma_start3A_210 = arith.constant 0 : i32
      %dma_start3A_211 = arith.constant 0 : i32
      %dma_start3A_212 = tpu.memref_slice %arg8[%dma_start3A_210, %dma_start3A_211] : memref<128x128xf32, #tpu.memory_space<vmem>> -> memref<128x128xf32, #tpu.memory_space<vmem>>
      %dma_start3A_213 = arith.constant 0 : i32
      %dma_start3A_214 = tpu.memref_slice %arg10[%add3A_24, %dma_start3A_213] : memref<10112x128xf32, #tpu.memory_space<vmem_shared>> -> memref<128x128xf32, #tpu.memory_space<vmem_shared>>
      %dma_start3A_215 = arith.constant 0 : i32
      %dma_start3A_216 = tpu.memref_slice %arg10[%add3A_24, %dma_start3A_215] : memref<10112x128xf32, #tpu.memory_space<vmem_shared>> -> memref<128x128xf32, #tpu.memory_space<vmem_shared>>
      %dma_start3A_217 = arith.constant 0 : i32
      %dma_start3A_218 = arith.constant 0 : i32
      %dma_start3A_219 = tpu.memref_slice %arg8[%dma_start3A_217, %dma_start3A_218] : memref<128x128xf32, #tpu.memory_space<vmem>> -> memref<128x128xf32, #tpu.memory_space<vmem>>
      tpu.enqueue_dma source(%dma_start3A_219 : memref<128x128xf32, #tpu.memory_space<vmem>>) target(%dma_start3A_216 : memref<128x128xf32, #tpu.memory_space<vmem_shared>>) target_semaphore(%run_scoped3A : memref<!tpu.dma_semaphore, #tpu.memory_space<semaphore_mem>>)
      %dma_wait3A = arith.constant 0 : i32
      %dma_wait3A_220 = arith.constant 0 : i32
      %dma_wait3A_221 = tpu.memref_slice %arg8[%dma_wait3A, %dma_wait3A_220] : memref<128x128xf32, #tpu.memory_space<vmem>> -> memref<128x128xf32, #tpu.memory_space<vmem>>
      %dma_wait3A_222 = arith.constant 0 : i32
      %dma_wait3A_223 = tpu.memref_slice %arg10[%add3A_24, %dma_wait3A_222] : memref<10112x128xf32, #tpu.memory_space<vmem_shared>> -> memref<128x128xf32, #tpu.memory_space<vmem_shared>>
      %dma_wait3A_224 = arith.constant 0 : i32
      %dma_wait3A_225 = tpu.memref_slice %arg10[%add3A_24, %dma_wait3A_224] : memref<10112x128xf32, #tpu.memory_space<vmem_shared>> -> memref<128x128xf32, #tpu.memory_space<vmem_shared>>
      %dma_wait3A_226 = arith.constant 0 : i32
      %dma_wait3A_227 = arith.constant 0 : i32
      %dma_wait3A_228 = tpu.memref_slice %arg8[%dma_wait3A_226, %dma_wait3A_227] : memref<128x128xf32, #tpu.memory_space<vmem>> -> memref<128x128xf32, #tpu.memory_space<vmem>>
      tpu.wait_dma2 semaphore(%run_scoped3A : memref<!tpu.dma_semaphore, #tpu.memory_space<semaphore_mem>>) src(%dma_wait3A_228 : memref<128x128xf32, #tpu.memory_space<vmem>>) dst(%dma_wait3A_225 : memref<128x128xf32, #tpu.memory_space<vmem_shared>>)
      tpu.yield
    }) : () -> ()
    %mul3A_25 = arith.constant 632 : i32
    %mul3A_26 = arith.muli %arg1, %mul3A_25 : i32
    %add3A_27 = arith.constant 384 : i32
    %add3A_28 = arith.addi %mul3A_26, %add3A_27 : i32
    "tpu.region"() ({
      %run_scoped3A = tpu.sem_alloc : memref<!tpu.dma_semaphore, #tpu.memory_space<semaphore_mem>>
      %dma_start3A_210 = arith.constant 0 : i32
      %dma_start3A_211 = arith.constant 0 : i32
      %dma_start3A_212 = tpu.memref_slice %arg8[%dma_start3A_210, %dma_start3A_211] : memref<128x128xf32, #tpu.memory_space<vmem>> -> memref<128x128xf32, #tpu.memory_space<vmem>>
      %dma_start3A_213 = arith.constant 0 : i32
      %dma_start3A_214 = tpu.memref_slice %arg10[%add3A_28, %dma_start3A_213] : memref<10112x128xf32, #tpu.memory_space<vmem_shared>> -> memref<128x128xf32, #tpu.memory_space<vmem_shared>>
      %dma_start3A_215 = arith.constant 0 : i32
      %dma_start3A_216 = tpu.memref_slice %arg10[%add3A_28, %dma_start3A_215] : memref<10112x128xf32, #tpu.memory_space<vmem_shared>> -> memref<128x128xf32, #tpu.memory_space<vmem_shared>>
      %dma_start3A_217 = arith.constant 0 : i32
      %dma_start3A_218 = arith.constant 0 : i32
      %dma_start3A_219 = tpu.memref_slice %arg8[%dma_start3A_217, %dma_start3A_218] : memref<128x128xf32, #tpu.memory_space<vmem>> -> memref<128x128xf32, #tpu.memory_space<vmem>>
      tpu.enqueue_dma source(%dma_start3A_219 : memref<128x128xf32, #tpu.memory_space<vmem>>) target(%dma_start3A_216 : memref<128x128xf32, #tpu.memory_space<vmem_shared>>) target_semaphore(%run_scoped3A : memref<!tpu.dma_semaphore, #tpu.memory_space<semaphore_mem>>)
      %dma_wait3A = arith.constant 0 : i32
      %dma_wait3A_220 = arith.constant 0 : i32
      %dma_wait3A_221 = tpu.memref_slice %arg8[%dma_wait3A, %dma_wait3A_220] : memref<128x128xf32, #tpu.memory_space<vmem>> -> memref<128x128xf32, #tpu.memory_space<vmem>>
      %dma_wait3A_222 = arith.constant 0 : i32
      %dma_wait3A_223 = tpu.memref_slice %arg10[%add3A_28, %dma_wait3A_222] : memref<10112x128xf32, #tpu.memory_space<vmem_shared>> -> memref<128x128xf32, #tpu.memory_space<vmem_shared>>
      %dma_wait3A_224 = arith.constant 0 : i32
      %dma_wait3A_225 = tpu.memref_slice %arg10[%add3A_28, %dma_wait3A_224] : memref<10112x128xf32, #tpu.memory_space<vmem_shared>> -> memref<128x128xf32, #tpu.memory_space<vmem_shared>>
      %dma_wait3A_226 = arith.constant 0 : i32
      %dma_wait3A_227 = arith.constant 0 : i32
      %dma_wait3A_228 = tpu.memref_slice %arg8[%dma_wait3A_226, %dma_wait3A_227] : memref<128x128xf32, #tpu.memory_space<vmem>> -> memref<128x128xf32, #tpu.memory_space<vmem>>
      tpu.wait_dma2 semaphore(%run_scoped3A : memref<!tpu.dma_semaphore, #tpu.memory_space<semaphore_mem>>) src(%dma_wait3A_228 : memref<128x128xf32, #tpu.memory_space<vmem>>) dst(%dma_wait3A_225 : memref<128x128xf32, #tpu.memory_space<vmem_shared>>)
      tpu.yield
    }) : () -> ()
    %mul3A_29 = arith.constant 632 : i32
    %mul3A_30 = arith.muli %arg1, %mul3A_29 : i32
    %add3A_31 = arith.constant 512 : i32
    %add3A_32 = arith.addi %mul3A_30, %add3A_31 : i32
    "tpu.region"() ({
      %run_scoped3A = tpu.sem_alloc : memref<!tpu.dma_semaphore, #tpu.memory_space<semaphore_mem>>
      %dma_start3A_210 = arith.constant 0 : i32
      %dma_start3A_211 = arith.constant 0 : i32
      %dma_start3A_212 = tpu.memref_slice %arg8[%dma_start3A_210, %dma_start3A_211] : memref<128x128xf32, #tpu.memory_space<vmem>> -> memref<120x128xf32, #tpu.memory_space<vmem>>
      %dma_start3A_213 = arith.constant 0 : i32
      %dma_start3A_214 = tpu.memref_slice %arg10[%add3A_32, %dma_start3A_213] : memref<10112x128xf32, #tpu.memory_space<vmem_shared>> -> memref<120x128xf32, #tpu.memory_space<vmem_shared>>
      %dma_start3A_215 = arith.constant 0 : i32
      %dma_start3A_216 = tpu.memref_slice %arg10[%add3A_32, %dma_start3A_215] : memref<10112x128xf32, #tpu.memory_space<vmem_shared>> -> memref<120x128xf32, #tpu.memory_space<vmem_shared>>
      %dma_start3A_217 = arith.constant 0 : i32
      %dma_start3A_218 = arith.constant 0 : i32
      %dma_start3A_219 = tpu.memref_slice %arg8[%dma_start3A_217, %dma_start3A_218] : memref<128x128xf32, #tpu.memory_space<vmem>> -> memref<120x128xf32, #tpu.memory_space<vmem>>
      tpu.enqueue_dma source(%dma_start3A_219 : memref<120x128xf32, #tpu.memory_space<vmem>>) target(%dma_start3A_216 : memref<120x128xf32, #tpu.memory_space<vmem_shared>>) target_semaphore(%run_scoped3A : memref<!tpu.dma_semaphore, #tpu.memory_space<semaphore_mem>>)
      %dma_wait3A = arith.constant 0 : i32
      %dma_wait3A_220 = arith.constant 0 : i32
      %dma_wait3A_221 = tpu.memref_slice %arg8[%dma_wait3A, %dma_wait3A_220] : memref<128x128xf32, #tpu.memory_space<vmem>> -> memref<120x128xf32, #tpu.memory_space<vmem>>
      %dma_wait3A_222 = arith.constant 0 : i32
      %dma_wait3A_223 = tpu.memref_slice %arg10[%add3A_32, %dma_wait3A_222] : memref<10112x128xf32, #tpu.memory_space<vmem_shared>> -> memref<120x128xf32, #tpu.memory_space<vmem_shared>>
      %dma_wait3A_224 = arith.constant 0 : i32
      %dma_wait3A_225 = tpu.memref_slice %arg10[%add3A_32, %dma_wait3A_224] : memref<10112x128xf32, #tpu.memory_space<vmem_shared>> -> memref<120x128xf32, #tpu.memory_space<vmem_shared>>
      %dma_wait3A_226 = arith.constant 0 : i32
      %dma_wait3A_227 = arith.constant 0 : i32
      %dma_wait3A_228 = tpu.memref_slice %arg8[%dma_wait3A_226, %dma_wait3A_227] : memref<128x128xf32, #tpu.memory_space<vmem>> -> memref<120x128xf32, #tpu.memory_space<vmem>>
      tpu.wait_dma2 semaphore(%run_scoped3A : memref<!tpu.dma_semaphore, #tpu.memory_space<semaphore_mem>>) src(%dma_wait3A_228 : memref<120x128xf32, #tpu.memory_space<vmem>>) dst(%dma_wait3A_225 : memref<120x128xf32, #tpu.memory_space<vmem_shared>>)
      tpu.yield
    }) : () -> ()
    %barrier3A = arith.constant 0 : index
    tpu.barrier barrier_id(%barrier3A)
    %get3A = arith.constant 0 : index
    %get3A_33 = tpu.vector_load %arg5[%get3A] {strides = array<i32>} : memref<10240xi32, #tpu.memory_space<vmem>>, vector<16xi32>,
    %get3A_34 = vector.shape_cast %get3A_33 : vector<16xi32> to vector<16xi32>
    %and3A = arith.constant 65535 : i32
    %and3A_35 = vector.broadcast %and3A : i32 to vector<16xi32>
    %and3A_36 = arith.andi %get3A_34, %and3A_35 : vector<16xi32>
    %swap3A = arith.constant 0 : i32
    %swap3A_37 = arith.index_cast %swap3A : i32 to index
    %swap3A_38 = arith.constant 0 : index
    %swap3A_39 = tpu.vector_load %arg6[%swap3A_37, %swap3A_38] {strides = array<i32>} : memref<2x128xi32, #tpu.memory_space<vmem>>, vector<1x16xi32>,
    %swap3A_40 = vector.shape_cast %swap3A_39 : vector<1x16xi32> to vector<16xi32>
    %swap3A_41 = vector.shape_cast %and3A_36 : vector<16xi32> to vector<1x16xi32>
    tpu.vector_store %arg6[%swap3A_37, %swap3A_38], %swap3A_41 {strides = array<i32>} : memref<2x128xi32, #tpu.memory_space<vmem>>, vector<1x16xi32>,
    %shift_right_logical3A = arith.constant 16 : i32
    %shift_right_logical3A_42 = vector.broadcast %shift_right_logical3A : i32 to vector<16xi32>
    %shift_right_logical3A_43 = arith.shrui %get3A_34, %shift_right_logical3A_42 : vector<16xi32>
    %swap3A_44 = arith.constant 0 : i32
    %swap3A_45 = arith.index_cast %swap3A_44 : i32 to index
    %swap3A_46 = arith.constant 0 : index
    %swap3A_47 = tpu.vector_load %arg7[%swap3A_45, %swap3A_46] {strides = array<i32>} : memref<2x128xi32, #tpu.memory_space<vmem>>, vector<1x16xi32>,
    %swap3A_48 = vector.shape_cast %swap3A_47 : vector<1x16xi32> to vector<16xi32>
    %swap3A_49 = vector.shape_cast %shift_right_logical3A_43 : vector<16xi32> to vector<1x16xi32>
    tpu.vector_store %arg7[%swap3A_45, %swap3A_46], %swap3A_49 {strides = array<i32>} : memref<2x128xi32, #tpu.memory_space<vmem>>, vector<1x16xi32>,
    %get3A_50 = arith.constant 16 : index
    %get3A_51 = tpu.vector_load %arg5[%get3A_50] {strides = array<i32>} : memref<10240xi32, #tpu.memory_space<vmem>>, vector<16xi32>,
    %get3A_52 = vector.shape_cast %get3A_51 : vector<16xi32> to vector<16xi32>
    %and3A_53 = arith.constant 65535 : i32
    %and3A_54 = vector.broadcast %and3A_53 : i32 to vector<16xi32>
    %and3A_55 = arith.andi %get3A_52, %and3A_54 : vector<16xi32>
    %swap3A_56 = arith.constant 0 : i32
    %swap3A_57 = arith.index_cast %swap3A_56 : i32 to index
    %swap3A_58 = arith.constant 16 : index
    %swap3A_59 = tpu.vector_load %arg6[%swap3A_57, %swap3A_58] {strides = array<i32>} : memref<2x128xi32, #tpu.memory_space<vmem>>, vector<1x16xi32>,
    %swap3A_60 = vector.shape_cast %swap3A_59 : vector<1x16xi32> to vector<16xi32>
    %swap3A_61 = vector.shape_cast %and3A_55 : vector<16xi32> to vector<1x16xi32>
    tpu.vector_store %arg6[%swap3A_57, %swap3A_58], %swap3A_61 {strides = array<i32>} : memref<2x128xi32, #tpu.memory_space<vmem>>, vector<1x16xi32>,
    %shift_right_logical3A_62 = arith.constant 16 : i32
    %shift_right_logical3A_63 = vector.broadcast %shift_right_logical3A_62 : i32 to vector<16xi32>
    %shift_right_logical3A_64 = arith.shrui %get3A_52, %shift_right_logical3A_63 : vector<16xi32>
    %swap3A_65 = arith.constant 0 : i32
    %swap3A_66 = arith.index_cast %swap3A_65 : i32 to index
    %swap3A_67 = arith.constant 16 : index
    %swap3A_68 = tpu.vector_load %arg7[%swap3A_66, %swap3A_67] {strides = array<i32>} : memref<2x128xi32, #tpu.memory_space<vmem>>, vector<1x16xi32>,
    %swap3A_69 = vector.shape_cast %swap3A_68 : vector<1x16xi32> to vector<16xi32>
    %swap3A_70 = vector.shape_cast %shift_right_logical3A_64 : vector<16xi32> to vector<1x16xi32>
    tpu.vector_store %arg7[%swap3A_66, %swap3A_67], %swap3A_70 {strides = array<i32>} : memref<2x128xi32, #tpu.memory_space<vmem>>, vector<1x16xi32>,
    %get3A_71 = arith.constant 32 : index
    %get3A_72 = tpu.vector_load %arg5[%get3A_71] {strides = array<i32>} : memref<10240xi32, #tpu.memory_space<vmem>>, vector<16xi32>,
    %get3A_73 = vector.shape_cast %get3A_72 : vector<16xi32> to vector<16xi32>
    %and3A_74 = arith.constant 65535 : i32
    %and3A_75 = vector.broadcast %and3A_74 : i32 to vector<16xi32>
    %and3A_76 = arith.andi %get3A_73, %and3A_75 : vector<16xi32>
    %swap3A_77 = arith.constant 0 : i32
    %swap3A_78 = arith.index_cast %swap3A_77 : i32 to index
    %swap3A_79 = arith.constant 32 : index
    %swap3A_80 = tpu.vector_load %arg6[%swap3A_78, %swap3A_79] {strides = array<i32>} : memref<2x128xi32, #tpu.memory_space<vmem>>, vector<1x16xi32>,
    %swap3A_81 = vector.shape_cast %swap3A_80 : vector<1x16xi32> to vector<16xi32>
    %swap3A_82 = vector.shape_cast %and3A_76 : vector<16xi32> to vector<1x16xi32>
    tpu.vector_store %arg6[%swap3A_78, %swap3A_79], %swap3A_82 {strides = array<i32>} : memref<2x128xi32, #tpu.memory_space<vmem>>, vector<1x16xi32>,
    %shift_right_logical3A_83 = arith.constant 16 : i32
    %shift_right_logical3A_84 = vector.broadcast %shift_right_logical3A_83 : i32 to vector<16xi32>
    %shift_right_logical3A_85 = arith.shrui %get3A_73, %shift_right_logical3A_84 : vector<16xi32>
    %swap3A_86 = arith.constant 0 : i32
    %swap3A_87 = arith.index_cast %swap3A_86 : i32 to index
    %swap3A_88 = arith.constant 32 : index
    %swap3A_89 = tpu.vector_load %arg7[%swap3A_87, %swap3A_88] {strides = array<i32>} : memref<2x128xi32, #tpu.memory_space<vmem>>, vector<1x16xi32>,
    %swap3A_90 = vector.shape_cast %swap3A_89 : vector<1x16xi32> to vector<16xi32>
    %swap3A_91 = vector.shape_cast %shift_right_logical3A_85 : vector<16xi32> to vector<1x16xi32>
    tpu.vector_store %arg7[%swap3A_87, %swap3A_88], %swap3A_91 {strides = array<i32>} : memref<2x128xi32, #tpu.memory_space<vmem>>, vector<1x16xi32>,
    %get3A_92 = arith.constant 48 : index
    %get3A_93 = tpu.vector_load %arg5[%get3A_92] {strides = array<i32>} : memref<10240xi32, #tpu.memory_space<vmem>>, vector<16xi32>,
    %get3A_94 = vector.shape_cast %get3A_93 : vector<16xi32> to vector<16xi32>
    %and3A_95 = arith.constant 65535 : i32
    %and3A_96 = vector.broadcast %and3A_95 : i32 to vector<16xi32>
    %and3A_97 = arith.andi %get3A_94, %and3A_96 : vector<16xi32>
    %swap3A_98 = arith.constant 0 : i32
    %swap3A_99 = arith.index_cast %swap3A_98 : i32 to index
    %swap3A_100 = arith.constant 48 : index
    %swap3A_101 = tpu.vector_load %arg6[%swap3A_99, %swap3A_100] {strides = array<i32>} : memref<2x128xi32, #tpu.memory_space<vmem>>, vector<1x16xi32>,
    %swap3A_102 = vector.shape_cast %swap3A_101 : vector<1x16xi32> to vector<16xi32>
    %swap3A_103 = vector.shape_cast %and3A_97 : vector<16xi32> to vector<1x16xi32>
    tpu.vector_store %arg6[%swap3A_99, %swap3A_100], %swap3A_103 {strides = array<i32>} : memref<2x128xi32, #tpu.memory_space<vmem>>, vector<1x16xi32>,
    %shift_right_logical3A_104 = arith.constant 16 : i32
    %shift_right_logical3A_105 = vector.broadcast %shift_right_logical3A_104 : i32 to vector<16xi32>
    %shift_right_logical3A_106 = arith.shrui %get3A_94, %shift_right_logical3A_105 : vector<16xi32>
    %swap3A_107 = arith.constant 0 : i32
    %swap3A_108 = arith.index_cast %swap3A_107 : i32 to index
    %swap3A_109 = arith.constant 48 : index
    %swap3A_110 = tpu.vector_load %arg7[%swap3A_108, %swap3A_109] {strides = array<i32>} : memref<2x128xi32, #tpu.memory_space<vmem>>, vector<1x16xi32>,
    %swap3A_111 = vector.shape_cast %swap3A_110 : vector<1x16xi32> to vector<16xi32>
    %swap3A_112 = vector.shape_cast %shift_right_logical3A_106 : vector<16xi32> to vector<1x16xi32>
    tpu.vector_store %arg7[%swap3A_108, %swap3A_109], %swap3A_112 {strides = array<i32>} : memref<2x128xi32, #tpu.memory_space<vmem>>, vector<1x16xi32>,
    %get3A_113 = arith.constant 64 : index
    %get3A_114 = tpu.vector_load %arg5[%get3A_113] {strides = array<i32>} : memref<10240xi32, #tpu.memory_space<vmem>>, vector<16xi32>,
    %get3A_115 = vector.shape_cast %get3A_114 : vector<16xi32> to vector<16xi32>
    %and3A_116 = arith.constant 65535 : i32
    %and3A_117 = vector.broadcast %and3A_116 : i32 to vector<16xi32>
    %and3A_118 = arith.andi %get3A_115, %and3A_117 : vector<16xi32>
    %swap3A_119 = arith.constant 0 : i32
    %swap3A_120 = arith.index_cast %swap3A_119 : i32 to index
    %swap3A_121 = arith.constant 64 : index
    %swap3A_122 = tpu.vector_load %arg6[%swap3A_120, %swap3A_121] {strides = array<i32>} : memref<2x128xi32, #tpu.memory_space<vmem>>, vector<1x16xi32>,
    %swap3A_123 = vector.shape_cast %swap3A_122 : vector<1x16xi32> to vector<16xi32>
    %swap3A_124 = vector.shape_cast %and3A_118 : vector<16xi32> to vector<1x16xi32>
    tpu.vector_store %arg6[%swap3A_120, %swap3A_121], %swap3A_124 {strides = array<i32>} : memref<2x128xi32, #tpu.memory_space<vmem>>, vector<1x16xi32>,
    %shift_right_logical3A_125 = arith.constant 16 : i32
    %shift_right_logical3A_126 = vector.broadcast %shift_right_logical3A_125 : i32 to vector<16xi32>
    %shift_right_logical3A_127 = arith.shrui %get3A_115, %shift_right_logical3A_126 : vector<16xi32>
    %swap3A_128 = arith.constant 0 : i32
    %swap3A_129 = arith.index_cast %swap3A_128 : i32 to index
    %swap3A_130 = arith.constant 64 : index
    %swap3A_131 = tpu.vector_load %arg7[%swap3A_129, %swap3A_130] {strides = array<i32>} : memref<2x128xi32, #tpu.memory_space<vmem>>, vector<1x16xi32>,
    %swap3A_132 = vector.shape_cast %swap3A_131 : vector<1x16xi32> to vector<16xi32>
    %swap3A_133 = vector.shape_cast %shift_right_logical3A_127 : vector<16xi32> to vector<1x16xi32>
    tpu.vector_store %arg7[%swap3A_129, %swap3A_130], %swap3A_133 {strides = array<i32>} : memref<2x128xi32, #tpu.memory_space<vmem>>, vector<1x16xi32>,
    %get3A_134 = arith.constant 80 : index
    %get3A_135 = tpu.vector_load %arg5[%get3A_134] {strides = array<i32>} : memref<10240xi32, #tpu.memory_space<vmem>>, vector<16xi32>,
    %get3A_136 = vector.shape_cast %get3A_135 : vector<16xi32> to vector<16xi32>
    %and3A_137 = arith.constant 65535 : i32
    %and3A_138 = vector.broadcast %and3A_137 : i32 to vector<16xi32>
    %and3A_139 = arith.andi %get3A_136, %and3A_138 : vector<16xi32>
    %swap3A_140 = arith.constant 0 : i32
    %swap3A_141 = arith.index_cast %swap3A_140 : i32 to index
    %swap3A_142 = arith.constant 80 : index
    %swap3A_143 = tpu.vector_load %arg6[%swap3A_141, %swap3A_142] {strides = array<i32>} : memref<2x128xi32, #tpu.memory_space<vmem>>, vector<1x16xi32>,
    %swap3A_144 = vector.shape_cast %swap3A_143 : vector<1x16xi32> to vector<16xi32>
    %swap3A_145 = vector.shape_cast %and3A_139 : vector<16xi32> to vector<1x16xi32>
    tpu.vector_store %arg6[%swap3A_141, %swap3A_142], %swap3A_145 {strides = array<i32>} : memref<2x128xi32, #tpu.memory_space<vmem>>, vector<1x16xi32>,
    %shift_right_logical3A_146 = arith.constant 16 : i32
    %shift_right_logical3A_147 = vector.broadcast %shift_right_logical3A_146 : i32 to vector<16xi32>
    %shift_right_logical3A_148 = arith.shrui %get3A_136, %shift_right_logical3A_147 : vector<16xi32>
    %swap3A_149 = arith.constant 0 : i32
    %swap3A_150 = arith.index_cast %swap3A_149 : i32 to index
    %swap3A_151 = arith.constant 80 : index
    %swap3A_152 = tpu.vector_load %arg7[%swap3A_150, %swap3A_151] {strides = array<i32>} : memref<2x128xi32, #tpu.memory_space<vmem>>, vector<1x16xi32>,
    %swap3A_153 = vector.shape_cast %swap3A_152 : vector<1x16xi32> to vector<16xi32>
    %swap3A_154 = vector.shape_cast %shift_right_logical3A_148 : vector<16xi32> to vector<1x16xi32>
    tpu.vector_store %arg7[%swap3A_150, %swap3A_151], %swap3A_154 {strides = array<i32>} : memref<2x128xi32, #tpu.memory_space<vmem>>, vector<1x16xi32>,
    %get3A_155 = arith.constant 96 : index
    %get3A_156 = tpu.vector_load %arg5[%get3A_155] {strides = array<i32>} : memref<10240xi32, #tpu.memory_space<vmem>>, vector<16xi32>,
    %get3A_157 = vector.shape_cast %get3A_156 : vector<16xi32> to vector<16xi32>
    %and3A_158 = arith.constant 65535 : i32
    %and3A_159 = vector.broadcast %and3A_158 : i32 to vector<16xi32>
    %and3A_160 = arith.andi %get3A_157, %and3A_159 : vector<16xi32>
    %swap3A_161 = arith.constant 0 : i32
    %swap3A_162 = arith.index_cast %swap3A_161 : i32 to index
    %swap3A_163 = arith.constant 96 : index
    %swap3A_164 = tpu.vector_load %arg6[%swap3A_162, %swap3A_163] {strides = array<i32>} : memref<2x128xi32, #tpu.memory_space<vmem>>, vector<1x16xi32>,
    %swap3A_165 = vector.shape_cast %swap3A_164 : vector<1x16xi32> to vector<16xi32>
    %swap3A_166 = vector.shape_cast %and3A_160 : vector<16xi32> to vector<1x16xi32>
    tpu.vector_store %arg6[%swap3A_162, %swap3A_163], %swap3A_166 {strides = array<i32>} : memref<2x128xi32, #tpu.memory_space<vmem>>, vector<1x16xi32>,
    %shift_right_logical3A_167 = arith.constant 16 : i32
    %shift_right_logical3A_168 = vector.broadcast %shift_right_logical3A_167 : i32 to vector<16xi32>
    %shift_right_logical3A_169 = arith.shrui %get3A_157, %shift_right_logical3A_168 : vector<16xi32>
    %swap3A_170 = arith.constant 0 : i32
    %swap3A_171 = arith.index_cast %swap3A_170 : i32 to index
    %swap3A_172 = arith.constant 96 : index
    %swap3A_173 = tpu.vector_load %arg7[%swap3A_171, %swap3A_172] {strides = array<i32>} : memref<2x128xi32, #tpu.memory_space<vmem>>, vector<1x16xi32>,
    %swap3A_174 = vector.shape_cast %swap3A_173 : vector<1x16xi32> to vector<16xi32>
    %swap3A_175 = vector.shape_cast %shift_right_logical3A_169 : vector<16xi32> to vector<1x16xi32>
    tpu.vector_store %arg7[%swap3A_171, %swap3A_172], %swap3A_175 {strides = array<i32>} : memref<2x128xi32, #tpu.memory_space<vmem>>, vector<1x16xi32>,
    %get3A_176 = arith.constant 112 : index
    %get3A_177 = tpu.vector_load %arg5[%get3A_176] {strides = array<i32>} : memref<10240xi32, #tpu.memory_space<vmem>>, vector<16xi32>,
    %get3A_178 = vector.shape_cast %get3A_177 : vector<16xi32> to vector<16xi32>
    %and3A_179 = arith.constant 65535 : i32
    %and3A_180 = vector.broadcast %and3A_179 : i32 to vector<16xi32>
    %and3A_181 = arith.andi %get3A_178, %and3A_180 : vector<16xi32>
    %swap3A_182 = arith.constant 0 : i32
    %swap3A_183 = arith.index_cast %swap3A_182 : i32 to index
    %swap3A_184 = arith.constant 112 : index
    %swap3A_185 = tpu.vector_load %arg6[%swap3A_183, %swap3A_184] {strides = array<i32>} : memref<2x128xi32, #tpu.memory_space<vmem>>, vector<1x16xi32>,
    %swap3A_186 = vector.shape_cast %swap3A_185 : vector<1x16xi32> to vector<16xi32>
    %swap3A_187 = vector.shape_cast %and3A_181 : vector<16xi32> to vector<1x16xi32>
    tpu.vector_store %arg6[%swap3A_183, %swap3A_184], %swap3A_187 {strides = array<i32>} : memref<2x128xi32, #tpu.memory_space<vmem>>, vector<1x16xi32>,
    %shift_right_logical3A_188 = arith.constant 16 : i32
    %shift_right_logical3A_189 = vector.broadcast %shift_right_logical3A_188 : i32 to vector<16xi32>
    %shift_right_logical3A_190 = arith.shrui %get3A_178, %shift_right_logical3A_189 : vector<16xi32>
    %swap3A_191 = arith.constant 0 : i32
    %swap3A_192 = arith.index_cast %swap3A_191 : i32 to index
    %swap3A_193 = arith.constant 112 : index
    %swap3A_194 = tpu.vector_load %arg7[%swap3A_192, %swap3A_193] {strides = array<i32>} : memref<2x128xi32, #tpu.memory_space<vmem>>, vector<1x16xi32>,
    %swap3A_195 = vector.shape_cast %swap3A_194 : vector<1x16xi32> to vector<16xi32>
    %swap3A_196 = vector.shape_cast %shift_right_logical3A_190 : vector<16xi32> to vector<1x16xi32>
    tpu.vector_store %arg7[%swap3A_192, %swap3A_193], %swap3A_196 {strides = array<i32>} : memref<2x128xi32, #tpu.memory_space<vmem>>, vector<1x16xi32>,
    %dma_start3A = arith.constant 0 : i32
    %dma_start3A_197 = arith.constant 0 : i32
    %dma_start3A_198 = tpu.memref_slice %arg6[%dma_start3A, %dma_start3A_197] : memref<2x128xi32, #tpu.memory_space<vmem>> -> memref<1x128xi32, #tpu.memory_space<vmem>>
    %dma_start3A_199 = tpu.memref_squeeze %dma_start3A_198 : memref<1x128xi32, #tpu.memory_space<vmem>> -> memref<128xi32, #tpu.memory_space<vmem>>
    %dma_start3A_200 = arith.constant 0 : i32
    %dma_start3A_201 = arith.constant 0 : i32
    %dma_start3A_202 = tpu.memref_slice %arg2[%dma_start3A_200, %dma_start3A_201] : memref<10000x128xf32, #tpu.memory_space<hbm>> -> memref<10000x128xf32, #tpu.memory_space<hbm>>
    tpu.enqueue_indirect_dma source(%dma_start3A_202 : memref<10000x128xf32, #tpu.memory_space<hbm>>) target(%arg8 : memref<128x128xf32, #tpu.memory_space<vmem>>) offsets(%dma_start3A_199 : memref<128xi32, #tpu.memory_space<vmem>>) semaphore(%arg11 : memref<!tpu.dma_semaphore, #tpu.memory_space<semaphore_mem>>)
    %scan3A_203 = arith.constant 0 : i32
    %scan3A_204 = arith.constant 0 : i32
    %scan3A_205 = arith.constant 40 : i32
    %scan3A_206 = arith.addi %scan3A_204, %scan3A_205 : i32
    %scan3A_207 = arith.constant 1 : i32
    scf.for %scan3A_210 = %scan3A_204 to %scan3A_206 step %scan3A_207  : i32 {
      %mul3A_211 = arith.constant 2 : i32
      %mul3A_212 = arith.muli %mul3A_211, %scan3A_210 : i32
      %add3A_213 = arith.constant 1 : i32
      %add3A_214 = arith.addi %mul3A_212, %add3A_213 : i32
      %mul3A_215 = arith.constant 128 : i32
      %mul3A_216 = arith.muli %add3A_214, %mul3A_215 : i32
      %add3A_217 = arith.constant 0 : i32
      %add3A_218 = arith.addi %mul3A_216, %add3A_217 : i32
      %get3A_219 = arith.index_cast %add3A_218 : i32 to index
      %get3A_220 = tpu.vector_load %arg5[%get3A_219] {strides = array<i32>} : memref<10240xi32, #tpu.memory_space<vmem>>, vector<16xi32>,
      %get3A_221 = vector.shape_cast %get3A_220 : vector<16xi32> to vector<16xi32>
      %and3A_222 = arith.constant 65535 : i32
      %and3A_223 = vector.broadcast %and3A_222 : i32 to vector<16xi32>
      %and3A_224 = arith.andi %get3A_221, %and3A_223 : vector<16xi32>
      %swap3A_225 = arith.constant 1 : i32
      %swap3A_226 = arith.index_cast %swap3A_225 : i32 to index
      %swap3A_227 = arith.constant 0 : index
      %swap3A_228 = tpu.vector_load %arg6[%swap3A_226, %swap3A_227] {strides = array<i32>} : memref<2x128xi32, #tpu.memory_space<vmem>>, vector<1x16xi32>,
      %swap3A_229 = vector.shape_cast %swap3A_228 : vector<1x16xi32> to vector<16xi32>
      %swap3A_230 = vector.shape_cast %and3A_224 : vector<16xi32> to vector<1x16xi32>
      tpu.vector_store %arg6[%swap3A_226, %swap3A_227], %swap3A_230 {strides = array<i32>} : memref<2x128xi32, #tpu.memory_space<vmem>>, vector<1x16xi32>,
      %shift_right_logical3A_231 = arith.constant 16 : i32
      %shift_right_logical3A_232 = vector.broadcast %shift_right_logical3A_231 : i32 to vector<16xi32>
      %shift_right_logical3A_233 = arith.shrui %get3A_221, %shift_right_logical3A_232 : vector<16xi32>
      %swap3A_234 = arith.constant 1 : i32
      %swap3A_235 = arith.index_cast %swap3A_234 : i32 to index
      %swap3A_236 = arith.constant 0 : index
      %swap3A_237 = tpu.vector_load %arg7[%swap3A_235, %swap3A_236] {strides = array<i32>} : memref<2x128xi32, #tpu.memory_space<vmem>>, vector<1x16xi32>,
      %swap3A_238 = vector.shape_cast %swap3A_237 : vector<1x16xi32> to vector<16xi32>
      %swap3A_239 = vector.shape_cast %shift_right_logical3A_233 : vector<16xi32> to vector<1x16xi32>
      tpu.vector_store %arg7[%swap3A_235, %swap3A_236], %swap3A_239 {strides = array<i32>} : memref<2x128xi32, #tpu.memory_space<vmem>>, vector<1x16xi32>,
      %mul3A_240 = arith.constant 128 : i32
      %mul3A_241 = arith.muli %add3A_214, %mul3A_240 : i32
      %add3A_242 = arith.constant 16 : i32
      %add3A_243 = arith.addi %mul3A_241, %add3A_242 : i32
      %get3A_244 = arith.index_cast %add3A_243 : i32 to index
      %get3A_245 = tpu.vector_load %arg5[%get3A_244] {strides = array<i32>} : memref<10240xi32, #tpu.memory_space<vmem>>, vector<16xi32>,
      %get3A_246 = vector.shape_cast %get3A_245 : vector<16xi32> to vector<16xi32>
      %and3A_247 = arith.constant 65535 : i32
      %and3A_248 = vector.broadcast %and3A_247 : i32 to vector<16xi32>
      %and3A_249 = arith.andi %get3A_246, %and3A_248 : vector<16xi32>
      %swap3A_250 = arith.constant 1 : i32
      %swap3A_251 = arith.index_cast %swap3A_250 : i32 to index
      %swap3A_252 = arith.constant 16 : index
      %swap3A_253 = tpu.vector_load %arg6[%swap3A_251, %swap3A_252] {strides = array<i32>} : memref<2x128xi32, #tpu.memory_space<vmem>>, vector<1x16xi32>,
      %swap3A_254 = vector.shape_cast %swap3A_253 : vector<1x16xi32> to vector<16xi32>
      %swap3A_255 = vector.shape_cast %and3A_249 : vector<16xi32> to vector<1x16xi32>
      tpu.vector_store %arg6[%swap3A_251, %swap3A_252], %swap3A_255 {strides = array<i32>} : memref<2x128xi32, #tpu.memory_space<vmem>>, vector<1x16xi32>,
      %shift_right_logical3A_256 = arith.constant 16 : i32
      %shift_right_logical3A_257 = vector.broadcast %shift_right_logical3A_256 : i32 to vector<16xi32>
      %shift_right_logical3A_258 = arith.shrui %get3A_246, %shift_right_logical3A_257 : vector<16xi32>
      %swap3A_259 = arith.constant 1 : i32
      %swap3A_260 = arith.index_cast %swap3A_259 : i32 to index
      %swap3A_261 = arith.constant 16 : index
      %swap3A_262 = tpu.vector_load %arg7[%swap3A_260, %swap3A_261] {strides = array<i32>} : memref<2x128xi32, #tpu.memory_space<vmem>>, vector<1x16xi32>,
      %swap3A_263 = vector.shape_cast %swap3A_262 : vector<1x16xi32> to vector<16xi32>
      %swap3A_264 = vector.shape_cast %shift_right_logical3A_258 : vector<16xi32> to vector<1x16xi32>
      tpu.vector_store %arg7[%swap3A_260, %swap3A_261], %swap3A_264 {strides = array<i32>} : memref<2x128xi32, #tpu.memory_space<vmem>>, vector<1x16xi32>,
      %mul3A_265 = arith.constant 128 : i32
      %mul3A_266 = arith.muli %add3A_214, %mul3A_265 : i32
      %add3A_267 = arith.constant 32 : i32
      %add3A_268 = arith.addi %mul3A_266, %add3A_267 : i32
      %get3A_269 = arith.index_cast %add3A_268 : i32 to index
      %get3A_270 = tpu.vector_load %arg5[%get3A_269] {strides = array<i32>} : memref<10240xi32, #tpu.memory_space<vmem>>, vector<16xi32>,
      %get3A_271 = vector.shape_cast %get3A_270 : vector<16xi32> to vector<16xi32>
      %and3A_272 = arith.constant 65535 : i32
      %and3A_273 = vector.broadcast %and3A_272 : i32 to vector<16xi32>
      %and3A_274 = arith.andi %get3A_271, %and3A_273 : vector<16xi32>
      %swap3A_275 = arith.constant 1 : i32
      %swap3A_276 = arith.index_cast %swap3A_275 : i32 to index
      %swap3A_277 = arith.constant 32 : index
      %swap3A_278 = tpu.vector_load %arg6[%swap3A_276, %swap3A_277] {strides = array<i32>} : memref<2x128xi32, #tpu.memory_space<vmem>>, vector<1x16xi32>,
      %swap3A_279 = vector.shape_cast %swap3A_278 : vector<1x16xi32> to vector<16xi32>
      %swap3A_280 = vector.shape_cast %and3A_274 : vector<16xi32> to vector<1x16xi32>
      tpu.vector_store %arg6[%swap3A_276, %swap3A_277], %swap3A_280 {strides = array<i32>} : memref<2x128xi32, #tpu.memory_space<vmem>>, vector<1x16xi32>,
      %shift_right_logical3A_281 = arith.constant 16 : i32
      %shift_right_logical3A_282 = vector.broadcast %shift_right_logical3A_281 : i32 to vector<16xi32>
      %shift_right_logical3A_283 = arith.shrui %get3A_271, %shift_right_logical3A_282 : vector<16xi32>
      %swap3A_284 = arith.constant 1 : i32
      %swap3A_285 = arith.index_cast %swap3A_284 : i32 to index
      %swap3A_286 = arith.constant 32 : index
      %swap3A_287 = tpu.vector_load %arg7[%swap3A_285, %swap3A_286] {strides = array<i32>} : memref<2x128xi32, #tpu.memory_space<vmem>>, vector<1x16xi32>,
      %swap3A_288 = vector.shape_cast %swap3A_287 : vector<1x16xi32> to vector<16xi32>
      %swap3A_289 = vector.shape_cast %shift_right_logical3A_283 : vector<16xi32> to vector<1x16xi32>
      tpu.vector_store %arg7[%swap3A_285, %swap3A_286], %swap3A_289 {strides = array<i32>} : memref<2x128xi32, #tpu.memory_space<vmem>>, vector<1x16xi32>,
      %mul3A_290 = arith.constant 128 : i32
      %mul3A_291 = arith.muli %add3A_214, %mul3A_290 : i32
      %add3A_292 = arith.constant 48 : i32
      %add3A_293 = arith.addi %mul3A_291, %add3A_292 : i32
      %get3A_294 = arith.index_cast %add3A_293 : i32 to index
      %get3A_295 = tpu.vector_load %arg5[%get3A_294] {strides = array<i32>} : memref<10240xi32, #tpu.memory_space<vmem>>, vector<16xi32>,
      %get3A_296 = vector.shape_cast %get3A_295 : vector<16xi32> to vector<16xi32>
      %and3A_297 = arith.constant 65535 : i32
      %and3A_298 = vector.broadcast %and3A_297 : i32 to vector<16xi32>
      %and3A_299 = arith.andi %get3A_296, %and3A_298 : vector<16xi32>
      %swap3A_300 = arith.constant 1 : i32
      %swap3A_301 = arith.index_cast %swap3A_300 : i32 to index
      %swap3A_302 = arith.constant 48 : index
      %swap3A_303 = tpu.vector_load %arg6[%swap3A_301, %swap3A_302] {strides = array<i32>} : memref<2x128xi32, #tpu.memory_space<vmem>>, vector<1x16xi32>,
      %swap3A_304 = vector.shape_cast %swap3A_303 : vector<1x16xi32> to vector<16xi32>
      %swap3A_305 = vector.shape_cast %and3A_299 : vector<16xi32> to vector<1x16xi32>
      tpu.vector_store %arg6[%swap3A_301, %swap3A_302], %swap3A_305 {strides = array<i32>} : memref<2x128xi32, #tpu.memory_space<vmem>>, vector<1x16xi32>,
      %shift_right_logical3A_306 = arith.constant 16 : i32
      %shift_right_logical3A_307 = vector.broadcast %shift_right_logical3A_306 : i32 to vector<16xi32>
      %shift_right_logical3A_308 = arith.shrui %get3A_296, %shift_right_logical3A_307 : vector<16xi32>
      %swap3A_309 = arith.constant 1 : i32
      %swap3A_310 = arith.index_cast %swap3A_309 : i32 to index
      %swap3A_311 = arith.constant 48 : index
      %swap3A_312 = tpu.vector_load %arg7[%swap3A_310, %swap3A_311] {strides = array<i32>} : memref<2x128xi32, #tpu.memory_space<vmem>>, vector<1x16xi32>,
      %swap3A_313 = vector.shape_cast %swap3A_312 : vector<1x16xi32> to vector<16xi32>
      %swap3A_314 = vector.shape_cast %shift_right_logical3A_308 : vector<16xi32> to vector<1x16xi32>
      tpu.vector_store %arg7[%swap3A_310, %swap3A_311], %swap3A_314 {strides = array<i32>} : memref<2x128xi32, #tpu.memory_space<vmem>>, vector<1x16xi32>,
      %mul3A_315 = arith.constant 128 : i32
      %mul3A_316 = arith.muli %add3A_214, %mul3A_315 : i32
      %add3A_317 = arith.constant 64 : i32
      %add3A_318 = arith.addi %mul3A_316, %add3A_317 : i32
      %get3A_319 = arith.index_cast %add3A_318 : i32 to index
      %get3A_320 = tpu.vector_load %arg5[%get3A_319] {strides = array<i32>} : memref<10240xi32, #tpu.memory_space<vmem>>, vector<16xi32>,
      %get3A_321 = vector.shape_cast %get3A_320 : vector<16xi32> to vector<16xi32>
      %and3A_322 = arith.constant 65535 : i32
      %and3A_323 = vector.broadcast %and3A_322 : i32 to vector<16xi32>
      %and3A_324 = arith.andi %get3A_321, %and3A_323 : vector<16xi32>
      %swap3A_325 = arith.constant 1 : i32
      %swap3A_326 = arith.index_cast %swap3A_325 : i32 to index
      %swap3A_327 = arith.constant 64 : index
      %swap3A_328 = tpu.vector_load %arg6[%swap3A_326, %swap3A_327] {strides = array<i32>} : memref<2x128xi32, #tpu.memory_space<vmem>>, vector<1x16xi32>,
      %swap3A_329 = vector.shape_cast %swap3A_328 : vector<1x16xi32> to vector<16xi32>
      %swap3A_330 = vector.shape_cast %and3A_324 : vector<16xi32> to vector<1x16xi32>
      tpu.vector_store %arg6[%swap3A_326, %swap3A_327], %swap3A_330 {strides = array<i32>} : memref<2x128xi32, #tpu.memory_space<vmem>>, vector<1x16xi32>,
      %shift_right_logical3A_331 = arith.constant 16 : i32
      %shift_right_logical3A_332 = vector.broadcast %shift_right_logical3A_331 : i32 to vector<16xi32>
      %shift_right_logical3A_333 = arith.shrui %get3A_321, %shift_right_logical3A_332 : vector<16xi32>
      %swap3A_334 = arith.constant 1 : i32
      %swap3A_335 = arith.index_cast %swap3A_334 : i32 to index
      %swap3A_336 = arith.constant 64 : index
      %swap3A_337 = tpu.vector_load %arg7[%swap3A_335, %swap3A_336] {strides = array<i32>} : memref<2x128xi32, #tpu.memory_space<vmem>>, vector<1x16xi32>,
      %swap3A_338 = vector.shape_cast %swap3A_337 : vector<1x16xi32> to vector<16xi32>
      %swap3A_339 = vector.shape_cast %shift_right_logical3A_333 : vector<16xi32> to vector<1x16xi32>
      tpu.vector_store %arg7[%swap3A_335, %swap3A_336], %swap3A_339 {strides = array<i32>} : memref<2x128xi32, #tpu.memory_space<vmem>>, vector<1x16xi32>,
      %mul3A_340 = arith.constant 128 : i32
      %mul3A_341 = arith.muli %add3A_214, %mul3A_340 : i32
      %add3A_342 = arith.constant 80 : i32
      %add3A_343 = arith.addi %mul3A_341, %add3A_342 : i32
      %get3A_344 = arith.index_cast %add3A_343 : i32 to index
      %get3A_345 = tpu.vector_load %arg5[%get3A_344] {strides = array<i32>} : memref<10240xi32, #tpu.memory_space<vmem>>, vector<16xi32>,
      %get3A_346 = vector.shape_cast %get3A_345 : vector<16xi32> to vector<16xi32>
      %and3A_347 = arith.constant 65535 : i32
      %and3A_348 = vector.broadcast %and3A_347 : i32 to vector<16xi32>
      %and3A_349 = arith.andi %get3A_346, %and3A_348 : vector<16xi32>
      %swap3A_350 = arith.constant 1 : i32
      %swap3A_351 = arith.index_cast %swap3A_350 : i32 to index
      %swap3A_352 = arith.constant 80 : index
      %swap3A_353 = tpu.vector_load %arg6[%swap3A_351, %swap3A_352] {strides = array<i32>} : memref<2x128xi32, #tpu.memory_space<vmem>>, vector<1x16xi32>,
      %swap3A_354 = vector.shape_cast %swap3A_353 : vector<1x16xi32> to vector<16xi32>
      %swap3A_355 = vector.shape_cast %and3A_349 : vector<16xi32> to vector<1x16xi32>
      tpu.vector_store %arg6[%swap3A_351, %swap3A_352], %swap3A_355 {strides = array<i32>} : memref<2x128xi32, #tpu.memory_space<vmem>>, vector<1x16xi32>,
      %shift_right_logical3A_356 = arith.constant 16 : i32
      %shift_right_logical3A_357 = vector.broadcast %shift_right_logical3A_356 : i32 to vector<16xi32>
      %shift_right_logical3A_358 = arith.shrui %get3A_346, %shift_right_logical3A_357 : vector<16xi32>
      %swap3A_359 = arith.constant 1 : i32
      %swap3A_360 = arith.index_cast %swap3A_359 : i32 to index
      %swap3A_361 = arith.constant 80 : index
      %swap3A_362 = tpu.vector_load %arg7[%swap3A_360, %swap3A_361] {strides = array<i32>} : memref<2x128xi32, #tpu.memory_space<vmem>>, vector<1x16xi32>,
      %swap3A_363 = vector.shape_cast %swap3A_362 : vector<1x16xi32> to vector<16xi32>
      %swap3A_364 = vector.shape_cast %shift_right_logical3A_358 : vector<16xi32> to vector<1x16xi32>
      tpu.vector_store %arg7[%swap3A_360, %swap3A_361], %swap3A_364 {strides = array<i32>} : memref<2x128xi32, #tpu.memory_space<vmem>>, vector<1x16xi32>,
      %mul3A_365 = arith.constant 128 : i32
      %mul3A_366 = arith.muli %add3A_214, %mul3A_365 : i32
      %add3A_367 = arith.constant 96 : i32
      %add3A_368 = arith.addi %mul3A_366, %add3A_367 : i32
      %get3A_369 = arith.index_cast %add3A_368 : i32 to index
      %get3A_370 = tpu.vector_load %arg5[%get3A_369] {strides = array<i32>} : memref<10240xi32, #tpu.memory_space<vmem>>, vector<16xi32>,
      %get3A_371 = vector.shape_cast %get3A_370 : vector<16xi32> to vector<16xi32>
      %and3A_372 = arith.constant 65535 : i32
      %and3A_373 = vector.broadcast %and3A_372 : i32 to vector<16xi32>
      %and3A_374 = arith.andi %get3A_371, %and3A_373 : vector<16xi32>
      %swap3A_375 = arith.constant 1 : i32
      %swap3A_376 = arith.index_cast %swap3A_375 : i32 to index
      %swap3A_377 = arith.constant 96 : index
      %swap3A_378 = tpu.vector_load %arg6[%swap3A_376, %swap3A_377] {strides = array<i32>} : memref<2x128xi32, #tpu.memory_space<vmem>>, vector<1x16xi32>,
      %swap3A_379 = vector.shape_cast %swap3A_378 : vector<1x16xi32> to vector<16xi32>
      %swap3A_380 = vector.shape_cast %and3A_374 : vector<16xi32> to vector<1x16xi32>
      tpu.vector_store %arg6[%swap3A_376, %swap3A_377], %swap3A_380 {strides = array<i32>} : memref<2x128xi32, #tpu.memory_space<vmem>>, vector<1x16xi32>,
      %shift_right_logical3A_381 = arith.constant 16 : i32
      %shift_right_logical3A_382 = vector.broadcast %shift_right_logical3A_381 : i32 to vector<16xi32>
      %shift_right_logical3A_383 = arith.shrui %get3A_371, %shift_right_logical3A_382 : vector<16xi32>
      %swap3A_384 = arith.constant 1 : i32
      %swap3A_385 = arith.index_cast %swap3A_384 : i32 to index
      %swap3A_386 = arith.constant 96 : index
      %swap3A_387 = tpu.vector_load %arg7[%swap3A_385, %swap3A_386] {strides = array<i32>} : memref<2x128xi32, #tpu.memory_space<vmem>>, vector<1x16xi32>,
      %swap3A_388 = vector.shape_cast %swap3A_387 : vector<1x16xi32> to vector<16xi32>
      %swap3A_389 = vector.shape_cast %shift_right_logical3A_383 : vector<16xi32> to vector<1x16xi32>
      tpu.vector_store %arg7[%swap3A_385, %swap3A_386], %swap3A_389 {strides = array<i32>} : memref<2x128xi32, #tpu.memory_space<vmem>>, vector<1x16xi32>,
      %mul3A_390 = arith.constant 128 : i32
      %mul3A_391 = arith.muli %add3A_214, %mul3A_390 : i32
      %add3A_392 = arith.constant 112 : i32
      %add3A_393 = arith.addi %mul3A_391, %add3A_392 : i32
      %get3A_394 = arith.index_cast %add3A_393 : i32 to index
      %get3A_395 = tpu.vector_load %arg5[%get3A_394] {strides = array<i32>} : memref<10240xi32, #tpu.memory_space<vmem>>, vector<16xi32>,
      %get3A_396 = vector.shape_cast %get3A_395 : vector<16xi32> to vector<16xi32>
      %and3A_397 = arith.constant 65535 : i32
      %and3A_398 = vector.broadcast %and3A_397 : i32 to vector<16xi32>
      %and3A_399 = arith.andi %get3A_396, %and3A_398 : vector<16xi32>
      %swap3A_400 = arith.constant 1 : i32
      %swap3A_401 = arith.index_cast %swap3A_400 : i32 to index
      %swap3A_402 = arith.constant 112 : index
      %swap3A_403 = tpu.vector_load %arg6[%swap3A_401, %swap3A_402] {strides = array<i32>} : memref<2x128xi32, #tpu.memory_space<vmem>>, vector<1x16xi32>,
      %swap3A_404 = vector.shape_cast %swap3A_403 : vector<1x16xi32> to vector<16xi32>
      %swap3A_405 = vector.shape_cast %and3A_399 : vector<16xi32> to vector<1x16xi32>
      tpu.vector_store %arg6[%swap3A_401, %swap3A_402], %swap3A_405 {strides = array<i32>} : memref<2x128xi32, #tpu.memory_space<vmem>>, vector<1x16xi32>,
      %shift_right_logical3A_406 = arith.constant 16 : i32
      %shift_right_logical3A_407 = vector.broadcast %shift_right_logical3A_406 : i32 to vector<16xi32>
      %shift_right_logical3A_408 = arith.shrui %get3A_396, %shift_right_logical3A_407 : vector<16xi32>
      %swap3A_409 = arith.constant 1 : i32
      %swap3A_410 = arith.index_cast %swap3A_409 : i32 to index
      %swap3A_411 = arith.constant 112 : index
      %swap3A_412 = tpu.vector_load %arg7[%swap3A_410, %swap3A_411] {strides = array<i32>} : memref<2x128xi32, #tpu.memory_space<vmem>>, vector<1x16xi32>,
      %swap3A_413 = vector.shape_cast %swap3A_412 : vector<1x16xi32> to vector<16xi32>
      %swap3A_414 = vector.shape_cast %shift_right_logical3A_408 : vector<16xi32> to vector<1x16xi32>
      tpu.vector_store %arg7[%swap3A_410, %swap3A_411], %swap3A_414 {strides = array<i32>} : memref<2x128xi32, #tpu.memory_space<vmem>>, vector<1x16xi32>,
      %dma_start3A_415 = arith.constant 1 : i32
      %dma_start3A_416 = arith.constant 0 : i32
      %dma_start3A_417 = tpu.memref_slice %arg6[%dma_start3A_415, %dma_start3A_416] : memref<2x128xi32, #tpu.memory_space<vmem>> -> memref<1x128xi32, #tpu.memory_space<vmem>>
      %dma_start3A_418 = tpu.memref_squeeze %dma_start3A_417 : memref<1x128xi32, #tpu.memory_space<vmem>> -> memref<128xi32, #tpu.memory_space<vmem>>
      %dma_start3A_419 = arith.constant 0 : i32
      %dma_start3A_420 = arith.constant 0 : i32
      %dma_start3A_421 = tpu.memref_slice %arg2[%dma_start3A_419, %dma_start3A_420] : memref<10000x128xf32, #tpu.memory_space<hbm>> -> memref<10000x128xf32, #tpu.memory_space<hbm>>
      tpu.enqueue_indirect_dma source(%dma_start3A_421 : memref<10000x128xf32, #tpu.memory_space<hbm>>) target(%arg9 : memref<128x128xf32, #tpu.memory_space<vmem>>) offsets(%dma_start3A_418 : memref<128xi32, #tpu.memory_space<vmem>>) semaphore(%arg12 : memref<!tpu.dma_semaphore, #tpu.memory_space<semaphore_mem>>)
      %dma_wait3A = arith.constant 0 : i32
      %dma_wait3A_422 = arith.constant 0 : i32
      %dma_wait3A_423 = tpu.memref_slice %arg6[%dma_wait3A, %dma_wait3A_422] : memref<2x128xi32, #tpu.memory_space<vmem>> -> memref<1x128xi32, #tpu.memory_space<vmem>>
      %dma_wait3A_424 = tpu.memref_squeeze %dma_wait3A_423 : memref<1x128xi32, #tpu.memory_space<vmem>> -> memref<128xi32, #tpu.memory_space<vmem>>
      %dma_wait3A_425 = arith.constant 0 : i32
      %dma_wait3A_426 = arith.constant 0 : i32
      %dma_wait3A_427 = tpu.memref_slice %arg2[%dma_wait3A_425, %dma_wait3A_426] : memref<10000x128xf32, #tpu.memory_space<hbm>> -> memref<10000x128xf32, #tpu.memory_space<hbm>>
      tpu.wait_indirect_dma semaphore(%arg11 : memref<!tpu.dma_semaphore, #tpu.memory_space<semaphore_mem>>) src(%dma_wait3A_427 : memref<10000x128xf32, #tpu.memory_space<hbm>>) dst(%arg8 : memref<128x128xf32, #tpu.memory_space<vmem>>)
      %run_scoped3A = arith.constant 0 : i32
      "tpu.region"() ({
        %run_scoped3A_438 = tpu.sem_alloc : memref<!tpu.dma_semaphore, #tpu.memory_space<semaphore_mem>>
        %dma_start3A_439 = arith.constant 0 : i32
        %dma_start3A_440 = tpu.memref_slice %arg7[%run_scoped3A, %dma_start3A_439] : memref<2x128xi32, #tpu.memory_space<vmem>> -> memref<1x128xi32, #tpu.memory_space<vmem>>
        %dma_start3A_441 = tpu.memref_squeeze %dma_start3A_440 : memref<1x128xi32, #tpu.memory_space<vmem>> -> memref<128xi32, #tpu.memory_space<vmem>>
        %dma_start3A_442 = arith.constant 0 : i32
        %dma_start3A_443 = arith.constant 0 : i32
        %dma_start3A_444 = tpu.memref_slice %arg10[%dma_start3A_442, %dma_start3A_443] : memref<10112x128xf32, #tpu.memory_space<vmem_shared>> -> memref<10112x128xf32, #tpu.memory_space<vmem_shared>>
        tpu.enqueue_indirect_dma source(%arg8 : memref<128x128xf32, #tpu.memory_space<vmem>>) target(%dma_start3A_444 : memref<10112x128xf32, #tpu.memory_space<vmem_shared>>) offsets(%dma_start3A_441 : memref<128xi32, #tpu.memory_space<vmem>>) semaphore(%run_scoped3A_438 : memref<!tpu.dma_semaphore, #tpu.memory_space<semaphore_mem>>) {add = true}
        %dma_wait3A_445 = arith.constant 0 : i32
        %dma_wait3A_446 = tpu.memref_slice %arg7[%run_scoped3A, %dma_wait3A_445] : memref<2x128xi32, #tpu.memory_space<vmem>> -> memref<1x128xi32, #tpu.memory_space<vmem>>
        %dma_wait3A_447 = tpu.memref_squeeze %dma_wait3A_446 : memref<1x128xi32, #tpu.memory_space<vmem>> -> memref<128xi32, #tpu.memory_space<vmem>>
        %dma_wait3A_448 = arith.constant 0 : i32
        %dma_wait3A_449 = arith.constant 0 : i32
        %dma_wait3A_450 = tpu.memref_slice %arg10[%dma_wait3A_448, %dma_wait3A_449] : memref<10112x128xf32, #tpu.memory_space<vmem_shared>> -> memref<10112x128xf32, #tpu.memory_space<vmem_shared>>
        tpu.wait_indirect_dma semaphore(%run_scoped3A_438 : memref<!tpu.dma_semaphore, #tpu.memory_space<semaphore_mem>>) src(%arg8 : memref<128x128xf32, #tpu.memory_space<vmem>>) dst(%dma_wait3A_450 : memref<10112x128xf32, #tpu.memory_space<vmem_shared>>)
        tpu.yield
      }) : () -> ()
      %lt3A = arith.constant 39 : i32
      %lt3A_428 = arith.cmpi slt, %scan3A_210, %lt3A : i32
      %convert_element_type3A = arith.extui %lt3A_428 : i1 to i32
      %cond3A = arith.constant 0 : i32
      %cond3A_429 = arith.cmpi ne, %convert_element_type3A, %cond3A : i32
      scf.if %cond3A_429 {
        %add3A_438 = arith.constant 2 : i32
        %add3A_439 = arith.addi %mul3A_212, %add3A_438 : i32
        %mul3A_440 = arith.constant 128 : i32
        %mul3A_441 = arith.muli %add3A_439, %mul3A_440 : i32
        %add3A_442 = arith.constant 0 : i32
        %add3A_443 = arith.addi %mul3A_441, %add3A_442 : i32
        %get3A_444 = arith.index_cast %add3A_443 : i32 to index
        %get3A_445 = tpu.vector_load %arg5[%get3A_444] {strides = array<i32>} : memref<10240xi32, #tpu.memory_space<vmem>>, vector<16xi32>,
        %get3A_446 = vector.shape_cast %get3A_445 : vector<16xi32> to vector<16xi32>
        %and3A_447 = arith.constant 65535 : i32
        %and3A_448 = vector.broadcast %and3A_447 : i32 to vector<16xi32>
        %and3A_449 = arith.andi %get3A_446, %and3A_448 : vector<16xi32>
        %swap3A_450 = arith.constant 0 : i32
        %swap3A_451 = arith.index_cast %swap3A_450 : i32 to index
        %swap3A_452 = arith.constant 0 : index
        %swap3A_453 = tpu.vector_load %arg6[%swap3A_451, %swap3A_452] {strides = array<i32>} : memref<2x128xi32, #tpu.memory_space<vmem>>, vector<1x16xi32>,
        %swap3A_454 = vector.shape_cast %swap3A_453 : vector<1x16xi32> to vector<16xi32>
        %swap3A_455 = vector.shape_cast %and3A_449 : vector<16xi32> to vector<1x16xi32>
        tpu.vector_store %arg6[%swap3A_451, %swap3A_452], %swap3A_455 {strides = array<i32>} : memref<2x128xi32, #tpu.memory_space<vmem>>, vector<1x16xi32>,
        %shift_right_logical3A_456 = arith.constant 16 : i32
        %shift_right_logical3A_457 = vector.broadcast %shift_right_logical3A_456 : i32 to vector<16xi32>
        %shift_right_logical3A_458 = arith.shrui %get3A_446, %shift_right_logical3A_457 : vector<16xi32>
        %swap3A_459 = arith.constant 0 : i32
        %swap3A_460 = arith.index_cast %swap3A_459 : i32 to index
        %swap3A_461 = arith.constant 0 : index
        %swap3A_462 = tpu.vector_load %arg7[%swap3A_460, %swap3A_461] {strides = array<i32>} : memref<2x128xi32, #tpu.memory_space<vmem>>, vector<1x16xi32>,
        %swap3A_463 = vector.shape_cast %swap3A_462 : vector<1x16xi32> to vector<16xi32>
        %swap3A_464 = vector.shape_cast %shift_right_logical3A_458 : vector<16xi32> to vector<1x16xi32>
        tpu.vector_store %arg7[%swap3A_460, %swap3A_461], %swap3A_464 {strides = array<i32>} : memref<2x128xi32, #tpu.memory_space<vmem>>, vector<1x16xi32>,
        %mul3A_465 = arith.constant 128 : i32
        %mul3A_466 = arith.muli %add3A_439, %mul3A_465 : i32
        %add3A_467 = arith.constant 16 : i32
        %add3A_468 = arith.addi %mul3A_466, %add3A_467 : i32
        %get3A_469 = arith.index_cast %add3A_468 : i32 to index
        %get3A_470 = tpu.vector_load %arg5[%get3A_469] {strides = array<i32>} : memref<10240xi32, #tpu.memory_space<vmem>>, vector<16xi32>,
        %get3A_471 = vector.shape_cast %get3A_470 : vector<16xi32> to vector<16xi32>
        %and3A_472 = arith.constant 65535 : i32
        %and3A_473 = vector.broadcast %and3A_472 : i32 to vector<16xi32>
        %and3A_474 = arith.andi %get3A_471, %and3A_473 : vector<16xi32>
        %swap3A_475 = arith.constant 0 : i32
        %swap3A_476 = arith.index_cast %swap3A_475 : i32 to index
        %swap3A_477 = arith.constant 16 : index
        %swap3A_478 = tpu.vector_load %arg6[%swap3A_476, %swap3A_477] {strides = array<i32>} : memref<2x128xi32, #tpu.memory_space<vmem>>, vector<1x16xi32>,
        %swap3A_479 = vector.shape_cast %swap3A_478 : vector<1x16xi32> to vector<16xi32>
        %swap3A_480 = vector.shape_cast %and3A_474 : vector<16xi32> to vector<1x16xi32>
        tpu.vector_store %arg6[%swap3A_476, %swap3A_477], %swap3A_480 {strides = array<i32>} : memref<2x128xi32, #tpu.memory_space<vmem>>, vector<1x16xi32>,
        %shift_right_logical3A_481 = arith.constant 16 : i32
        %shift_right_logical3A_482 = vector.broadcast %shift_right_logical3A_481 : i32 to vector<16xi32>
        %shift_right_logical3A_483 = arith.shrui %get3A_471, %shift_right_logical3A_482 : vector<16xi32>
        %swap3A_484 = arith.constant 0 : i32
        %swap3A_485 = arith.index_cast %swap3A_484 : i32 to index
        %swap3A_486 = arith.constant 16 : index
        %swap3A_487 = tpu.vector_load %arg7[%swap3A_485, %swap3A_486] {strides = array<i32>} : memref<2x128xi32, #tpu.memory_space<vmem>>, vector<1x16xi32>,
        %swap3A_488 = vector.shape_cast %swap3A_487 : vector<1x16xi32> to vector<16xi32>
        %swap3A_489 = vector.shape_cast %shift_right_logical3A_483 : vector<16xi32> to vector<1x16xi32>
        tpu.vector_store %arg7[%swap3A_485, %swap3A_486], %swap3A_489 {strides = array<i32>} : memref<2x128xi32, #tpu.memory_space<vmem>>, vector<1x16xi32>,
        %mul3A_490 = arith.constant 128 : i32
        %mul3A_491 = arith.muli %add3A_439, %mul3A_490 : i32
        %add3A_492 = arith.constant 32 : i32
        %add3A_493 = arith.addi %mul3A_491, %add3A_492 : i32
        %get3A_494 = arith.index_cast %add3A_493 : i32 to index
        %get3A_495 = tpu.vector_load %arg5[%get3A_494] {strides = array<i32>} : memref<10240xi32, #tpu.memory_space<vmem>>, vector<16xi32>,
        %get3A_496 = vector.shape_cast %get3A_495 : vector<16xi32> to vector<16xi32>
        %and3A_497 = arith.constant 65535 : i32
        %and3A_498 = vector.broadcast %and3A_497 : i32 to vector<16xi32>
        %and3A_499 = arith.andi %get3A_496, %and3A_498 : vector<16xi32>
        %swap3A_500 = arith.constant 0 : i32
        %swap3A_501 = arith.index_cast %swap3A_500 : i32 to index
        %swap3A_502 = arith.constant 32 : index
        %swap3A_503 = tpu.vector_load %arg6[%swap3A_501, %swap3A_502] {strides = array<i32>} : memref<2x128xi32, #tpu.memory_space<vmem>>, vector<1x16xi32>,
        %swap3A_504 = vector.shape_cast %swap3A_503 : vector<1x16xi32> to vector<16xi32>
        %swap3A_505 = vector.shape_cast %and3A_499 : vector<16xi32> to vector<1x16xi32>
        tpu.vector_store %arg6[%swap3A_501, %swap3A_502], %swap3A_505 {strides = array<i32>} : memref<2x128xi32, #tpu.memory_space<vmem>>, vector<1x16xi32>,
        %shift_right_logical3A_506 = arith.constant 16 : i32
        %shift_right_logical3A_507 = vector.broadcast %shift_right_logical3A_506 : i32 to vector<16xi32>
        %shift_right_logical3A_508 = arith.shrui %get3A_496, %shift_right_logical3A_507 : vector<16xi32>
        %swap3A_509 = arith.constant 0 : i32
        %swap3A_510 = arith.index_cast %swap3A_509 : i32 to index
        %swap3A_511 = arith.constant 32 : index
        %swap3A_512 = tpu.vector_load %arg7[%swap3A_510, %swap3A_511] {strides = array<i32>} : memref<2x128xi32, #tpu.memory_space<vmem>>, vector<1x16xi32>,
        %swap3A_513 = vector.shape_cast %swap3A_512 : vector<1x16xi32> to vector<16xi32>
        %swap3A_514 = vector.shape_cast %shift_right_logical3A_508 : vector<16xi32> to vector<1x16xi32>
        tpu.vector_store %arg7[%swap3A_510, %swap3A_511], %swap3A_514 {strides = array<i32>} : memref<2x128xi32, #tpu.memory_space<vmem>>, vector<1x16xi32>,
        %mul3A_515 = arith.constant 128 : i32
        %mul3A_516 = arith.muli %add3A_439, %mul3A_515 : i32
        %add3A_517 = arith.constant 48 : i32
        %add3A_518 = arith.addi %mul3A_516, %add3A_517 : i32
        %get3A_519 = arith.index_cast %add3A_518 : i32 to index
        %get3A_520 = tpu.vector_load %arg5[%get3A_519] {strides = array<i32>} : memref<10240xi32, #tpu.memory_space<vmem>>, vector<16xi32>,
        %get3A_521 = vector.shape_cast %get3A_520 : vector<16xi32> to vector<16xi32>
        %and3A_522 = arith.constant 65535 : i32
        %and3A_523 = vector.broadcast %and3A_522 : i32 to vector<16xi32>
        %and3A_524 = arith.andi %get3A_521, %and3A_523 : vector<16xi32>
        %swap3A_525 = arith.constant 0 : i32
        %swap3A_526 = arith.index_cast %swap3A_525 : i32 to index
        %swap3A_527 = arith.constant 48 : index
        %swap3A_528 = tpu.vector_load %arg6[%swap3A_526, %swap3A_527] {strides = array<i32>} : memref<2x128xi32, #tpu.memory_space<vmem>>, vector<1x16xi32>,
        %swap3A_529 = vector.shape_cast %swap3A_528 : vector<1x16xi32> to vector<16xi32>
        %swap3A_530 = vector.shape_cast %and3A_524 : vector<16xi32> to vector<1x16xi32>
        tpu.vector_store %arg6[%swap3A_526, %swap3A_527], %swap3A_530 {strides = array<i32>} : memref<2x128xi32, #tpu.memory_space<vmem>>, vector<1x16xi32>,
        %shift_right_logical3A_531 = arith.constant 16 : i32
        %shift_right_logical3A_532 = vector.broadcast %shift_right_logical3A_531 : i32 to vector<16xi32>
        %shift_right_logical3A_533 = arith.shrui %get3A_521, %shift_right_logical3A_532 : vector<16xi32>
        %swap3A_534 = arith.constant 0 : i32
        %swap3A_535 = arith.index_cast %swap3A_534 : i32 to index
        %swap3A_536 = arith.constant 48 : index
        %swap3A_537 = tpu.vector_load %arg7[%swap3A_535, %swap3A_536] {strides = array<i32>} : memref<2x128xi32, #tpu.memory_space<vmem>>, vector<1x16xi32>,
        %swap3A_538 = vector.shape_cast %swap3A_537 : vector<1x16xi32> to vector<16xi32>
        %swap3A_539 = vector.shape_cast %shift_right_logical3A_533 : vector<16xi32> to vector<1x16xi32>
        tpu.vector_store %arg7[%swap3A_535, %swap3A_536], %swap3A_539 {strides = array<i32>} : memref<2x128xi32, #tpu.memory_space<vmem>>, vector<1x16xi32>,
        %mul3A_540 = arith.constant 128 : i32
        %mul3A_541 = arith.muli %add3A_439, %mul3A_540 : i32
        %add3A_542 = arith.constant 64 : i32
        %add3A_543 = arith.addi %mul3A_541, %add3A_542 : i32
        %get3A_544 = arith.index_cast %add3A_543 : i32 to index
        %get3A_545 = tpu.vector_load %arg5[%get3A_544] {strides = array<i32>} : memref<10240xi32, #tpu.memory_space<vmem>>, vector<16xi32>,
        %get3A_546 = vector.shape_cast %get3A_545 : vector<16xi32> to vector<16xi32>
        %and3A_547 = arith.constant 65535 : i32
        %and3A_548 = vector.broadcast %and3A_547 : i32 to vector<16xi32>
        %and3A_549 = arith.andi %get3A_546, %and3A_548 : vector<16xi32>
        %swap3A_550 = arith.constant 0 : i32
        %swap3A_551 = arith.index_cast %swap3A_550 : i32 to index
        %swap3A_552 = arith.constant 64 : index
        %swap3A_553 = tpu.vector_load %arg6[%swap3A_551, %swap3A_552] {strides = array<i32>} : memref<2x128xi32, #tpu.memory_space<vmem>>, vector<1x16xi32>,
        %swap3A_554 = vector.shape_cast %swap3A_553 : vector<1x16xi32> to vector<16xi32>
        %swap3A_555 = vector.shape_cast %and3A_549 : vector<16xi32> to vector<1x16xi32>
        tpu.vector_store %arg6[%swap3A_551, %swap3A_552], %swap3A_555 {strides = array<i32>} : memref<2x128xi32, #tpu.memory_space<vmem>>, vector<1x16xi32>,
        %shift_right_logical3A_556 = arith.constant 16 : i32
        %shift_right_logical3A_557 = vector.broadcast %shift_right_logical3A_556 : i32 to vector<16xi32>
        %shift_right_logical3A_558 = arith.shrui %get3A_546, %shift_right_logical3A_557 : vector<16xi32>
        %swap3A_559 = arith.constant 0 : i32
        %swap3A_560 = arith.index_cast %swap3A_559 : i32 to index
        %swap3A_561 = arith.constant 64 : index
        %swap3A_562 = tpu.vector_load %arg7[%swap3A_560, %swap3A_561] {strides = array<i32>} : memref<2x128xi32, #tpu.memory_space<vmem>>, vector<1x16xi32>,
        %swap3A_563 = vector.shape_cast %swap3A_562 : vector<1x16xi32> to vector<16xi32>
        %swap3A_564 = vector.shape_cast %shift_right_logical3A_558 : vector<16xi32> to vector<1x16xi32>
        tpu.vector_store %arg7[%swap3A_560, %swap3A_561], %swap3A_564 {strides = array<i32>} : memref<2x128xi32, #tpu.memory_space<vmem>>, vector<1x16xi32>,
        %mul3A_565 = arith.constant 128 : i32
        %mul3A_566 = arith.muli %add3A_439, %mul3A_565 : i32
        %add3A_567 = arith.constant 80 : i32
        %add3A_568 = arith.addi %mul3A_566, %add3A_567 : i32
        %get3A_569 = arith.index_cast %add3A_568 : i32 to index
        %get3A_570 = tpu.vector_load %arg5[%get3A_569] {strides = array<i32>} : memref<10240xi32, #tpu.memory_space<vmem>>, vector<16xi32>,
        %get3A_571 = vector.shape_cast %get3A_570 : vector<16xi32> to vector<16xi32>
        %and3A_572 = arith.constant 65535 : i32
        %and3A_573 = vector.broadcast %and3A_572 : i32 to vector<16xi32>
        %and3A_574 = arith.andi %get3A_571, %and3A_573 : vector<16xi32>
        %swap3A_575 = arith.constant 0 : i32
        %swap3A_576 = arith.index_cast %swap3A_575 : i32 to index
        %swap3A_577 = arith.constant 80 : index
        %swap3A_578 = tpu.vector_load %arg6[%swap3A_576, %swap3A_577] {strides = array<i32>} : memref<2x128xi32, #tpu.memory_space<vmem>>, vector<1x16xi32>,
        %swap3A_579 = vector.shape_cast %swap3A_578 : vector<1x16xi32> to vector<16xi32>
        %swap3A_580 = vector.shape_cast %and3A_574 : vector<16xi32> to vector<1x16xi32>
        tpu.vector_store %arg6[%swap3A_576, %swap3A_577], %swap3A_580 {strides = array<i32>} : memref<2x128xi32, #tpu.memory_space<vmem>>, vector<1x16xi32>,
        %shift_right_logical3A_581 = arith.constant 16 : i32
        %shift_right_logical3A_582 = vector.broadcast %shift_right_logical3A_581 : i32 to vector<16xi32>
        %shift_right_logical3A_583 = arith.shrui %get3A_571, %shift_right_logical3A_582 : vector<16xi32>
        %swap3A_584 = arith.constant 0 : i32
        %swap3A_585 = arith.index_cast %swap3A_584 : i32 to index
        %swap3A_586 = arith.constant 80 : index
        %swap3A_587 = tpu.vector_load %arg7[%swap3A_585, %swap3A_586] {strides = array<i32>} : memref<2x128xi32, #tpu.memory_space<vmem>>, vector<1x16xi32>,
        %swap3A_588 = vector.shape_cast %swap3A_587 : vector<1x16xi32> to vector<16xi32>
        %swap3A_589 = vector.shape_cast %shift_right_logical3A_583 : vector<16xi32> to vector<1x16xi32>
        tpu.vector_store %arg7[%swap3A_585, %swap3A_586], %swap3A_589 {strides = array<i32>} : memref<2x128xi32, #tpu.memory_space<vmem>>, vector<1x16xi32>,
        %mul3A_590 = arith.constant 128 : i32
        %mul3A_591 = arith.muli %add3A_439, %mul3A_590 : i32
        %add3A_592 = arith.constant 96 : i32
        %add3A_593 = arith.addi %mul3A_591, %add3A_592 : i32
        %get3A_594 = arith.index_cast %add3A_593 : i32 to index
        %get3A_595 = tpu.vector_load %arg5[%get3A_594] {strides = array<i32>} : memref<10240xi32, #tpu.memory_space<vmem>>, vector<16xi32>,
        %get3A_596 = vector.shape_cast %get3A_595 : vector<16xi32> to vector<16xi32>
        %and3A_597 = arith.constant 65535 : i32
        %and3A_598 = vector.broadcast %and3A_597 : i32 to vector<16xi32>
        %and3A_599 = arith.andi %get3A_596, %and3A_598 : vector<16xi32>
        %swap3A_600 = arith.constant 0 : i32
        %swap3A_601 = arith.index_cast %swap3A_600 : i32 to index
        %swap3A_602 = arith.constant 96 : index
        %swap3A_603 = tpu.vector_load %arg6[%swap3A_601, %swap3A_602] {strides = array<i32>} : memref<2x128xi32, #tpu.memory_space<vmem>>, vector<1x16xi32>,
        %swap3A_604 = vector.shape_cast %swap3A_603 : vector<1x16xi32> to vector<16xi32>
        %swap3A_605 = vector.shape_cast %and3A_599 : vector<16xi32> to vector<1x16xi32>
        tpu.vector_store %arg6[%swap3A_601, %swap3A_602], %swap3A_605 {strides = array<i32>} : memref<2x128xi32, #tpu.memory_space<vmem>>, vector<1x16xi32>,
        %shift_right_logical3A_606 = arith.constant 16 : i32
        %shift_right_logical3A_607 = vector.broadcast %shift_right_logical3A_606 : i32 to vector<16xi32>
        %shift_right_logical3A_608 = arith.shrui %get3A_596, %shift_right_logical3A_607 : vector<16xi32>
        %swap3A_609 = arith.constant 0 : i32
        %swap3A_610 = arith.index_cast %swap3A_609 : i32 to index
        %swap3A_611 = arith.constant 96 : index
        %swap3A_612 = tpu.vector_load %arg7[%swap3A_610, %swap3A_611] {strides = array<i32>} : memref<2x128xi32, #tpu.memory_space<vmem>>, vector<1x16xi32>,
        %swap3A_613 = vector.shape_cast %swap3A_612 : vector<1x16xi32> to vector<16xi32>
        %swap3A_614 = vector.shape_cast %shift_right_logical3A_608 : vector<16xi32> to vector<1x16xi32>
        tpu.vector_store %arg7[%swap3A_610, %swap3A_611], %swap3A_614 {strides = array<i32>} : memref<2x128xi32, #tpu.memory_space<vmem>>, vector<1x16xi32>,
        %mul3A_615 = arith.constant 128 : i32
        %mul3A_616 = arith.muli %add3A_439, %mul3A_615 : i32
        %add3A_617 = arith.constant 112 : i32
        %add3A_618 = arith.addi %mul3A_616, %add3A_617 : i32
        %get3A_619 = arith.index_cast %add3A_618 : i32 to index
        %get3A_620 = tpu.vector_load %arg5[%get3A_619] {strides = array<i32>} : memref<10240xi32, #tpu.memory_space<vmem>>, vector<16xi32>,
        %get3A_621 = vector.shape_cast %get3A_620 : vector<16xi32> to vector<16xi32>
        %and3A_622 = arith.constant 65535 : i32
        %and3A_623 = vector.broadcast %and3A_622 : i32 to vector<16xi32>
        %and3A_624 = arith.andi %get3A_621, %and3A_623 : vector<16xi32>
        %swap3A_625 = arith.constant 0 : i32
        %swap3A_626 = arith.index_cast %swap3A_625 : i32 to index
        %swap3A_627 = arith.constant 112 : index
        %swap3A_628 = tpu.vector_load %arg6[%swap3A_626, %swap3A_627] {strides = array<i32>} : memref<2x128xi32, #tpu.memory_space<vmem>>, vector<1x16xi32>,
        %swap3A_629 = vector.shape_cast %swap3A_628 : vector<1x16xi32> to vector<16xi32>
        %swap3A_630 = vector.shape_cast %and3A_624 : vector<16xi32> to vector<1x16xi32>
        tpu.vector_store %arg6[%swap3A_626, %swap3A_627], %swap3A_630 {strides = array<i32>} : memref<2x128xi32, #tpu.memory_space<vmem>>, vector<1x16xi32>,
        %shift_right_logical3A_631 = arith.constant 16 : i32
        %shift_right_logical3A_632 = vector.broadcast %shift_right_logical3A_631 : i32 to vector<16xi32>
        %shift_right_logical3A_633 = arith.shrui %get3A_621, %shift_right_logical3A_632 : vector<16xi32>
        %swap3A_634 = arith.constant 0 : i32
        %swap3A_635 = arith.index_cast %swap3A_634 : i32 to index
        %swap3A_636 = arith.constant 112 : index
        %swap3A_637 = tpu.vector_load %arg7[%swap3A_635, %swap3A_636] {strides = array<i32>} : memref<2x128xi32, #tpu.memory_space<vmem>>, vector<1x16xi32>,
        %swap3A_638 = vector.shape_cast %swap3A_637 : vector<1x16xi32> to vector<16xi32>
        %swap3A_639 = vector.shape_cast %shift_right_logical3A_633 : vector<16xi32> to vector<1x16xi32>
        tpu.vector_store %arg7[%swap3A_635, %swap3A_636], %swap3A_639 {strides = array<i32>} : memref<2x128xi32, #tpu.memory_space<vmem>>, vector<1x16xi32>,
        %dma_start3A_640 = arith.constant 0 : i32
        %dma_start3A_641 = arith.constant 0 : i32
        %dma_start3A_642 = tpu.memref_slice %arg6[%dma_start3A_640, %dma_start3A_641] : memref<2x128xi32, #tpu.memory_space<vmem>> -> memref<1x128xi32, #tpu.memory_space<vmem>>
        %dma_start3A_643 = tpu.memref_squeeze %dma_start3A_642 : memref<1x128xi32, #tpu.memory_space<vmem>> -> memref<128xi32, #tpu.memory_space<vmem>>
        %dma_start3A_644 = arith.constant 0 : i32
        %dma_start3A_645 = arith.constant 0 : i32
        %dma_start3A_646 = tpu.memref_slice %arg2[%dma_start3A_644, %dma_start3A_645] : memref<10000x128xf32, #tpu.memory_space<hbm>> -> memref<10000x128xf32, #tpu.memory_space<hbm>>
        tpu.enqueue_indirect_dma source(%dma_start3A_646 : memref<10000x128xf32, #tpu.memory_space<hbm>>) target(%arg8 : memref<128x128xf32, #tpu.memory_space<vmem>>) offsets(%dma_start3A_643 : memref<128xi32, #tpu.memory_space<vmem>>) semaphore(%arg11 : memref<!tpu.dma_semaphore, #tpu.memory_space<semaphore_mem>>)
      } else {
      }
      %dma_wait3A_430 = arith.constant 0 : i32
      %dma_wait3A_431 = arith.constant 0 : i32
      %dma_wait3A_432 = tpu.memref_slice %arg6[%dma_wait3A_430, %dma_wait3A_431] : memref<2x128xi32, #tpu.memory_space<vmem>> -> memref<1x128xi32, #tpu.memory_space<vmem>>
      %dma_wait3A_433 = tpu.memref_squeeze %dma_wait3A_432 : memref<1x128xi32, #tpu.memory_space<vmem>> -> memref<128xi32, #tpu.memory_space<vmem>>
      %dma_wait3A_434 = arith.constant 0 : i32
      %dma_wait3A_435 = arith.constant 0 : i32
      %dma_wait3A_436 = tpu.memref_slice %arg2[%dma_wait3A_434, %dma_wait3A_435] : memref<10000x128xf32, #tpu.memory_space<hbm>> -> memref<10000x128xf32, #tpu.memory_space<hbm>>
      tpu.wait_indirect_dma semaphore(%arg12 : memref<!tpu.dma_semaphore, #tpu.memory_space<semaphore_mem>>) src(%dma_wait3A_436 : memref<10000x128xf32, #tpu.memory_space<hbm>>) dst(%arg9 : memref<128x128xf32, #tpu.memory_space<vmem>>)
      %run_scoped3A_437 = arith.constant 1 : i32
      "tpu.region"() ({
        %run_scoped3A_438 = tpu.sem_alloc : memref<!tpu.dma_semaphore, #tpu.memory_space<semaphore_mem>>
        %dma_start3A_439 = arith.constant 0 : i32
        %dma_start3A_440 = tpu.memref_slice %arg7[%run_scoped3A_437, %dma_start3A_439] : memref<2x128xi32, #tpu.memory_space<vmem>> -> memref<1x128xi32, #tpu.memory_space<vmem>>
        %dma_start3A_441 = tpu.memref_squeeze %dma_start3A_440 : memref<1x128xi32, #tpu.memory_space<vmem>> -> memref<128xi32, #tpu.memory_space<vmem>>
        %dma_start3A_442 = arith.constant 0 : i32
        %dma_start3A_443 = arith.constant 0 : i32
        %dma_start3A_444 = tpu.memref_slice %arg10[%dma_start3A_442, %dma_start3A_443] : memref<10112x128xf32, #tpu.memory_space<vmem_shared>> -> memref<10112x128xf32, #tpu.memory_space<vmem_shared>>
        tpu.enqueue_indirect_dma source(%arg9 : memref<128x128xf32, #tpu.memory_space<vmem>>) target(%dma_start3A_444 : memref<10112x128xf32, #tpu.memory_space<vmem_shared>>) offsets(%dma_start3A_441 : memref<128xi32, #tpu.memory_space<vmem>>) semaphore(%run_scoped3A_438 : memref<!tpu.dma_semaphore, #tpu.memory_space<semaphore_mem>>) {add = true}
        %dma_wait3A_445 = arith.constant 0 : i32
        %dma_wait3A_446 = tpu.memref_slice %arg7[%run_scoped3A_437, %dma_wait3A_445] : memref<2x128xi32, #tpu.memory_space<vmem>> -> memref<1x128xi32, #tpu.memory_space<vmem>>
        %dma_wait3A_447 = tpu.memref_squeeze %dma_wait3A_446 : memref<1x128xi32, #tpu.memory_space<vmem>> -> memref<128xi32, #tpu.memory_space<vmem>>
        %dma_wait3A_448 = arith.constant 0 : i32
        %dma_wait3A_449 = arith.constant 0 : i32
        %dma_wait3A_450 = tpu.memref_slice %arg10[%dma_wait3A_448, %dma_wait3A_449] : memref<10112x128xf32, #tpu.memory_space<vmem_shared>> -> memref<10112x128xf32, #tpu.memory_space<vmem_shared>>
        tpu.wait_indirect_dma semaphore(%run_scoped3A_438 : memref<!tpu.dma_semaphore, #tpu.memory_space<semaphore_mem>>) src(%arg9 : memref<128x128xf32, #tpu.memory_space<vmem>>) dst(%dma_wait3A_450 : memref<10112x128xf32, #tpu.memory_space<vmem_shared>>)
        tpu.yield
      }) : () -> ()
    }
    %scan3A_208 = arith.constant 40 : i32
    %barrier3A_209 = arith.constant 0 : index
    tpu.barrier barrier_id(%barrier3A_209)
    "tpu.region"() ({
      %run_scoped3A = tpu.sem_alloc : memref<!tpu.dma_semaphore, #tpu.memory_space<semaphore_mem>>
      %dma_start3A_210 = arith.constant 0 : i32
      %dma_start3A_211 = tpu.memref_slice %arg4[%arg0, %mul3A_0, %dma_start3A_210] : memref<2x10112x128xf32, #tpu.memory_space<hbm>> -> memref<1x632x128xf32, #tpu.memory_space<hbm>>
      %dma_start3A_212 = tpu.memref_squeeze %dma_start3A_211 : memref<1x632x128xf32, #tpu.memory_space<hbm>> -> memref<632x128xf32, #tpu.memory_space<hbm>>
      %dma_start3A_213 = arith.constant 0 : i32
      %dma_start3A_214 = tpu.memref_slice %arg10[%mul3A_0, %dma_start3A_213] : memref<10112x128xf32, #tpu.memory_space<vmem_shared>> -> memref<632x128xf32, #tpu.memory_space<vmem_shared>>
      tpu.enqueue_dma source(%dma_start3A_214 : memref<632x128xf32, #tpu.memory_space<vmem_shared>>) target(%dma_start3A_212 : memref<632x128xf32, #tpu.memory_space<hbm>>) target_semaphore(%run_scoped3A : memref<!tpu.dma_semaphore, #tpu.memory_space<semaphore_mem>>)
      %dma_wait3A = arith.constant 0 : i32
      %dma_wait3A_215 = tpu.memref_slice %arg4[%arg0, %mul3A_0, %dma_wait3A] : memref<2x10112x128xf32, #tpu.memory_space<hbm>> -> memref<1x632x128xf32, #tpu.memory_space<hbm>>
      %dma_wait3A_216 = tpu.memref_squeeze %dma_wait3A_215 : memref<1x632x128xf32, #tpu.memory_space<hbm>> -> memref<632x128xf32, #tpu.memory_space<hbm>>
      %dma_wait3A_217 = arith.constant 0 : i32
      %dma_wait3A_218 = tpu.memref_slice %arg10[%mul3A_0, %dma_wait3A_217] : memref<10112x128xf32, #tpu.memory_space<vmem_shared>> -> memref<632x128xf32, #tpu.memory_space<vmem_shared>>
      tpu.wait_dma2 semaphore(%run_scoped3A : memref<!tpu.dma_semaphore, #tpu.memory_space<semaphore_mem>>) src(%dma_wait3A_218 : memref<632x128xf32, #tpu.memory_space<vmem_shared>>) dst(%dma_wait3A_216 : memref<632x128xf32, #tpu.memory_space<hbm>>)
      tpu.yield
    }) : () -> ()
    return
  }
}

#map = affine_map<(d0, d1) -> (0, 0)>
#map1 = affine_map<(d0, d1) -> (0)>
#map2 = affine_map<(d0, d1) -> (0, 0, 0)>
module attributes {stable_mosaic.version = 14 : i64} {
  func.func @_sc_agg_body(%arg0: i32, %arg1: i32, %arg2: memref<10000x128xf32, #tpu.memory_space<hbm>>, %arg3: memref<327680xi32, #tpu.memory_space<hbm>>, %arg4: memref<2x10112x128xf32, #tpu.memory_space<hbm>>, %arg5: memref<10240xi32, #tpu.memory_space<vmem>>, %arg6: memref<2x128xi32, #tpu.memory_space<vmem>>, %arg7: memref<2x128xi32, #tpu.memory_space<vmem>>, %arg8: memref<128x128xf32, #tpu.memory_space<vmem>>, %arg9: memref<128x128xf32, #tpu.memory_space<vmem>>, %arg10: memref<10112x128xf32, #tpu.memory_space<vmem_shared>>, %arg11: memref<!tpu.dma_semaphore, #tpu.memory_space<semaphore_mem>>, %arg12: memref<!tpu.dma_semaphore, #tpu.memory_space<semaphore_mem>>) attributes {dimension_semantics = [#tpu.dimension_semantics<core_parallel>, #tpu.dimension_semantics<subcore_parallel>], iteration_bounds = array<i64: 2, 16>, scalar_prefetch = 0 : i64, scratch_operands = 8 : i64, tpu.core_type = #tpu.core_type<sc_vector_subcore>, window_params = [{transform_indices = #map}, {transform_indices = #map1}, {transform_indices = #map2}]} {
    %mul3A = arith.constant 632 : i32
    %mul3A_0 = arith.muli %arg1, %mul3A : i32
    %mul3A_1 = arith.constant 16 : i32
    %mul3A_2 = arith.muli %arg0, %mul3A_1 : i32
    %add3A = arith.addi %mul3A_2, %arg1 : i32
    %mul3A_3 = arith.constant 80 : i32
    %mul3A_4 = arith.muli %add3A, %mul3A_3 : i32
    %mul3A_5 = arith.constant 128 : i32
    %mul3A_6 = arith.muli %mul3A_4, %mul3A_5 : i32
    "tpu.region"() ({
      %run_scoped3A = tpu.sem_alloc : memref<!tpu.dma_semaphore, #tpu.memory_space<semaphore_mem>>
      %dma_start3A_210 = tpu.memref_slice %arg3[%mul3A_6] : memref<327680xi32, #tpu.memory_space<hbm>> -> memref<10240xi32, #tpu.memory_space<hbm>>
      %dma_start3A_211 = tpu.memref_slice %arg3[%mul3A_6] : memref<327680xi32, #tpu.memory_space<hbm>> -> memref<10240xi32, #tpu.memory_space<hbm>>
      tpu.enqueue_dma source(%dma_start3A_211 : memref<10240xi32, #tpu.memory_space<hbm>>) target(%arg5 : memref<10240xi32, #tpu.memory_space<vmem>>) target_semaphore(%run_scoped3A : memref<!tpu.dma_semaphore, #tpu.memory_space<semaphore_mem>>)
      %dma_wait3A = tpu.memref_slice %arg3[%mul3A_6] : memref<327680xi32, #tpu.memory_space<hbm>> -> memref<10240xi32, #tpu.memory_space<hbm>>
      %dma_wait3A_212 = tpu.memref_slice %arg3[%mul3A_6] : memref<327680xi32, #tpu.memory_space<hbm>> -> memref<10240xi32, #tpu.memory_space<hbm>>
      tpu.wait_dma2 semaphore(%run_scoped3A : memref<!tpu.dma_semaphore, #tpu.memory_space<semaphore_mem>>) src(%dma_wait3A_212 : memref<10240xi32, #tpu.memory_space<hbm>>) dst(%arg5 : memref<10240xi32, #tpu.memory_space<vmem>>)
      tpu.yield
    }) : () -> ()
    %broadcast_in_dim3A = arith.constant 0.000000e+00 : f32
    %broadcast_in_dim3A_7 = vector.broadcast %broadcast_in_dim3A : f32 to vector<16xf32>
    %scan3A = arith.constant 0 : i32
    %scan3A_8 = arith.constant 0 : i32
    %scan3A_9 = arith.constant 128 : i32
    %scan3A_10 = arith.addi %scan3A_8, %scan3A_9 : i32
    %scan3A_11 = arith.constant 1 : i32
    scf.for %scan3A_210 = %scan3A_8 to %scan3A_10 step %scan3A_11  : i32 {
      %swap3A_211 = arith.index_cast %scan3A_210 : i32 to index
      %swap3A_212 = arith.constant 0 : index
      %swap3A_213 = tpu.vector_load %arg8[%swap3A_211, %swap3A_212] {strides = array<i32>} : memref<128x128xf32, #tpu.memory_space<vmem>>, vector<1x16xf32>,
      %swap3A_214 = vector.shape_cast %swap3A_213 : vector<1x16xf32> to vector<16xf32>
      %swap3A_215 = vector.shape_cast %broadcast_in_dim3A_7 : vector<16xf32> to vector<1x16xf32>
      tpu.vector_store %arg8[%swap3A_211, %swap3A_212], %swap3A_215 {strides = array<i32>} : memref<128x128xf32, #tpu.memory_space<vmem>>, vector<1x16xf32>,
      %swap3A_216 = arith.index_cast %scan3A_210 : i32 to index
      %swap3A_217 = arith.constant 16 : index
      %swap3A_218 = tpu.vector_load %arg8[%swap3A_216, %swap3A_217] {strides = array<i32>} : memref<128x128xf32, #tpu.memory_space<vmem>>, vector<1x16xf32>,
      %swap3A_219 = vector.shape_cast %swap3A_218 : vector<1x16xf32> to vector<16xf32>
      %swap3A_220 = vector.shape_cast %broadcast_in_dim3A_7 : vector<16xf32> to vector<1x16xf32>
      tpu.vector_store %arg8[%swap3A_216, %swap3A_217], %swap3A_220 {strides = array<i32>} : memref<128x128xf32, #tpu.memory_space<vmem>>, vector<1x16xf32>,
      %swap3A_221 = arith.index_cast %scan3A_210 : i32 to index
      %swap3A_222 = arith.constant 32 : index
      %swap3A_223 = tpu.vector_load %arg8[%swap3A_221, %swap3A_222] {strides = array<i32>} : memref<128x128xf32, #tpu.memory_space<vmem>>, vector<1x16xf32>,
      %swap3A_224 = vector.shape_cast %swap3A_223 : vector<1x16xf32> to vector<16xf32>
      %swap3A_225 = vector.shape_cast %broadcast_in_dim3A_7 : vector<16xf32> to vector<1x16xf32>
      tpu.vector_store %arg8[%swap3A_221, %swap3A_222], %swap3A_225 {strides = array<i32>} : memref<128x128xf32, #tpu.memory_space<vmem>>, vector<1x16xf32>,
      %swap3A_226 = arith.index_cast %scan3A_210 : i32 to index
      %swap3A_227 = arith.constant 48 : index
      %swap3A_228 = tpu.vector_load %arg8[%swap3A_226, %swap3A_227] {strides = array<i32>} : memref<128x128xf32, #tpu.memory_space<vmem>>, vector<1x16xf32>,
      %swap3A_229 = vector.shape_cast %swap3A_228 : vector<1x16xf32> to vector<16xf32>
      %swap3A_230 = vector.shape_cast %broadcast_in_dim3A_7 : vector<16xf32> to vector<1x16xf32>
      tpu.vector_store %arg8[%swap3A_226, %swap3A_227], %swap3A_230 {strides = array<i32>} : memref<128x128xf32, #tpu.memory_space<vmem>>, vector<1x16xf32>,
      %swap3A_231 = arith.index_cast %scan3A_210 : i32 to index
      %swap3A_232 = arith.constant 64 : index
      %swap3A_233 = tpu.vector_load %arg8[%swap3A_231, %swap3A_232] {strides = array<i32>} : memref<128x128xf32, #tpu.memory_space<vmem>>, vector<1x16xf32>,
      %swap3A_234 = vector.shape_cast %swap3A_233 : vector<1x16xf32> to vector<16xf32>
      %swap3A_235 = vector.shape_cast %broadcast_in_dim3A_7 : vector<16xf32> to vector<1x16xf32>
      tpu.vector_store %arg8[%swap3A_231, %swap3A_232], %swap3A_235 {strides = array<i32>} : memref<128x128xf32, #tpu.memory_space<vmem>>, vector<1x16xf32>,
      %swap3A_236 = arith.index_cast %scan3A_210 : i32 to index
      %swap3A_237 = arith.constant 80 : index
      %swap3A_238 = tpu.vector_load %arg8[%swap3A_236, %swap3A_237] {strides = array<i32>} : memref<128x128xf32, #tpu.memory_space<vmem>>, vector<1x16xf32>,
      %swap3A_239 = vector.shape_cast %swap3A_238 : vector<1x16xf32> to vector<16xf32>
      %swap3A_240 = vector.shape_cast %broadcast_in_dim3A_7 : vector<16xf32> to vector<1x16xf32>
      tpu.vector_store %arg8[%swap3A_236, %swap3A_237], %swap3A_240 {strides = array<i32>} : memref<128x128xf32, #tpu.memory_space<vmem>>, vector<1x16xf32>,
      %swap3A_241 = arith.index_cast %scan3A_210 : i32 to index
      %swap3A_242 = arith.constant 96 : index
      %swap3A_243 = tpu.vector_load %arg8[%swap3A_241, %swap3A_242] {strides = array<i32>} : memref<128x128xf32, #tpu.memory_space<vmem>>, vector<1x16xf32>,
      %swap3A_244 = vector.shape_cast %swap3A_243 : vector<1x16xf32> to vector<16xf32>
      %swap3A_245 = vector.shape_cast %broadcast_in_dim3A_7 : vector<16xf32> to vector<1x16xf32>
      tpu.vector_store %arg8[%swap3A_241, %swap3A_242], %swap3A_245 {strides = array<i32>} : memref<128x128xf32, #tpu.memory_space<vmem>>, vector<1x16xf32>,
      %swap3A_246 = arith.index_cast %scan3A_210 : i32 to index
      %swap3A_247 = arith.constant 112 : index
      %swap3A_248 = tpu.vector_load %arg8[%swap3A_246, %swap3A_247] {strides = array<i32>} : memref<128x128xf32, #tpu.memory_space<vmem>>, vector<1x16xf32>,
      %swap3A_249 = vector.shape_cast %swap3A_248 : vector<1x16xf32> to vector<16xf32>
      %swap3A_250 = vector.shape_cast %broadcast_in_dim3A_7 : vector<16xf32> to vector<1x16xf32>
      tpu.vector_store %arg8[%swap3A_246, %swap3A_247], %swap3A_250 {strides = array<i32>} : memref<128x128xf32, #tpu.memory_space<vmem>>, vector<1x16xf32>,
    }
    %scan3A_12 = arith.constant 128 : i32
    %mul3A_13 = arith.constant 632 : i32
    %mul3A_14 = arith.muli %arg1, %mul3A_13 : i32
    %add3A_15 = arith.constant 0 : i32
    %add3A_16 = arith.addi %mul3A_14, %add3A_15 : i32
    "tpu.region"() ({
      %run_scoped3A = tpu.sem_alloc : memref<!tpu.dma_semaphore, #tpu.memory_space<semaphore_mem>>
      %dma_start3A_210 = arith.constant 0 : i32
      %dma_start3A_211 = arith.constant 0 : i32
      %dma_start3A_212 = tpu.memref_slice %arg8[%dma_start3A_210, %dma_start3A_211] : memref<128x128xf32, #tpu.memory_space<vmem>> -> memref<128x128xf32, #tpu.memory_space<vmem>>
      %dma_start3A_213 = arith.constant 0 : i32
      %dma_start3A_214 = tpu.memref_slice %arg10[%add3A_16, %dma_start3A_213] : memref<10112x128xf32, #tpu.memory_space<vmem_shared>> -> memref<128x128xf32, #tpu.memory_space<vmem_shared>>
      %dma_start3A_215 = arith.constant 0 : i32
      %dma_start3A_216 = tpu.memref_slice %arg10[%add3A_16, %dma_start3A_215] : memref<10112x128xf32, #tpu.memory_space<vmem_shared>> -> memref<128x128xf32, #tpu.memory_space<vmem_shared>>
      %dma_start3A_217 = arith.constant 0 : i32
      %dma_start3A_218 = arith.constant 0 : i32
      %dma_start3A_219 = tpu.memref_slice %arg8[%dma_start3A_217, %dma_start3A_218] : memref<128x128xf32, #tpu.memory_space<vmem>> -> memref<128x128xf32, #tpu.memory_space<vmem>>
      tpu.enqueue_dma source(%dma_start3A_219 : memref<128x128xf32, #tpu.memory_space<vmem>>) target(%dma_start3A_216 : memref<128x128xf32, #tpu.memory_space<vmem_shared>>) target_semaphore(%run_scoped3A : memref<!tpu.dma_semaphore, #tpu.memory_space<semaphore_mem>>)
      %dma_wait3A = arith.constant 0 : i32
      %dma_wait3A_220 = arith.constant 0 : i32
      %dma_wait3A_221 = tpu.memref_slice %arg8[%dma_wait3A, %dma_wait3A_220] : memref<128x128xf32, #tpu.memory_space<vmem>> -> memref<128x128xf32, #tpu.memory_space<vmem>>
      %dma_wait3A_222 = arith.constant 0 : i32
      %dma_wait3A_223 = tpu.memref_slice %arg10[%add3A_16, %dma_wait3A_222] : memref<10112x128xf32, #tpu.memory_space<vmem_shared>> -> memref<128x128xf32, #tpu.memory_space<vmem_shared>>
      %dma_wait3A_224 = arith.constant 0 : i32
      %dma_wait3A_225 = tpu.memref_slice %arg10[%add3A_16, %dma_wait3A_224] : memref<10112x128xf32, #tpu.memory_space<vmem_shared>> -> memref<128x128xf32, #tpu.memory_space<vmem_shared>>
      %dma_wait3A_226 = arith.constant 0 : i32
      %dma_wait3A_227 = arith.constant 0 : i32
      %dma_wait3A_228 = tpu.memref_slice %arg8[%dma_wait3A_226, %dma_wait3A_227] : memref<128x128xf32, #tpu.memory_space<vmem>> -> memref<128x128xf32, #tpu.memory_space<vmem>>
      tpu.wait_dma2 semaphore(%run_scoped3A : memref<!tpu.dma_semaphore, #tpu.memory_space<semaphore_mem>>) src(%dma_wait3A_228 : memref<128x128xf32, #tpu.memory_space<vmem>>) dst(%dma_wait3A_225 : memref<128x128xf32, #tpu.memory_space<vmem_shared>>)
      tpu.yield
    }) : () -> ()
    %mul3A_17 = arith.constant 632 : i32
    %mul3A_18 = arith.muli %arg1, %mul3A_17 : i32
    %add3A_19 = arith.constant 128 : i32
    %add3A_20 = arith.addi %mul3A_18, %add3A_19 : i32
    "tpu.region"() ({
      %run_scoped3A = tpu.sem_alloc : memref<!tpu.dma_semaphore, #tpu.memory_space<semaphore_mem>>
      %dma_start3A_210 = arith.constant 0 : i32
      %dma_start3A_211 = arith.constant 0 : i32
      %dma_start3A_212 = tpu.memref_slice %arg8[%dma_start3A_210, %dma_start3A_211] : memref<128x128xf32, #tpu.memory_space<vmem>> -> memref<128x128xf32, #tpu.memory_space<vmem>>
      %dma_start3A_213 = arith.constant 0 : i32
      %dma_start3A_214 = tpu.memref_slice %arg10[%add3A_20, %dma_start3A_213] : memref<10112x128xf32, #tpu.memory_space<vmem_shared>> -> memref<128x128xf32, #tpu.memory_space<vmem_shared>>
      %dma_start3A_215 = arith.constant 0 : i32
      %dma_start3A_216 = tpu.memref_slice %arg10[%add3A_20, %dma_start3A_215] : memref<10112x128xf32, #tpu.memory_space<vmem_shared>> -> memref<128x128xf32, #tpu.memory_space<vmem_shared>>
      %dma_start3A_217 = arith.constant 0 : i32
      %dma_start3A_218 = arith.constant 0 : i32
      %dma_start3A_219 = tpu.memref_slice %arg8[%dma_start3A_217, %dma_start3A_218] : memref<128x128xf32, #tpu.memory_space<vmem>> -> memref<128x128xf32, #tpu.memory_space<vmem>>
      tpu.enqueue_dma source(%dma_start3A_219 : memref<128x128xf32, #tpu.memory_space<vmem>>) target(%dma_start3A_216 : memref<128x128xf32, #tpu.memory_space<vmem_shared>>) target_semaphore(%run_scoped3A : memref<!tpu.dma_semaphore, #tpu.memory_space<semaphore_mem>>)
      %dma_wait3A = arith.constant 0 : i32
      %dma_wait3A_220 = arith.constant 0 : i32
      %dma_wait3A_221 = tpu.memref_slice %arg8[%dma_wait3A, %dma_wait3A_220] : memref<128x128xf32, #tpu.memory_space<vmem>> -> memref<128x128xf32, #tpu.memory_space<vmem>>
      %dma_wait3A_222 = arith.constant 0 : i32
      %dma_wait3A_223 = tpu.memref_slice %arg10[%add3A_20, %dma_wait3A_222] : memref<10112x128xf32, #tpu.memory_space<vmem_shared>> -> memref<128x128xf32, #tpu.memory_space<vmem_shared>>
      %dma_wait3A_224 = arith.constant 0 : i32
      %dma_wait3A_225 = tpu.memref_slice %arg10[%add3A_20, %dma_wait3A_224] : memref<10112x128xf32, #tpu.memory_space<vmem_shared>> -> memref<128x128xf32, #tpu.memory_space<vmem_shared>>
      %dma_wait3A_226 = arith.constant 0 : i32
      %dma_wait3A_227 = arith.constant 0 : i32
      %dma_wait3A_228 = tpu.memref_slice %arg8[%dma_wait3A_226, %dma_wait3A_227] : memref<128x128xf32, #tpu.memory_space<vmem>> -> memref<128x128xf32, #tpu.memory_space<vmem>>
      tpu.wait_dma2 semaphore(%run_scoped3A : memref<!tpu.dma_semaphore, #tpu.memory_space<semaphore_mem>>) src(%dma_wait3A_228 : memref<128x128xf32, #tpu.memory_space<vmem>>) dst(%dma_wait3A_225 : memref<128x128xf32, #tpu.memory_space<vmem_shared>>)
      tpu.yield
    }) : () -> ()
    %mul3A_21 = arith.constant 632 : i32
    %mul3A_22 = arith.muli %arg1, %mul3A_21 : i32
    %add3A_23 = arith.constant 256 : i32
    %add3A_24 = arith.addi %mul3A_22, %add3A_23 : i32
    "tpu.region"() ({
      %run_scoped3A = tpu.sem_alloc : memref<!tpu.dma_semaphore, #tpu.memory_space<semaphore_mem>>
      %dma_start3A_210 = arith.constant 0 : i32
      %dma_start3A_211 = arith.constant 0 : i32
      %dma_start3A_212 = tpu.memref_slice %arg8[%dma_start3A_210, %dma_start3A_211] : memref<128x128xf32, #tpu.memory_space<vmem>> -> memref<128x128xf32, #tpu.memory_space<vmem>>
      %dma_start3A_213 = arith.constant 0 : i32
      %dma_start3A_214 = tpu.memref_slice %arg10[%add3A_24, %dma_start3A_213] : memref<10112x128xf32, #tpu.memory_space<vmem_shared>> -> memref<128x128xf32, #tpu.memory_space<vmem_shared>>
      %dma_start3A_215 = arith.constant 0 : i32
      %dma_start3A_216 = tpu.memref_slice %arg10[%add3A_24, %dma_start3A_215] : memref<10112x128xf32, #tpu.memory_space<vmem_shared>> -> memref<128x128xf32, #tpu.memory_space<vmem_shared>>
      %dma_start3A_217 = arith.constant 0 : i32
      %dma_start3A_218 = arith.constant 0 : i32
      %dma_start3A_219 = tpu.memref_slice %arg8[%dma_start3A_217, %dma_start3A_218] : memref<128x128xf32, #tpu.memory_space<vmem>> -> memref<128x128xf32, #tpu.memory_space<vmem>>
      tpu.enqueue_dma source(%dma_start3A_219 : memref<128x128xf32, #tpu.memory_space<vmem>>) target(%dma_start3A_216 : memref<128x128xf32, #tpu.memory_space<vmem_shared>>) target_semaphore(%run_scoped3A : memref<!tpu.dma_semaphore, #tpu.memory_space<semaphore_mem>>)
      %dma_wait3A = arith.constant 0 : i32
      %dma_wait3A_220 = arith.constant 0 : i32
      %dma_wait3A_221 = tpu.memref_slice %arg8[%dma_wait3A, %dma_wait3A_220] : memref<128x128xf32, #tpu.memory_space<vmem>> -> memref<128x128xf32, #tpu.memory_space<vmem>>
      %dma_wait3A_222 = arith.constant 0 : i32
      %dma_wait3A_223 = tpu.memref_slice %arg10[%add3A_24, %dma_wait3A_222] : memref<10112x128xf32, #tpu.memory_space<vmem_shared>> -> memref<128x128xf32, #tpu.memory_space<vmem_shared>>
      %dma_wait3A_224 = arith.constant 0 : i32
      %dma_wait3A_225 = tpu.memref_slice %arg10[%add3A_24, %dma_wait3A_224] : memref<10112x128xf32, #tpu.memory_space<vmem_shared>> -> memref<128x128xf32, #tpu.memory_space<vmem_shared>>
      %dma_wait3A_226 = arith.constant 0 : i32
      %dma_wait3A_227 = arith.constant 0 : i32
      %dma_wait3A_228 = tpu.memref_slice %arg8[%dma_wait3A_226, %dma_wait3A_227] : memref<128x128xf32, #tpu.memory_space<vmem>> -> memref<128x128xf32, #tpu.memory_space<vmem>>
      tpu.wait_dma2 semaphore(%run_scoped3A : memref<!tpu.dma_semaphore, #tpu.memory_space<semaphore_mem>>) src(%dma_wait3A_228 : memref<128x128xf32, #tpu.memory_space<vmem>>) dst(%dma_wait3A_225 : memref<128x128xf32, #tpu.memory_space<vmem_shared>>)
      tpu.yield
    }) : () -> ()
    %mul3A_25 = arith.constant 632 : i32
    %mul3A_26 = arith.muli %arg1, %mul3A_25 : i32
    %add3A_27 = arith.constant 384 : i32
    %add3A_28 = arith.addi %mul3A_26, %add3A_27 : i32
    "tpu.region"() ({
      %run_scoped3A = tpu.sem_alloc : memref<!tpu.dma_semaphore, #tpu.memory_space<semaphore_mem>>
      %dma_start3A_210 = arith.constant 0 : i32
      %dma_start3A_211 = arith.constant 0 : i32
      %dma_start3A_212 = tpu.memref_slice %arg8[%dma_start3A_210, %dma_start3A_211] : memref<128x128xf32, #tpu.memory_space<vmem>> -> memref<128x128xf32, #tpu.memory_space<vmem>>
      %dma_start3A_213 = arith.constant 0 : i32
      %dma_start3A_214 = tpu.memref_slice %arg10[%add3A_28, %dma_start3A_213] : memref<10112x128xf32, #tpu.memory_space<vmem_shared>> -> memref<128x128xf32, #tpu.memory_space<vmem_shared>>
      %dma_start3A_215 = arith.constant 0 : i32
      %dma_start3A_216 = tpu.memref_slice %arg10[%add3A_28, %dma_start3A_215] : memref<10112x128xf32, #tpu.memory_space<vmem_shared>> -> memref<128x128xf32, #tpu.memory_space<vmem_shared>>
      %dma_start3A_217 = arith.constant 0 : i32
      %dma_start3A_218 = arith.constant 0 : i32
      %dma_start3A_219 = tpu.memref_slice %arg8[%dma_start3A_217, %dma_start3A_218] : memref<128x128xf32, #tpu.memory_space<vmem>> -> memref<128x128xf32, #tpu.memory_space<vmem>>
      tpu.enqueue_dma source(%dma_start3A_219 : memref<128x128xf32, #tpu.memory_space<vmem>>) target(%dma_start3A_216 : memref<128x128xf32, #tpu.memory_space<vmem_shared>>) target_semaphore(%run_scoped3A : memref<!tpu.dma_semaphore, #tpu.memory_space<semaphore_mem>>)
      %dma_wait3A = arith.constant 0 : i32
      %dma_wait3A_220 = arith.constant 0 : i32
      %dma_wait3A_221 = tpu.memref_slice %arg8[%dma_wait3A, %dma_wait3A_220] : memref<128x128xf32, #tpu.memory_space<vmem>> -> memref<128x128xf32, #tpu.memory_space<vmem>>
      %dma_wait3A_222 = arith.constant 0 : i32
      %dma_wait3A_223 = tpu.memref_slice %arg10[%add3A_28, %dma_wait3A_222] : memref<10112x128xf32, #tpu.memory_space<vmem_shared>> -> memref<128x128xf32, #tpu.memory_space<vmem_shared>>
      %dma_wait3A_224 = arith.constant 0 : i32
      %dma_wait3A_225 = tpu.memref_slice %arg10[%add3A_28, %dma_wait3A_224] : memref<10112x128xf32, #tpu.memory_space<vmem_shared>> -> memref<128x128xf32, #tpu.memory_space<vmem_shared>>
      %dma_wait3A_226 = arith.constant 0 : i32
      %dma_wait3A_227 = arith.constant 0 : i32
      %dma_wait3A_228 = tpu.memref_slice %arg8[%dma_wait3A_226, %dma_wait3A_227] : memref<128x128xf32, #tpu.memory_space<vmem>> -> memref<128x128xf32, #tpu.memory_space<vmem>>
      tpu.wait_dma2 semaphore(%run_scoped3A : memref<!tpu.dma_semaphore, #tpu.memory_space<semaphore_mem>>) src(%dma_wait3A_228 : memref<128x128xf32, #tpu.memory_space<vmem>>) dst(%dma_wait3A_225 : memref<128x128xf32, #tpu.memory_space<vmem_shared>>)
      tpu.yield
    }) : () -> ()
    %mul3A_29 = arith.constant 632 : i32
    %mul3A_30 = arith.muli %arg1, %mul3A_29 : i32
    %add3A_31 = arith.constant 512 : i32
    %add3A_32 = arith.addi %mul3A_30, %add3A_31 : i32
    "tpu.region"() ({
      %run_scoped3A = tpu.sem_alloc : memref<!tpu.dma_semaphore, #tpu.memory_space<semaphore_mem>>
      %dma_start3A_210 = arith.constant 0 : i32
      %dma_start3A_211 = arith.constant 0 : i32
      %dma_start3A_212 = tpu.memref_slice %arg8[%dma_start3A_210, %dma_start3A_211] : memref<128x128xf32, #tpu.memory_space<vmem>> -> memref<120x128xf32, #tpu.memory_space<vmem>>
      %dma_start3A_213 = arith.constant 0 : i32
      %dma_start3A_214 = tpu.memref_slice %arg10[%add3A_32, %dma_start3A_213] : memref<10112x128xf32, #tpu.memory_space<vmem_shared>> -> memref<120x128xf32, #tpu.memory_space<vmem_shared>>
      %dma_start3A_215 = arith.constant 0 : i32
      %dma_start3A_216 = tpu.memref_slice %arg10[%add3A_32, %dma_start3A_215] : memref<10112x128xf32, #tpu.memory_space<vmem_shared>> -> memref<120x128xf32, #tpu.memory_space<vmem_shared>>
      %dma_start3A_217 = arith.constant 0 : i32
      %dma_start3A_218 = arith.constant 0 : i32
      %dma_start3A_219 = tpu.memref_slice %arg8[%dma_start3A_217, %dma_start3A_218] : memref<128x128xf32, #tpu.memory_space<vmem>> -> memref<120x128xf32, #tpu.memory_space<vmem>>
      tpu.enqueue_dma source(%dma_start3A_219 : memref<120x128xf32, #tpu.memory_space<vmem>>) target(%dma_start3A_216 : memref<120x128xf32, #tpu.memory_space<vmem_shared>>) target_semaphore(%run_scoped3A : memref<!tpu.dma_semaphore, #tpu.memory_space<semaphore_mem>>)
      %dma_wait3A = arith.constant 0 : i32
      %dma_wait3A_220 = arith.constant 0 : i32
      %dma_wait3A_221 = tpu.memref_slice %arg8[%dma_wait3A, %dma_wait3A_220] : memref<128x128xf32, #tpu.memory_space<vmem>> -> memref<120x128xf32, #tpu.memory_space<vmem>>
      %dma_wait3A_222 = arith.constant 0 : i32
      %dma_wait3A_223 = tpu.memref_slice %arg10[%add3A_32, %dma_wait3A_222] : memref<10112x128xf32, #tpu.memory_space<vmem_shared>> -> memref<120x128xf32, #tpu.memory_space<vmem_shared>>
      %dma_wait3A_224 = arith.constant 0 : i32
      %dma_wait3A_225 = tpu.memref_slice %arg10[%add3A_32, %dma_wait3A_224] : memref<10112x128xf32, #tpu.memory_space<vmem_shared>> -> memref<120x128xf32, #tpu.memory_space<vmem_shared>>
      %dma_wait3A_226 = arith.constant 0 : i32
      %dma_wait3A_227 = arith.constant 0 : i32
      %dma_wait3A_228 = tpu.memref_slice %arg8[%dma_wait3A_226, %dma_wait3A_227] : memref<128x128xf32, #tpu.memory_space<vmem>> -> memref<120x128xf32, #tpu.memory_space<vmem>>
      tpu.wait_dma2 semaphore(%run_scoped3A : memref<!tpu.dma_semaphore, #tpu.memory_space<semaphore_mem>>) src(%dma_wait3A_228 : memref<120x128xf32, #tpu.memory_space<vmem>>) dst(%dma_wait3A_225 : memref<120x128xf32, #tpu.memory_space<vmem_shared>>)
      tpu.yield
    }) : () -> ()
    %barrier3A = arith.constant 0 : index
    tpu.barrier barrier_id(%barrier3A)
    %get3A = arith.constant 0 : index
    %get3A_33 = tpu.vector_load %arg5[%get3A] {strides = array<i32>} : memref<10240xi32, #tpu.memory_space<vmem>>, vector<16xi32>,
    %get3A_34 = vector.shape_cast %get3A_33 : vector<16xi32> to vector<16xi32>
    %and3A = arith.constant 65535 : i32
    %and3A_35 = vector.broadcast %and3A : i32 to vector<16xi32>
    %and3A_36 = arith.andi %get3A_34, %and3A_35 : vector<16xi32>
    %swap3A = arith.constant 0 : i32
    %swap3A_37 = arith.index_cast %swap3A : i32 to index
    %swap3A_38 = arith.constant 0 : index
    %swap3A_39 = tpu.vector_load %arg6[%swap3A_37, %swap3A_38] {strides = array<i32>} : memref<2x128xi32, #tpu.memory_space<vmem>>, vector<1x16xi32>,
    %swap3A_40 = vector.shape_cast %swap3A_39 : vector<1x16xi32> to vector<16xi32>
    %swap3A_41 = vector.shape_cast %and3A_36 : vector<16xi32> to vector<1x16xi32>
    tpu.vector_store %arg6[%swap3A_37, %swap3A_38], %swap3A_41 {strides = array<i32>} : memref<2x128xi32, #tpu.memory_space<vmem>>, vector<1x16xi32>,
    %shift_right_logical3A = arith.constant 16 : i32
    %shift_right_logical3A_42 = vector.broadcast %shift_right_logical3A : i32 to vector<16xi32>
    %shift_right_logical3A_43 = arith.shrui %get3A_34, %shift_right_logical3A_42 : vector<16xi32>
    %swap3A_44 = arith.constant 0 : i32
    %swap3A_45 = arith.index_cast %swap3A_44 : i32 to index
    %swap3A_46 = arith.constant 0 : index
    %swap3A_47 = tpu.vector_load %arg7[%swap3A_45, %swap3A_46] {strides = array<i32>} : memref<2x128xi32, #tpu.memory_space<vmem>>, vector<1x16xi32>,
    %swap3A_48 = vector.shape_cast %swap3A_47 : vector<1x16xi32> to vector<16xi32>
    %swap3A_49 = vector.shape_cast %shift_right_logical3A_43 : vector<16xi32> to vector<1x16xi32>
    tpu.vector_store %arg7[%swap3A_45, %swap3A_46], %swap3A_49 {strides = array<i32>} : memref<2x128xi32, #tpu.memory_space<vmem>>, vector<1x16xi32>,
    %get3A_50 = arith.constant 16 : index
    %get3A_51 = tpu.vector_load %arg5[%get3A_50] {strides = array<i32>} : memref<10240xi32, #tpu.memory_space<vmem>>, vector<16xi32>,
    %get3A_52 = vector.shape_cast %get3A_51 : vector<16xi32> to vector<16xi32>
    %and3A_53 = arith.constant 65535 : i32
    %and3A_54 = vector.broadcast %and3A_53 : i32 to vector<16xi32>
    %and3A_55 = arith.andi %get3A_52, %and3A_54 : vector<16xi32>
    %swap3A_56 = arith.constant 0 : i32
    %swap3A_57 = arith.index_cast %swap3A_56 : i32 to index
    %swap3A_58 = arith.constant 16 : index
    %swap3A_59 = tpu.vector_load %arg6[%swap3A_57, %swap3A_58] {strides = array<i32>} : memref<2x128xi32, #tpu.memory_space<vmem>>, vector<1x16xi32>,
    %swap3A_60 = vector.shape_cast %swap3A_59 : vector<1x16xi32> to vector<16xi32>
    %swap3A_61 = vector.shape_cast %and3A_55 : vector<16xi32> to vector<1x16xi32>
    tpu.vector_store %arg6[%swap3A_57, %swap3A_58], %swap3A_61 {strides = array<i32>} : memref<2x128xi32, #tpu.memory_space<vmem>>, vector<1x16xi32>,
    %shift_right_logical3A_62 = arith.constant 16 : i32
    %shift_right_logical3A_63 = vector.broadcast %shift_right_logical3A_62 : i32 to vector<16xi32>
    %shift_right_logical3A_64 = arith.shrui %get3A_52, %shift_right_logical3A_63 : vector<16xi32>
    %swap3A_65 = arith.constant 0 : i32
    %swap3A_66 = arith.index_cast %swap3A_65 : i32 to index
    %swap3A_67 = arith.constant 16 : index
    %swap3A_68 = tpu.vector_load %arg7[%swap3A_66, %swap3A_67] {strides = array<i32>} : memref<2x128xi32, #tpu.memory_space<vmem>>, vector<1x16xi32>,
    %swap3A_69 = vector.shape_cast %swap3A_68 : vector<1x16xi32> to vector<16xi32>
    %swap3A_70 = vector.shape_cast %shift_right_logical3A_64 : vector<16xi32> to vector<1x16xi32>
    tpu.vector_store %arg7[%swap3A_66, %swap3A_67], %swap3A_70 {strides = array<i32>} : memref<2x128xi32, #tpu.memory_space<vmem>>, vector<1x16xi32>,
    %get3A_71 = arith.constant 32 : index
    %get3A_72 = tpu.vector_load %arg5[%get3A_71] {strides = array<i32>} : memref<10240xi32, #tpu.memory_space<vmem>>, vector<16xi32>,
    %get3A_73 = vector.shape_cast %get3A_72 : vector<16xi32> to vector<16xi32>
    %and3A_74 = arith.constant 65535 : i32
    %and3A_75 = vector.broadcast %and3A_74 : i32 to vector<16xi32>
    %and3A_76 = arith.andi %get3A_73, %and3A_75 : vector<16xi32>
    %swap3A_77 = arith.constant 0 : i32
    %swap3A_78 = arith.index_cast %swap3A_77 : i32 to index
    %swap3A_79 = arith.constant 32 : index
    %swap3A_80 = tpu.vector_load %arg6[%swap3A_78, %swap3A_79] {strides = array<i32>} : memref<2x128xi32, #tpu.memory_space<vmem>>, vector<1x16xi32>,
    %swap3A_81 = vector.shape_cast %swap3A_80 : vector<1x16xi32> to vector<16xi32>
    %swap3A_82 = vector.shape_cast %and3A_76 : vector<16xi32> to vector<1x16xi32>
    tpu.vector_store %arg6[%swap3A_78, %swap3A_79], %swap3A_82 {strides = array<i32>} : memref<2x128xi32, #tpu.memory_space<vmem>>, vector<1x16xi32>,
    %shift_right_logical3A_83 = arith.constant 16 : i32
    %shift_right_logical3A_84 = vector.broadcast %shift_right_logical3A_83 : i32 to vector<16xi32>
    %shift_right_logical3A_85 = arith.shrui %get3A_73, %shift_right_logical3A_84 : vector<16xi32>
    %swap3A_86 = arith.constant 0 : i32
    %swap3A_87 = arith.index_cast %swap3A_86 : i32 to index
    %swap3A_88 = arith.constant 32 : index
    %swap3A_89 = tpu.vector_load %arg7[%swap3A_87, %swap3A_88] {strides = array<i32>} : memref<2x128xi32, #tpu.memory_space<vmem>>, vector<1x16xi32>,
    %swap3A_90 = vector.shape_cast %swap3A_89 : vector<1x16xi32> to vector<16xi32>
    %swap3A_91 = vector.shape_cast %shift_right_logical3A_85 : vector<16xi32> to vector<1x16xi32>
    tpu.vector_store %arg7[%swap3A_87, %swap3A_88], %swap3A_91 {strides = array<i32>} : memref<2x128xi32, #tpu.memory_space<vmem>>, vector<1x16xi32>,
    %get3A_92 = arith.constant 48 : index
    %get3A_93 = tpu.vector_load %arg5[%get3A_92] {strides = array<i32>} : memref<10240xi32, #tpu.memory_space<vmem>>, vector<16xi32>,
    %get3A_94 = vector.shape_cast %get3A_93 : vector<16xi32> to vector<16xi32>
    %and3A_95 = arith.constant 65535 : i32
    %and3A_96 = vector.broadcast %and3A_95 : i32 to vector<16xi32>
    %and3A_97 = arith.andi %get3A_94, %and3A_96 : vector<16xi32>
    %swap3A_98 = arith.constant 0 : i32
    %swap3A_99 = arith.index_cast %swap3A_98 : i32 to index
    %swap3A_100 = arith.constant 48 : index
    %swap3A_101 = tpu.vector_load %arg6[%swap3A_99, %swap3A_100] {strides = array<i32>} : memref<2x128xi32, #tpu.memory_space<vmem>>, vector<1x16xi32>,
    %swap3A_102 = vector.shape_cast %swap3A_101 : vector<1x16xi32> to vector<16xi32>
    %swap3A_103 = vector.shape_cast %and3A_97 : vector<16xi32> to vector<1x16xi32>
    tpu.vector_store %arg6[%swap3A_99, %swap3A_100], %swap3A_103 {strides = array<i32>} : memref<2x128xi32, #tpu.memory_space<vmem>>, vector<1x16xi32>,
    %shift_right_logical3A_104 = arith.constant 16 : i32
    %shift_right_logical3A_105 = vector.broadcast %shift_right_logical3A_104 : i32 to vector<16xi32>
    %shift_right_logical3A_106 = arith.shrui %get3A_94, %shift_right_logical3A_105 : vector<16xi32>
    %swap3A_107 = arith.constant 0 : i32
    %swap3A_108 = arith.index_cast %swap3A_107 : i32 to index
    %swap3A_109 = arith.constant 48 : index
    %swap3A_110 = tpu.vector_load %arg7[%swap3A_108, %swap3A_109] {strides = array<i32>} : memref<2x128xi32, #tpu.memory_space<vmem>>, vector<1x16xi32>,
    %swap3A_111 = vector.shape_cast %swap3A_110 : vector<1x16xi32> to vector<16xi32>
    %swap3A_112 = vector.shape_cast %shift_right_logical3A_106 : vector<16xi32> to vector<1x16xi32>
    tpu.vector_store %arg7[%swap3A_108, %swap3A_109], %swap3A_112 {strides = array<i32>} : memref<2x128xi32, #tpu.memory_space<vmem>>, vector<1x16xi32>,
    %get3A_113 = arith.constant 64 : index
    %get3A_114 = tpu.vector_load %arg5[%get3A_113] {strides = array<i32>} : memref<10240xi32, #tpu.memory_space<vmem>>, vector<16xi32>,
    %get3A_115 = vector.shape_cast %get3A_114 : vector<16xi32> to vector<16xi32>
    %and3A_116 = arith.constant 65535 : i32
    %and3A_117 = vector.broadcast %and3A_116 : i32 to vector<16xi32>
    %and3A_118 = arith.andi %get3A_115, %and3A_117 : vector<16xi32>
    %swap3A_119 = arith.constant 0 : i32
    %swap3A_120 = arith.index_cast %swap3A_119 : i32 to index
    %swap3A_121 = arith.constant 64 : index
    %swap3A_122 = tpu.vector_load %arg6[%swap3A_120, %swap3A_121] {strides = array<i32>} : memref<2x128xi32, #tpu.memory_space<vmem>>, vector<1x16xi32>,
    %swap3A_123 = vector.shape_cast %swap3A_122 : vector<1x16xi32> to vector<16xi32>
    %swap3A_124 = vector.shape_cast %and3A_118 : vector<16xi32> to vector<1x16xi32>
    tpu.vector_store %arg6[%swap3A_120, %swap3A_121], %swap3A_124 {strides = array<i32>} : memref<2x128xi32, #tpu.memory_space<vmem>>, vector<1x16xi32>,
    %shift_right_logical3A_125 = arith.constant 16 : i32
    %shift_right_logical3A_126 = vector.broadcast %shift_right_logical3A_125 : i32 to vector<16xi32>
    %shift_right_logical3A_127 = arith.shrui %get3A_115, %shift_right_logical3A_126 : vector<16xi32>
    %swap3A_128 = arith.constant 0 : i32
    %swap3A_129 = arith.index_cast %swap3A_128 : i32 to index
    %swap3A_130 = arith.constant 64 : index
    %swap3A_131 = tpu.vector_load %arg7[%swap3A_129, %swap3A_130] {strides = array<i32>} : memref<2x128xi32, #tpu.memory_space<vmem>>, vector<1x16xi32>,
    %swap3A_132 = vector.shape_cast %swap3A_131 : vector<1x16xi32> to vector<16xi32>
    %swap3A_133 = vector.shape_cast %shift_right_logical3A_127 : vector<16xi32> to vector<1x16xi32>
    tpu.vector_store %arg7[%swap3A_129, %swap3A_130], %swap3A_133 {strides = array<i32>} : memref<2x128xi32, #tpu.memory_space<vmem>>, vector<1x16xi32>,
    %get3A_134 = arith.constant 80 : index
    %get3A_135 = tpu.vector_load %arg5[%get3A_134] {strides = array<i32>} : memref<10240xi32, #tpu.memory_space<vmem>>, vector<16xi32>,
    %get3A_136 = vector.shape_cast %get3A_135 : vector<16xi32> to vector<16xi32>
    %and3A_137 = arith.constant 65535 : i32
    %and3A_138 = vector.broadcast %and3A_137 : i32 to vector<16xi32>
    %and3A_139 = arith.andi %get3A_136, %and3A_138 : vector<16xi32>
    %swap3A_140 = arith.constant 0 : i32
    %swap3A_141 = arith.index_cast %swap3A_140 : i32 to index
    %swap3A_142 = arith.constant 80 : index
    %swap3A_143 = tpu.vector_load %arg6[%swap3A_141, %swap3A_142] {strides = array<i32>} : memref<2x128xi32, #tpu.memory_space<vmem>>, vector<1x16xi32>,
    %swap3A_144 = vector.shape_cast %swap3A_143 : vector<1x16xi32> to vector<16xi32>
    %swap3A_145 = vector.shape_cast %and3A_139 : vector<16xi32> to vector<1x16xi32>
    tpu.vector_store %arg6[%swap3A_141, %swap3A_142], %swap3A_145 {strides = array<i32>} : memref<2x128xi32, #tpu.memory_space<vmem>>, vector<1x16xi32>,
    %shift_right_logical3A_146 = arith.constant 16 : i32
    %shift_right_logical3A_147 = vector.broadcast %shift_right_logical3A_146 : i32 to vector<16xi32>
    %shift_right_logical3A_148 = arith.shrui %get3A_136, %shift_right_logical3A_147 : vector<16xi32>
    %swap3A_149 = arith.constant 0 : i32
    %swap3A_150 = arith.index_cast %swap3A_149 : i32 to index
    %swap3A_151 = arith.constant 80 : index
    %swap3A_152 = tpu.vector_load %arg7[%swap3A_150, %swap3A_151] {strides = array<i32>} : memref<2x128xi32, #tpu.memory_space<vmem>>, vector<1x16xi32>,
    %swap3A_153 = vector.shape_cast %swap3A_152 : vector<1x16xi32> to vector<16xi32>
    %swap3A_154 = vector.shape_cast %shift_right_logical3A_148 : vector<16xi32> to vector<1x16xi32>
    tpu.vector_store %arg7[%swap3A_150, %swap3A_151], %swap3A_154 {strides = array<i32>} : memref<2x128xi32, #tpu.memory_space<vmem>>, vector<1x16xi32>,
    %get3A_155 = arith.constant 96 : index
    %get3A_156 = tpu.vector_load %arg5[%get3A_155] {strides = array<i32>} : memref<10240xi32, #tpu.memory_space<vmem>>, vector<16xi32>,
    %get3A_157 = vector.shape_cast %get3A_156 : vector<16xi32> to vector<16xi32>
    %and3A_158 = arith.constant 65535 : i32
    %and3A_159 = vector.broadcast %and3A_158 : i32 to vector<16xi32>
    %and3A_160 = arith.andi %get3A_157, %and3A_159 : vector<16xi32>
    %swap3A_161 = arith.constant 0 : i32
    %swap3A_162 = arith.index_cast %swap3A_161 : i32 to index
    %swap3A_163 = arith.constant 96 : index
    %swap3A_164 = tpu.vector_load %arg6[%swap3A_162, %swap3A_163] {strides = array<i32>} : memref<2x128xi32, #tpu.memory_space<vmem>>, vector<1x16xi32>,
    %swap3A_165 = vector.shape_cast %swap3A_164 : vector<1x16xi32> to vector<16xi32>
    %swap3A_166 = vector.shape_cast %and3A_160 : vector<16xi32> to vector<1x16xi32>
    tpu.vector_store %arg6[%swap3A_162, %swap3A_163], %swap3A_166 {strides = array<i32>} : memref<2x128xi32, #tpu.memory_space<vmem>>, vector<1x16xi32>,
    %shift_right_logical3A_167 = arith.constant 16 : i32
    %shift_right_logical3A_168 = vector.broadcast %shift_right_logical3A_167 : i32 to vector<16xi32>
    %shift_right_logical3A_169 = arith.shrui %get3A_157, %shift_right_logical3A_168 : vector<16xi32>
    %swap3A_170 = arith.constant 0 : i32
    %swap3A_171 = arith.index_cast %swap3A_170 : i32 to index
    %swap3A_172 = arith.constant 96 : index
    %swap3A_173 = tpu.vector_load %arg7[%swap3A_171, %swap3A_172] {strides = array<i32>} : memref<2x128xi32, #tpu.memory_space<vmem>>, vector<1x16xi32>,
    %swap3A_174 = vector.shape_cast %swap3A_173 : vector<1x16xi32> to vector<16xi32>
    %swap3A_175 = vector.shape_cast %shift_right_logical3A_169 : vector<16xi32> to vector<1x16xi32>
    tpu.vector_store %arg7[%swap3A_171, %swap3A_172], %swap3A_175 {strides = array<i32>} : memref<2x128xi32, #tpu.memory_space<vmem>>, vector<1x16xi32>,
    %get3A_176 = arith.constant 112 : index
    %get3A_177 = tpu.vector_load %arg5[%get3A_176] {strides = array<i32>} : memref<10240xi32, #tpu.memory_space<vmem>>, vector<16xi32>,
    %get3A_178 = vector.shape_cast %get3A_177 : vector<16xi32> to vector<16xi32>
    %and3A_179 = arith.constant 65535 : i32
    %and3A_180 = vector.broadcast %and3A_179 : i32 to vector<16xi32>
    %and3A_181 = arith.andi %get3A_178, %and3A_180 : vector<16xi32>
    %swap3A_182 = arith.constant 0 : i32
    %swap3A_183 = arith.index_cast %swap3A_182 : i32 to index
    %swap3A_184 = arith.constant 112 : index
    %swap3A_185 = tpu.vector_load %arg6[%swap3A_183, %swap3A_184] {strides = array<i32>} : memref<2x128xi32, #tpu.memory_space<vmem>>, vector<1x16xi32>,
    %swap3A_186 = vector.shape_cast %swap3A_185 : vector<1x16xi32> to vector<16xi32>
    %swap3A_187 = vector.shape_cast %and3A_181 : vector<16xi32> to vector<1x16xi32>
    tpu.vector_store %arg6[%swap3A_183, %swap3A_184], %swap3A_187 {strides = array<i32>} : memref<2x128xi32, #tpu.memory_space<vmem>>, vector<1x16xi32>,
    %shift_right_logical3A_188 = arith.constant 16 : i32
    %shift_right_logical3A_189 = vector.broadcast %shift_right_logical3A_188 : i32 to vector<16xi32>
    %shift_right_logical3A_190 = arith.shrui %get3A_178, %shift_right_logical3A_189 : vector<16xi32>
    %swap3A_191 = arith.constant 0 : i32
    %swap3A_192 = arith.index_cast %swap3A_191 : i32 to index
    %swap3A_193 = arith.constant 112 : index
    %swap3A_194 = tpu.vector_load %arg7[%swap3A_192, %swap3A_193] {strides = array<i32>} : memref<2x128xi32, #tpu.memory_space<vmem>>, vector<1x16xi32>,
    %swap3A_195 = vector.shape_cast %swap3A_194 : vector<1x16xi32> to vector<16xi32>
    %swap3A_196 = vector.shape_cast %shift_right_logical3A_190 : vector<16xi32> to vector<1x16xi32>
    tpu.vector_store %arg7[%swap3A_192, %swap3A_193], %swap3A_196 {strides = array<i32>} : memref<2x128xi32, #tpu.memory_space<vmem>>, vector<1x16xi32>,
    %dma_start3A = arith.constant 0 : i32
    %dma_start3A_197 = arith.constant 0 : i32
    %dma_start3A_198 = tpu.memref_slice %arg6[%dma_start3A, %dma_start3A_197] : memref<2x128xi32, #tpu.memory_space<vmem>> -> memref<1x128xi32, #tpu.memory_space<vmem>>
    %dma_start3A_199 = tpu.memref_squeeze %dma_start3A_198 : memref<1x128xi32, #tpu.memory_space<vmem>> -> memref<128xi32, #tpu.memory_space<vmem>>
    %dma_start3A_200 = arith.constant 0 : i32
    %dma_start3A_201 = arith.constant 0 : i32
    %dma_start3A_202 = tpu.memref_slice %arg2[%dma_start3A_200, %dma_start3A_201] : memref<10000x128xf32, #tpu.memory_space<hbm>> -> memref<10000x128xf32, #tpu.memory_space<hbm>>
    tpu.enqueue_indirect_dma source(%dma_start3A_202 : memref<10000x128xf32, #tpu.memory_space<hbm>>) target(%arg8 : memref<128x128xf32, #tpu.memory_space<vmem>>) offsets(%dma_start3A_199 : memref<128xi32, #tpu.memory_space<vmem>>) semaphore(%arg11 : memref<!tpu.dma_semaphore, #tpu.memory_space<semaphore_mem>>)
    %scan3A_203 = arith.constant 0 : i32
    %scan3A_204 = arith.constant 0 : i32
    %scan3A_205 = arith.constant 40 : i32
    %scan3A_206 = arith.addi %scan3A_204, %scan3A_205 : i32
    %scan3A_207 = arith.constant 1 : i32
    scf.for %scan3A_210 = %scan3A_204 to %scan3A_206 step %scan3A_207  : i32 {
      %mul3A_211 = arith.constant 2 : i32
      %mul3A_212 = arith.muli %mul3A_211, %scan3A_210 : i32
      %add3A_213 = arith.constant 1 : i32
      %add3A_214 = arith.addi %mul3A_212, %add3A_213 : i32
      %mul3A_215 = arith.constant 128 : i32
      %mul3A_216 = arith.muli %add3A_214, %mul3A_215 : i32
      %add3A_217 = arith.constant 0 : i32
      %add3A_218 = arith.addi %mul3A_216, %add3A_217 : i32
      %get3A_219 = arith.index_cast %add3A_218 : i32 to index
      %get3A_220 = tpu.vector_load %arg5[%get3A_219] {strides = array<i32>} : memref<10240xi32, #tpu.memory_space<vmem>>, vector<16xi32>,
      %get3A_221 = vector.shape_cast %get3A_220 : vector<16xi32> to vector<16xi32>
      %and3A_222 = arith.constant 65535 : i32
      %and3A_223 = vector.broadcast %and3A_222 : i32 to vector<16xi32>
      %and3A_224 = arith.andi %get3A_221, %and3A_223 : vector<16xi32>
      %swap3A_225 = arith.constant 1 : i32
      %swap3A_226 = arith.index_cast %swap3A_225 : i32 to index
      %swap3A_227 = arith.constant 0 : index
      %swap3A_228 = tpu.vector_load %arg6[%swap3A_226, %swap3A_227] {strides = array<i32>} : memref<2x128xi32, #tpu.memory_space<vmem>>, vector<1x16xi32>,
      %swap3A_229 = vector.shape_cast %swap3A_228 : vector<1x16xi32> to vector<16xi32>
      %swap3A_230 = vector.shape_cast %and3A_224 : vector<16xi32> to vector<1x16xi32>
      tpu.vector_store %arg6[%swap3A_226, %swap3A_227], %swap3A_230 {strides = array<i32>} : memref<2x128xi32, #tpu.memory_space<vmem>>, vector<1x16xi32>,
      %shift_right_logical3A_231 = arith.constant 16 : i32
      %shift_right_logical3A_232 = vector.broadcast %shift_right_logical3A_231 : i32 to vector<16xi32>
      %shift_right_logical3A_233 = arith.shrui %get3A_221, %shift_right_logical3A_232 : vector<16xi32>
      %swap3A_234 = arith.constant 1 : i32
      %swap3A_235 = arith.index_cast %swap3A_234 : i32 to index
      %swap3A_236 = arith.constant 0 : index
      %swap3A_237 = tpu.vector_load %arg7[%swap3A_235, %swap3A_236] {strides = array<i32>} : memref<2x128xi32, #tpu.memory_space<vmem>>, vector<1x16xi32>,
      %swap3A_238 = vector.shape_cast %swap3A_237 : vector<1x16xi32> to vector<16xi32>
      %swap3A_239 = vector.shape_cast %shift_right_logical3A_233 : vector<16xi32> to vector<1x16xi32>
      tpu.vector_store %arg7[%swap3A_235, %swap3A_236], %swap3A_239 {strides = array<i32>} : memref<2x128xi32, #tpu.memory_space<vmem>>, vector<1x16xi32>,
      %mul3A_240 = arith.constant 128 : i32
      %mul3A_241 = arith.muli %add3A_214, %mul3A_240 : i32
      %add3A_242 = arith.constant 16 : i32
      %add3A_243 = arith.addi %mul3A_241, %add3A_242 : i32
      %get3A_244 = arith.index_cast %add3A_243 : i32 to index
      %get3A_245 = tpu.vector_load %arg5[%get3A_244] {strides = array<i32>} : memref<10240xi32, #tpu.memory_space<vmem>>, vector<16xi32>,
      %get3A_246 = vector.shape_cast %get3A_245 : vector<16xi32> to vector<16xi32>
      %and3A_247 = arith.constant 65535 : i32
      %and3A_248 = vector.broadcast %and3A_247 : i32 to vector<16xi32>
      %and3A_249 = arith.andi %get3A_246, %and3A_248 : vector<16xi32>
      %swap3A_250 = arith.constant 1 : i32
      %swap3A_251 = arith.index_cast %swap3A_250 : i32 to index
      %swap3A_252 = arith.constant 16 : index
      %swap3A_253 = tpu.vector_load %arg6[%swap3A_251, %swap3A_252] {strides = array<i32>} : memref<2x128xi32, #tpu.memory_space<vmem>>, vector<1x16xi32>,
      %swap3A_254 = vector.shape_cast %swap3A_253 : vector<1x16xi32> to vector<16xi32>
      %swap3A_255 = vector.shape_cast %and3A_249 : vector<16xi32> to vector<1x16xi32>
      tpu.vector_store %arg6[%swap3A_251, %swap3A_252], %swap3A_255 {strides = array<i32>} : memref<2x128xi32, #tpu.memory_space<vmem>>, vector<1x16xi32>,
      %shift_right_logical3A_256 = arith.constant 16 : i32
      %shift_right_logical3A_257 = vector.broadcast %shift_right_logical3A_256 : i32 to vector<16xi32>
      %shift_right_logical3A_258 = arith.shrui %get3A_246, %shift_right_logical3A_257 : vector<16xi32>
      %swap3A_259 = arith.constant 1 : i32
      %swap3A_260 = arith.index_cast %swap3A_259 : i32 to index
      %swap3A_261 = arith.constant 16 : index
      %swap3A_262 = tpu.vector_load %arg7[%swap3A_260, %swap3A_261] {strides = array<i32>} : memref<2x128xi32, #tpu.memory_space<vmem>>, vector<1x16xi32>,
      %swap3A_263 = vector.shape_cast %swap3A_262 : vector<1x16xi32> to vector<16xi32>
      %swap3A_264 = vector.shape_cast %shift_right_logical3A_258 : vector<16xi32> to vector<1x16xi32>
      tpu.vector_store %arg7[%swap3A_260, %swap3A_261], %swap3A_264 {strides = array<i32>} : memref<2x128xi32, #tpu.memory_space<vmem>>, vector<1x16xi32>,
      %mul3A_265 = arith.constant 128 : i32
      %mul3A_266 = arith.muli %add3A_214, %mul3A_265 : i32
      %add3A_267 = arith.constant 32 : i32
      %add3A_268 = arith.addi %mul3A_266, %add3A_267 : i32
      %get3A_269 = arith.index_cast %add3A_268 : i32 to index
      %get3A_270 = tpu.vector_load %arg5[%get3A_269] {strides = array<i32>} : memref<10240xi32, #tpu.memory_space<vmem>>, vector<16xi32>,
      %get3A_271 = vector.shape_cast %get3A_270 : vector<16xi32> to vector<16xi32>
      %and3A_272 = arith.constant 65535 : i32
      %and3A_273 = vector.broadcast %and3A_272 : i32 to vector<16xi32>
      %and3A_274 = arith.andi %get3A_271, %and3A_273 : vector<16xi32>
      %swap3A_275 = arith.constant 1 : i32
      %swap3A_276 = arith.index_cast %swap3A_275 : i32 to index
      %swap3A_277 = arith.constant 32 : index
      %swap3A_278 = tpu.vector_load %arg6[%swap3A_276, %swap3A_277] {strides = array<i32>} : memref<2x128xi32, #tpu.memory_space<vmem>>, vector<1x16xi32>,
      %swap3A_279 = vector.shape_cast %swap3A_278 : vector<1x16xi32> to vector<16xi32>
      %swap3A_280 = vector.shape_cast %and3A_274 : vector<16xi32> to vector<1x16xi32>
      tpu.vector_store %arg6[%swap3A_276, %swap3A_277], %swap3A_280 {strides = array<i32>} : memref<2x128xi32, #tpu.memory_space<vmem>>, vector<1x16xi32>,
      %shift_right_logical3A_281 = arith.constant 16 : i32
      %shift_right_logical3A_282 = vector.broadcast %shift_right_logical3A_281 : i32 to vector<16xi32>
      %shift_right_logical3A_283 = arith.shrui %get3A_271, %shift_right_logical3A_282 : vector<16xi32>
      %swap3A_284 = arith.constant 1 : i32
      %swap3A_285 = arith.index_cast %swap3A_284 : i32 to index
      %swap3A_286 = arith.constant 32 : index
      %swap3A_287 = tpu.vector_load %arg7[%swap3A_285, %swap3A_286] {strides = array<i32>} : memref<2x128xi32, #tpu.memory_space<vmem>>, vector<1x16xi32>,
      %swap3A_288 = vector.shape_cast %swap3A_287 : vector<1x16xi32> to vector<16xi32>
      %swap3A_289 = vector.shape_cast %shift_right_logical3A_283 : vector<16xi32> to vector<1x16xi32>
      tpu.vector_store %arg7[%swap3A_285, %swap3A_286], %swap3A_289 {strides = array<i32>} : memref<2x128xi32, #tpu.memory_space<vmem>>, vector<1x16xi32>,
      %mul3A_290 = arith.constant 128 : i32
      %mul3A_291 = arith.muli %add3A_214, %mul3A_290 : i32
      %add3A_292 = arith.constant 48 : i32
      %add3A_293 = arith.addi %mul3A_291, %add3A_292 : i32
      %get3A_294 = arith.index_cast %add3A_293 : i32 to index
      %get3A_295 = tpu.vector_load %arg5[%get3A_294] {strides = array<i32>} : memref<10240xi32, #tpu.memory_space<vmem>>, vector<16xi32>,
      %get3A_296 = vector.shape_cast %get3A_295 : vector<16xi32> to vector<16xi32>
      %and3A_297 = arith.constant 65535 : i32
      %and3A_298 = vector.broadcast %and3A_297 : i32 to vector<16xi32>
      %and3A_299 = arith.andi %get3A_296, %and3A_298 : vector<16xi32>
      %swap3A_300 = arith.constant 1 : i32
      %swap3A_301 = arith.index_cast %swap3A_300 : i32 to index
      %swap3A_302 = arith.constant 48 : index
      %swap3A_303 = tpu.vector_load %arg6[%swap3A_301, %swap3A_302] {strides = array<i32>} : memref<2x128xi32, #tpu.memory_space<vmem>>, vector<1x16xi32>,
      %swap3A_304 = vector.shape_cast %swap3A_303 : vector<1x16xi32> to vector<16xi32>
      %swap3A_305 = vector.shape_cast %and3A_299 : vector<16xi32> to vector<1x16xi32>
      tpu.vector_store %arg6[%swap3A_301, %swap3A_302], %swap3A_305 {strides = array<i32>} : memref<2x128xi32, #tpu.memory_space<vmem>>, vector<1x16xi32>,
      %shift_right_logical3A_306 = arith.constant 16 : i32
      %shift_right_logical3A_307 = vector.broadcast %shift_right_logical3A_306 : i32 to vector<16xi32>
      %shift_right_logical3A_308 = arith.shrui %get3A_296, %shift_right_logical3A_307 : vector<16xi32>
      %swap3A_309 = arith.constant 1 : i32
      %swap3A_310 = arith.index_cast %swap3A_309 : i32 to index
      %swap3A_311 = arith.constant 48 : index
      %swap3A_312 = tpu.vector_load %arg7[%swap3A_310, %swap3A_311] {strides = array<i32>} : memref<2x128xi32, #tpu.memory_space<vmem>>, vector<1x16xi32>,
      %swap3A_313 = vector.shape_cast %swap3A_312 : vector<1x16xi32> to vector<16xi32>
      %swap3A_314 = vector.shape_cast %shift_right_logical3A_308 : vector<16xi32> to vector<1x16xi32>
      tpu.vector_store %arg7[%swap3A_310, %swap3A_311], %swap3A_314 {strides = array<i32>} : memref<2x128xi32, #tpu.memory_space<vmem>>, vector<1x16xi32>,
      %mul3A_315 = arith.constant 128 : i32
      %mul3A_316 = arith.muli %add3A_214, %mul3A_315 : i32
      %add3A_317 = arith.constant 64 : i32
      %add3A_318 = arith.addi %mul3A_316, %add3A_317 : i32
      %get3A_319 = arith.index_cast %add3A_318 : i32 to index
      %get3A_320 = tpu.vector_load %arg5[%get3A_319] {strides = array<i32>} : memref<10240xi32, #tpu.memory_space<vmem>>, vector<16xi32>,
      %get3A_321 = vector.shape_cast %get3A_320 : vector<16xi32> to vector<16xi32>
      %and3A_322 = arith.constant 65535 : i32
      %and3A_323 = vector.broadcast %and3A_322 : i32 to vector<16xi32>
      %and3A_324 = arith.andi %get3A_321, %and3A_323 : vector<16xi32>
      %swap3A_325 = arith.constant 1 : i32
      %swap3A_326 = arith.index_cast %swap3A_325 : i32 to index
      %swap3A_327 = arith.constant 64 : index
      %swap3A_328 = tpu.vector_load %arg6[%swap3A_326, %swap3A_327] {strides = array<i32>} : memref<2x128xi32, #tpu.memory_space<vmem>>, vector<1x16xi32>,
      %swap3A_329 = vector.shape_cast %swap3A_328 : vector<1x16xi32> to vector<16xi32>
      %swap3A_330 = vector.shape_cast %and3A_324 : vector<16xi32> to vector<1x16xi32>
      tpu.vector_store %arg6[%swap3A_326, %swap3A_327], %swap3A_330 {strides = array<i32>} : memref<2x128xi32, #tpu.memory_space<vmem>>, vector<1x16xi32>,
      %shift_right_logical3A_331 = arith.constant 16 : i32
      %shift_right_logical3A_332 = vector.broadcast %shift_right_logical3A_331 : i32 to vector<16xi32>
      %shift_right_logical3A_333 = arith.shrui %get3A_321, %shift_right_logical3A_332 : vector<16xi32>
      %swap3A_334 = arith.constant 1 : i32
      %swap3A_335 = arith.index_cast %swap3A_334 : i32 to index
      %swap3A_336 = arith.constant 64 : index
      %swap3A_337 = tpu.vector_load %arg7[%swap3A_335, %swap3A_336] {strides = array<i32>} : memref<2x128xi32, #tpu.memory_space<vmem>>, vector<1x16xi32>,
      %swap3A_338 = vector.shape_cast %swap3A_337 : vector<1x16xi32> to vector<16xi32>
      %swap3A_339 = vector.shape_cast %shift_right_logical3A_333 : vector<16xi32> to vector<1x16xi32>
      tpu.vector_store %arg7[%swap3A_335, %swap3A_336], %swap3A_339 {strides = array<i32>} : memref<2x128xi32, #tpu.memory_space<vmem>>, vector<1x16xi32>,
      %mul3A_340 = arith.constant 128 : i32
      %mul3A_341 = arith.muli %add3A_214, %mul3A_340 : i32
      %add3A_342 = arith.constant 80 : i32
      %add3A_343 = arith.addi %mul3A_341, %add3A_342 : i32
      %get3A_344 = arith.index_cast %add3A_343 : i32 to index
      %get3A_345 = tpu.vector_load %arg5[%get3A_344] {strides = array<i32>} : memref<10240xi32, #tpu.memory_space<vmem>>, vector<16xi32>,
      %get3A_346 = vector.shape_cast %get3A_345 : vector<16xi32> to vector<16xi32>
      %and3A_347 = arith.constant 65535 : i32
      %and3A_348 = vector.broadcast %and3A_347 : i32 to vector<16xi32>
      %and3A_349 = arith.andi %get3A_346, %and3A_348 : vector<16xi32>
      %swap3A_350 = arith.constant 1 : i32
      %swap3A_351 = arith.index_cast %swap3A_350 : i32 to index
      %swap3A_352 = arith.constant 80 : index
      %swap3A_353 = tpu.vector_load %arg6[%swap3A_351, %swap3A_352] {strides = array<i32>} : memref<2x128xi32, #tpu.memory_space<vmem>>, vector<1x16xi32>,
      %swap3A_354 = vector.shape_cast %swap3A_353 : vector<1x16xi32> to vector<16xi32>
      %swap3A_355 = vector.shape_cast %and3A_349 : vector<16xi32> to vector<1x16xi32>
      tpu.vector_store %arg6[%swap3A_351, %swap3A_352], %swap3A_355 {strides = array<i32>} : memref<2x128xi32, #tpu.memory_space<vmem>>, vector<1x16xi32>,
      %shift_right_logical3A_356 = arith.constant 16 : i32
      %shift_right_logical3A_357 = vector.broadcast %shift_right_logical3A_356 : i32 to vector<16xi32>
      %shift_right_logical3A_358 = arith.shrui %get3A_346, %shift_right_logical3A_357 : vector<16xi32>
      %swap3A_359 = arith.constant 1 : i32
      %swap3A_360 = arith.index_cast %swap3A_359 : i32 to index
      %swap3A_361 = arith.constant 80 : index
      %swap3A_362 = tpu.vector_load %arg7[%swap3A_360, %swap3A_361] {strides = array<i32>} : memref<2x128xi32, #tpu.memory_space<vmem>>, vector<1x16xi32>,
      %swap3A_363 = vector.shape_cast %swap3A_362 : vector<1x16xi32> to vector<16xi32>
      %swap3A_364 = vector.shape_cast %shift_right_logical3A_358 : vector<16xi32> to vector<1x16xi32>
      tpu.vector_store %arg7[%swap3A_360, %swap3A_361], %swap3A_364 {strides = array<i32>} : memref<2x128xi32, #tpu.memory_space<vmem>>, vector<1x16xi32>,
      %mul3A_365 = arith.constant 128 : i32
      %mul3A_366 = arith.muli %add3A_214, %mul3A_365 : i32
      %add3A_367 = arith.constant 96 : i32
      %add3A_368 = arith.addi %mul3A_366, %add3A_367 : i32
      %get3A_369 = arith.index_cast %add3A_368 : i32 to index
      %get3A_370 = tpu.vector_load %arg5[%get3A_369] {strides = array<i32>} : memref<10240xi32, #tpu.memory_space<vmem>>, vector<16xi32>,
      %get3A_371 = vector.shape_cast %get3A_370 : vector<16xi32> to vector<16xi32>
      %and3A_372 = arith.constant 65535 : i32
      %and3A_373 = vector.broadcast %and3A_372 : i32 to vector<16xi32>
      %and3A_374 = arith.andi %get3A_371, %and3A_373 : vector<16xi32>
      %swap3A_375 = arith.constant 1 : i32
      %swap3A_376 = arith.index_cast %swap3A_375 : i32 to index
      %swap3A_377 = arith.constant 96 : index
      %swap3A_378 = tpu.vector_load %arg6[%swap3A_376, %swap3A_377] {strides = array<i32>} : memref<2x128xi32, #tpu.memory_space<vmem>>, vector<1x16xi32>,
      %swap3A_379 = vector.shape_cast %swap3A_378 : vector<1x16xi32> to vector<16xi32>
      %swap3A_380 = vector.shape_cast %and3A_374 : vector<16xi32> to vector<1x16xi32>
      tpu.vector_store %arg6[%swap3A_376, %swap3A_377], %swap3A_380 {strides = array<i32>} : memref<2x128xi32, #tpu.memory_space<vmem>>, vector<1x16xi32>,
      %shift_right_logical3A_381 = arith.constant 16 : i32
      %shift_right_logical3A_382 = vector.broadcast %shift_right_logical3A_381 : i32 to vector<16xi32>
      %shift_right_logical3A_383 = arith.shrui %get3A_371, %shift_right_logical3A_382 : vector<16xi32>
      %swap3A_384 = arith.constant 1 : i32
      %swap3A_385 = arith.index_cast %swap3A_384 : i32 to index
      %swap3A_386 = arith.constant 96 : index
      %swap3A_387 = tpu.vector_load %arg7[%swap3A_385, %swap3A_386] {strides = array<i32>} : memref<2x128xi32, #tpu.memory_space<vmem>>, vector<1x16xi32>,
      %swap3A_388 = vector.shape_cast %swap3A_387 : vector<1x16xi32> to vector<16xi32>
      %swap3A_389 = vector.shape_cast %shift_right_logical3A_383 : vector<16xi32> to vector<1x16xi32>
      tpu.vector_store %arg7[%swap3A_385, %swap3A_386], %swap3A_389 {strides = array<i32>} : memref<2x128xi32, #tpu.memory_space<vmem>>, vector<1x16xi32>,
      %mul3A_390 = arith.constant 128 : i32
      %mul3A_391 = arith.muli %add3A_214, %mul3A_390 : i32
      %add3A_392 = arith.constant 112 : i32
      %add3A_393 = arith.addi %mul3A_391, %add3A_392 : i32
      %get3A_394 = arith.index_cast %add3A_393 : i32 to index
      %get3A_395 = tpu.vector_load %arg5[%get3A_394] {strides = array<i32>} : memref<10240xi32, #tpu.memory_space<vmem>>, vector<16xi32>,
      %get3A_396 = vector.shape_cast %get3A_395 : vector<16xi32> to vector<16xi32>
      %and3A_397 = arith.constant 65535 : i32
      %and3A_398 = vector.broadcast %and3A_397 : i32 to vector<16xi32>
      %and3A_399 = arith.andi %get3A_396, %and3A_398 : vector<16xi32>
      %swap3A_400 = arith.constant 1 : i32
      %swap3A_401 = arith.index_cast %swap3A_400 : i32 to index
      %swap3A_402 = arith.constant 112 : index
      %swap3A_403 = tpu.vector_load %arg6[%swap3A_401, %swap3A_402] {strides = array<i32>} : memref<2x128xi32, #tpu.memory_space<vmem>>, vector<1x16xi32>,
      %swap3A_404 = vector.shape_cast %swap3A_403 : vector<1x16xi32> to vector<16xi32>
      %swap3A_405 = vector.shape_cast %and3A_399 : vector<16xi32> to vector<1x16xi32>
      tpu.vector_store %arg6[%swap3A_401, %swap3A_402], %swap3A_405 {strides = array<i32>} : memref<2x128xi32, #tpu.memory_space<vmem>>, vector<1x16xi32>,
      %shift_right_logical3A_406 = arith.constant 16 : i32
      %shift_right_logical3A_407 = vector.broadcast %shift_right_logical3A_406 : i32 to vector<16xi32>
      %shift_right_logical3A_408 = arith.shrui %get3A_396, %shift_right_logical3A_407 : vector<16xi32>
      %swap3A_409 = arith.constant 1 : i32
      %swap3A_410 = arith.index_cast %swap3A_409 : i32 to index
      %swap3A_411 = arith.constant 112 : index
      %swap3A_412 = tpu.vector_load %arg7[%swap3A_410, %swap3A_411] {strides = array<i32>} : memref<2x128xi32, #tpu.memory_space<vmem>>, vector<1x16xi32>,
      %swap3A_413 = vector.shape_cast %swap3A_412 : vector<1x16xi32> to vector<16xi32>
      %swap3A_414 = vector.shape_cast %shift_right_logical3A_408 : vector<16xi32> to vector<1x16xi32>
      tpu.vector_store %arg7[%swap3A_410, %swap3A_411], %swap3A_414 {strides = array<i32>} : memref<2x128xi32, #tpu.memory_space<vmem>>, vector<1x16xi32>,
      %dma_start3A_415 = arith.constant 1 : i32
      %dma_start3A_416 = arith.constant 0 : i32
      %dma_start3A_417 = tpu.memref_slice %arg6[%dma_start3A_415, %dma_start3A_416] : memref<2x128xi32, #tpu.memory_space<vmem>> -> memref<1x128xi32, #tpu.memory_space<vmem>>
      %dma_start3A_418 = tpu.memref_squeeze %dma_start3A_417 : memref<1x128xi32, #tpu.memory_space<vmem>> -> memref<128xi32, #tpu.memory_space<vmem>>
      %dma_start3A_419 = arith.constant 0 : i32
      %dma_start3A_420 = arith.constant 0 : i32
      %dma_start3A_421 = tpu.memref_slice %arg2[%dma_start3A_419, %dma_start3A_420] : memref<10000x128xf32, #tpu.memory_space<hbm>> -> memref<10000x128xf32, #tpu.memory_space<hbm>>
      tpu.enqueue_indirect_dma source(%dma_start3A_421 : memref<10000x128xf32, #tpu.memory_space<hbm>>) target(%arg9 : memref<128x128xf32, #tpu.memory_space<vmem>>) offsets(%dma_start3A_418 : memref<128xi32, #tpu.memory_space<vmem>>) semaphore(%arg12 : memref<!tpu.dma_semaphore, #tpu.memory_space<semaphore_mem>>)
      %dma_wait3A = arith.constant 0 : i32
      %dma_wait3A_422 = arith.constant 0 : i32
      %dma_wait3A_423 = tpu.memref_slice %arg6[%dma_wait3A, %dma_wait3A_422] : memref<2x128xi32, #tpu.memory_space<vmem>> -> memref<1x128xi32, #tpu.memory_space<vmem>>
      %dma_wait3A_424 = tpu.memref_squeeze %dma_wait3A_423 : memref<1x128xi32, #tpu.memory_space<vmem>> -> memref<128xi32, #tpu.memory_space<vmem>>
      %dma_wait3A_425 = arith.constant 0 : i32
      %dma_wait3A_426 = arith.constant 0 : i32
      %dma_wait3A_427 = tpu.memref_slice %arg2[%dma_wait3A_425, %dma_wait3A_426] : memref<10000x128xf32, #tpu.memory_space<hbm>> -> memref<10000x128xf32, #tpu.memory_space<hbm>>
      tpu.wait_indirect_dma semaphore(%arg11 : memref<!tpu.dma_semaphore, #tpu.memory_space<semaphore_mem>>) src(%dma_wait3A_427 : memref<10000x128xf32, #tpu.memory_space<hbm>>) dst(%arg8 : memref<128x128xf32, #tpu.memory_space<vmem>>)
      %run_scoped3A = arith.constant 0 : i32
      "tpu.region"() ({
        %run_scoped3A_438 = tpu.sem_alloc : memref<!tpu.dma_semaphore, #tpu.memory_space<semaphore_mem>>
        %dma_start3A_439 = arith.constant 0 : i32
        %dma_start3A_440 = tpu.memref_slice %arg7[%run_scoped3A, %dma_start3A_439] : memref<2x128xi32, #tpu.memory_space<vmem>> -> memref<1x128xi32, #tpu.memory_space<vmem>>
        %dma_start3A_441 = tpu.memref_squeeze %dma_start3A_440 : memref<1x128xi32, #tpu.memory_space<vmem>> -> memref<128xi32, #tpu.memory_space<vmem>>
        %dma_start3A_442 = arith.constant 0 : i32
        %dma_start3A_443 = arith.constant 0 : i32
        %dma_start3A_444 = tpu.memref_slice %arg10[%dma_start3A_442, %dma_start3A_443] : memref<10112x128xf32, #tpu.memory_space<vmem_shared>> -> memref<10112x128xf32, #tpu.memory_space<vmem_shared>>
        tpu.enqueue_indirect_dma source(%arg8 : memref<128x128xf32, #tpu.memory_space<vmem>>) target(%dma_start3A_444 : memref<10112x128xf32, #tpu.memory_space<vmem_shared>>) offsets(%dma_start3A_441 : memref<128xi32, #tpu.memory_space<vmem>>) semaphore(%run_scoped3A_438 : memref<!tpu.dma_semaphore, #tpu.memory_space<semaphore_mem>>) {add = true}
        %dma_wait3A_445 = arith.constant 0 : i32
        %dma_wait3A_446 = tpu.memref_slice %arg7[%run_scoped3A, %dma_wait3A_445] : memref<2x128xi32, #tpu.memory_space<vmem>> -> memref<1x128xi32, #tpu.memory_space<vmem>>
        %dma_wait3A_447 = tpu.memref_squeeze %dma_wait3A_446 : memref<1x128xi32, #tpu.memory_space<vmem>> -> memref<128xi32, #tpu.memory_space<vmem>>
        %dma_wait3A_448 = arith.constant 0 : i32
        %dma_wait3A_449 = arith.constant 0 : i32
        %dma_wait3A_450 = tpu.memref_slice %arg10[%dma_wait3A_448, %dma_wait3A_449] : memref<10112x128xf32, #tpu.memory_space<vmem_shared>> -> memref<10112x128xf32, #tpu.memory_space<vmem_shared>>
        tpu.wait_indirect_dma semaphore(%run_scoped3A_438 : memref<!tpu.dma_semaphore, #tpu.memory_space<semaphore_mem>>) src(%arg8 : memref<128x128xf32, #tpu.memory_space<vmem>>) dst(%dma_wait3A_450 : memref<10112x128xf32, #tpu.memory_space<vmem_shared>>)
        tpu.yield
      }) : () -> ()
      %lt3A = arith.constant 39 : i32
      %lt3A_428 = arith.cmpi slt, %scan3A_210, %lt3A : i32
      %convert_element_type3A = arith.extui %lt3A_428 : i1 to i32
      %cond3A = arith.constant 0 : i32
      %cond3A_429 = arith.cmpi ne, %convert_element_type3A, %cond3A : i32
      scf.if %cond3A_429 {
        %add3A_438 = arith.constant 2 : i32
        %add3A_439 = arith.addi %mul3A_212, %add3A_438 : i32
        %mul3A_440 = arith.constant 128 : i32
        %mul3A_441 = arith.muli %add3A_439, %mul3A_440 : i32
        %add3A_442 = arith.constant 0 : i32
        %add3A_443 = arith.addi %mul3A_441, %add3A_442 : i32
        %get3A_444 = arith.index_cast %add3A_443 : i32 to index
        %get3A_445 = tpu.vector_load %arg5[%get3A_444] {strides = array<i32>} : memref<10240xi32, #tpu.memory_space<vmem>>, vector<16xi32>,
        %get3A_446 = vector.shape_cast %get3A_445 : vector<16xi32> to vector<16xi32>
        %and3A_447 = arith.constant 65535 : i32
        %and3A_448 = vector.broadcast %and3A_447 : i32 to vector<16xi32>
        %and3A_449 = arith.andi %get3A_446, %and3A_448 : vector<16xi32>
        %swap3A_450 = arith.constant 0 : i32
        %swap3A_451 = arith.index_cast %swap3A_450 : i32 to index
        %swap3A_452 = arith.constant 0 : index
        %swap3A_453 = tpu.vector_load %arg6[%swap3A_451, %swap3A_452] {strides = array<i32>} : memref<2x128xi32, #tpu.memory_space<vmem>>, vector<1x16xi32>,
        %swap3A_454 = vector.shape_cast %swap3A_453 : vector<1x16xi32> to vector<16xi32>
        %swap3A_455 = vector.shape_cast %and3A_449 : vector<16xi32> to vector<1x16xi32>
        tpu.vector_store %arg6[%swap3A_451, %swap3A_452], %swap3A_455 {strides = array<i32>} : memref<2x128xi32, #tpu.memory_space<vmem>>, vector<1x16xi32>,
        %shift_right_logical3A_456 = arith.constant 16 : i32
        %shift_right_logical3A_457 = vector.broadcast %shift_right_logical3A_456 : i32 to vector<16xi32>
        %shift_right_logical3A_458 = arith.shrui %get3A_446, %shift_right_logical3A_457 : vector<16xi32>
        %swap3A_459 = arith.constant 0 : i32
        %swap3A_460 = arith.index_cast %swap3A_459 : i32 to index
        %swap3A_461 = arith.constant 0 : index
        %swap3A_462 = tpu.vector_load %arg7[%swap3A_460, %swap3A_461] {strides = array<i32>} : memref<2x128xi32, #tpu.memory_space<vmem>>, vector<1x16xi32>,
        %swap3A_463 = vector.shape_cast %swap3A_462 : vector<1x16xi32> to vector<16xi32>
        %swap3A_464 = vector.shape_cast %shift_right_logical3A_458 : vector<16xi32> to vector<1x16xi32>
        tpu.vector_store %arg7[%swap3A_460, %swap3A_461], %swap3A_464 {strides = array<i32>} : memref<2x128xi32, #tpu.memory_space<vmem>>, vector<1x16xi32>,
        %mul3A_465 = arith.constant 128 : i32
        %mul3A_466 = arith.muli %add3A_439, %mul3A_465 : i32
        %add3A_467 = arith.constant 16 : i32
        %add3A_468 = arith.addi %mul3A_466, %add3A_467 : i32
        %get3A_469 = arith.index_cast %add3A_468 : i32 to index
        %get3A_470 = tpu.vector_load %arg5[%get3A_469] {strides = array<i32>} : memref<10240xi32, #tpu.memory_space<vmem>>, vector<16xi32>,
        %get3A_471 = vector.shape_cast %get3A_470 : vector<16xi32> to vector<16xi32>
        %and3A_472 = arith.constant 65535 : i32
        %and3A_473 = vector.broadcast %and3A_472 : i32 to vector<16xi32>
        %and3A_474 = arith.andi %get3A_471, %and3A_473 : vector<16xi32>
        %swap3A_475 = arith.constant 0 : i32
        %swap3A_476 = arith.index_cast %swap3A_475 : i32 to index
        %swap3A_477 = arith.constant 16 : index
        %swap3A_478 = tpu.vector_load %arg6[%swap3A_476, %swap3A_477] {strides = array<i32>} : memref<2x128xi32, #tpu.memory_space<vmem>>, vector<1x16xi32>,
        %swap3A_479 = vector.shape_cast %swap3A_478 : vector<1x16xi32> to vector<16xi32>
        %swap3A_480 = vector.shape_cast %and3A_474 : vector<16xi32> to vector<1x16xi32>
        tpu.vector_store %arg6[%swap3A_476, %swap3A_477], %swap3A_480 {strides = array<i32>} : memref<2x128xi32, #tpu.memory_space<vmem>>, vector<1x16xi32>,
        %shift_right_logical3A_481 = arith.constant 16 : i32
        %shift_right_logical3A_482 = vector.broadcast %shift_right_logical3A_481 : i32 to vector<16xi32>
        %shift_right_logical3A_483 = arith.shrui %get3A_471, %shift_right_logical3A_482 : vector<16xi32>
        %swap3A_484 = arith.constant 0 : i32
        %swap3A_485 = arith.index_cast %swap3A_484 : i32 to index
        %swap3A_486 = arith.constant 16 : index
        %swap3A_487 = tpu.vector_load %arg7[%swap3A_485, %swap3A_486] {strides = array<i32>} : memref<2x128xi32, #tpu.memory_space<vmem>>, vector<1x16xi32>,
        %swap3A_488 = vector.shape_cast %swap3A_487 : vector<1x16xi32> to vector<16xi32>
        %swap3A_489 = vector.shape_cast %shift_right_logical3A_483 : vector<16xi32> to vector<1x16xi32>
        tpu.vector_store %arg7[%swap3A_485, %swap3A_486], %swap3A_489 {strides = array<i32>} : memref<2x128xi32, #tpu.memory_space<vmem>>, vector<1x16xi32>,
        %mul3A_490 = arith.constant 128 : i32
        %mul3A_491 = arith.muli %add3A_439, %mul3A_490 : i32
        %add3A_492 = arith.constant 32 : i32
        %add3A_493 = arith.addi %mul3A_491, %add3A_492 : i32
        %get3A_494 = arith.index_cast %add3A_493 : i32 to index
        %get3A_495 = tpu.vector_load %arg5[%get3A_494] {strides = array<i32>} : memref<10240xi32, #tpu.memory_space<vmem>>, vector<16xi32>,
        %get3A_496 = vector.shape_cast %get3A_495 : vector<16xi32> to vector<16xi32>
        %and3A_497 = arith.constant 65535 : i32
        %and3A_498 = vector.broadcast %and3A_497 : i32 to vector<16xi32>
        %and3A_499 = arith.andi %get3A_496, %and3A_498 : vector<16xi32>
        %swap3A_500 = arith.constant 0 : i32
        %swap3A_501 = arith.index_cast %swap3A_500 : i32 to index
        %swap3A_502 = arith.constant 32 : index
        %swap3A_503 = tpu.vector_load %arg6[%swap3A_501, %swap3A_502] {strides = array<i32>} : memref<2x128xi32, #tpu.memory_space<vmem>>, vector<1x16xi32>,
        %swap3A_504 = vector.shape_cast %swap3A_503 : vector<1x16xi32> to vector<16xi32>
        %swap3A_505 = vector.shape_cast %and3A_499 : vector<16xi32> to vector<1x16xi32>
        tpu.vector_store %arg6[%swap3A_501, %swap3A_502], %swap3A_505 {strides = array<i32>} : memref<2x128xi32, #tpu.memory_space<vmem>>, vector<1x16xi32>,
        %shift_right_logical3A_506 = arith.constant 16 : i32
        %shift_right_logical3A_507 = vector.broadcast %shift_right_logical3A_506 : i32 to vector<16xi32>
        %shift_right_logical3A_508 = arith.shrui %get3A_496, %shift_right_logical3A_507 : vector<16xi32>
        %swap3A_509 = arith.constant 0 : i32
        %swap3A_510 = arith.index_cast %swap3A_509 : i32 to index
        %swap3A_511 = arith.constant 32 : index
        %swap3A_512 = tpu.vector_load %arg7[%swap3A_510, %swap3A_511] {strides = array<i32>} : memref<2x128xi32, #tpu.memory_space<vmem>>, vector<1x16xi32>,
        %swap3A_513 = vector.shape_cast %swap3A_512 : vector<1x16xi32> to vector<16xi32>
        %swap3A_514 = vector.shape_cast %shift_right_logical3A_508 : vector<16xi32> to vector<1x16xi32>
        tpu.vector_store %arg7[%swap3A_510, %swap3A_511], %swap3A_514 {strides = array<i32>} : memref<2x128xi32, #tpu.memory_space<vmem>>, vector<1x16xi32>,
        %mul3A_515 = arith.constant 128 : i32
        %mul3A_516 = arith.muli %add3A_439, %mul3A_515 : i32
        %add3A_517 = arith.constant 48 : i32
        %add3A_518 = arith.addi %mul3A_516, %add3A_517 : i32
        %get3A_519 = arith.index_cast %add3A_518 : i32 to index
        %get3A_520 = tpu.vector_load %arg5[%get3A_519] {strides = array<i32>} : memref<10240xi32, #tpu.memory_space<vmem>>, vector<16xi32>,
        %get3A_521 = vector.shape_cast %get3A_520 : vector<16xi32> to vector<16xi32>
        %and3A_522 = arith.constant 65535 : i32
        %and3A_523 = vector.broadcast %and3A_522 : i32 to vector<16xi32>
        %and3A_524 = arith.andi %get3A_521, %and3A_523 : vector<16xi32>
        %swap3A_525 = arith.constant 0 : i32
        %swap3A_526 = arith.index_cast %swap3A_525 : i32 to index
        %swap3A_527 = arith.constant 48 : index
        %swap3A_528 = tpu.vector_load %arg6[%swap3A_526, %swap3A_527] {strides = array<i32>} : memref<2x128xi32, #tpu.memory_space<vmem>>, vector<1x16xi32>,
        %swap3A_529 = vector.shape_cast %swap3A_528 : vector<1x16xi32> to vector<16xi32>
        %swap3A_530 = vector.shape_cast %and3A_524 : vector<16xi32> to vector<1x16xi32>
        tpu.vector_store %arg6[%swap3A_526, %swap3A_527], %swap3A_530 {strides = array<i32>} : memref<2x128xi32, #tpu.memory_space<vmem>>, vector<1x16xi32>,
        %shift_right_logical3A_531 = arith.constant 16 : i32
        %shift_right_logical3A_532 = vector.broadcast %shift_right_logical3A_531 : i32 to vector<16xi32>
        %shift_right_logical3A_533 = arith.shrui %get3A_521, %shift_right_logical3A_532 : vector<16xi32>
        %swap3A_534 = arith.constant 0 : i32
        %swap3A_535 = arith.index_cast %swap3A_534 : i32 to index
        %swap3A_536 = arith.constant 48 : index
        %swap3A_537 = tpu.vector_load %arg7[%swap3A_535, %swap3A_536] {strides = array<i32>} : memref<2x128xi32, #tpu.memory_space<vmem>>, vector<1x16xi32>,
        %swap3A_538 = vector.shape_cast %swap3A_537 : vector<1x16xi32> to vector<16xi32>
        %swap3A_539 = vector.shape_cast %shift_right_logical3A_533 : vector<16xi32> to vector<1x16xi32>
        tpu.vector_store %arg7[%swap3A_535, %swap3A_536], %swap3A_539 {strides = array<i32>} : memref<2x128xi32, #tpu.memory_space<vmem>>, vector<1x16xi32>,
        %mul3A_540 = arith.constant 128 : i32
        %mul3A_541 = arith.muli %add3A_439, %mul3A_540 : i32
        %add3A_542 = arith.constant 64 : i32
        %add3A_543 = arith.addi %mul3A_541, %add3A_542 : i32
        %get3A_544 = arith.index_cast %add3A_543 : i32 to index
        %get3A_545 = tpu.vector_load %arg5[%get3A_544] {strides = array<i32>} : memref<10240xi32, #tpu.memory_space<vmem>>, vector<16xi32>,
        %get3A_546 = vector.shape_cast %get3A_545 : vector<16xi32> to vector<16xi32>
        %and3A_547 = arith.constant 65535 : i32
        %and3A_548 = vector.broadcast %and3A_547 : i32 to vector<16xi32>
        %and3A_549 = arith.andi %get3A_546, %and3A_548 : vector<16xi32>
        %swap3A_550 = arith.constant 0 : i32
        %swap3A_551 = arith.index_cast %swap3A_550 : i32 to index
        %swap3A_552 = arith.constant 64 : index
        %swap3A_553 = tpu.vector_load %arg6[%swap3A_551, %swap3A_552] {strides = array<i32>} : memref<2x128xi32, #tpu.memory_space<vmem>>, vector<1x16xi32>,
        %swap3A_554 = vector.shape_cast %swap3A_553 : vector<1x16xi32> to vector<16xi32>
        %swap3A_555 = vector.shape_cast %and3A_549 : vector<16xi32> to vector<1x16xi32>
        tpu.vector_store %arg6[%swap3A_551, %swap3A_552], %swap3A_555 {strides = array<i32>} : memref<2x128xi32, #tpu.memory_space<vmem>>, vector<1x16xi32>,
        %shift_right_logical3A_556 = arith.constant 16 : i32
        %shift_right_logical3A_557 = vector.broadcast %shift_right_logical3A_556 : i32 to vector<16xi32>
        %shift_right_logical3A_558 = arith.shrui %get3A_546, %shift_right_logical3A_557 : vector<16xi32>
        %swap3A_559 = arith.constant 0 : i32
        %swap3A_560 = arith.index_cast %swap3A_559 : i32 to index
        %swap3A_561 = arith.constant 64 : index
        %swap3A_562 = tpu.vector_load %arg7[%swap3A_560, %swap3A_561] {strides = array<i32>} : memref<2x128xi32, #tpu.memory_space<vmem>>, vector<1x16xi32>,
        %swap3A_563 = vector.shape_cast %swap3A_562 : vector<1x16xi32> to vector<16xi32>
        %swap3A_564 = vector.shape_cast %shift_right_logical3A_558 : vector<16xi32> to vector<1x16xi32>
        tpu.vector_store %arg7[%swap3A_560, %swap3A_561], %swap3A_564 {strides = array<i32>} : memref<2x128xi32, #tpu.memory_space<vmem>>, vector<1x16xi32>,
        %mul3A_565 = arith.constant 128 : i32
        %mul3A_566 = arith.muli %add3A_439, %mul3A_565 : i32
        %add3A_567 = arith.constant 80 : i32
        %add3A_568 = arith.addi %mul3A_566, %add3A_567 : i32
        %get3A_569 = arith.index_cast %add3A_568 : i32 to index
        %get3A_570 = tpu.vector_load %arg5[%get3A_569] {strides = array<i32>} : memref<10240xi32, #tpu.memory_space<vmem>>, vector<16xi32>,
        %get3A_571 = vector.shape_cast %get3A_570 : vector<16xi32> to vector<16xi32>
        %and3A_572 = arith.constant 65535 : i32
        %and3A_573 = vector.broadcast %and3A_572 : i32 to vector<16xi32>
        %and3A_574 = arith.andi %get3A_571, %and3A_573 : vector<16xi32>
        %swap3A_575 = arith.constant 0 : i32
        %swap3A_576 = arith.index_cast %swap3A_575 : i32 to index
        %swap3A_577 = arith.constant 80 : index
        %swap3A_578 = tpu.vector_load %arg6[%swap3A_576, %swap3A_577] {strides = array<i32>} : memref<2x128xi32, #tpu.memory_space<vmem>>, vector<1x16xi32>,
        %swap3A_579 = vector.shape_cast %swap3A_578 : vector<1x16xi32> to vector<16xi32>
        %swap3A_580 = vector.shape_cast %and3A_574 : vector<16xi32> to vector<1x16xi32>
        tpu.vector_store %arg6[%swap3A_576, %swap3A_577], %swap3A_580 {strides = array<i32>} : memref<2x128xi32, #tpu.memory_space<vmem>>, vector<1x16xi32>,
        %shift_right_logical3A_581 = arith.constant 16 : i32
        %shift_right_logical3A_582 = vector.broadcast %shift_right_logical3A_581 : i32 to vector<16xi32>
        %shift_right_logical3A_583 = arith.shrui %get3A_571, %shift_right_logical3A_582 : vector<16xi32>
        %swap3A_584 = arith.constant 0 : i32
        %swap3A_585 = arith.index_cast %swap3A_584 : i32 to index
        %swap3A_586 = arith.constant 80 : index
        %swap3A_587 = tpu.vector_load %arg7[%swap3A_585, %swap3A_586] {strides = array<i32>} : memref<2x128xi32, #tpu.memory_space<vmem>>, vector<1x16xi32>,
        %swap3A_588 = vector.shape_cast %swap3A_587 : vector<1x16xi32> to vector<16xi32>
        %swap3A_589 = vector.shape_cast %shift_right_logical3A_583 : vector<16xi32> to vector<1x16xi32>
        tpu.vector_store %arg7[%swap3A_585, %swap3A_586], %swap3A_589 {strides = array<i32>} : memref<2x128xi32, #tpu.memory_space<vmem>>, vector<1x16xi32>,
        %mul3A_590 = arith.constant 128 : i32
        %mul3A_591 = arith.muli %add3A_439, %mul3A_590 : i32
        %add3A_592 = arith.constant 96 : i32
        %add3A_593 = arith.addi %mul3A_591, %add3A_592 : i32
        %get3A_594 = arith.index_cast %add3A_593 : i32 to index
        %get3A_595 = tpu.vector_load %arg5[%get3A_594] {strides = array<i32>} : memref<10240xi32, #tpu.memory_space<vmem>>, vector<16xi32>,
        %get3A_596 = vector.shape_cast %get3A_595 : vector<16xi32> to vector<16xi32>
        %and3A_597 = arith.constant 65535 : i32
        %and3A_598 = vector.broadcast %and3A_597 : i32 to vector<16xi32>
        %and3A_599 = arith.andi %get3A_596, %and3A_598 : vector<16xi32>
        %swap3A_600 = arith.constant 0 : i32
        %swap3A_601 = arith.index_cast %swap3A_600 : i32 to index
        %swap3A_602 = arith.constant 96 : index
        %swap3A_603 = tpu.vector_load %arg6[%swap3A_601, %swap3A_602] {strides = array<i32>} : memref<2x128xi32, #tpu.memory_space<vmem>>, vector<1x16xi32>,
        %swap3A_604 = vector.shape_cast %swap3A_603 : vector<1x16xi32> to vector<16xi32>
        %swap3A_605 = vector.shape_cast %and3A_599 : vector<16xi32> to vector<1x16xi32>
        tpu.vector_store %arg6[%swap3A_601, %swap3A_602], %swap3A_605 {strides = array<i32>} : memref<2x128xi32, #tpu.memory_space<vmem>>, vector<1x16xi32>,
        %shift_right_logical3A_606 = arith.constant 16 : i32
        %shift_right_logical3A_607 = vector.broadcast %shift_right_logical3A_606 : i32 to vector<16xi32>
        %shift_right_logical3A_608 = arith.shrui %get3A_596, %shift_right_logical3A_607 : vector<16xi32>
        %swap3A_609 = arith.constant 0 : i32
        %swap3A_610 = arith.index_cast %swap3A_609 : i32 to index
        %swap3A_611 = arith.constant 96 : index
        %swap3A_612 = tpu.vector_load %arg7[%swap3A_610, %swap3A_611] {strides = array<i32>} : memref<2x128xi32, #tpu.memory_space<vmem>>, vector<1x16xi32>,
        %swap3A_613 = vector.shape_cast %swap3A_612 : vector<1x16xi32> to vector<16xi32>
        %swap3A_614 = vector.shape_cast %shift_right_logical3A_608 : vector<16xi32> to vector<1x16xi32>
        tpu.vector_store %arg7[%swap3A_610, %swap3A_611], %swap3A_614 {strides = array<i32>} : memref<2x128xi32, #tpu.memory_space<vmem>>, vector<1x16xi32>,
        %mul3A_615 = arith.constant 128 : i32
        %mul3A_616 = arith.muli %add3A_439, %mul3A_615 : i32
        %add3A_617 = arith.constant 112 : i32
        %add3A_618 = arith.addi %mul3A_616, %add3A_617 : i32
        %get3A_619 = arith.index_cast %add3A_618 : i32 to index
        %get3A_620 = tpu.vector_load %arg5[%get3A_619] {strides = array<i32>} : memref<10240xi32, #tpu.memory_space<vmem>>, vector<16xi32>,
        %get3A_621 = vector.shape_cast %get3A_620 : vector<16xi32> to vector<16xi32>
        %and3A_622 = arith.constant 65535 : i32
        %and3A_623 = vector.broadcast %and3A_622 : i32 to vector<16xi32>
        %and3A_624 = arith.andi %get3A_621, %and3A_623 : vector<16xi32>
        %swap3A_625 = arith.constant 0 : i32
        %swap3A_626 = arith.index_cast %swap3A_625 : i32 to index
        %swap3A_627 = arith.constant 112 : index
        %swap3A_628 = tpu.vector_load %arg6[%swap3A_626, %swap3A_627] {strides = array<i32>} : memref<2x128xi32, #tpu.memory_space<vmem>>, vector<1x16xi32>,
        %swap3A_629 = vector.shape_cast %swap3A_628 : vector<1x16xi32> to vector<16xi32>
        %swap3A_630 = vector.shape_cast %and3A_624 : vector<16xi32> to vector<1x16xi32>
        tpu.vector_store %arg6[%swap3A_626, %swap3A_627], %swap3A_630 {strides = array<i32>} : memref<2x128xi32, #tpu.memory_space<vmem>>, vector<1x16xi32>,
        %shift_right_logical3A_631 = arith.constant 16 : i32
        %shift_right_logical3A_632 = vector.broadcast %shift_right_logical3A_631 : i32 to vector<16xi32>
        %shift_right_logical3A_633 = arith.shrui %get3A_621, %shift_right_logical3A_632 : vector<16xi32>
        %swap3A_634 = arith.constant 0 : i32
        %swap3A_635 = arith.index_cast %swap3A_634 : i32 to index
        %swap3A_636 = arith.constant 112 : index
        %swap3A_637 = tpu.vector_load %arg7[%swap3A_635, %swap3A_636] {strides = array<i32>} : memref<2x128xi32, #tpu.memory_space<vmem>>, vector<1x16xi32>,
        %swap3A_638 = vector.shape_cast %swap3A_637 : vector<1x16xi32> to vector<16xi32>
        %swap3A_639 = vector.shape_cast %shift_right_logical3A_633 : vector<16xi32> to vector<1x16xi32>
        tpu.vector_store %arg7[%swap3A_635, %swap3A_636], %swap3A_639 {strides = array<i32>} : memref<2x128xi32, #tpu.memory_space<vmem>>, vector<1x16xi32>,
        %dma_start3A_640 = arith.constant 0 : i32
        %dma_start3A_641 = arith.constant 0 : i32
        %dma_start3A_642 = tpu.memref_slice %arg6[%dma_start3A_640, %dma_start3A_641] : memref<2x128xi32, #tpu.memory_space<vmem>> -> memref<1x128xi32, #tpu.memory_space<vmem>>
        %dma_start3A_643 = tpu.memref_squeeze %dma_start3A_642 : memref<1x128xi32, #tpu.memory_space<vmem>> -> memref<128xi32, #tpu.memory_space<vmem>>
        %dma_start3A_644 = arith.constant 0 : i32
        %dma_start3A_645 = arith.constant 0 : i32
        %dma_start3A_646 = tpu.memref_slice %arg2[%dma_start3A_644, %dma_start3A_645] : memref<10000x128xf32, #tpu.memory_space<hbm>> -> memref<10000x128xf32, #tpu.memory_space<hbm>>
        tpu.enqueue_indirect_dma source(%dma_start3A_646 : memref<10000x128xf32, #tpu.memory_space<hbm>>) target(%arg8 : memref<128x128xf32, #tpu.memory_space<vmem>>) offsets(%dma_start3A_643 : memref<128xi32, #tpu.memory_space<vmem>>) semaphore(%arg11 : memref<!tpu.dma_semaphore, #tpu.memory_space<semaphore_mem>>)
      } else {
      }
      %dma_wait3A_430 = arith.constant 0 : i32
      %dma_wait3A_431 = arith.constant 0 : i32
      %dma_wait3A_432 = tpu.memref_slice %arg6[%dma_wait3A_430, %dma_wait3A_431] : memref<2x128xi32, #tpu.memory_space<vmem>> -> memref<1x128xi32, #tpu.memory_space<vmem>>
      %dma_wait3A_433 = tpu.memref_squeeze %dma_wait3A_432 : memref<1x128xi32, #tpu.memory_space<vmem>> -> memref<128xi32, #tpu.memory_space<vmem>>
      %dma_wait3A_434 = arith.constant 0 : i32
      %dma_wait3A_435 = arith.constant 0 : i32
      %dma_wait3A_436 = tpu.memref_slice %arg2[%dma_wait3A_434, %dma_wait3A_435] : memref<10000x128xf32, #tpu.memory_space<hbm>> -> memref<10000x128xf32, #tpu.memory_space<hbm>>
      tpu.wait_indirect_dma semaphore(%arg12 : memref<!tpu.dma_semaphore, #tpu.memory_space<semaphore_mem>>) src(%dma_wait3A_436 : memref<10000x128xf32, #tpu.memory_space<hbm>>) dst(%arg9 : memref<128x128xf32, #tpu.memory_space<vmem>>)
      %run_scoped3A_437 = arith.constant 1 : i32
      "tpu.region"() ({
        %run_scoped3A_438 = tpu.sem_alloc : memref<!tpu.dma_semaphore, #tpu.memory_space<semaphore_mem>>
        %dma_start3A_439 = arith.constant 0 : i32
        %dma_start3A_440 = tpu.memref_slice %arg7[%run_scoped3A_437, %dma_start3A_439] : memref<2x128xi32, #tpu.memory_space<vmem>> -> memref<1x128xi32, #tpu.memory_space<vmem>>
        %dma_start3A_441 = tpu.memref_squeeze %dma_start3A_440 : memref<1x128xi32, #tpu.memory_space<vmem>> -> memref<128xi32, #tpu.memory_space<vmem>>
        %dma_start3A_442 = arith.constant 0 : i32
        %dma_start3A_443 = arith.constant 0 : i32
        %dma_start3A_444 = tpu.memref_slice %arg10[%dma_start3A_442, %dma_start3A_443] : memref<10112x128xf32, #tpu.memory_space<vmem_shared>> -> memref<10112x128xf32, #tpu.memory_space<vmem_shared>>
        tpu.enqueue_indirect_dma source(%arg9 : memref<128x128xf32, #tpu.memory_space<vmem>>) target(%dma_start3A_444 : memref<10112x128xf32, #tpu.memory_space<vmem_shared>>) offsets(%dma_start3A_441 : memref<128xi32, #tpu.memory_space<vmem>>) semaphore(%run_scoped3A_438 : memref<!tpu.dma_semaphore, #tpu.memory_space<semaphore_mem>>) {add = true}
        %dma_wait3A_445 = arith.constant 0 : i32
        %dma_wait3A_446 = tpu.memref_slice %arg7[%run_scoped3A_437, %dma_wait3A_445] : memref<2x128xi32, #tpu.memory_space<vmem>> -> memref<1x128xi32, #tpu.memory_space<vmem>>
        %dma_wait3A_447 = tpu.memref_squeeze %dma_wait3A_446 : memref<1x128xi32, #tpu.memory_space<vmem>> -> memref<128xi32, #tpu.memory_space<vmem>>
        %dma_wait3A_448 = arith.constant 0 : i32
        %dma_wait3A_449 = arith.constant 0 : i32
        %dma_wait3A_450 = tpu.memref_slice %arg10[%dma_wait3A_448, %dma_wait3A_449] : memref<10112x128xf32, #tpu.memory_space<vmem_shared>> -> memref<10112x128xf32, #tpu.memory_space<vmem_shared>>
        tpu.wait_indirect_dma semaphore(%run_scoped3A_438 : memref<!tpu.dma_semaphore, #tpu.memory_space<semaphore_mem>>) src(%arg9 : memref<128x128xf32, #tpu.memory_space<vmem>>) dst(%dma_wait3A_450 : memref<10112x128xf32, #tpu.memory_space<vmem_shared>>)
        tpu.yield
      }) : () -> ()
    }
    %scan3A_208 = arith.constant 40 : i32
    %barrier3A_209 = arith.constant 0 : index
    tpu.barrier barrier_id(%barrier3A_209)
    "tpu.region"() ({
      %run_scoped3A = tpu.sem_alloc : memref<!tpu.dma_semaphore, #tpu.memory_space<semaphore_mem>>
      %dma_start3A_210 = arith.constant 0 : i32
      %dma_start3A_211 = tpu.memref_slice %arg4[%arg0, %mul3A_0, %dma_start3A_210] : memref<2x10112x128xf32, #tpu.memory_space<hbm>> -> memref<1x632x128xf32, #tpu.memory_space<hbm>>
      %dma_start3A_212 = tpu.memref_squeeze %dma_start3A_211 : memref<1x632x128xf32, #tpu.memory_space<hbm>> -> memref<632x128xf32, #tpu.memory_space<hbm>>
      %dma_start3A_213 = arith.constant 0 : i32
      %dma_start3A_214 = tpu.memref_slice %arg10[%mul3A_0, %dma_start3A_213] : memref<10112x128xf32, #tpu.memory_space<vmem_shared>> -> memref<632x128xf32, #tpu.memory_space<vmem_shared>>
      tpu.enqueue_dma source(%dma_start3A_214 : memref<632x128xf32, #tpu.memory_space<vmem_shared>>) target(%dma_start3A_212 : memref<632x128xf32, #tpu.memory_space<hbm>>) target_semaphore(%run_scoped3A : memref<!tpu.dma_semaphore, #tpu.memory_space<semaphore_mem>>)
      %dma_wait3A = arith.constant 0 : i32
      %dma_wait3A_215 = tpu.memref_slice %arg4[%arg0, %mul3A_0, %dma_wait3A] : memref<2x10112x128xf32, #tpu.memory_space<hbm>> -> memref<1x632x128xf32, #tpu.memory_space<hbm>>
      %dma_wait3A_216 = tpu.memref_squeeze %dma_wait3A_215 : memref<1x632x128xf32, #tpu.memory_space<hbm>> -> memref<632x128xf32, #tpu.memory_space<hbm>>
      %dma_wait3A_217 = arith.constant 0 : i32
      %dma_wait3A_218 = tpu.memref_slice %arg10[%mul3A_0, %dma_wait3A_217] : memref<10112x128xf32, #tpu.memory_space<vmem_shared>> -> memref<632x128xf32, #tpu.memory_space<vmem_shared>>
      tpu.wait_dma2 semaphore(%run_scoped3A : memref<!tpu.dma_semaphore, #tpu.memory_space<semaphore_mem>>) src(%dma_wait3A_218 : memref<632x128xf32, #tpu.memory_space<vmem_shared>>) dst(%dma_wait3A_216 : memref<632x128xf32, #tpu.memory_space<hbm>>)
      tpu.yield
    }) : () -> ()
    return
  }
}

#map = affine_map<(d0, d1) -> (0)>
#map1 = affine_map<(d0, d1) -> (0, 0)>
#map2 = affine_map<(d0, d1) -> (0, 0, 0)>
module attributes {stable_mosaic.version = 14 : i64} {
  func.func @_sc_deg_body(%arg0: i32, %arg1: i32, %arg2: memref<327680xi32, #tpu.memory_space<hbm>>, %arg3: memref<632x16xf32, #tpu.memory_space<hbm>>, %arg4: memref<128x16xf32, #tpu.memory_space<hbm>>, %arg5: memref<2x10112x16xf32, #tpu.memory_space<hbm>>, %arg6: memref<10240xi32, #tpu.memory_space<vmem>>, %arg7: memref<1x128xi32, #tpu.memory_space<vmem>>, %arg8: memref<128x16xf32, #tpu.memory_space<vmem>>, %arg9: memref<10112x16xf32, #tpu.memory_space<vmem_shared>>, %arg10: memref<!tpu.dma_semaphore, #tpu.memory_space<semaphore_mem>>) attributes {dimension_semantics = [#tpu.dimension_semantics<core_parallel>, #tpu.dimension_semantics<subcore_parallel>], iteration_bounds = array<i64: 2, 16>, scalar_prefetch = 0 : i64, scratch_operands = 5 : i64, tpu.core_type = #tpu.core_type<sc_vector_subcore>, window_params = [{transform_indices = #map}, {transform_indices = #map1}, {transform_indices = #map1}, {transform_indices = #map2}]} {
    %mul3A = arith.constant 632 : i32
    %mul3A_0 = arith.muli %arg1, %mul3A : i32
    %mul3A_1 = arith.constant 16 : i32
    %mul3A_2 = arith.muli %arg0, %mul3A_1 : i32
    %add3A = arith.addi %mul3A_2, %arg1 : i32
    %mul3A_3 = arith.constant 80 : i32
    %mul3A_4 = arith.muli %add3A, %mul3A_3 : i32
    %mul3A_5 = arith.constant 128 : i32
    %mul3A_6 = arith.muli %mul3A_4, %mul3A_5 : i32
    "tpu.region"() ({
      %run_scoped3A = tpu.sem_alloc : memref<!tpu.dma_semaphore, #tpu.memory_space<semaphore_mem>>
      %dma_start3A = tpu.memref_slice %arg2[%mul3A_6] : memref<327680xi32, #tpu.memory_space<hbm>> -> memref<10240xi32, #tpu.memory_space<hbm>>
      %dma_start3A_13 = tpu.memref_slice %arg2[%mul3A_6] : memref<327680xi32, #tpu.memory_space<hbm>> -> memref<10240xi32, #tpu.memory_space<hbm>>
      tpu.enqueue_dma source(%dma_start3A_13 : memref<10240xi32, #tpu.memory_space<hbm>>) target(%arg6 : memref<10240xi32, #tpu.memory_space<vmem>>) target_semaphore(%run_scoped3A : memref<!tpu.dma_semaphore, #tpu.memory_space<semaphore_mem>>)
      %dma_wait3A = tpu.memref_slice %arg2[%mul3A_6] : memref<327680xi32, #tpu.memory_space<hbm>> -> memref<10240xi32, #tpu.memory_space<hbm>>
      %dma_wait3A_14 = tpu.memref_slice %arg2[%mul3A_6] : memref<327680xi32, #tpu.memory_space<hbm>> -> memref<10240xi32, #tpu.memory_space<hbm>>
      tpu.wait_dma2 semaphore(%run_scoped3A : memref<!tpu.dma_semaphore, #tpu.memory_space<semaphore_mem>>) src(%dma_wait3A_14 : memref<10240xi32, #tpu.memory_space<hbm>>) dst(%arg6 : memref<10240xi32, #tpu.memory_space<vmem>>)
      tpu.yield
    }) : () -> ()
    "tpu.region"() ({
      %run_scoped3A = tpu.sem_alloc : memref<!tpu.dma_semaphore, #tpu.memory_space<semaphore_mem>>
      %dma_start3A = arith.constant 0 : i32
      %dma_start3A_13 = tpu.memref_slice %arg9[%mul3A_0, %dma_start3A] : memref<10112x16xf32, #tpu.memory_space<vmem_shared>> -> memref<632x16xf32, #tpu.memory_space<vmem_shared>>
      tpu.enqueue_dma source(%arg3 : memref<632x16xf32, #tpu.memory_space<hbm>>) target(%dma_start3A_13 : memref<632x16xf32, #tpu.memory_space<vmem_shared>>) target_semaphore(%run_scoped3A : memref<!tpu.dma_semaphore, #tpu.memory_space<semaphore_mem>>)
      %dma_wait3A = arith.constant 0 : i32
      %dma_wait3A_14 = tpu.memref_slice %arg9[%mul3A_0, %dma_wait3A] : memref<10112x16xf32, #tpu.memory_space<vmem_shared>> -> memref<632x16xf32, #tpu.memory_space<vmem_shared>>
      tpu.wait_dma2 semaphore(%run_scoped3A : memref<!tpu.dma_semaphore, #tpu.memory_space<semaphore_mem>>) src(%arg3 : memref<632x16xf32, #tpu.memory_space<hbm>>) dst(%dma_wait3A_14 : memref<632x16xf32, #tpu.memory_space<vmem_shared>>)
      tpu.yield
    }) : () -> ()
    "tpu.region"() ({
      %run_scoped3A = tpu.sem_alloc : memref<!tpu.dma_semaphore, #tpu.memory_space<semaphore_mem>>
      tpu.enqueue_dma source(%arg4 : memref<128x16xf32, #tpu.memory_space<hbm>>) target(%arg8 : memref<128x16xf32, #tpu.memory_space<vmem>>) target_semaphore(%run_scoped3A : memref<!tpu.dma_semaphore, #tpu.memory_space<semaphore_mem>>)
      tpu.wait_dma2 semaphore(%run_scoped3A : memref<!tpu.dma_semaphore, #tpu.memory_space<semaphore_mem>>) src(%arg4 : memref<128x16xf32, #tpu.memory_space<hbm>>) dst(%arg8 : memref<128x16xf32, #tpu.memory_space<vmem>>)
      tpu.yield
    }) : () -> ()
    %barrier3A = arith.constant 0 : index
    tpu.barrier barrier_id(%barrier3A)
    %scan3A = arith.constant 0 : i32
    %scan3A_7 = arith.constant 0 : i32
    %scan3A_8 = arith.constant 80 : i32
    %scan3A_9 = arith.addi %scan3A_7, %scan3A_8 : i32
    %scan3A_10 = arith.constant 1 : i32
    scf.for %scan3A_13 = %scan3A_7 to %scan3A_9 step %scan3A_10  : i32 {
      %mul3A_14 = arith.constant 128 : i32
      %mul3A_15 = arith.muli %scan3A_13, %mul3A_14 : i32
      %add3A_16 = arith.constant 0 : i32
      %add3A_17 = arith.addi %mul3A_15, %add3A_16 : i32
      %get3A = arith.index_cast %add3A_17 : i32 to index
      %get3A_18 = tpu.vector_load %arg6[%get3A] {strides = array<i32>} : memref<10240xi32, #tpu.memory_space<vmem>>, vector<16xi32>,
      %get3A_19 = vector.shape_cast %get3A_18 : vector<16xi32> to vector<16xi32>
      %shift_right_logical3A = arith.constant 16 : i32
      %shift_right_logical3A_20 = vector.broadcast %shift_right_logical3A : i32 to vector<16xi32>
      %shift_right_logical3A_21 = arith.shrui %get3A_19, %shift_right_logical3A_20 : vector<16xi32>
      %swap3A = arith.constant 0 : i32
      %swap3A_22 = arith.index_cast %swap3A : i32 to index
      %swap3A_23 = arith.constant 0 : index
      %swap3A_24 = tpu.vector_load %arg7[%swap3A_22, %swap3A_23] {strides = array<i32>} : memref<1x128xi32, #tpu.memory_space<vmem>>, vector<1x16xi32>,
      %swap3A_25 = vector.shape_cast %swap3A_24 : vector<1x16xi32> to vector<16xi32>
      %swap3A_26 = vector.shape_cast %shift_right_logical3A_21 : vector<16xi32> to vector<1x16xi32>
      tpu.vector_store %arg7[%swap3A_22, %swap3A_23], %swap3A_26 {strides = array<i32>} : memref<1x128xi32, #tpu.memory_space<vmem>>, vector<1x16xi32>,
      %mul3A_27 = arith.constant 128 : i32
      %mul3A_28 = arith.muli %scan3A_13, %mul3A_27 : i32
      %add3A_29 = arith.constant 16 : i32
      %add3A_30 = arith.addi %mul3A_28, %add3A_29 : i32
      %get3A_31 = arith.index_cast %add3A_30 : i32 to index
      %get3A_32 = tpu.vector_load %arg6[%get3A_31] {strides = array<i32>} : memref<10240xi32, #tpu.memory_space<vmem>>, vector<16xi32>,
      %get3A_33 = vector.shape_cast %get3A_32 : vector<16xi32> to vector<16xi32>
      %shift_right_logical3A_34 = arith.constant 16 : i32
      %shift_right_logical3A_35 = vector.broadcast %shift_right_logical3A_34 : i32 to vector<16xi32>
      %shift_right_logical3A_36 = arith.shrui %get3A_33, %shift_right_logical3A_35 : vector<16xi32>
      %swap3A_37 = arith.constant 0 : i32
      %swap3A_38 = arith.index_cast %swap3A_37 : i32 to index
      %swap3A_39 = arith.constant 16 : index
      %swap3A_40 = tpu.vector_load %arg7[%swap3A_38, %swap3A_39] {strides = array<i32>} : memref<1x128xi32, #tpu.memory_space<vmem>>, vector<1x16xi32>,
      %swap3A_41 = vector.shape_cast %swap3A_40 : vector<1x16xi32> to vector<16xi32>
      %swap3A_42 = vector.shape_cast %shift_right_logical3A_36 : vector<16xi32> to vector<1x16xi32>
      tpu.vector_store %arg7[%swap3A_38, %swap3A_39], %swap3A_42 {strides = array<i32>} : memref<1x128xi32, #tpu.memory_space<vmem>>, vector<1x16xi32>,
      %mul3A_43 = arith.constant 128 : i32
      %mul3A_44 = arith.muli %scan3A_13, %mul3A_43 : i32
      %add3A_45 = arith.constant 32 : i32
      %add3A_46 = arith.addi %mul3A_44, %add3A_45 : i32
      %get3A_47 = arith.index_cast %add3A_46 : i32 to index
      %get3A_48 = tpu.vector_load %arg6[%get3A_47] {strides = array<i32>} : memref<10240xi32, #tpu.memory_space<vmem>>, vector<16xi32>,
      %get3A_49 = vector.shape_cast %get3A_48 : vector<16xi32> to vector<16xi32>
      %shift_right_logical3A_50 = arith.constant 16 : i32
      %shift_right_logical3A_51 = vector.broadcast %shift_right_logical3A_50 : i32 to vector<16xi32>
      %shift_right_logical3A_52 = arith.shrui %get3A_49, %shift_right_logical3A_51 : vector<16xi32>
      %swap3A_53 = arith.constant 0 : i32
      %swap3A_54 = arith.index_cast %swap3A_53 : i32 to index
      %swap3A_55 = arith.constant 32 : index
      %swap3A_56 = tpu.vector_load %arg7[%swap3A_54, %swap3A_55] {strides = array<i32>} : memref<1x128xi32, #tpu.memory_space<vmem>>, vector<1x16xi32>,
      %swap3A_57 = vector.shape_cast %swap3A_56 : vector<1x16xi32> to vector<16xi32>
      %swap3A_58 = vector.shape_cast %shift_right_logical3A_52 : vector<16xi32> to vector<1x16xi32>
      tpu.vector_store %arg7[%swap3A_54, %swap3A_55], %swap3A_58 {strides = array<i32>} : memref<1x128xi32, #tpu.memory_space<vmem>>, vector<1x16xi32>,
      %mul3A_59 = arith.constant 128 : i32
      %mul3A_60 = arith.muli %scan3A_13, %mul3A_59 : i32
      %add3A_61 = arith.constant 48 : i32
      %add3A_62 = arith.addi %mul3A_60, %add3A_61 : i32
      %get3A_63 = arith.index_cast %add3A_62 : i32 to index
      %get3A_64 = tpu.vector_load %arg6[%get3A_63] {strides = array<i32>} : memref<10240xi32, #tpu.memory_space<vmem>>, vector<16xi32>,
      %get3A_65 = vector.shape_cast %get3A_64 : vector<16xi32> to vector<16xi32>
      %shift_right_logical3A_66 = arith.constant 16 : i32
      %shift_right_logical3A_67 = vector.broadcast %shift_right_logical3A_66 : i32 to vector<16xi32>
      %shift_right_logical3A_68 = arith.shrui %get3A_65, %shift_right_logical3A_67 : vector<16xi32>
      %swap3A_69 = arith.constant 0 : i32
      %swap3A_70 = arith.index_cast %swap3A_69 : i32 to index
      %swap3A_71 = arith.constant 48 : index
      %swap3A_72 = tpu.vector_load %arg7[%swap3A_70, %swap3A_71] {strides = array<i32>} : memref<1x128xi32, #tpu.memory_space<vmem>>, vector<1x16xi32>,
      %swap3A_73 = vector.shape_cast %swap3A_72 : vector<1x16xi32> to vector<16xi32>
      %swap3A_74 = vector.shape_cast %shift_right_logical3A_68 : vector<16xi32> to vector<1x16xi32>
      tpu.vector_store %arg7[%swap3A_70, %swap3A_71], %swap3A_74 {strides = array<i32>} : memref<1x128xi32, #tpu.memory_space<vmem>>, vector<1x16xi32>,
      %mul3A_75 = arith.constant 128 : i32
      %mul3A_76 = arith.muli %scan3A_13, %mul3A_75 : i32
      %add3A_77 = arith.constant 64 : i32
      %add3A_78 = arith.addi %mul3A_76, %add3A_77 : i32
      %get3A_79 = arith.index_cast %add3A_78 : i32 to index
      %get3A_80 = tpu.vector_load %arg6[%get3A_79] {strides = array<i32>} : memref<10240xi32, #tpu.memory_space<vmem>>, vector<16xi32>,
      %get3A_81 = vector.shape_cast %get3A_80 : vector<16xi32> to vector<16xi32>
      %shift_right_logical3A_82 = arith.constant 16 : i32
      %shift_right_logical3A_83 = vector.broadcast %shift_right_logical3A_82 : i32 to vector<16xi32>
      %shift_right_logical3A_84 = arith.shrui %get3A_81, %shift_right_logical3A_83 : vector<16xi32>
      %swap3A_85 = arith.constant 0 : i32
      %swap3A_86 = arith.index_cast %swap3A_85 : i32 to index
      %swap3A_87 = arith.constant 64 : index
      %swap3A_88 = tpu.vector_load %arg7[%swap3A_86, %swap3A_87] {strides = array<i32>} : memref<1x128xi32, #tpu.memory_space<vmem>>, vector<1x16xi32>,
      %swap3A_89 = vector.shape_cast %swap3A_88 : vector<1x16xi32> to vector<16xi32>
      %swap3A_90 = vector.shape_cast %shift_right_logical3A_84 : vector<16xi32> to vector<1x16xi32>
      tpu.vector_store %arg7[%swap3A_86, %swap3A_87], %swap3A_90 {strides = array<i32>} : memref<1x128xi32, #tpu.memory_space<vmem>>, vector<1x16xi32>,
      %mul3A_91 = arith.constant 128 : i32
      %mul3A_92 = arith.muli %scan3A_13, %mul3A_91 : i32
      %add3A_93 = arith.constant 80 : i32
      %add3A_94 = arith.addi %mul3A_92, %add3A_93 : i32
      %get3A_95 = arith.index_cast %add3A_94 : i32 to index
      %get3A_96 = tpu.vector_load %arg6[%get3A_95] {strides = array<i32>} : memref<10240xi32, #tpu.memory_space<vmem>>, vector<16xi32>,
      %get3A_97 = vector.shape_cast %get3A_96 : vector<16xi32> to vector<16xi32>
      %shift_right_logical3A_98 = arith.constant 16 : i32
      %shift_right_logical3A_99 = vector.broadcast %shift_right_logical3A_98 : i32 to vector<16xi32>
      %shift_right_logical3A_100 = arith.shrui %get3A_97, %shift_right_logical3A_99 : vector<16xi32>
      %swap3A_101 = arith.constant 0 : i32
      %swap3A_102 = arith.index_cast %swap3A_101 : i32 to index
      %swap3A_103 = arith.constant 80 : index
      %swap3A_104 = tpu.vector_load %arg7[%swap3A_102, %swap3A_103] {strides = array<i32>} : memref<1x128xi32, #tpu.memory_space<vmem>>, vector<1x16xi32>,
      %swap3A_105 = vector.shape_cast %swap3A_104 : vector<1x16xi32> to vector<16xi32>
      %swap3A_106 = vector.shape_cast %shift_right_logical3A_100 : vector<16xi32> to vector<1x16xi32>
      tpu.vector_store %arg7[%swap3A_102, %swap3A_103], %swap3A_106 {strides = array<i32>} : memref<1x128xi32, #tpu.memory_space<vmem>>, vector<1x16xi32>,
      %mul3A_107 = arith.constant 128 : i32
      %mul3A_108 = arith.muli %scan3A_13, %mul3A_107 : i32
      %add3A_109 = arith.constant 96 : i32
      %add3A_110 = arith.addi %mul3A_108, %add3A_109 : i32
      %get3A_111 = arith.index_cast %add3A_110 : i32 to index
      %get3A_112 = tpu.vector_load %arg6[%get3A_111] {strides = array<i32>} : memref<10240xi32, #tpu.memory_space<vmem>>, vector<16xi32>,
      %get3A_113 = vector.shape_cast %get3A_112 : vector<16xi32> to vector<16xi32>
      %shift_right_logical3A_114 = arith.constant 16 : i32
      %shift_right_logical3A_115 = vector.broadcast %shift_right_logical3A_114 : i32 to vector<16xi32>
      %shift_right_logical3A_116 = arith.shrui %get3A_113, %shift_right_logical3A_115 : vector<16xi32>
      %swap3A_117 = arith.constant 0 : i32
      %swap3A_118 = arith.index_cast %swap3A_117 : i32 to index
      %swap3A_119 = arith.constant 96 : index
      %swap3A_120 = tpu.vector_load %arg7[%swap3A_118, %swap3A_119] {strides = array<i32>} : memref<1x128xi32, #tpu.memory_space<vmem>>, vector<1x16xi32>,
      %swap3A_121 = vector.shape_cast %swap3A_120 : vector<1x16xi32> to vector<16xi32>
      %swap3A_122 = vector.shape_cast %shift_right_logical3A_116 : vector<16xi32> to vector<1x16xi32>
      tpu.vector_store %arg7[%swap3A_118, %swap3A_119], %swap3A_122 {strides = array<i32>} : memref<1x128xi32, #tpu.memory_space<vmem>>, vector<1x16xi32>,
      %mul3A_123 = arith.constant 128 : i32
      %mul3A_124 = arith.muli %scan3A_13, %mul3A_123 : i32
      %add3A_125 = arith.constant 112 : i32
      %add3A_126 = arith.addi %mul3A_124, %add3A_125 : i32
      %get3A_127 = arith.index_cast %add3A_126 : i32 to index
      %get3A_128 = tpu.vector_load %arg6[%get3A_127] {strides = array<i32>} : memref<10240xi32, #tpu.memory_space<vmem>>, vector<16xi32>,
      %get3A_129 = vector.shape_cast %get3A_128 : vector<16xi32> to vector<16xi32>
      %shift_right_logical3A_130 = arith.constant 16 : i32
      %shift_right_logical3A_131 = vector.broadcast %shift_right_logical3A_130 : i32 to vector<16xi32>
      %shift_right_logical3A_132 = arith.shrui %get3A_129, %shift_right_logical3A_131 : vector<16xi32>
      %swap3A_133 = arith.constant 0 : i32
      %swap3A_134 = arith.index_cast %swap3A_133 : i32 to index
      %swap3A_135 = arith.constant 112 : index
      %swap3A_136 = tpu.vector_load %arg7[%swap3A_134, %swap3A_135] {strides = array<i32>} : memref<1x128xi32, #tpu.memory_space<vmem>>, vector<1x16xi32>,
      %swap3A_137 = vector.shape_cast %swap3A_136 : vector<1x16xi32> to vector<16xi32>
      %swap3A_138 = vector.shape_cast %shift_right_logical3A_132 : vector<16xi32> to vector<1x16xi32>
      tpu.vector_store %arg7[%swap3A_134, %swap3A_135], %swap3A_138 {strides = array<i32>} : memref<1x128xi32, #tpu.memory_space<vmem>>, vector<1x16xi32>,
      %run_scoped3A = arith.constant 0 : i32
      "tpu.region"() ({
        %run_scoped3A_139 = tpu.sem_alloc : memref<!tpu.dma_semaphore, #tpu.memory_space<semaphore_mem>>
        %dma_start3A = arith.constant 0 : i32
        %dma_start3A_140 = tpu.memref_slice %arg7[%run_scoped3A, %dma_start3A] : memref<1x128xi32, #tpu.memory_space<vmem>> -> memref<1x128xi32, #tpu.memory_space<vmem>>
        %dma_start3A_141 = tpu.memref_squeeze %dma_start3A_140 : memref<1x128xi32, #tpu.memory_space<vmem>> -> memref<128xi32, #tpu.memory_space<vmem>>
        %dma_start3A_142 = arith.constant 0 : i32
        %dma_start3A_143 = arith.constant 0 : i32
        %dma_start3A_144 = tpu.memref_slice %arg9[%dma_start3A_142, %dma_start3A_143] : memref<10112x16xf32, #tpu.memory_space<vmem_shared>> -> memref<10112x16xf32, #tpu.memory_space<vmem_shared>>
        tpu.enqueue_indirect_dma source(%arg8 : memref<128x16xf32, #tpu.memory_space<vmem>>) target(%dma_start3A_144 : memref<10112x16xf32, #tpu.memory_space<vmem_shared>>) offsets(%dma_start3A_141 : memref<128xi32, #tpu.memory_space<vmem>>) semaphore(%run_scoped3A_139 : memref<!tpu.dma_semaphore, #tpu.memory_space<semaphore_mem>>) {add = true}
        %dma_wait3A = arith.constant 0 : i32
        %dma_wait3A_145 = tpu.memref_slice %arg7[%run_scoped3A, %dma_wait3A] : memref<1x128xi32, #tpu.memory_space<vmem>> -> memref<1x128xi32, #tpu.memory_space<vmem>>
        %dma_wait3A_146 = tpu.memref_squeeze %dma_wait3A_145 : memref<1x128xi32, #tpu.memory_space<vmem>> -> memref<128xi32, #tpu.memory_space<vmem>>
        %dma_wait3A_147 = arith.constant 0 : i32
        %dma_wait3A_148 = arith.constant 0 : i32
        %dma_wait3A_149 = tpu.memref_slice %arg9[%dma_wait3A_147, %dma_wait3A_148] : memref<10112x16xf32, #tpu.memory_space<vmem_shared>> -> memref<10112x16xf32, #tpu.memory_space<vmem_shared>>
        tpu.wait_indirect_dma semaphore(%run_scoped3A_139 : memref<!tpu.dma_semaphore, #tpu.memory_space<semaphore_mem>>) src(%arg8 : memref<128x16xf32, #tpu.memory_space<vmem>>) dst(%dma_wait3A_149 : memref<10112x16xf32, #tpu.memory_space<vmem_shared>>)
        tpu.yield
      }) : () -> ()
    }
    %scan3A_11 = arith.constant 80 : i32
    %barrier3A_12 = arith.constant 0 : index
    tpu.barrier barrier_id(%barrier3A_12)
    "tpu.region"() ({
      %run_scoped3A = tpu.sem_alloc : memref<!tpu.dma_semaphore, #tpu.memory_space<semaphore_mem>>
      %dma_start3A = arith.constant 0 : i32
      %dma_start3A_13 = tpu.memref_slice %arg5[%arg0, %mul3A_0, %dma_start3A] : memref<2x10112x16xf32, #tpu.memory_space<hbm>> -> memref<1x632x16xf32, #tpu.memory_space<hbm>>
      %dma_start3A_14 = tpu.memref_squeeze %dma_start3A_13 : memref<1x632x16xf32, #tpu.memory_space<hbm>> -> memref<632x16xf32, #tpu.memory_space<hbm>>
      %dma_start3A_15 = arith.constant 0 : i32
      %dma_start3A_16 = tpu.memref_slice %arg9[%mul3A_0, %dma_start3A_15] : memref<10112x16xf32, #tpu.memory_space<vmem_shared>> -> memref<632x16xf32, #tpu.memory_space<vmem_shared>>
      tpu.enqueue_dma source(%dma_start3A_16 : memref<632x16xf32, #tpu.memory_space<vmem_shared>>) target(%dma_start3A_14 : memref<632x16xf32, #tpu.memory_space<hbm>>) target_semaphore(%run_scoped3A : memref<!tpu.dma_semaphore, #tpu.memory_space<semaphore_mem>>)
      %dma_wait3A = arith.constant 0 : i32
      %dma_wait3A_17 = tpu.memref_slice %arg5[%arg0, %mul3A_0, %dma_wait3A] : memref<2x10112x16xf32, #tpu.memory_space<hbm>> -> memref<1x632x16xf32, #tpu.memory_space<hbm>>
      %dma_wait3A_18 = tpu.memref_squeeze %dma_wait3A_17 : memref<1x632x16xf32, #tpu.memory_space<hbm>> -> memref<632x16xf32, #tpu.memory_space<hbm>>
      %dma_wait3A_19 = arith.constant 0 : i32
      %dma_wait3A_20 = tpu.memref_slice %arg9[%mul3A_0, %dma_wait3A_19] : memref<10112x16xf32, #tpu.memory_space<vmem_shared>> -> memref<632x16xf32, #tpu.memory_space<vmem_shared>>
      tpu.wait_dma2 semaphore(%run_scoped3A : memref<!tpu.dma_semaphore, #tpu.memory_space<semaphore_mem>>) src(%dma_wait3A_20 : memref<632x16xf32, #tpu.memory_space<vmem_shared>>) dst(%dma_wait3A_18 : memref<632x16xf32, #tpu.memory_space<hbm>>)
      tpu.yield
    }) : () -> ()
    return
  }
}

#map = affine_map<(d0, d1) -> (0, 0)>
#map1 = affine_map<(d0, d1) -> (0)>
#map2 = affine_map<(d0, d1) -> (0, 0, 0)>
module attributes {stable_mosaic.version = 14 : i64} {
  func.func @_sc_agg_body(%arg0: i32, %arg1: i32, %arg2: memref<10000x128xf32, #tpu.memory_space<hbm>>, %arg3: memref<327680xi32, #tpu.memory_space<hbm>>, %arg4: memref<2x10112x128xf32, #tpu.memory_space<hbm>>, %arg5: memref<10240xi32, #tpu.memory_space<vmem>>, %arg6: memref<2x128xi32, #tpu.memory_space<vmem>>, %arg7: memref<2x128xi32, #tpu.memory_space<vmem>>, %arg8: memref<128x128xf32, #tpu.memory_space<vmem>>, %arg9: memref<128x128xf32, #tpu.memory_space<vmem>>, %arg10: memref<10112x128xf32, #tpu.memory_space<vmem_shared>>, %arg11: memref<!tpu.dma_semaphore, #tpu.memory_space<semaphore_mem>>, %arg12: memref<!tpu.dma_semaphore, #tpu.memory_space<semaphore_mem>>) attributes {dimension_semantics = [#tpu.dimension_semantics<core_parallel>, #tpu.dimension_semantics<subcore_parallel>], iteration_bounds = array<i64: 2, 16>, scalar_prefetch = 0 : i64, scratch_operands = 8 : i64, tpu.core_type = #tpu.core_type<sc_vector_subcore>, window_params = [{transform_indices = #map}, {transform_indices = #map1}, {transform_indices = #map2}]} {
    %mul3A = arith.constant 632 : i32
    %mul3A_0 = arith.muli %arg1, %mul3A : i32
    %mul3A_1 = arith.constant 16 : i32
    %mul3A_2 = arith.muli %arg0, %mul3A_1 : i32
    %add3A = arith.addi %mul3A_2, %arg1 : i32
    %mul3A_3 = arith.constant 80 : i32
    %mul3A_4 = arith.muli %add3A, %mul3A_3 : i32
    %mul3A_5 = arith.constant 128 : i32
    %mul3A_6 = arith.muli %mul3A_4, %mul3A_5 : i32
    "tpu.region"() ({
      %run_scoped3A = tpu.sem_alloc : memref<!tpu.dma_semaphore, #tpu.memory_space<semaphore_mem>>
      %dma_start3A_210 = tpu.memref_slice %arg3[%mul3A_6] : memref<327680xi32, #tpu.memory_space<hbm>> -> memref<10240xi32, #tpu.memory_space<hbm>>
      %dma_start3A_211 = tpu.memref_slice %arg3[%mul3A_6] : memref<327680xi32, #tpu.memory_space<hbm>> -> memref<10240xi32, #tpu.memory_space<hbm>>
      tpu.enqueue_dma source(%dma_start3A_211 : memref<10240xi32, #tpu.memory_space<hbm>>) target(%arg5 : memref<10240xi32, #tpu.memory_space<vmem>>) target_semaphore(%run_scoped3A : memref<!tpu.dma_semaphore, #tpu.memory_space<semaphore_mem>>)
      %dma_wait3A = tpu.memref_slice %arg3[%mul3A_6] : memref<327680xi32, #tpu.memory_space<hbm>> -> memref<10240xi32, #tpu.memory_space<hbm>>
      %dma_wait3A_212 = tpu.memref_slice %arg3[%mul3A_6] : memref<327680xi32, #tpu.memory_space<hbm>> -> memref<10240xi32, #tpu.memory_space<hbm>>
      tpu.wait_dma2 semaphore(%run_scoped3A : memref<!tpu.dma_semaphore, #tpu.memory_space<semaphore_mem>>) src(%dma_wait3A_212 : memref<10240xi32, #tpu.memory_space<hbm>>) dst(%arg5 : memref<10240xi32, #tpu.memory_space<vmem>>)
      tpu.yield
    }) : () -> ()
    %broadcast_in_dim3A = arith.constant 0.000000e+00 : f32
    %broadcast_in_dim3A_7 = vector.broadcast %broadcast_in_dim3A : f32 to vector<16xf32>
    %scan3A = arith.constant 0 : i32
    %scan3A_8 = arith.constant 0 : i32
    %scan3A_9 = arith.constant 128 : i32
    %scan3A_10 = arith.addi %scan3A_8, %scan3A_9 : i32
    %scan3A_11 = arith.constant 1 : i32
    scf.for %scan3A_210 = %scan3A_8 to %scan3A_10 step %scan3A_11  : i32 {
      %swap3A_211 = arith.index_cast %scan3A_210 : i32 to index
      %swap3A_212 = arith.constant 0 : index
      %swap3A_213 = tpu.vector_load %arg8[%swap3A_211, %swap3A_212] {strides = array<i32>} : memref<128x128xf32, #tpu.memory_space<vmem>>, vector<1x16xf32>,
      %swap3A_214 = vector.shape_cast %swap3A_213 : vector<1x16xf32> to vector<16xf32>
      %swap3A_215 = vector.shape_cast %broadcast_in_dim3A_7 : vector<16xf32> to vector<1x16xf32>
      tpu.vector_store %arg8[%swap3A_211, %swap3A_212], %swap3A_215 {strides = array<i32>} : memref<128x128xf32, #tpu.memory_space<vmem>>, vector<1x16xf32>,
      %swap3A_216 = arith.index_cast %scan3A_210 : i32 to index
      %swap3A_217 = arith.constant 16 : index
      %swap3A_218 = tpu.vector_load %arg8[%swap3A_216, %swap3A_217] {strides = array<i32>} : memref<128x128xf32, #tpu.memory_space<vmem>>, vector<1x16xf32>,
      %swap3A_219 = vector.shape_cast %swap3A_218 : vector<1x16xf32> to vector<16xf32>
      %swap3A_220 = vector.shape_cast %broadcast_in_dim3A_7 : vector<16xf32> to vector<1x16xf32>
      tpu.vector_store %arg8[%swap3A_216, %swap3A_217], %swap3A_220 {strides = array<i32>} : memref<128x128xf32, #tpu.memory_space<vmem>>, vector<1x16xf32>,
      %swap3A_221 = arith.index_cast %scan3A_210 : i32 to index
      %swap3A_222 = arith.constant 32 : index
      %swap3A_223 = tpu.vector_load %arg8[%swap3A_221, %swap3A_222] {strides = array<i32>} : memref<128x128xf32, #tpu.memory_space<vmem>>, vector<1x16xf32>,
      %swap3A_224 = vector.shape_cast %swap3A_223 : vector<1x16xf32> to vector<16xf32>
      %swap3A_225 = vector.shape_cast %broadcast_in_dim3A_7 : vector<16xf32> to vector<1x16xf32>
      tpu.vector_store %arg8[%swap3A_221, %swap3A_222], %swap3A_225 {strides = array<i32>} : memref<128x128xf32, #tpu.memory_space<vmem>>, vector<1x16xf32>,
      %swap3A_226 = arith.index_cast %scan3A_210 : i32 to index
      %swap3A_227 = arith.constant 48 : index
      %swap3A_228 = tpu.vector_load %arg8[%swap3A_226, %swap3A_227] {strides = array<i32>} : memref<128x128xf32, #tpu.memory_space<vmem>>, vector<1x16xf32>,
      %swap3A_229 = vector.shape_cast %swap3A_228 : vector<1x16xf32> to vector<16xf32>
      %swap3A_230 = vector.shape_cast %broadcast_in_dim3A_7 : vector<16xf32> to vector<1x16xf32>
      tpu.vector_store %arg8[%swap3A_226, %swap3A_227], %swap3A_230 {strides = array<i32>} : memref<128x128xf32, #tpu.memory_space<vmem>>, vector<1x16xf32>,
      %swap3A_231 = arith.index_cast %scan3A_210 : i32 to index
      %swap3A_232 = arith.constant 64 : index
      %swap3A_233 = tpu.vector_load %arg8[%swap3A_231, %swap3A_232] {strides = array<i32>} : memref<128x128xf32, #tpu.memory_space<vmem>>, vector<1x16xf32>,
      %swap3A_234 = vector.shape_cast %swap3A_233 : vector<1x16xf32> to vector<16xf32>
      %swap3A_235 = vector.shape_cast %broadcast_in_dim3A_7 : vector<16xf32> to vector<1x16xf32>
      tpu.vector_store %arg8[%swap3A_231, %swap3A_232], %swap3A_235 {strides = array<i32>} : memref<128x128xf32, #tpu.memory_space<vmem>>, vector<1x16xf32>,
      %swap3A_236 = arith.index_cast %scan3A_210 : i32 to index
      %swap3A_237 = arith.constant 80 : index
      %swap3A_238 = tpu.vector_load %arg8[%swap3A_236, %swap3A_237] {strides = array<i32>} : memref<128x128xf32, #tpu.memory_space<vmem>>, vector<1x16xf32>,
      %swap3A_239 = vector.shape_cast %swap3A_238 : vector<1x16xf32> to vector<16xf32>
      %swap3A_240 = vector.shape_cast %broadcast_in_dim3A_7 : vector<16xf32> to vector<1x16xf32>
      tpu.vector_store %arg8[%swap3A_236, %swap3A_237], %swap3A_240 {strides = array<i32>} : memref<128x128xf32, #tpu.memory_space<vmem>>, vector<1x16xf32>,
      %swap3A_241 = arith.index_cast %scan3A_210 : i32 to index
      %swap3A_242 = arith.constant 96 : index
      %swap3A_243 = tpu.vector_load %arg8[%swap3A_241, %swap3A_242] {strides = array<i32>} : memref<128x128xf32, #tpu.memory_space<vmem>>, vector<1x16xf32>,
      %swap3A_244 = vector.shape_cast %swap3A_243 : vector<1x16xf32> to vector<16xf32>
      %swap3A_245 = vector.shape_cast %broadcast_in_dim3A_7 : vector<16xf32> to vector<1x16xf32>
      tpu.vector_store %arg8[%swap3A_241, %swap3A_242], %swap3A_245 {strides = array<i32>} : memref<128x128xf32, #tpu.memory_space<vmem>>, vector<1x16xf32>,
      %swap3A_246 = arith.index_cast %scan3A_210 : i32 to index
      %swap3A_247 = arith.constant 112 : index
      %swap3A_248 = tpu.vector_load %arg8[%swap3A_246, %swap3A_247] {strides = array<i32>} : memref<128x128xf32, #tpu.memory_space<vmem>>, vector<1x16xf32>,
      %swap3A_249 = vector.shape_cast %swap3A_248 : vector<1x16xf32> to vector<16xf32>
      %swap3A_250 = vector.shape_cast %broadcast_in_dim3A_7 : vector<16xf32> to vector<1x16xf32>
      tpu.vector_store %arg8[%swap3A_246, %swap3A_247], %swap3A_250 {strides = array<i32>} : memref<128x128xf32, #tpu.memory_space<vmem>>, vector<1x16xf32>,
    }
    %scan3A_12 = arith.constant 128 : i32
    %mul3A_13 = arith.constant 632 : i32
    %mul3A_14 = arith.muli %arg1, %mul3A_13 : i32
    %add3A_15 = arith.constant 0 : i32
    %add3A_16 = arith.addi %mul3A_14, %add3A_15 : i32
    "tpu.region"() ({
      %run_scoped3A = tpu.sem_alloc : memref<!tpu.dma_semaphore, #tpu.memory_space<semaphore_mem>>
      %dma_start3A_210 = arith.constant 0 : i32
      %dma_start3A_211 = arith.constant 0 : i32
      %dma_start3A_212 = tpu.memref_slice %arg8[%dma_start3A_210, %dma_start3A_211] : memref<128x128xf32, #tpu.memory_space<vmem>> -> memref<128x128xf32, #tpu.memory_space<vmem>>
      %dma_start3A_213 = arith.constant 0 : i32
      %dma_start3A_214 = tpu.memref_slice %arg10[%add3A_16, %dma_start3A_213] : memref<10112x128xf32, #tpu.memory_space<vmem_shared>> -> memref<128x128xf32, #tpu.memory_space<vmem_shared>>
      %dma_start3A_215 = arith.constant 0 : i32
      %dma_start3A_216 = tpu.memref_slice %arg10[%add3A_16, %dma_start3A_215] : memref<10112x128xf32, #tpu.memory_space<vmem_shared>> -> memref<128x128xf32, #tpu.memory_space<vmem_shared>>
      %dma_start3A_217 = arith.constant 0 : i32
      %dma_start3A_218 = arith.constant 0 : i32
      %dma_start3A_219 = tpu.memref_slice %arg8[%dma_start3A_217, %dma_start3A_218] : memref<128x128xf32, #tpu.memory_space<vmem>> -> memref<128x128xf32, #tpu.memory_space<vmem>>
      tpu.enqueue_dma source(%dma_start3A_219 : memref<128x128xf32, #tpu.memory_space<vmem>>) target(%dma_start3A_216 : memref<128x128xf32, #tpu.memory_space<vmem_shared>>) target_semaphore(%run_scoped3A : memref<!tpu.dma_semaphore, #tpu.memory_space<semaphore_mem>>)
      %dma_wait3A = arith.constant 0 : i32
      %dma_wait3A_220 = arith.constant 0 : i32
      %dma_wait3A_221 = tpu.memref_slice %arg8[%dma_wait3A, %dma_wait3A_220] : memref<128x128xf32, #tpu.memory_space<vmem>> -> memref<128x128xf32, #tpu.memory_space<vmem>>
      %dma_wait3A_222 = arith.constant 0 : i32
      %dma_wait3A_223 = tpu.memref_slice %arg10[%add3A_16, %dma_wait3A_222] : memref<10112x128xf32, #tpu.memory_space<vmem_shared>> -> memref<128x128xf32, #tpu.memory_space<vmem_shared>>
      %dma_wait3A_224 = arith.constant 0 : i32
      %dma_wait3A_225 = tpu.memref_slice %arg10[%add3A_16, %dma_wait3A_224] : memref<10112x128xf32, #tpu.memory_space<vmem_shared>> -> memref<128x128xf32, #tpu.memory_space<vmem_shared>>
      %dma_wait3A_226 = arith.constant 0 : i32
      %dma_wait3A_227 = arith.constant 0 : i32
      %dma_wait3A_228 = tpu.memref_slice %arg8[%dma_wait3A_226, %dma_wait3A_227] : memref<128x128xf32, #tpu.memory_space<vmem>> -> memref<128x128xf32, #tpu.memory_space<vmem>>
      tpu.wait_dma2 semaphore(%run_scoped3A : memref<!tpu.dma_semaphore, #tpu.memory_space<semaphore_mem>>) src(%dma_wait3A_228 : memref<128x128xf32, #tpu.memory_space<vmem>>) dst(%dma_wait3A_225 : memref<128x128xf32, #tpu.memory_space<vmem_shared>>)
      tpu.yield
    }) : () -> ()
    %mul3A_17 = arith.constant 632 : i32
    %mul3A_18 = arith.muli %arg1, %mul3A_17 : i32
    %add3A_19 = arith.constant 128 : i32
    %add3A_20 = arith.addi %mul3A_18, %add3A_19 : i32
    "tpu.region"() ({
      %run_scoped3A = tpu.sem_alloc : memref<!tpu.dma_semaphore, #tpu.memory_space<semaphore_mem>>
      %dma_start3A_210 = arith.constant 0 : i32
      %dma_start3A_211 = arith.constant 0 : i32
      %dma_start3A_212 = tpu.memref_slice %arg8[%dma_start3A_210, %dma_start3A_211] : memref<128x128xf32, #tpu.memory_space<vmem>> -> memref<128x128xf32, #tpu.memory_space<vmem>>
      %dma_start3A_213 = arith.constant 0 : i32
      %dma_start3A_214 = tpu.memref_slice %arg10[%add3A_20, %dma_start3A_213] : memref<10112x128xf32, #tpu.memory_space<vmem_shared>> -> memref<128x128xf32, #tpu.memory_space<vmem_shared>>
      %dma_start3A_215 = arith.constant 0 : i32
      %dma_start3A_216 = tpu.memref_slice %arg10[%add3A_20, %dma_start3A_215] : memref<10112x128xf32, #tpu.memory_space<vmem_shared>> -> memref<128x128xf32, #tpu.memory_space<vmem_shared>>
      %dma_start3A_217 = arith.constant 0 : i32
      %dma_start3A_218 = arith.constant 0 : i32
      %dma_start3A_219 = tpu.memref_slice %arg8[%dma_start3A_217, %dma_start3A_218] : memref<128x128xf32, #tpu.memory_space<vmem>> -> memref<128x128xf32, #tpu.memory_space<vmem>>
      tpu.enqueue_dma source(%dma_start3A_219 : memref<128x128xf32, #tpu.memory_space<vmem>>) target(%dma_start3A_216 : memref<128x128xf32, #tpu.memory_space<vmem_shared>>) target_semaphore(%run_scoped3A : memref<!tpu.dma_semaphore, #tpu.memory_space<semaphore_mem>>)
      %dma_wait3A = arith.constant 0 : i32
      %dma_wait3A_220 = arith.constant 0 : i32
      %dma_wait3A_221 = tpu.memref_slice %arg8[%dma_wait3A, %dma_wait3A_220] : memref<128x128xf32, #tpu.memory_space<vmem>> -> memref<128x128xf32, #tpu.memory_space<vmem>>
      %dma_wait3A_222 = arith.constant 0 : i32
      %dma_wait3A_223 = tpu.memref_slice %arg10[%add3A_20, %dma_wait3A_222] : memref<10112x128xf32, #tpu.memory_space<vmem_shared>> -> memref<128x128xf32, #tpu.memory_space<vmem_shared>>
      %dma_wait3A_224 = arith.constant 0 : i32
      %dma_wait3A_225 = tpu.memref_slice %arg10[%add3A_20, %dma_wait3A_224] : memref<10112x128xf32, #tpu.memory_space<vmem_shared>> -> memref<128x128xf32, #tpu.memory_space<vmem_shared>>
      %dma_wait3A_226 = arith.constant 0 : i32
      %dma_wait3A_227 = arith.constant 0 : i32
      %dma_wait3A_228 = tpu.memref_slice %arg8[%dma_wait3A_226, %dma_wait3A_227] : memref<128x128xf32, #tpu.memory_space<vmem>> -> memref<128x128xf32, #tpu.memory_space<vmem>>
      tpu.wait_dma2 semaphore(%run_scoped3A : memref<!tpu.dma_semaphore, #tpu.memory_space<semaphore_mem>>) src(%dma_wait3A_228 : memref<128x128xf32, #tpu.memory_space<vmem>>) dst(%dma_wait3A_225 : memref<128x128xf32, #tpu.memory_space<vmem_shared>>)
      tpu.yield
    }) : () -> ()
    %mul3A_21 = arith.constant 632 : i32
    %mul3A_22 = arith.muli %arg1, %mul3A_21 : i32
    %add3A_23 = arith.constant 256 : i32
    %add3A_24 = arith.addi %mul3A_22, %add3A_23 : i32
    "tpu.region"() ({
      %run_scoped3A = tpu.sem_alloc : memref<!tpu.dma_semaphore, #tpu.memory_space<semaphore_mem>>
      %dma_start3A_210 = arith.constant 0 : i32
      %dma_start3A_211 = arith.constant 0 : i32
      %dma_start3A_212 = tpu.memref_slice %arg8[%dma_start3A_210, %dma_start3A_211] : memref<128x128xf32, #tpu.memory_space<vmem>> -> memref<128x128xf32, #tpu.memory_space<vmem>>
      %dma_start3A_213 = arith.constant 0 : i32
      %dma_start3A_214 = tpu.memref_slice %arg10[%add3A_24, %dma_start3A_213] : memref<10112x128xf32, #tpu.memory_space<vmem_shared>> -> memref<128x128xf32, #tpu.memory_space<vmem_shared>>
      %dma_start3A_215 = arith.constant 0 : i32
      %dma_start3A_216 = tpu.memref_slice %arg10[%add3A_24, %dma_start3A_215] : memref<10112x128xf32, #tpu.memory_space<vmem_shared>> -> memref<128x128xf32, #tpu.memory_space<vmem_shared>>
      %dma_start3A_217 = arith.constant 0 : i32
      %dma_start3A_218 = arith.constant 0 : i32
      %dma_start3A_219 = tpu.memref_slice %arg8[%dma_start3A_217, %dma_start3A_218] : memref<128x128xf32, #tpu.memory_space<vmem>> -> memref<128x128xf32, #tpu.memory_space<vmem>>
      tpu.enqueue_dma source(%dma_start3A_219 : memref<128x128xf32, #tpu.memory_space<vmem>>) target(%dma_start3A_216 : memref<128x128xf32, #tpu.memory_space<vmem_shared>>) target_semaphore(%run_scoped3A : memref<!tpu.dma_semaphore, #tpu.memory_space<semaphore_mem>>)
      %dma_wait3A = arith.constant 0 : i32
      %dma_wait3A_220 = arith.constant 0 : i32
      %dma_wait3A_221 = tpu.memref_slice %arg8[%dma_wait3A, %dma_wait3A_220] : memref<128x128xf32, #tpu.memory_space<vmem>> -> memref<128x128xf32, #tpu.memory_space<vmem>>
      %dma_wait3A_222 = arith.constant 0 : i32
      %dma_wait3A_223 = tpu.memref_slice %arg10[%add3A_24, %dma_wait3A_222] : memref<10112x128xf32, #tpu.memory_space<vmem_shared>> -> memref<128x128xf32, #tpu.memory_space<vmem_shared>>
      %dma_wait3A_224 = arith.constant 0 : i32
      %dma_wait3A_225 = tpu.memref_slice %arg10[%add3A_24, %dma_wait3A_224] : memref<10112x128xf32, #tpu.memory_space<vmem_shared>> -> memref<128x128xf32, #tpu.memory_space<vmem_shared>>
      %dma_wait3A_226 = arith.constant 0 : i32
      %dma_wait3A_227 = arith.constant 0 : i32
      %dma_wait3A_228 = tpu.memref_slice %arg8[%dma_wait3A_226, %dma_wait3A_227] : memref<128x128xf32, #tpu.memory_space<vmem>> -> memref<128x128xf32, #tpu.memory_space<vmem>>
      tpu.wait_dma2 semaphore(%run_scoped3A : memref<!tpu.dma_semaphore, #tpu.memory_space<semaphore_mem>>) src(%dma_wait3A_228 : memref<128x128xf32, #tpu.memory_space<vmem>>) dst(%dma_wait3A_225 : memref<128x128xf32, #tpu.memory_space<vmem_shared>>)
      tpu.yield
    }) : () -> ()
    %mul3A_25 = arith.constant 632 : i32
    %mul3A_26 = arith.muli %arg1, %mul3A_25 : i32
    %add3A_27 = arith.constant 384 : i32
    %add3A_28 = arith.addi %mul3A_26, %add3A_27 : i32
    "tpu.region"() ({
      %run_scoped3A = tpu.sem_alloc : memref<!tpu.dma_semaphore, #tpu.memory_space<semaphore_mem>>
      %dma_start3A_210 = arith.constant 0 : i32
      %dma_start3A_211 = arith.constant 0 : i32
      %dma_start3A_212 = tpu.memref_slice %arg8[%dma_start3A_210, %dma_start3A_211] : memref<128x128xf32, #tpu.memory_space<vmem>> -> memref<128x128xf32, #tpu.memory_space<vmem>>
      %dma_start3A_213 = arith.constant 0 : i32
      %dma_start3A_214 = tpu.memref_slice %arg10[%add3A_28, %dma_start3A_213] : memref<10112x128xf32, #tpu.memory_space<vmem_shared>> -> memref<128x128xf32, #tpu.memory_space<vmem_shared>>
      %dma_start3A_215 = arith.constant 0 : i32
      %dma_start3A_216 = tpu.memref_slice %arg10[%add3A_28, %dma_start3A_215] : memref<10112x128xf32, #tpu.memory_space<vmem_shared>> -> memref<128x128xf32, #tpu.memory_space<vmem_shared>>
      %dma_start3A_217 = arith.constant 0 : i32
      %dma_start3A_218 = arith.constant 0 : i32
      %dma_start3A_219 = tpu.memref_slice %arg8[%dma_start3A_217, %dma_start3A_218] : memref<128x128xf32, #tpu.memory_space<vmem>> -> memref<128x128xf32, #tpu.memory_space<vmem>>
      tpu.enqueue_dma source(%dma_start3A_219 : memref<128x128xf32, #tpu.memory_space<vmem>>) target(%dma_start3A_216 : memref<128x128xf32, #tpu.memory_space<vmem_shared>>) target_semaphore(%run_scoped3A : memref<!tpu.dma_semaphore, #tpu.memory_space<semaphore_mem>>)
      %dma_wait3A = arith.constant 0 : i32
      %dma_wait3A_220 = arith.constant 0 : i32
      %dma_wait3A_221 = tpu.memref_slice %arg8[%dma_wait3A, %dma_wait3A_220] : memref<128x128xf32, #tpu.memory_space<vmem>> -> memref<128x128xf32, #tpu.memory_space<vmem>>
      %dma_wait3A_222 = arith.constant 0 : i32
      %dma_wait3A_223 = tpu.memref_slice %arg10[%add3A_28, %dma_wait3A_222] : memref<10112x128xf32, #tpu.memory_space<vmem_shared>> -> memref<128x128xf32, #tpu.memory_space<vmem_shared>>
      %dma_wait3A_224 = arith.constant 0 : i32
      %dma_wait3A_225 = tpu.memref_slice %arg10[%add3A_28, %dma_wait3A_224] : memref<10112x128xf32, #tpu.memory_space<vmem_shared>> -> memref<128x128xf32, #tpu.memory_space<vmem_shared>>
      %dma_wait3A_226 = arith.constant 0 : i32
      %dma_wait3A_227 = arith.constant 0 : i32
      %dma_wait3A_228 = tpu.memref_slice %arg8[%dma_wait3A_226, %dma_wait3A_227] : memref<128x128xf32, #tpu.memory_space<vmem>> -> memref<128x128xf32, #tpu.memory_space<vmem>>
      tpu.wait_dma2 semaphore(%run_scoped3A : memref<!tpu.dma_semaphore, #tpu.memory_space<semaphore_mem>>) src(%dma_wait3A_228 : memref<128x128xf32, #tpu.memory_space<vmem>>) dst(%dma_wait3A_225 : memref<128x128xf32, #tpu.memory_space<vmem_shared>>)
      tpu.yield
    }) : () -> ()
    %mul3A_29 = arith.constant 632 : i32
    %mul3A_30 = arith.muli %arg1, %mul3A_29 : i32
    %add3A_31 = arith.constant 512 : i32
    %add3A_32 = arith.addi %mul3A_30, %add3A_31 : i32
    "tpu.region"() ({
      %run_scoped3A = tpu.sem_alloc : memref<!tpu.dma_semaphore, #tpu.memory_space<semaphore_mem>>
      %dma_start3A_210 = arith.constant 0 : i32
      %dma_start3A_211 = arith.constant 0 : i32
      %dma_start3A_212 = tpu.memref_slice %arg8[%dma_start3A_210, %dma_start3A_211] : memref<128x128xf32, #tpu.memory_space<vmem>> -> memref<120x128xf32, #tpu.memory_space<vmem>>
      %dma_start3A_213 = arith.constant 0 : i32
      %dma_start3A_214 = tpu.memref_slice %arg10[%add3A_32, %dma_start3A_213] : memref<10112x128xf32, #tpu.memory_space<vmem_shared>> -> memref<120x128xf32, #tpu.memory_space<vmem_shared>>
      %dma_start3A_215 = arith.constant 0 : i32
      %dma_start3A_216 = tpu.memref_slice %arg10[%add3A_32, %dma_start3A_215] : memref<10112x128xf32, #tpu.memory_space<vmem_shared>> -> memref<120x128xf32, #tpu.memory_space<vmem_shared>>
      %dma_start3A_217 = arith.constant 0 : i32
      %dma_start3A_218 = arith.constant 0 : i32
      %dma_start3A_219 = tpu.memref_slice %arg8[%dma_start3A_217, %dma_start3A_218] : memref<128x128xf32, #tpu.memory_space<vmem>> -> memref<120x128xf32, #tpu.memory_space<vmem>>
      tpu.enqueue_dma source(%dma_start3A_219 : memref<120x128xf32, #tpu.memory_space<vmem>>) target(%dma_start3A_216 : memref<120x128xf32, #tpu.memory_space<vmem_shared>>) target_semaphore(%run_scoped3A : memref<!tpu.dma_semaphore, #tpu.memory_space<semaphore_mem>>)
      %dma_wait3A = arith.constant 0 : i32
      %dma_wait3A_220 = arith.constant 0 : i32
      %dma_wait3A_221 = tpu.memref_slice %arg8[%dma_wait3A, %dma_wait3A_220] : memref<128x128xf32, #tpu.memory_space<vmem>> -> memref<120x128xf32, #tpu.memory_space<vmem>>
      %dma_wait3A_222 = arith.constant 0 : i32
      %dma_wait3A_223 = tpu.memref_slice %arg10[%add3A_32, %dma_wait3A_222] : memref<10112x128xf32, #tpu.memory_space<vmem_shared>> -> memref<120x128xf32, #tpu.memory_space<vmem_shared>>
      %dma_wait3A_224 = arith.constant 0 : i32
      %dma_wait3A_225 = tpu.memref_slice %arg10[%add3A_32, %dma_wait3A_224] : memref<10112x128xf32, #tpu.memory_space<vmem_shared>> -> memref<120x128xf32, #tpu.memory_space<vmem_shared>>
      %dma_wait3A_226 = arith.constant 0 : i32
      %dma_wait3A_227 = arith.constant 0 : i32
      %dma_wait3A_228 = tpu.memref_slice %arg8[%dma_wait3A_226, %dma_wait3A_227] : memref<128x128xf32, #tpu.memory_space<vmem>> -> memref<120x128xf32, #tpu.memory_space<vmem>>
      tpu.wait_dma2 semaphore(%run_scoped3A : memref<!tpu.dma_semaphore, #tpu.memory_space<semaphore_mem>>) src(%dma_wait3A_228 : memref<120x128xf32, #tpu.memory_space<vmem>>) dst(%dma_wait3A_225 : memref<120x128xf32, #tpu.memory_space<vmem_shared>>)
      tpu.yield
    }) : () -> ()
    %barrier3A = arith.constant 0 : index
    tpu.barrier barrier_id(%barrier3A)
    %get3A = arith.constant 0 : index
    %get3A_33 = tpu.vector_load %arg5[%get3A] {strides = array<i32>} : memref<10240xi32, #tpu.memory_space<vmem>>, vector<16xi32>,
    %get3A_34 = vector.shape_cast %get3A_33 : vector<16xi32> to vector<16xi32>
    %and3A = arith.constant 65535 : i32
    %and3A_35 = vector.broadcast %and3A : i32 to vector<16xi32>
    %and3A_36 = arith.andi %get3A_34, %and3A_35 : vector<16xi32>
    %swap3A = arith.constant 0 : i32
    %swap3A_37 = arith.index_cast %swap3A : i32 to index
    %swap3A_38 = arith.constant 0 : index
    %swap3A_39 = tpu.vector_load %arg6[%swap3A_37, %swap3A_38] {strides = array<i32>} : memref<2x128xi32, #tpu.memory_space<vmem>>, vector<1x16xi32>,
    %swap3A_40 = vector.shape_cast %swap3A_39 : vector<1x16xi32> to vector<16xi32>
    %swap3A_41 = vector.shape_cast %and3A_36 : vector<16xi32> to vector<1x16xi32>
    tpu.vector_store %arg6[%swap3A_37, %swap3A_38], %swap3A_41 {strides = array<i32>} : memref<2x128xi32, #tpu.memory_space<vmem>>, vector<1x16xi32>,
    %shift_right_logical3A = arith.constant 16 : i32
    %shift_right_logical3A_42 = vector.broadcast %shift_right_logical3A : i32 to vector<16xi32>
    %shift_right_logical3A_43 = arith.shrui %get3A_34, %shift_right_logical3A_42 : vector<16xi32>
    %swap3A_44 = arith.constant 0 : i32
    %swap3A_45 = arith.index_cast %swap3A_44 : i32 to index
    %swap3A_46 = arith.constant 0 : index
    %swap3A_47 = tpu.vector_load %arg7[%swap3A_45, %swap3A_46] {strides = array<i32>} : memref<2x128xi32, #tpu.memory_space<vmem>>, vector<1x16xi32>,
    %swap3A_48 = vector.shape_cast %swap3A_47 : vector<1x16xi32> to vector<16xi32>
    %swap3A_49 = vector.shape_cast %shift_right_logical3A_43 : vector<16xi32> to vector<1x16xi32>
    tpu.vector_store %arg7[%swap3A_45, %swap3A_46], %swap3A_49 {strides = array<i32>} : memref<2x128xi32, #tpu.memory_space<vmem>>, vector<1x16xi32>,
    %get3A_50 = arith.constant 16 : index
    %get3A_51 = tpu.vector_load %arg5[%get3A_50] {strides = array<i32>} : memref<10240xi32, #tpu.memory_space<vmem>>, vector<16xi32>,
    %get3A_52 = vector.shape_cast %get3A_51 : vector<16xi32> to vector<16xi32>
    %and3A_53 = arith.constant 65535 : i32
    %and3A_54 = vector.broadcast %and3A_53 : i32 to vector<16xi32>
    %and3A_55 = arith.andi %get3A_52, %and3A_54 : vector<16xi32>
    %swap3A_56 = arith.constant 0 : i32
    %swap3A_57 = arith.index_cast %swap3A_56 : i32 to index
    %swap3A_58 = arith.constant 16 : index
    %swap3A_59 = tpu.vector_load %arg6[%swap3A_57, %swap3A_58] {strides = array<i32>} : memref<2x128xi32, #tpu.memory_space<vmem>>, vector<1x16xi32>,
    %swap3A_60 = vector.shape_cast %swap3A_59 : vector<1x16xi32> to vector<16xi32>
    %swap3A_61 = vector.shape_cast %and3A_55 : vector<16xi32> to vector<1x16xi32>
    tpu.vector_store %arg6[%swap3A_57, %swap3A_58], %swap3A_61 {strides = array<i32>} : memref<2x128xi32, #tpu.memory_space<vmem>>, vector<1x16xi32>,
    %shift_right_logical3A_62 = arith.constant 16 : i32
    %shift_right_logical3A_63 = vector.broadcast %shift_right_logical3A_62 : i32 to vector<16xi32>
    %shift_right_logical3A_64 = arith.shrui %get3A_52, %shift_right_logical3A_63 : vector<16xi32>
    %swap3A_65 = arith.constant 0 : i32
    %swap3A_66 = arith.index_cast %swap3A_65 : i32 to index
    %swap3A_67 = arith.constant 16 : index
    %swap3A_68 = tpu.vector_load %arg7[%swap3A_66, %swap3A_67] {strides = array<i32>} : memref<2x128xi32, #tpu.memory_space<vmem>>, vector<1x16xi32>,
    %swap3A_69 = vector.shape_cast %swap3A_68 : vector<1x16xi32> to vector<16xi32>
    %swap3A_70 = vector.shape_cast %shift_right_logical3A_64 : vector<16xi32> to vector<1x16xi32>
    tpu.vector_store %arg7[%swap3A_66, %swap3A_67], %swap3A_70 {strides = array<i32>} : memref<2x128xi32, #tpu.memory_space<vmem>>, vector<1x16xi32>,
    %get3A_71 = arith.constant 32 : index
    %get3A_72 = tpu.vector_load %arg5[%get3A_71] {strides = array<i32>} : memref<10240xi32, #tpu.memory_space<vmem>>, vector<16xi32>,
    %get3A_73 = vector.shape_cast %get3A_72 : vector<16xi32> to vector<16xi32>
    %and3A_74 = arith.constant 65535 : i32
    %and3A_75 = vector.broadcast %and3A_74 : i32 to vector<16xi32>
    %and3A_76 = arith.andi %get3A_73, %and3A_75 : vector<16xi32>
    %swap3A_77 = arith.constant 0 : i32
    %swap3A_78 = arith.index_cast %swap3A_77 : i32 to index
    %swap3A_79 = arith.constant 32 : index
    %swap3A_80 = tpu.vector_load %arg6[%swap3A_78, %swap3A_79] {strides = array<i32>} : memref<2x128xi32, #tpu.memory_space<vmem>>, vector<1x16xi32>,
    %swap3A_81 = vector.shape_cast %swap3A_80 : vector<1x16xi32> to vector<16xi32>
    %swap3A_82 = vector.shape_cast %and3A_76 : vector<16xi32> to vector<1x16xi32>
    tpu.vector_store %arg6[%swap3A_78, %swap3A_79], %swap3A_82 {strides = array<i32>} : memref<2x128xi32, #tpu.memory_space<vmem>>, vector<1x16xi32>,
    %shift_right_logical3A_83 = arith.constant 16 : i32
    %shift_right_logical3A_84 = vector.broadcast %shift_right_logical3A_83 : i32 to vector<16xi32>
    %shift_right_logical3A_85 = arith.shrui %get3A_73, %shift_right_logical3A_84 : vector<16xi32>
    %swap3A_86 = arith.constant 0 : i32
    %swap3A_87 = arith.index_cast %swap3A_86 : i32 to index
    %swap3A_88 = arith.constant 32 : index
    %swap3A_89 = tpu.vector_load %arg7[%swap3A_87, %swap3A_88] {strides = array<i32>} : memref<2x128xi32, #tpu.memory_space<vmem>>, vector<1x16xi32>,
    %swap3A_90 = vector.shape_cast %swap3A_89 : vector<1x16xi32> to vector<16xi32>
    %swap3A_91 = vector.shape_cast %shift_right_logical3A_85 : vector<16xi32> to vector<1x16xi32>
    tpu.vector_store %arg7[%swap3A_87, %swap3A_88], %swap3A_91 {strides = array<i32>} : memref<2x128xi32, #tpu.memory_space<vmem>>, vector<1x16xi32>,
    %get3A_92 = arith.constant 48 : index
    %get3A_93 = tpu.vector_load %arg5[%get3A_92] {strides = array<i32>} : memref<10240xi32, #tpu.memory_space<vmem>>, vector<16xi32>,
    %get3A_94 = vector.shape_cast %get3A_93 : vector<16xi32> to vector<16xi32>
    %and3A_95 = arith.constant 65535 : i32
    %and3A_96 = vector.broadcast %and3A_95 : i32 to vector<16xi32>
    %and3A_97 = arith.andi %get3A_94, %and3A_96 : vector<16xi32>
    %swap3A_98 = arith.constant 0 : i32
    %swap3A_99 = arith.index_cast %swap3A_98 : i32 to index
    %swap3A_100 = arith.constant 48 : index
    %swap3A_101 = tpu.vector_load %arg6[%swap3A_99, %swap3A_100] {strides = array<i32>} : memref<2x128xi32, #tpu.memory_space<vmem>>, vector<1x16xi32>,
    %swap3A_102 = vector.shape_cast %swap3A_101 : vector<1x16xi32> to vector<16xi32>
    %swap3A_103 = vector.shape_cast %and3A_97 : vector<16xi32> to vector<1x16xi32>
    tpu.vector_store %arg6[%swap3A_99, %swap3A_100], %swap3A_103 {strides = array<i32>} : memref<2x128xi32, #tpu.memory_space<vmem>>, vector<1x16xi32>,
    %shift_right_logical3A_104 = arith.constant 16 : i32
    %shift_right_logical3A_105 = vector.broadcast %shift_right_logical3A_104 : i32 to vector<16xi32>
    %shift_right_logical3A_106 = arith.shrui %get3A_94, %shift_right_logical3A_105 : vector<16xi32>
    %swap3A_107 = arith.constant 0 : i32
    %swap3A_108 = arith.index_cast %swap3A_107 : i32 to index
    %swap3A_109 = arith.constant 48 : index
    %swap3A_110 = tpu.vector_load %arg7[%swap3A_108, %swap3A_109] {strides = array<i32>} : memref<2x128xi32, #tpu.memory_space<vmem>>, vector<1x16xi32>,
    %swap3A_111 = vector.shape_cast %swap3A_110 : vector<1x16xi32> to vector<16xi32>
    %swap3A_112 = vector.shape_cast %shift_right_logical3A_106 : vector<16xi32> to vector<1x16xi32>
    tpu.vector_store %arg7[%swap3A_108, %swap3A_109], %swap3A_112 {strides = array<i32>} : memref<2x128xi32, #tpu.memory_space<vmem>>, vector<1x16xi32>,
    %get3A_113 = arith.constant 64 : index
    %get3A_114 = tpu.vector_load %arg5[%get3A_113] {strides = array<i32>} : memref<10240xi32, #tpu.memory_space<vmem>>, vector<16xi32>,
    %get3A_115 = vector.shape_cast %get3A_114 : vector<16xi32> to vector<16xi32>
    %and3A_116 = arith.constant 65535 : i32
    %and3A_117 = vector.broadcast %and3A_116 : i32 to vector<16xi32>
    %and3A_118 = arith.andi %get3A_115, %and3A_117 : vector<16xi32>
    %swap3A_119 = arith.constant 0 : i32
    %swap3A_120 = arith.index_cast %swap3A_119 : i32 to index
    %swap3A_121 = arith.constant 64 : index
    %swap3A_122 = tpu.vector_load %arg6[%swap3A_120, %swap3A_121] {strides = array<i32>} : memref<2x128xi32, #tpu.memory_space<vmem>>, vector<1x16xi32>,
    %swap3A_123 = vector.shape_cast %swap3A_122 : vector<1x16xi32> to vector<16xi32>
    %swap3A_124 = vector.shape_cast %and3A_118 : vector<16xi32> to vector<1x16xi32>
    tpu.vector_store %arg6[%swap3A_120, %swap3A_121], %swap3A_124 {strides = array<i32>} : memref<2x128xi32, #tpu.memory_space<vmem>>, vector<1x16xi32>,
    %shift_right_logical3A_125 = arith.constant 16 : i32
    %shift_right_logical3A_126 = vector.broadcast %shift_right_logical3A_125 : i32 to vector<16xi32>
    %shift_right_logical3A_127 = arith.shrui %get3A_115, %shift_right_logical3A_126 : vector<16xi32>
    %swap3A_128 = arith.constant 0 : i32
    %swap3A_129 = arith.index_cast %swap3A_128 : i32 to index
    %swap3A_130 = arith.constant 64 : index
    %swap3A_131 = tpu.vector_load %arg7[%swap3A_129, %swap3A_130] {strides = array<i32>} : memref<2x128xi32, #tpu.memory_space<vmem>>, vector<1x16xi32>,
    %swap3A_132 = vector.shape_cast %swap3A_131 : vector<1x16xi32> to vector<16xi32>
    %swap3A_133 = vector.shape_cast %shift_right_logical3A_127 : vector<16xi32> to vector<1x16xi32>
    tpu.vector_store %arg7[%swap3A_129, %swap3A_130], %swap3A_133 {strides = array<i32>} : memref<2x128xi32, #tpu.memory_space<vmem>>, vector<1x16xi32>,
    %get3A_134 = arith.constant 80 : index
    %get3A_135 = tpu.vector_load %arg5[%get3A_134] {strides = array<i32>} : memref<10240xi32, #tpu.memory_space<vmem>>, vector<16xi32>,
    %get3A_136 = vector.shape_cast %get3A_135 : vector<16xi32> to vector<16xi32>
    %and3A_137 = arith.constant 65535 : i32
    %and3A_138 = vector.broadcast %and3A_137 : i32 to vector<16xi32>
    %and3A_139 = arith.andi %get3A_136, %and3A_138 : vector<16xi32>
    %swap3A_140 = arith.constant 0 : i32
    %swap3A_141 = arith.index_cast %swap3A_140 : i32 to index
    %swap3A_142 = arith.constant 80 : index
    %swap3A_143 = tpu.vector_load %arg6[%swap3A_141, %swap3A_142] {strides = array<i32>} : memref<2x128xi32, #tpu.memory_space<vmem>>, vector<1x16xi32>,
    %swap3A_144 = vector.shape_cast %swap3A_143 : vector<1x16xi32> to vector<16xi32>
    %swap3A_145 = vector.shape_cast %and3A_139 : vector<16xi32> to vector<1x16xi32>
    tpu.vector_store %arg6[%swap3A_141, %swap3A_142], %swap3A_145 {strides = array<i32>} : memref<2x128xi32, #tpu.memory_space<vmem>>, vector<1x16xi32>,
    %shift_right_logical3A_146 = arith.constant 16 : i32
    %shift_right_logical3A_147 = vector.broadcast %shift_right_logical3A_146 : i32 to vector<16xi32>
    %shift_right_logical3A_148 = arith.shrui %get3A_136, %shift_right_logical3A_147 : vector<16xi32>
    %swap3A_149 = arith.constant 0 : i32
    %swap3A_150 = arith.index_cast %swap3A_149 : i32 to index
    %swap3A_151 = arith.constant 80 : index
    %swap3A_152 = tpu.vector_load %arg7[%swap3A_150, %swap3A_151] {strides = array<i32>} : memref<2x128xi32, #tpu.memory_space<vmem>>, vector<1x16xi32>,
    %swap3A_153 = vector.shape_cast %swap3A_152 : vector<1x16xi32> to vector<16xi32>
    %swap3A_154 = vector.shape_cast %shift_right_logical3A_148 : vector<16xi32> to vector<1x16xi32>
    tpu.vector_store %arg7[%swap3A_150, %swap3A_151], %swap3A_154 {strides = array<i32>} : memref<2x128xi32, #tpu.memory_space<vmem>>, vector<1x16xi32>,
    %get3A_155 = arith.constant 96 : index
    %get3A_156 = tpu.vector_load %arg5[%get3A_155] {strides = array<i32>} : memref<10240xi32, #tpu.memory_space<vmem>>, vector<16xi32>,
    %get3A_157 = vector.shape_cast %get3A_156 : vector<16xi32> to vector<16xi32>
    %and3A_158 = arith.constant 65535 : i32
    %and3A_159 = vector.broadcast %and3A_158 : i32 to vector<16xi32>
    %and3A_160 = arith.andi %get3A_157, %and3A_159 : vector<16xi32>
    %swap3A_161 = arith.constant 0 : i32
    %swap3A_162 = arith.index_cast %swap3A_161 : i32 to index
    %swap3A_163 = arith.constant 96 : index
    %swap3A_164 = tpu.vector_load %arg6[%swap3A_162, %swap3A_163] {strides = array<i32>} : memref<2x128xi32, #tpu.memory_space<vmem>>, vector<1x16xi32>,
    %swap3A_165 = vector.shape_cast %swap3A_164 : vector<1x16xi32> to vector<16xi32>
    %swap3A_166 = vector.shape_cast %and3A_160 : vector<16xi32> to vector<1x16xi32>
    tpu.vector_store %arg6[%swap3A_162, %swap3A_163], %swap3A_166 {strides = array<i32>} : memref<2x128xi32, #tpu.memory_space<vmem>>, vector<1x16xi32>,
    %shift_right_logical3A_167 = arith.constant 16 : i32
    %shift_right_logical3A_168 = vector.broadcast %shift_right_logical3A_167 : i32 to vector<16xi32>
    %shift_right_logical3A_169 = arith.shrui %get3A_157, %shift_right_logical3A_168 : vector<16xi32>
    %swap3A_170 = arith.constant 0 : i32
    %swap3A_171 = arith.index_cast %swap3A_170 : i32 to index
    %swap3A_172 = arith.constant 96 : index
    %swap3A_173 = tpu.vector_load %arg7[%swap3A_171, %swap3A_172] {strides = array<i32>} : memref<2x128xi32, #tpu.memory_space<vmem>>, vector<1x16xi32>,
    %swap3A_174 = vector.shape_cast %swap3A_173 : vector<1x16xi32> to vector<16xi32>
    %swap3A_175 = vector.shape_cast %shift_right_logical3A_169 : vector<16xi32> to vector<1x16xi32>
    tpu.vector_store %arg7[%swap3A_171, %swap3A_172], %swap3A_175 {strides = array<i32>} : memref<2x128xi32, #tpu.memory_space<vmem>>, vector<1x16xi32>,
    %get3A_176 = arith.constant 112 : index
    %get3A_177 = tpu.vector_load %arg5[%get3A_176] {strides = array<i32>} : memref<10240xi32, #tpu.memory_space<vmem>>, vector<16xi32>,
    %get3A_178 = vector.shape_cast %get3A_177 : vector<16xi32> to vector<16xi32>
    %and3A_179 = arith.constant 65535 : i32
    %and3A_180 = vector.broadcast %and3A_179 : i32 to vector<16xi32>
    %and3A_181 = arith.andi %get3A_178, %and3A_180 : vector<16xi32>
    %swap3A_182 = arith.constant 0 : i32
    %swap3A_183 = arith.index_cast %swap3A_182 : i32 to index
    %swap3A_184 = arith.constant 112 : index
    %swap3A_185 = tpu.vector_load %arg6[%swap3A_183, %swap3A_184] {strides = array<i32>} : memref<2x128xi32, #tpu.memory_space<vmem>>, vector<1x16xi32>,
    %swap3A_186 = vector.shape_cast %swap3A_185 : vector<1x16xi32> to vector<16xi32>
    %swap3A_187 = vector.shape_cast %and3A_181 : vector<16xi32> to vector<1x16xi32>
    tpu.vector_store %arg6[%swap3A_183, %swap3A_184], %swap3A_187 {strides = array<i32>} : memref<2x128xi32, #tpu.memory_space<vmem>>, vector<1x16xi32>,
    %shift_right_logical3A_188 = arith.constant 16 : i32
    %shift_right_logical3A_189 = vector.broadcast %shift_right_logical3A_188 : i32 to vector<16xi32>
    %shift_right_logical3A_190 = arith.shrui %get3A_178, %shift_right_logical3A_189 : vector<16xi32>
    %swap3A_191 = arith.constant 0 : i32
    %swap3A_192 = arith.index_cast %swap3A_191 : i32 to index
    %swap3A_193 = arith.constant 112 : index
    %swap3A_194 = tpu.vector_load %arg7[%swap3A_192, %swap3A_193] {strides = array<i32>} : memref<2x128xi32, #tpu.memory_space<vmem>>, vector<1x16xi32>,
    %swap3A_195 = vector.shape_cast %swap3A_194 : vector<1x16xi32> to vector<16xi32>
    %swap3A_196 = vector.shape_cast %shift_right_logical3A_190 : vector<16xi32> to vector<1x16xi32>
    tpu.vector_store %arg7[%swap3A_192, %swap3A_193], %swap3A_196 {strides = array<i32>} : memref<2x128xi32, #tpu.memory_space<vmem>>, vector<1x16xi32>,
    %dma_start3A = arith.constant 0 : i32
    %dma_start3A_197 = arith.constant 0 : i32
    %dma_start3A_198 = tpu.memref_slice %arg6[%dma_start3A, %dma_start3A_197] : memref<2x128xi32, #tpu.memory_space<vmem>> -> memref<1x128xi32, #tpu.memory_space<vmem>>
    %dma_start3A_199 = tpu.memref_squeeze %dma_start3A_198 : memref<1x128xi32, #tpu.memory_space<vmem>> -> memref<128xi32, #tpu.memory_space<vmem>>
    %dma_start3A_200 = arith.constant 0 : i32
    %dma_start3A_201 = arith.constant 0 : i32
    %dma_start3A_202 = tpu.memref_slice %arg2[%dma_start3A_200, %dma_start3A_201] : memref<10000x128xf32, #tpu.memory_space<hbm>> -> memref<10000x128xf32, #tpu.memory_space<hbm>>
    tpu.enqueue_indirect_dma source(%dma_start3A_202 : memref<10000x128xf32, #tpu.memory_space<hbm>>) target(%arg8 : memref<128x128xf32, #tpu.memory_space<vmem>>) offsets(%dma_start3A_199 : memref<128xi32, #tpu.memory_space<vmem>>) semaphore(%arg11 : memref<!tpu.dma_semaphore, #tpu.memory_space<semaphore_mem>>)
    %scan3A_203 = arith.constant 0 : i32
    %scan3A_204 = arith.constant 0 : i32
    %scan3A_205 = arith.constant 40 : i32
    %scan3A_206 = arith.addi %scan3A_204, %scan3A_205 : i32
    %scan3A_207 = arith.constant 1 : i32
    scf.for %scan3A_210 = %scan3A_204 to %scan3A_206 step %scan3A_207  : i32 {
      %mul3A_211 = arith.constant 2 : i32
      %mul3A_212 = arith.muli %mul3A_211, %scan3A_210 : i32
      %add3A_213 = arith.constant 1 : i32
      %add3A_214 = arith.addi %mul3A_212, %add3A_213 : i32
      %mul3A_215 = arith.constant 128 : i32
      %mul3A_216 = arith.muli %add3A_214, %mul3A_215 : i32
      %add3A_217 = arith.constant 0 : i32
      %add3A_218 = arith.addi %mul3A_216, %add3A_217 : i32
      %get3A_219 = arith.index_cast %add3A_218 : i32 to index
      %get3A_220 = tpu.vector_load %arg5[%get3A_219] {strides = array<i32>} : memref<10240xi32, #tpu.memory_space<vmem>>, vector<16xi32>,
      %get3A_221 = vector.shape_cast %get3A_220 : vector<16xi32> to vector<16xi32>
      %and3A_222 = arith.constant 65535 : i32
      %and3A_223 = vector.broadcast %and3A_222 : i32 to vector<16xi32>
      %and3A_224 = arith.andi %get3A_221, %and3A_223 : vector<16xi32>
      %swap3A_225 = arith.constant 1 : i32
      %swap3A_226 = arith.index_cast %swap3A_225 : i32 to index
      %swap3A_227 = arith.constant 0 : index
      %swap3A_228 = tpu.vector_load %arg6[%swap3A_226, %swap3A_227] {strides = array<i32>} : memref<2x128xi32, #tpu.memory_space<vmem>>, vector<1x16xi32>,
      %swap3A_229 = vector.shape_cast %swap3A_228 : vector<1x16xi32> to vector<16xi32>
      %swap3A_230 = vector.shape_cast %and3A_224 : vector<16xi32> to vector<1x16xi32>
      tpu.vector_store %arg6[%swap3A_226, %swap3A_227], %swap3A_230 {strides = array<i32>} : memref<2x128xi32, #tpu.memory_space<vmem>>, vector<1x16xi32>,
      %shift_right_logical3A_231 = arith.constant 16 : i32
      %shift_right_logical3A_232 = vector.broadcast %shift_right_logical3A_231 : i32 to vector<16xi32>
      %shift_right_logical3A_233 = arith.shrui %get3A_221, %shift_right_logical3A_232 : vector<16xi32>
      %swap3A_234 = arith.constant 1 : i32
      %swap3A_235 = arith.index_cast %swap3A_234 : i32 to index
      %swap3A_236 = arith.constant 0 : index
      %swap3A_237 = tpu.vector_load %arg7[%swap3A_235, %swap3A_236] {strides = array<i32>} : memref<2x128xi32, #tpu.memory_space<vmem>>, vector<1x16xi32>,
      %swap3A_238 = vector.shape_cast %swap3A_237 : vector<1x16xi32> to vector<16xi32>
      %swap3A_239 = vector.shape_cast %shift_right_logical3A_233 : vector<16xi32> to vector<1x16xi32>
      tpu.vector_store %arg7[%swap3A_235, %swap3A_236], %swap3A_239 {strides = array<i32>} : memref<2x128xi32, #tpu.memory_space<vmem>>, vector<1x16xi32>,
      %mul3A_240 = arith.constant 128 : i32
      %mul3A_241 = arith.muli %add3A_214, %mul3A_240 : i32
      %add3A_242 = arith.constant 16 : i32
      %add3A_243 = arith.addi %mul3A_241, %add3A_242 : i32
      %get3A_244 = arith.index_cast %add3A_243 : i32 to index
      %get3A_245 = tpu.vector_load %arg5[%get3A_244] {strides = array<i32>} : memref<10240xi32, #tpu.memory_space<vmem>>, vector<16xi32>,
      %get3A_246 = vector.shape_cast %get3A_245 : vector<16xi32> to vector<16xi32>
      %and3A_247 = arith.constant 65535 : i32
      %and3A_248 = vector.broadcast %and3A_247 : i32 to vector<16xi32>
      %and3A_249 = arith.andi %get3A_246, %and3A_248 : vector<16xi32>
      %swap3A_250 = arith.constant 1 : i32
      %swap3A_251 = arith.index_cast %swap3A_250 : i32 to index
      %swap3A_252 = arith.constant 16 : index
      %swap3A_253 = tpu.vector_load %arg6[%swap3A_251, %swap3A_252] {strides = array<i32>} : memref<2x128xi32, #tpu.memory_space<vmem>>, vector<1x16xi32>,
      %swap3A_254 = vector.shape_cast %swap3A_253 : vector<1x16xi32> to vector<16xi32>
      %swap3A_255 = vector.shape_cast %and3A_249 : vector<16xi32> to vector<1x16xi32>
      tpu.vector_store %arg6[%swap3A_251, %swap3A_252], %swap3A_255 {strides = array<i32>} : memref<2x128xi32, #tpu.memory_space<vmem>>, vector<1x16xi32>,
      %shift_right_logical3A_256 = arith.constant 16 : i32
      %shift_right_logical3A_257 = vector.broadcast %shift_right_logical3A_256 : i32 to vector<16xi32>
      %shift_right_logical3A_258 = arith.shrui %get3A_246, %shift_right_logical3A_257 : vector<16xi32>
      %swap3A_259 = arith.constant 1 : i32
      %swap3A_260 = arith.index_cast %swap3A_259 : i32 to index
      %swap3A_261 = arith.constant 16 : index
      %swap3A_262 = tpu.vector_load %arg7[%swap3A_260, %swap3A_261] {strides = array<i32>} : memref<2x128xi32, #tpu.memory_space<vmem>>, vector<1x16xi32>,
      %swap3A_263 = vector.shape_cast %swap3A_262 : vector<1x16xi32> to vector<16xi32>
      %swap3A_264 = vector.shape_cast %shift_right_logical3A_258 : vector<16xi32> to vector<1x16xi32>
      tpu.vector_store %arg7[%swap3A_260, %swap3A_261], %swap3A_264 {strides = array<i32>} : memref<2x128xi32, #tpu.memory_space<vmem>>, vector<1x16xi32>,
      %mul3A_265 = arith.constant 128 : i32
      %mul3A_266 = arith.muli %add3A_214, %mul3A_265 : i32
      %add3A_267 = arith.constant 32 : i32
      %add3A_268 = arith.addi %mul3A_266, %add3A_267 : i32
      %get3A_269 = arith.index_cast %add3A_268 : i32 to index
      %get3A_270 = tpu.vector_load %arg5[%get3A_269] {strides = array<i32>} : memref<10240xi32, #tpu.memory_space<vmem>>, vector<16xi32>,
      %get3A_271 = vector.shape_cast %get3A_270 : vector<16xi32> to vector<16xi32>
      %and3A_272 = arith.constant 65535 : i32
      %and3A_273 = vector.broadcast %and3A_272 : i32 to vector<16xi32>
      %and3A_274 = arith.andi %get3A_271, %and3A_273 : vector<16xi32>
      %swap3A_275 = arith.constant 1 : i32
      %swap3A_276 = arith.index_cast %swap3A_275 : i32 to index
      %swap3A_277 = arith.constant 32 : index
      %swap3A_278 = tpu.vector_load %arg6[%swap3A_276, %swap3A_277] {strides = array<i32>} : memref<2x128xi32, #tpu.memory_space<vmem>>, vector<1x16xi32>,
      %swap3A_279 = vector.shape_cast %swap3A_278 : vector<1x16xi32> to vector<16xi32>
      %swap3A_280 = vector.shape_cast %and3A_274 : vector<16xi32> to vector<1x16xi32>
      tpu.vector_store %arg6[%swap3A_276, %swap3A_277], %swap3A_280 {strides = array<i32>} : memref<2x128xi32, #tpu.memory_space<vmem>>, vector<1x16xi32>,
      %shift_right_logical3A_281 = arith.constant 16 : i32
      %shift_right_logical3A_282 = vector.broadcast %shift_right_logical3A_281 : i32 to vector<16xi32>
      %shift_right_logical3A_283 = arith.shrui %get3A_271, %shift_right_logical3A_282 : vector<16xi32>
      %swap3A_284 = arith.constant 1 : i32
      %swap3A_285 = arith.index_cast %swap3A_284 : i32 to index
      %swap3A_286 = arith.constant 32 : index
      %swap3A_287 = tpu.vector_load %arg7[%swap3A_285, %swap3A_286] {strides = array<i32>} : memref<2x128xi32, #tpu.memory_space<vmem>>, vector<1x16xi32>,
      %swap3A_288 = vector.shape_cast %swap3A_287 : vector<1x16xi32> to vector<16xi32>
      %swap3A_289 = vector.shape_cast %shift_right_logical3A_283 : vector<16xi32> to vector<1x16xi32>
      tpu.vector_store %arg7[%swap3A_285, %swap3A_286], %swap3A_289 {strides = array<i32>} : memref<2x128xi32, #tpu.memory_space<vmem>>, vector<1x16xi32>,
      %mul3A_290 = arith.constant 128 : i32
      %mul3A_291 = arith.muli %add3A_214, %mul3A_290 : i32
      %add3A_292 = arith.constant 48 : i32
      %add3A_293 = arith.addi %mul3A_291, %add3A_292 : i32
      %get3A_294 = arith.index_cast %add3A_293 : i32 to index
      %get3A_295 = tpu.vector_load %arg5[%get3A_294] {strides = array<i32>} : memref<10240xi32, #tpu.memory_space<vmem>>, vector<16xi32>,
      %get3A_296 = vector.shape_cast %get3A_295 : vector<16xi32> to vector<16xi32>
      %and3A_297 = arith.constant 65535 : i32
      %and3A_298 = vector.broadcast %and3A_297 : i32 to vector<16xi32>
      %and3A_299 = arith.andi %get3A_296, %and3A_298 : vector<16xi32>
      %swap3A_300 = arith.constant 1 : i32
      %swap3A_301 = arith.index_cast %swap3A_300 : i32 to index
      %swap3A_302 = arith.constant 48 : index
      %swap3A_303 = tpu.vector_load %arg6[%swap3A_301, %swap3A_302] {strides = array<i32>} : memref<2x128xi32, #tpu.memory_space<vmem>>, vector<1x16xi32>,
      %swap3A_304 = vector.shape_cast %swap3A_303 : vector<1x16xi32> to vector<16xi32>
      %swap3A_305 = vector.shape_cast %and3A_299 : vector<16xi32> to vector<1x16xi32>
      tpu.vector_store %arg6[%swap3A_301, %swap3A_302], %swap3A_305 {strides = array<i32>} : memref<2x128xi32, #tpu.memory_space<vmem>>, vector<1x16xi32>,
      %shift_right_logical3A_306 = arith.constant 16 : i32
      %shift_right_logical3A_307 = vector.broadcast %shift_right_logical3A_306 : i32 to vector<16xi32>
      %shift_right_logical3A_308 = arith.shrui %get3A_296, %shift_right_logical3A_307 : vector<16xi32>
      %swap3A_309 = arith.constant 1 : i32
      %swap3A_310 = arith.index_cast %swap3A_309 : i32 to index
      %swap3A_311 = arith.constant 48 : index
      %swap3A_312 = tpu.vector_load %arg7[%swap3A_310, %swap3A_311] {strides = array<i32>} : memref<2x128xi32, #tpu.memory_space<vmem>>, vector<1x16xi32>,
      %swap3A_313 = vector.shape_cast %swap3A_312 : vector<1x16xi32> to vector<16xi32>
      %swap3A_314 = vector.shape_cast %shift_right_logical3A_308 : vector<16xi32> to vector<1x16xi32>
      tpu.vector_store %arg7[%swap3A_310, %swap3A_311], %swap3A_314 {strides = array<i32>} : memref<2x128xi32, #tpu.memory_space<vmem>>, vector<1x16xi32>,
      %mul3A_315 = arith.constant 128 : i32
      %mul3A_316 = arith.muli %add3A_214, %mul3A_315 : i32
      %add3A_317 = arith.constant 64 : i32
      %add3A_318 = arith.addi %mul3A_316, %add3A_317 : i32
      %get3A_319 = arith.index_cast %add3A_318 : i32 to index
      %get3A_320 = tpu.vector_load %arg5[%get3A_319] {strides = array<i32>} : memref<10240xi32, #tpu.memory_space<vmem>>, vector<16xi32>,
      %get3A_321 = vector.shape_cast %get3A_320 : vector<16xi32> to vector<16xi32>
      %and3A_322 = arith.constant 65535 : i32
      %and3A_323 = vector.broadcast %and3A_322 : i32 to vector<16xi32>
      %and3A_324 = arith.andi %get3A_321, %and3A_323 : vector<16xi32>
      %swap3A_325 = arith.constant 1 : i32
      %swap3A_326 = arith.index_cast %swap3A_325 : i32 to index
      %swap3A_327 = arith.constant 64 : index
      %swap3A_328 = tpu.vector_load %arg6[%swap3A_326, %swap3A_327] {strides = array<i32>} : memref<2x128xi32, #tpu.memory_space<vmem>>, vector<1x16xi32>,
      %swap3A_329 = vector.shape_cast %swap3A_328 : vector<1x16xi32> to vector<16xi32>
      %swap3A_330 = vector.shape_cast %and3A_324 : vector<16xi32> to vector<1x16xi32>
      tpu.vector_store %arg6[%swap3A_326, %swap3A_327], %swap3A_330 {strides = array<i32>} : memref<2x128xi32, #tpu.memory_space<vmem>>, vector<1x16xi32>,
      %shift_right_logical3A_331 = arith.constant 16 : i32
      %shift_right_logical3A_332 = vector.broadcast %shift_right_logical3A_331 : i32 to vector<16xi32>
      %shift_right_logical3A_333 = arith.shrui %get3A_321, %shift_right_logical3A_332 : vector<16xi32>
      %swap3A_334 = arith.constant 1 : i32
      %swap3A_335 = arith.index_cast %swap3A_334 : i32 to index
      %swap3A_336 = arith.constant 64 : index
      %swap3A_337 = tpu.vector_load %arg7[%swap3A_335, %swap3A_336] {strides = array<i32>} : memref<2x128xi32, #tpu.memory_space<vmem>>, vector<1x16xi32>,
      %swap3A_338 = vector.shape_cast %swap3A_337 : vector<1x16xi32> to vector<16xi32>
      %swap3A_339 = vector.shape_cast %shift_right_logical3A_333 : vector<16xi32> to vector<1x16xi32>
      tpu.vector_store %arg7[%swap3A_335, %swap3A_336], %swap3A_339 {strides = array<i32>} : memref<2x128xi32, #tpu.memory_space<vmem>>, vector<1x16xi32>,
      %mul3A_340 = arith.constant 128 : i32
      %mul3A_341 = arith.muli %add3A_214, %mul3A_340 : i32
      %add3A_342 = arith.constant 80 : i32
      %add3A_343 = arith.addi %mul3A_341, %add3A_342 : i32
      %get3A_344 = arith.index_cast %add3A_343 : i32 to index
      %get3A_345 = tpu.vector_load %arg5[%get3A_344] {strides = array<i32>} : memref<10240xi32, #tpu.memory_space<vmem>>, vector<16xi32>,
      %get3A_346 = vector.shape_cast %get3A_345 : vector<16xi32> to vector<16xi32>
      %and3A_347 = arith.constant 65535 : i32
      %and3A_348 = vector.broadcast %and3A_347 : i32 to vector<16xi32>
      %and3A_349 = arith.andi %get3A_346, %and3A_348 : vector<16xi32>
      %swap3A_350 = arith.constant 1 : i32
      %swap3A_351 = arith.index_cast %swap3A_350 : i32 to index
      %swap3A_352 = arith.constant 80 : index
      %swap3A_353 = tpu.vector_load %arg6[%swap3A_351, %swap3A_352] {strides = array<i32>} : memref<2x128xi32, #tpu.memory_space<vmem>>, vector<1x16xi32>,
      %swap3A_354 = vector.shape_cast %swap3A_353 : vector<1x16xi32> to vector<16xi32>
      %swap3A_355 = vector.shape_cast %and3A_349 : vector<16xi32> to vector<1x16xi32>
      tpu.vector_store %arg6[%swap3A_351, %swap3A_352], %swap3A_355 {strides = array<i32>} : memref<2x128xi32, #tpu.memory_space<vmem>>, vector<1x16xi32>,
      %shift_right_logical3A_356 = arith.constant 16 : i32
      %shift_right_logical3A_357 = vector.broadcast %shift_right_logical3A_356 : i32 to vector<16xi32>
      %shift_right_logical3A_358 = arith.shrui %get3A_346, %shift_right_logical3A_357 : vector<16xi32>
      %swap3A_359 = arith.constant 1 : i32
      %swap3A_360 = arith.index_cast %swap3A_359 : i32 to index
      %swap3A_361 = arith.constant 80 : index
      %swap3A_362 = tpu.vector_load %arg7[%swap3A_360, %swap3A_361] {strides = array<i32>} : memref<2x128xi32, #tpu.memory_space<vmem>>, vector<1x16xi32>,
      %swap3A_363 = vector.shape_cast %swap3A_362 : vector<1x16xi32> to vector<16xi32>
      %swap3A_364 = vector.shape_cast %shift_right_logical3A_358 : vector<16xi32> to vector<1x16xi32>
      tpu.vector_store %arg7[%swap3A_360, %swap3A_361], %swap3A_364 {strides = array<i32>} : memref<2x128xi32, #tpu.memory_space<vmem>>, vector<1x16xi32>,
      %mul3A_365 = arith.constant 128 : i32
      %mul3A_366 = arith.muli %add3A_214, %mul3A_365 : i32
      %add3A_367 = arith.constant 96 : i32
      %add3A_368 = arith.addi %mul3A_366, %add3A_367 : i32
      %get3A_369 = arith.index_cast %add3A_368 : i32 to index
      %get3A_370 = tpu.vector_load %arg5[%get3A_369] {strides = array<i32>} : memref<10240xi32, #tpu.memory_space<vmem>>, vector<16xi32>,
      %get3A_371 = vector.shape_cast %get3A_370 : vector<16xi32> to vector<16xi32>
      %and3A_372 = arith.constant 65535 : i32
      %and3A_373 = vector.broadcast %and3A_372 : i32 to vector<16xi32>
      %and3A_374 = arith.andi %get3A_371, %and3A_373 : vector<16xi32>
      %swap3A_375 = arith.constant 1 : i32
      %swap3A_376 = arith.index_cast %swap3A_375 : i32 to index
      %swap3A_377 = arith.constant 96 : index
      %swap3A_378 = tpu.vector_load %arg6[%swap3A_376, %swap3A_377] {strides = array<i32>} : memref<2x128xi32, #tpu.memory_space<vmem>>, vector<1x16xi32>,
      %swap3A_379 = vector.shape_cast %swap3A_378 : vector<1x16xi32> to vector<16xi32>
      %swap3A_380 = vector.shape_cast %and3A_374 : vector<16xi32> to vector<1x16xi32>
      tpu.vector_store %arg6[%swap3A_376, %swap3A_377], %swap3A_380 {strides = array<i32>} : memref<2x128xi32, #tpu.memory_space<vmem>>, vector<1x16xi32>,
      %shift_right_logical3A_381 = arith.constant 16 : i32
      %shift_right_logical3A_382 = vector.broadcast %shift_right_logical3A_381 : i32 to vector<16xi32>
      %shift_right_logical3A_383 = arith.shrui %get3A_371, %shift_right_logical3A_382 : vector<16xi32>
      %swap3A_384 = arith.constant 1 : i32
      %swap3A_385 = arith.index_cast %swap3A_384 : i32 to index
      %swap3A_386 = arith.constant 96 : index
      %swap3A_387 = tpu.vector_load %arg7[%swap3A_385, %swap3A_386] {strides = array<i32>} : memref<2x128xi32, #tpu.memory_space<vmem>>, vector<1x16xi32>,
      %swap3A_388 = vector.shape_cast %swap3A_387 : vector<1x16xi32> to vector<16xi32>
      %swap3A_389 = vector.shape_cast %shift_right_logical3A_383 : vector<16xi32> to vector<1x16xi32>
      tpu.vector_store %arg7[%swap3A_385, %swap3A_386], %swap3A_389 {strides = array<i32>} : memref<2x128xi32, #tpu.memory_space<vmem>>, vector<1x16xi32>,
      %mul3A_390 = arith.constant 128 : i32
      %mul3A_391 = arith.muli %add3A_214, %mul3A_390 : i32
      %add3A_392 = arith.constant 112 : i32
      %add3A_393 = arith.addi %mul3A_391, %add3A_392 : i32
      %get3A_394 = arith.index_cast %add3A_393 : i32 to index
      %get3A_395 = tpu.vector_load %arg5[%get3A_394] {strides = array<i32>} : memref<10240xi32, #tpu.memory_space<vmem>>, vector<16xi32>,
      %get3A_396 = vector.shape_cast %get3A_395 : vector<16xi32> to vector<16xi32>
      %and3A_397 = arith.constant 65535 : i32
      %and3A_398 = vector.broadcast %and3A_397 : i32 to vector<16xi32>
      %and3A_399 = arith.andi %get3A_396, %and3A_398 : vector<16xi32>
      %swap3A_400 = arith.constant 1 : i32
      %swap3A_401 = arith.index_cast %swap3A_400 : i32 to index
      %swap3A_402 = arith.constant 112 : index
      %swap3A_403 = tpu.vector_load %arg6[%swap3A_401, %swap3A_402] {strides = array<i32>} : memref<2x128xi32, #tpu.memory_space<vmem>>, vector<1x16xi32>,
      %swap3A_404 = vector.shape_cast %swap3A_403 : vector<1x16xi32> to vector<16xi32>
      %swap3A_405 = vector.shape_cast %and3A_399 : vector<16xi32> to vector<1x16xi32>
      tpu.vector_store %arg6[%swap3A_401, %swap3A_402], %swap3A_405 {strides = array<i32>} : memref<2x128xi32, #tpu.memory_space<vmem>>, vector<1x16xi32>,
      %shift_right_logical3A_406 = arith.constant 16 : i32
      %shift_right_logical3A_407 = vector.broadcast %shift_right_logical3A_406 : i32 to vector<16xi32>
      %shift_right_logical3A_408 = arith.shrui %get3A_396, %shift_right_logical3A_407 : vector<16xi32>
      %swap3A_409 = arith.constant 1 : i32
      %swap3A_410 = arith.index_cast %swap3A_409 : i32 to index
      %swap3A_411 = arith.constant 112 : index
      %swap3A_412 = tpu.vector_load %arg7[%swap3A_410, %swap3A_411] {strides = array<i32>} : memref<2x128xi32, #tpu.memory_space<vmem>>, vector<1x16xi32>,
      %swap3A_413 = vector.shape_cast %swap3A_412 : vector<1x16xi32> to vector<16xi32>
      %swap3A_414 = vector.shape_cast %shift_right_logical3A_408 : vector<16xi32> to vector<1x16xi32>
      tpu.vector_store %arg7[%swap3A_410, %swap3A_411], %swap3A_414 {strides = array<i32>} : memref<2x128xi32, #tpu.memory_space<vmem>>, vector<1x16xi32>,
      %dma_start3A_415 = arith.constant 1 : i32
      %dma_start3A_416 = arith.constant 0 : i32
      %dma_start3A_417 = tpu.memref_slice %arg6[%dma_start3A_415, %dma_start3A_416] : memref<2x128xi32, #tpu.memory_space<vmem>> -> memref<1x128xi32, #tpu.memory_space<vmem>>
      %dma_start3A_418 = tpu.memref_squeeze %dma_start3A_417 : memref<1x128xi32, #tpu.memory_space<vmem>> -> memref<128xi32, #tpu.memory_space<vmem>>
      %dma_start3A_419 = arith.constant 0 : i32
      %dma_start3A_420 = arith.constant 0 : i32
      %dma_start3A_421 = tpu.memref_slice %arg2[%dma_start3A_419, %dma_start3A_420] : memref<10000x128xf32, #tpu.memory_space<hbm>> -> memref<10000x128xf32, #tpu.memory_space<hbm>>
      tpu.enqueue_indirect_dma source(%dma_start3A_421 : memref<10000x128xf32, #tpu.memory_space<hbm>>) target(%arg9 : memref<128x128xf32, #tpu.memory_space<vmem>>) offsets(%dma_start3A_418 : memref<128xi32, #tpu.memory_space<vmem>>) semaphore(%arg12 : memref<!tpu.dma_semaphore, #tpu.memory_space<semaphore_mem>>)
      %dma_wait3A = arith.constant 0 : i32
      %dma_wait3A_422 = arith.constant 0 : i32
      %dma_wait3A_423 = tpu.memref_slice %arg6[%dma_wait3A, %dma_wait3A_422] : memref<2x128xi32, #tpu.memory_space<vmem>> -> memref<1x128xi32, #tpu.memory_space<vmem>>
      %dma_wait3A_424 = tpu.memref_squeeze %dma_wait3A_423 : memref<1x128xi32, #tpu.memory_space<vmem>> -> memref<128xi32, #tpu.memory_space<vmem>>
      %dma_wait3A_425 = arith.constant 0 : i32
      %dma_wait3A_426 = arith.constant 0 : i32
      %dma_wait3A_427 = tpu.memref_slice %arg2[%dma_wait3A_425, %dma_wait3A_426] : memref<10000x128xf32, #tpu.memory_space<hbm>> -> memref<10000x128xf32, #tpu.memory_space<hbm>>
      tpu.wait_indirect_dma semaphore(%arg11 : memref<!tpu.dma_semaphore, #tpu.memory_space<semaphore_mem>>) src(%dma_wait3A_427 : memref<10000x128xf32, #tpu.memory_space<hbm>>) dst(%arg8 : memref<128x128xf32, #tpu.memory_space<vmem>>)
      %run_scoped3A = arith.constant 0 : i32
      "tpu.region"() ({
        %run_scoped3A_438 = tpu.sem_alloc : memref<!tpu.dma_semaphore, #tpu.memory_space<semaphore_mem>>
        %dma_start3A_439 = arith.constant 0 : i32
        %dma_start3A_440 = tpu.memref_slice %arg7[%run_scoped3A, %dma_start3A_439] : memref<2x128xi32, #tpu.memory_space<vmem>> -> memref<1x128xi32, #tpu.memory_space<vmem>>
        %dma_start3A_441 = tpu.memref_squeeze %dma_start3A_440 : memref<1x128xi32, #tpu.memory_space<vmem>> -> memref<128xi32, #tpu.memory_space<vmem>>
        %dma_start3A_442 = arith.constant 0 : i32
        %dma_start3A_443 = arith.constant 0 : i32
        %dma_start3A_444 = tpu.memref_slice %arg10[%dma_start3A_442, %dma_start3A_443] : memref<10112x128xf32, #tpu.memory_space<vmem_shared>> -> memref<10112x128xf32, #tpu.memory_space<vmem_shared>>
        tpu.enqueue_indirect_dma source(%arg8 : memref<128x128xf32, #tpu.memory_space<vmem>>) target(%dma_start3A_444 : memref<10112x128xf32, #tpu.memory_space<vmem_shared>>) offsets(%dma_start3A_441 : memref<128xi32, #tpu.memory_space<vmem>>) semaphore(%run_scoped3A_438 : memref<!tpu.dma_semaphore, #tpu.memory_space<semaphore_mem>>) {add = true}
        %dma_wait3A_445 = arith.constant 0 : i32
        %dma_wait3A_446 = tpu.memref_slice %arg7[%run_scoped3A, %dma_wait3A_445] : memref<2x128xi32, #tpu.memory_space<vmem>> -> memref<1x128xi32, #tpu.memory_space<vmem>>
        %dma_wait3A_447 = tpu.memref_squeeze %dma_wait3A_446 : memref<1x128xi32, #tpu.memory_space<vmem>> -> memref<128xi32, #tpu.memory_space<vmem>>
        %dma_wait3A_448 = arith.constant 0 : i32
        %dma_wait3A_449 = arith.constant 0 : i32
        %dma_wait3A_450 = tpu.memref_slice %arg10[%dma_wait3A_448, %dma_wait3A_449] : memref<10112x128xf32, #tpu.memory_space<vmem_shared>> -> memref<10112x128xf32, #tpu.memory_space<vmem_shared>>
        tpu.wait_indirect_dma semaphore(%run_scoped3A_438 : memref<!tpu.dma_semaphore, #tpu.memory_space<semaphore_mem>>) src(%arg8 : memref<128x128xf32, #tpu.memory_space<vmem>>) dst(%dma_wait3A_450 : memref<10112x128xf32, #tpu.memory_space<vmem_shared>>)
        tpu.yield
      }) : () -> ()
      %lt3A = arith.constant 39 : i32
      %lt3A_428 = arith.cmpi slt, %scan3A_210, %lt3A : i32
      %convert_element_type3A = arith.extui %lt3A_428 : i1 to i32
      %cond3A = arith.constant 0 : i32
      %cond3A_429 = arith.cmpi ne, %convert_element_type3A, %cond3A : i32
      scf.if %cond3A_429 {
        %add3A_438 = arith.constant 2 : i32
        %add3A_439 = arith.addi %mul3A_212, %add3A_438 : i32
        %mul3A_440 = arith.constant 128 : i32
        %mul3A_441 = arith.muli %add3A_439, %mul3A_440 : i32
        %add3A_442 = arith.constant 0 : i32
        %add3A_443 = arith.addi %mul3A_441, %add3A_442 : i32
        %get3A_444 = arith.index_cast %add3A_443 : i32 to index
        %get3A_445 = tpu.vector_load %arg5[%get3A_444] {strides = array<i32>} : memref<10240xi32, #tpu.memory_space<vmem>>, vector<16xi32>,
        %get3A_446 = vector.shape_cast %get3A_445 : vector<16xi32> to vector<16xi32>
        %and3A_447 = arith.constant 65535 : i32
        %and3A_448 = vector.broadcast %and3A_447 : i32 to vector<16xi32>
        %and3A_449 = arith.andi %get3A_446, %and3A_448 : vector<16xi32>
        %swap3A_450 = arith.constant 0 : i32
        %swap3A_451 = arith.index_cast %swap3A_450 : i32 to index
        %swap3A_452 = arith.constant 0 : index
        %swap3A_453 = tpu.vector_load %arg6[%swap3A_451, %swap3A_452] {strides = array<i32>} : memref<2x128xi32, #tpu.memory_space<vmem>>, vector<1x16xi32>,
        %swap3A_454 = vector.shape_cast %swap3A_453 : vector<1x16xi32> to vector<16xi32>
        %swap3A_455 = vector.shape_cast %and3A_449 : vector<16xi32> to vector<1x16xi32>
        tpu.vector_store %arg6[%swap3A_451, %swap3A_452], %swap3A_455 {strides = array<i32>} : memref<2x128xi32, #tpu.memory_space<vmem>>, vector<1x16xi32>,
        %shift_right_logical3A_456 = arith.constant 16 : i32
        %shift_right_logical3A_457 = vector.broadcast %shift_right_logical3A_456 : i32 to vector<16xi32>
        %shift_right_logical3A_458 = arith.shrui %get3A_446, %shift_right_logical3A_457 : vector<16xi32>
        %swap3A_459 = arith.constant 0 : i32
        %swap3A_460 = arith.index_cast %swap3A_459 : i32 to index
        %swap3A_461 = arith.constant 0 : index
        %swap3A_462 = tpu.vector_load %arg7[%swap3A_460, %swap3A_461] {strides = array<i32>} : memref<2x128xi32, #tpu.memory_space<vmem>>, vector<1x16xi32>,
        %swap3A_463 = vector.shape_cast %swap3A_462 : vector<1x16xi32> to vector<16xi32>
        %swap3A_464 = vector.shape_cast %shift_right_logical3A_458 : vector<16xi32> to vector<1x16xi32>
        tpu.vector_store %arg7[%swap3A_460, %swap3A_461], %swap3A_464 {strides = array<i32>} : memref<2x128xi32, #tpu.memory_space<vmem>>, vector<1x16xi32>,
        %mul3A_465 = arith.constant 128 : i32
        %mul3A_466 = arith.muli %add3A_439, %mul3A_465 : i32
        %add3A_467 = arith.constant 16 : i32
        %add3A_468 = arith.addi %mul3A_466, %add3A_467 : i32
        %get3A_469 = arith.index_cast %add3A_468 : i32 to index
        %get3A_470 = tpu.vector_load %arg5[%get3A_469] {strides = array<i32>} : memref<10240xi32, #tpu.memory_space<vmem>>, vector<16xi32>,
        %get3A_471 = vector.shape_cast %get3A_470 : vector<16xi32> to vector<16xi32>
        %and3A_472 = arith.constant 65535 : i32
        %and3A_473 = vector.broadcast %and3A_472 : i32 to vector<16xi32>
        %and3A_474 = arith.andi %get3A_471, %and3A_473 : vector<16xi32>
        %swap3A_475 = arith.constant 0 : i32
        %swap3A_476 = arith.index_cast %swap3A_475 : i32 to index
        %swap3A_477 = arith.constant 16 : index
        %swap3A_478 = tpu.vector_load %arg6[%swap3A_476, %swap3A_477] {strides = array<i32>} : memref<2x128xi32, #tpu.memory_space<vmem>>, vector<1x16xi32>,
        %swap3A_479 = vector.shape_cast %swap3A_478 : vector<1x16xi32> to vector<16xi32>
        %swap3A_480 = vector.shape_cast %and3A_474 : vector<16xi32> to vector<1x16xi32>
        tpu.vector_store %arg6[%swap3A_476, %swap3A_477], %swap3A_480 {strides = array<i32>} : memref<2x128xi32, #tpu.memory_space<vmem>>, vector<1x16xi32>,
        %shift_right_logical3A_481 = arith.constant 16 : i32
        %shift_right_logical3A_482 = vector.broadcast %shift_right_logical3A_481 : i32 to vector<16xi32>
        %shift_right_logical3A_483 = arith.shrui %get3A_471, %shift_right_logical3A_482 : vector<16xi32>
        %swap3A_484 = arith.constant 0 : i32
        %swap3A_485 = arith.index_cast %swap3A_484 : i32 to index
        %swap3A_486 = arith.constant 16 : index
        %swap3A_487 = tpu.vector_load %arg7[%swap3A_485, %swap3A_486] {strides = array<i32>} : memref<2x128xi32, #tpu.memory_space<vmem>>, vector<1x16xi32>,
        %swap3A_488 = vector.shape_cast %swap3A_487 : vector<1x16xi32> to vector<16xi32>
        %swap3A_489 = vector.shape_cast %shift_right_logical3A_483 : vector<16xi32> to vector<1x16xi32>
        tpu.vector_store %arg7[%swap3A_485, %swap3A_486], %swap3A_489 {strides = array<i32>} : memref<2x128xi32, #tpu.memory_space<vmem>>, vector<1x16xi32>,
        %mul3A_490 = arith.constant 128 : i32
        %mul3A_491 = arith.muli %add3A_439, %mul3A_490 : i32
        %add3A_492 = arith.constant 32 : i32
        %add3A_493 = arith.addi %mul3A_491, %add3A_492 : i32
        %get3A_494 = arith.index_cast %add3A_493 : i32 to index
        %get3A_495 = tpu.vector_load %arg5[%get3A_494] {strides = array<i32>} : memref<10240xi32, #tpu.memory_space<vmem>>, vector<16xi32>,
        %get3A_496 = vector.shape_cast %get3A_495 : vector<16xi32> to vector<16xi32>
        %and3A_497 = arith.constant 65535 : i32
        %and3A_498 = vector.broadcast %and3A_497 : i32 to vector<16xi32>
        %and3A_499 = arith.andi %get3A_496, %and3A_498 : vector<16xi32>
        %swap3A_500 = arith.constant 0 : i32
        %swap3A_501 = arith.index_cast %swap3A_500 : i32 to index
        %swap3A_502 = arith.constant 32 : index
        %swap3A_503 = tpu.vector_load %arg6[%swap3A_501, %swap3A_502] {strides = array<i32>} : memref<2x128xi32, #tpu.memory_space<vmem>>, vector<1x16xi32>,
        %swap3A_504 = vector.shape_cast %swap3A_503 : vector<1x16xi32> to vector<16xi32>
        %swap3A_505 = vector.shape_cast %and3A_499 : vector<16xi32> to vector<1x16xi32>
        tpu.vector_store %arg6[%swap3A_501, %swap3A_502], %swap3A_505 {strides = array<i32>} : memref<2x128xi32, #tpu.memory_space<vmem>>, vector<1x16xi32>,
        %shift_right_logical3A_506 = arith.constant 16 : i32
        %shift_right_logical3A_507 = vector.broadcast %shift_right_logical3A_506 : i32 to vector<16xi32>
        %shift_right_logical3A_508 = arith.shrui %get3A_496, %shift_right_logical3A_507 : vector<16xi32>
        %swap3A_509 = arith.constant 0 : i32
        %swap3A_510 = arith.index_cast %swap3A_509 : i32 to index
        %swap3A_511 = arith.constant 32 : index
        %swap3A_512 = tpu.vector_load %arg7[%swap3A_510, %swap3A_511] {strides = array<i32>} : memref<2x128xi32, #tpu.memory_space<vmem>>, vector<1x16xi32>,
        %swap3A_513 = vector.shape_cast %swap3A_512 : vector<1x16xi32> to vector<16xi32>
        %swap3A_514 = vector.shape_cast %shift_right_logical3A_508 : vector<16xi32> to vector<1x16xi32>
        tpu.vector_store %arg7[%swap3A_510, %swap3A_511], %swap3A_514 {strides = array<i32>} : memref<2x128xi32, #tpu.memory_space<vmem>>, vector<1x16xi32>,
        %mul3A_515 = arith.constant 128 : i32
        %mul3A_516 = arith.muli %add3A_439, %mul3A_515 : i32
        %add3A_517 = arith.constant 48 : i32
        %add3A_518 = arith.addi %mul3A_516, %add3A_517 : i32
        %get3A_519 = arith.index_cast %add3A_518 : i32 to index
        %get3A_520 = tpu.vector_load %arg5[%get3A_519] {strides = array<i32>} : memref<10240xi32, #tpu.memory_space<vmem>>, vector<16xi32>,
        %get3A_521 = vector.shape_cast %get3A_520 : vector<16xi32> to vector<16xi32>
        %and3A_522 = arith.constant 65535 : i32
        %and3A_523 = vector.broadcast %and3A_522 : i32 to vector<16xi32>
        %and3A_524 = arith.andi %get3A_521, %and3A_523 : vector<16xi32>
        %swap3A_525 = arith.constant 0 : i32
        %swap3A_526 = arith.index_cast %swap3A_525 : i32 to index
        %swap3A_527 = arith.constant 48 : index
        %swap3A_528 = tpu.vector_load %arg6[%swap3A_526, %swap3A_527] {strides = array<i32>} : memref<2x128xi32, #tpu.memory_space<vmem>>, vector<1x16xi32>,
        %swap3A_529 = vector.shape_cast %swap3A_528 : vector<1x16xi32> to vector<16xi32>
        %swap3A_530 = vector.shape_cast %and3A_524 : vector<16xi32> to vector<1x16xi32>
        tpu.vector_store %arg6[%swap3A_526, %swap3A_527], %swap3A_530 {strides = array<i32>} : memref<2x128xi32, #tpu.memory_space<vmem>>, vector<1x16xi32>,
        %shift_right_logical3A_531 = arith.constant 16 : i32
        %shift_right_logical3A_532 = vector.broadcast %shift_right_logical3A_531 : i32 to vector<16xi32>
        %shift_right_logical3A_533 = arith.shrui %get3A_521, %shift_right_logical3A_532 : vector<16xi32>
        %swap3A_534 = arith.constant 0 : i32
        %swap3A_535 = arith.index_cast %swap3A_534 : i32 to index
        %swap3A_536 = arith.constant 48 : index
        %swap3A_537 = tpu.vector_load %arg7[%swap3A_535, %swap3A_536] {strides = array<i32>} : memref<2x128xi32, #tpu.memory_space<vmem>>, vector<1x16xi32>,
        %swap3A_538 = vector.shape_cast %swap3A_537 : vector<1x16xi32> to vector<16xi32>
        %swap3A_539 = vector.shape_cast %shift_right_logical3A_533 : vector<16xi32> to vector<1x16xi32>
        tpu.vector_store %arg7[%swap3A_535, %swap3A_536], %swap3A_539 {strides = array<i32>} : memref<2x128xi32, #tpu.memory_space<vmem>>, vector<1x16xi32>,
        %mul3A_540 = arith.constant 128 : i32
        %mul3A_541 = arith.muli %add3A_439, %mul3A_540 : i32
        %add3A_542 = arith.constant 64 : i32
        %add3A_543 = arith.addi %mul3A_541, %add3A_542 : i32
        %get3A_544 = arith.index_cast %add3A_543 : i32 to index
        %get3A_545 = tpu.vector_load %arg5[%get3A_544] {strides = array<i32>} : memref<10240xi32, #tpu.memory_space<vmem>>, vector<16xi32>,
        %get3A_546 = vector.shape_cast %get3A_545 : vector<16xi32> to vector<16xi32>
        %and3A_547 = arith.constant 65535 : i32
        %and3A_548 = vector.broadcast %and3A_547 : i32 to vector<16xi32>
        %and3A_549 = arith.andi %get3A_546, %and3A_548 : vector<16xi32>
        %swap3A_550 = arith.constant 0 : i32
        %swap3A_551 = arith.index_cast %swap3A_550 : i32 to index
        %swap3A_552 = arith.constant 64 : index
        %swap3A_553 = tpu.vector_load %arg6[%swap3A_551, %swap3A_552] {strides = array<i32>} : memref<2x128xi32, #tpu.memory_space<vmem>>, vector<1x16xi32>,
        %swap3A_554 = vector.shape_cast %swap3A_553 : vector<1x16xi32> to vector<16xi32>
        %swap3A_555 = vector.shape_cast %and3A_549 : vector<16xi32> to vector<1x16xi32>
        tpu.vector_store %arg6[%swap3A_551, %swap3A_552], %swap3A_555 {strides = array<i32>} : memref<2x128xi32, #tpu.memory_space<vmem>>, vector<1x16xi32>,
        %shift_right_logical3A_556 = arith.constant 16 : i32
        %shift_right_logical3A_557 = vector.broadcast %shift_right_logical3A_556 : i32 to vector<16xi32>
        %shift_right_logical3A_558 = arith.shrui %get3A_546, %shift_right_logical3A_557 : vector<16xi32>
        %swap3A_559 = arith.constant 0 : i32
        %swap3A_560 = arith.index_cast %swap3A_559 : i32 to index
        %swap3A_561 = arith.constant 64 : index
        %swap3A_562 = tpu.vector_load %arg7[%swap3A_560, %swap3A_561] {strides = array<i32>} : memref<2x128xi32, #tpu.memory_space<vmem>>, vector<1x16xi32>,
        %swap3A_563 = vector.shape_cast %swap3A_562 : vector<1x16xi32> to vector<16xi32>
        %swap3A_564 = vector.shape_cast %shift_right_logical3A_558 : vector<16xi32> to vector<1x16xi32>
        tpu.vector_store %arg7[%swap3A_560, %swap3A_561], %swap3A_564 {strides = array<i32>} : memref<2x128xi32, #tpu.memory_space<vmem>>, vector<1x16xi32>,
        %mul3A_565 = arith.constant 128 : i32
        %mul3A_566 = arith.muli %add3A_439, %mul3A_565 : i32
        %add3A_567 = arith.constant 80 : i32
        %add3A_568 = arith.addi %mul3A_566, %add3A_567 : i32
        %get3A_569 = arith.index_cast %add3A_568 : i32 to index
        %get3A_570 = tpu.vector_load %arg5[%get3A_569] {strides = array<i32>} : memref<10240xi32, #tpu.memory_space<vmem>>, vector<16xi32>,
        %get3A_571 = vector.shape_cast %get3A_570 : vector<16xi32> to vector<16xi32>
        %and3A_572 = arith.constant 65535 : i32
        %and3A_573 = vector.broadcast %and3A_572 : i32 to vector<16xi32>
        %and3A_574 = arith.andi %get3A_571, %and3A_573 : vector<16xi32>
        %swap3A_575 = arith.constant 0 : i32
        %swap3A_576 = arith.index_cast %swap3A_575 : i32 to index
        %swap3A_577 = arith.constant 80 : index
        %swap3A_578 = tpu.vector_load %arg6[%swap3A_576, %swap3A_577] {strides = array<i32>} : memref<2x128xi32, #tpu.memory_space<vmem>>, vector<1x16xi32>,
        %swap3A_579 = vector.shape_cast %swap3A_578 : vector<1x16xi32> to vector<16xi32>
        %swap3A_580 = vector.shape_cast %and3A_574 : vector<16xi32> to vector<1x16xi32>
        tpu.vector_store %arg6[%swap3A_576, %swap3A_577], %swap3A_580 {strides = array<i32>} : memref<2x128xi32, #tpu.memory_space<vmem>>, vector<1x16xi32>,
        %shift_right_logical3A_581 = arith.constant 16 : i32
        %shift_right_logical3A_582 = vector.broadcast %shift_right_logical3A_581 : i32 to vector<16xi32>
        %shift_right_logical3A_583 = arith.shrui %get3A_571, %shift_right_logical3A_582 : vector<16xi32>
        %swap3A_584 = arith.constant 0 : i32
        %swap3A_585 = arith.index_cast %swap3A_584 : i32 to index
        %swap3A_586 = arith.constant 80 : index
        %swap3A_587 = tpu.vector_load %arg7[%swap3A_585, %swap3A_586] {strides = array<i32>} : memref<2x128xi32, #tpu.memory_space<vmem>>, vector<1x16xi32>,
        %swap3A_588 = vector.shape_cast %swap3A_587 : vector<1x16xi32> to vector<16xi32>
        %swap3A_589 = vector.shape_cast %shift_right_logical3A_583 : vector<16xi32> to vector<1x16xi32>
        tpu.vector_store %arg7[%swap3A_585, %swap3A_586], %swap3A_589 {strides = array<i32>} : memref<2x128xi32, #tpu.memory_space<vmem>>, vector<1x16xi32>,
        %mul3A_590 = arith.constant 128 : i32
        %mul3A_591 = arith.muli %add3A_439, %mul3A_590 : i32
        %add3A_592 = arith.constant 96 : i32
        %add3A_593 = arith.addi %mul3A_591, %add3A_592 : i32
        %get3A_594 = arith.index_cast %add3A_593 : i32 to index
        %get3A_595 = tpu.vector_load %arg5[%get3A_594] {strides = array<i32>} : memref<10240xi32, #tpu.memory_space<vmem>>, vector<16xi32>,
        %get3A_596 = vector.shape_cast %get3A_595 : vector<16xi32> to vector<16xi32>
        %and3A_597 = arith.constant 65535 : i32
        %and3A_598 = vector.broadcast %and3A_597 : i32 to vector<16xi32>
        %and3A_599 = arith.andi %get3A_596, %and3A_598 : vector<16xi32>
        %swap3A_600 = arith.constant 0 : i32
        %swap3A_601 = arith.index_cast %swap3A_600 : i32 to index
        %swap3A_602 = arith.constant 96 : index
        %swap3A_603 = tpu.vector_load %arg6[%swap3A_601, %swap3A_602] {strides = array<i32>} : memref<2x128xi32, #tpu.memory_space<vmem>>, vector<1x16xi32>,
        %swap3A_604 = vector.shape_cast %swap3A_603 : vector<1x16xi32> to vector<16xi32>
        %swap3A_605 = vector.shape_cast %and3A_599 : vector<16xi32> to vector<1x16xi32>
        tpu.vector_store %arg6[%swap3A_601, %swap3A_602], %swap3A_605 {strides = array<i32>} : memref<2x128xi32, #tpu.memory_space<vmem>>, vector<1x16xi32>,
        %shift_right_logical3A_606 = arith.constant 16 : i32
        %shift_right_logical3A_607 = vector.broadcast %shift_right_logical3A_606 : i32 to vector<16xi32>
        %shift_right_logical3A_608 = arith.shrui %get3A_596, %shift_right_logical3A_607 : vector<16xi32>
        %swap3A_609 = arith.constant 0 : i32
        %swap3A_610 = arith.index_cast %swap3A_609 : i32 to index
        %swap3A_611 = arith.constant 96 : index
        %swap3A_612 = tpu.vector_load %arg7[%swap3A_610, %swap3A_611] {strides = array<i32>} : memref<2x128xi32, #tpu.memory_space<vmem>>, vector<1x16xi32>,
        %swap3A_613 = vector.shape_cast %swap3A_612 : vector<1x16xi32> to vector<16xi32>
        %swap3A_614 = vector.shape_cast %shift_right_logical3A_608 : vector<16xi32> to vector<1x16xi32>
        tpu.vector_store %arg7[%swap3A_610, %swap3A_611], %swap3A_614 {strides = array<i32>} : memref<2x128xi32, #tpu.memory_space<vmem>>, vector<1x16xi32>,
        %mul3A_615 = arith.constant 128 : i32
        %mul3A_616 = arith.muli %add3A_439, %mul3A_615 : i32
        %add3A_617 = arith.constant 112 : i32
        %add3A_618 = arith.addi %mul3A_616, %add3A_617 : i32
        %get3A_619 = arith.index_cast %add3A_618 : i32 to index
        %get3A_620 = tpu.vector_load %arg5[%get3A_619] {strides = array<i32>} : memref<10240xi32, #tpu.memory_space<vmem>>, vector<16xi32>,
        %get3A_621 = vector.shape_cast %get3A_620 : vector<16xi32> to vector<16xi32>
        %and3A_622 = arith.constant 65535 : i32
        %and3A_623 = vector.broadcast %and3A_622 : i32 to vector<16xi32>
        %and3A_624 = arith.andi %get3A_621, %and3A_623 : vector<16xi32>
        %swap3A_625 = arith.constant 0 : i32
        %swap3A_626 = arith.index_cast %swap3A_625 : i32 to index
        %swap3A_627 = arith.constant 112 : index
        %swap3A_628 = tpu.vector_load %arg6[%swap3A_626, %swap3A_627] {strides = array<i32>} : memref<2x128xi32, #tpu.memory_space<vmem>>, vector<1x16xi32>,
        %swap3A_629 = vector.shape_cast %swap3A_628 : vector<1x16xi32> to vector<16xi32>
        %swap3A_630 = vector.shape_cast %and3A_624 : vector<16xi32> to vector<1x16xi32>
        tpu.vector_store %arg6[%swap3A_626, %swap3A_627], %swap3A_630 {strides = array<i32>} : memref<2x128xi32, #tpu.memory_space<vmem>>, vector<1x16xi32>,
        %shift_right_logical3A_631 = arith.constant 16 : i32
        %shift_right_logical3A_632 = vector.broadcast %shift_right_logical3A_631 : i32 to vector<16xi32>
        %shift_right_logical3A_633 = arith.shrui %get3A_621, %shift_right_logical3A_632 : vector<16xi32>
        %swap3A_634 = arith.constant 0 : i32
        %swap3A_635 = arith.index_cast %swap3A_634 : i32 to index
        %swap3A_636 = arith.constant 112 : index
        %swap3A_637 = tpu.vector_load %arg7[%swap3A_635, %swap3A_636] {strides = array<i32>} : memref<2x128xi32, #tpu.memory_space<vmem>>, vector<1x16xi32>,
        %swap3A_638 = vector.shape_cast %swap3A_637 : vector<1x16xi32> to vector<16xi32>
        %swap3A_639 = vector.shape_cast %shift_right_logical3A_633 : vector<16xi32> to vector<1x16xi32>
        tpu.vector_store %arg7[%swap3A_635, %swap3A_636], %swap3A_639 {strides = array<i32>} : memref<2x128xi32, #tpu.memory_space<vmem>>, vector<1x16xi32>,
        %dma_start3A_640 = arith.constant 0 : i32
        %dma_start3A_641 = arith.constant 0 : i32
        %dma_start3A_642 = tpu.memref_slice %arg6[%dma_start3A_640, %dma_start3A_641] : memref<2x128xi32, #tpu.memory_space<vmem>> -> memref<1x128xi32, #tpu.memory_space<vmem>>
        %dma_start3A_643 = tpu.memref_squeeze %dma_start3A_642 : memref<1x128xi32, #tpu.memory_space<vmem>> -> memref<128xi32, #tpu.memory_space<vmem>>
        %dma_start3A_644 = arith.constant 0 : i32
        %dma_start3A_645 = arith.constant 0 : i32
        %dma_start3A_646 = tpu.memref_slice %arg2[%dma_start3A_644, %dma_start3A_645] : memref<10000x128xf32, #tpu.memory_space<hbm>> -> memref<10000x128xf32, #tpu.memory_space<hbm>>
        tpu.enqueue_indirect_dma source(%dma_start3A_646 : memref<10000x128xf32, #tpu.memory_space<hbm>>) target(%arg8 : memref<128x128xf32, #tpu.memory_space<vmem>>) offsets(%dma_start3A_643 : memref<128xi32, #tpu.memory_space<vmem>>) semaphore(%arg11 : memref<!tpu.dma_semaphore, #tpu.memory_space<semaphore_mem>>)
      } else {
      }
      %dma_wait3A_430 = arith.constant 0 : i32
      %dma_wait3A_431 = arith.constant 0 : i32
      %dma_wait3A_432 = tpu.memref_slice %arg6[%dma_wait3A_430, %dma_wait3A_431] : memref<2x128xi32, #tpu.memory_space<vmem>> -> memref<1x128xi32, #tpu.memory_space<vmem>>
      %dma_wait3A_433 = tpu.memref_squeeze %dma_wait3A_432 : memref<1x128xi32, #tpu.memory_space<vmem>> -> memref<128xi32, #tpu.memory_space<vmem>>
      %dma_wait3A_434 = arith.constant 0 : i32
      %dma_wait3A_435 = arith.constant 0 : i32
      %dma_wait3A_436 = tpu.memref_slice %arg2[%dma_wait3A_434, %dma_wait3A_435] : memref<10000x128xf32, #tpu.memory_space<hbm>> -> memref<10000x128xf32, #tpu.memory_space<hbm>>
      tpu.wait_indirect_dma semaphore(%arg12 : memref<!tpu.dma_semaphore, #tpu.memory_space<semaphore_mem>>) src(%dma_wait3A_436 : memref<10000x128xf32, #tpu.memory_space<hbm>>) dst(%arg9 : memref<128x128xf32, #tpu.memory_space<vmem>>)
      %run_scoped3A_437 = arith.constant 1 : i32
      "tpu.region"() ({
        %run_scoped3A_438 = tpu.sem_alloc : memref<!tpu.dma_semaphore, #tpu.memory_space<semaphore_mem>>
        %dma_start3A_439 = arith.constant 0 : i32
        %dma_start3A_440 = tpu.memref_slice %arg7[%run_scoped3A_437, %dma_start3A_439] : memref<2x128xi32, #tpu.memory_space<vmem>> -> memref<1x128xi32, #tpu.memory_space<vmem>>
        %dma_start3A_441 = tpu.memref_squeeze %dma_start3A_440 : memref<1x128xi32, #tpu.memory_space<vmem>> -> memref<128xi32, #tpu.memory_space<vmem>>
        %dma_start3A_442 = arith.constant 0 : i32
        %dma_start3A_443 = arith.constant 0 : i32
        %dma_start3A_444 = tpu.memref_slice %arg10[%dma_start3A_442, %dma_start3A_443] : memref<10112x128xf32, #tpu.memory_space<vmem_shared>> -> memref<10112x128xf32, #tpu.memory_space<vmem_shared>>
        tpu.enqueue_indirect_dma source(%arg9 : memref<128x128xf32, #tpu.memory_space<vmem>>) target(%dma_start3A_444 : memref<10112x128xf32, #tpu.memory_space<vmem_shared>>) offsets(%dma_start3A_441 : memref<128xi32, #tpu.memory_space<vmem>>) semaphore(%run_scoped3A_438 : memref<!tpu.dma_semaphore, #tpu.memory_space<semaphore_mem>>) {add = true}
        %dma_wait3A_445 = arith.constant 0 : i32
        %dma_wait3A_446 = tpu.memref_slice %arg7[%run_scoped3A_437, %dma_wait3A_445] : memref<2x128xi32, #tpu.memory_space<vmem>> -> memref<1x128xi32, #tpu.memory_space<vmem>>
        %dma_wait3A_447 = tpu.memref_squeeze %dma_wait3A_446 : memref<1x128xi32, #tpu.memory_space<vmem>> -> memref<128xi32, #tpu.memory_space<vmem>>
        %dma_wait3A_448 = arith.constant 0 : i32
        %dma_wait3A_449 = arith.constant 0 : i32
        %dma_wait3A_450 = tpu.memref_slice %arg10[%dma_wait3A_448, %dma_wait3A_449] : memref<10112x128xf32, #tpu.memory_space<vmem_shared>> -> memref<10112x128xf32, #tpu.memory_space<vmem_shared>>
        tpu.wait_indirect_dma semaphore(%run_scoped3A_438 : memref<!tpu.dma_semaphore, #tpu.memory_space<semaphore_mem>>) src(%arg9 : memref<128x128xf32, #tpu.memory_space<vmem>>) dst(%dma_wait3A_450 : memref<10112x128xf32, #tpu.memory_space<vmem_shared>>)
        tpu.yield
      }) : () -> ()
    }
    %scan3A_208 = arith.constant 40 : i32
    %barrier3A_209 = arith.constant 0 : index
    tpu.barrier barrier_id(%barrier3A_209)
    "tpu.region"() ({
      %run_scoped3A = tpu.sem_alloc : memref<!tpu.dma_semaphore, #tpu.memory_space<semaphore_mem>>
      %dma_start3A_210 = arith.constant 0 : i32
      %dma_start3A_211 = tpu.memref_slice %arg4[%arg0, %mul3A_0, %dma_start3A_210] : memref<2x10112x128xf32, #tpu.memory_space<hbm>> -> memref<1x632x128xf32, #tpu.memory_space<hbm>>
      %dma_start3A_212 = tpu.memref_squeeze %dma_start3A_211 : memref<1x632x128xf32, #tpu.memory_space<hbm>> -> memref<632x128xf32, #tpu.memory_space<hbm>>
      %dma_start3A_213 = arith.constant 0 : i32
      %dma_start3A_214 = tpu.memref_slice %arg10[%mul3A_0, %dma_start3A_213] : memref<10112x128xf32, #tpu.memory_space<vmem_shared>> -> memref<632x128xf32, #tpu.memory_space<vmem_shared>>
      tpu.enqueue_dma source(%dma_start3A_214 : memref<632x128xf32, #tpu.memory_space<vmem_shared>>) target(%dma_start3A_212 : memref<632x128xf32, #tpu.memory_space<hbm>>) target_semaphore(%run_scoped3A : memref<!tpu.dma_semaphore, #tpu.memory_space<semaphore_mem>>)
      %dma_wait3A = arith.constant 0 : i32
      %dma_wait3A_215 = tpu.memref_slice %arg4[%arg0, %mul3A_0, %dma_wait3A] : memref<2x10112x128xf32, #tpu.memory_space<hbm>> -> memref<1x632x128xf32, #tpu.memory_space<hbm>>
      %dma_wait3A_216 = tpu.memref_squeeze %dma_wait3A_215 : memref<1x632x128xf32, #tpu.memory_space<hbm>> -> memref<632x128xf32, #tpu.memory_space<hbm>>
      %dma_wait3A_217 = arith.constant 0 : i32
      %dma_wait3A_218 = tpu.memref_slice %arg10[%mul3A_0, %dma_wait3A_217] : memref<10112x128xf32, #tpu.memory_space<vmem_shared>> -> memref<632x128xf32, #tpu.memory_space<vmem_shared>>
      tpu.wait_dma2 semaphore(%run_scoped3A : memref<!tpu.dma_semaphore, #tpu.memory_space<semaphore_mem>>) src(%dma_wait3A_218 : memref<632x128xf32, #tpu.memory_space<vmem_shared>>) dst(%dma_wait3A_216 : memref<632x128xf32, #tpu.memory_space<hbm>>)
      tpu.yield
    }) : () -> ()
    return
  }
}

#map = affine_map<(d0, d1) -> (0, 0)>
#map1 = affine_map<(d0, d1) -> (0)>
#map2 = affine_map<(d0, d1) -> (0, 0, 0)>
module attributes {stable_mosaic.version = 14 : i64} {
  func.func @_sc_agg_body(%arg0: i32, %arg1: i32, %arg2: memref<10000x128xf32, #tpu.memory_space<hbm>>, %arg3: memref<327680xi32, #tpu.memory_space<hbm>>, %arg4: memref<2x10112x128xf32, #tpu.memory_space<hbm>>, %arg5: memref<10240xi32, #tpu.memory_space<vmem>>, %arg6: memref<2x128xi32, #tpu.memory_space<vmem>>, %arg7: memref<2x128xi32, #tpu.memory_space<vmem>>, %arg8: memref<128x128xf32, #tpu.memory_space<vmem>>, %arg9: memref<128x128xf32, #tpu.memory_space<vmem>>, %arg10: memref<10112x128xf32, #tpu.memory_space<vmem_shared>>, %arg11: memref<!tpu.dma_semaphore, #tpu.memory_space<semaphore_mem>>, %arg12: memref<!tpu.dma_semaphore, #tpu.memory_space<semaphore_mem>>) attributes {dimension_semantics = [#tpu.dimension_semantics<core_parallel>, #tpu.dimension_semantics<subcore_parallel>], iteration_bounds = array<i64: 2, 16>, scalar_prefetch = 0 : i64, scratch_operands = 8 : i64, tpu.core_type = #tpu.core_type<sc_vector_subcore>, window_params = [{transform_indices = #map}, {transform_indices = #map1}, {transform_indices = #map2}]} {
    %mul3A = arith.constant 632 : i32
    %mul3A_0 = arith.muli %arg1, %mul3A : i32
    %mul3A_1 = arith.constant 16 : i32
    %mul3A_2 = arith.muli %arg0, %mul3A_1 : i32
    %add3A = arith.addi %mul3A_2, %arg1 : i32
    %mul3A_3 = arith.constant 80 : i32
    %mul3A_4 = arith.muli %add3A, %mul3A_3 : i32
    %mul3A_5 = arith.constant 128 : i32
    %mul3A_6 = arith.muli %mul3A_4, %mul3A_5 : i32
    "tpu.region"() ({
      %run_scoped3A = tpu.sem_alloc : memref<!tpu.dma_semaphore, #tpu.memory_space<semaphore_mem>>
      %dma_start3A_210 = tpu.memref_slice %arg3[%mul3A_6] : memref<327680xi32, #tpu.memory_space<hbm>> -> memref<10240xi32, #tpu.memory_space<hbm>>
      %dma_start3A_211 = tpu.memref_slice %arg3[%mul3A_6] : memref<327680xi32, #tpu.memory_space<hbm>> -> memref<10240xi32, #tpu.memory_space<hbm>>
      tpu.enqueue_dma source(%dma_start3A_211 : memref<10240xi32, #tpu.memory_space<hbm>>) target(%arg5 : memref<10240xi32, #tpu.memory_space<vmem>>) target_semaphore(%run_scoped3A : memref<!tpu.dma_semaphore, #tpu.memory_space<semaphore_mem>>)
      %dma_wait3A = tpu.memref_slice %arg3[%mul3A_6] : memref<327680xi32, #tpu.memory_space<hbm>> -> memref<10240xi32, #tpu.memory_space<hbm>>
      %dma_wait3A_212 = tpu.memref_slice %arg3[%mul3A_6] : memref<327680xi32, #tpu.memory_space<hbm>> -> memref<10240xi32, #tpu.memory_space<hbm>>
      tpu.wait_dma2 semaphore(%run_scoped3A : memref<!tpu.dma_semaphore, #tpu.memory_space<semaphore_mem>>) src(%dma_wait3A_212 : memref<10240xi32, #tpu.memory_space<hbm>>) dst(%arg5 : memref<10240xi32, #tpu.memory_space<vmem>>)
      tpu.yield
    }) : () -> ()
    %broadcast_in_dim3A = arith.constant 0.000000e+00 : f32
    %broadcast_in_dim3A_7 = vector.broadcast %broadcast_in_dim3A : f32 to vector<16xf32>
    %scan3A = arith.constant 0 : i32
    %scan3A_8 = arith.constant 0 : i32
    %scan3A_9 = arith.constant 128 : i32
    %scan3A_10 = arith.addi %scan3A_8, %scan3A_9 : i32
    %scan3A_11 = arith.constant 1 : i32
    scf.for %scan3A_210 = %scan3A_8 to %scan3A_10 step %scan3A_11  : i32 {
      %swap3A_211 = arith.index_cast %scan3A_210 : i32 to index
      %swap3A_212 = arith.constant 0 : index
      %swap3A_213 = tpu.vector_load %arg8[%swap3A_211, %swap3A_212] {strides = array<i32>} : memref<128x128xf32, #tpu.memory_space<vmem>>, vector<1x16xf32>,
      %swap3A_214 = vector.shape_cast %swap3A_213 : vector<1x16xf32> to vector<16xf32>
      %swap3A_215 = vector.shape_cast %broadcast_in_dim3A_7 : vector<16xf32> to vector<1x16xf32>
      tpu.vector_store %arg8[%swap3A_211, %swap3A_212], %swap3A_215 {strides = array<i32>} : memref<128x128xf32, #tpu.memory_space<vmem>>, vector<1x16xf32>,
      %swap3A_216 = arith.index_cast %scan3A_210 : i32 to index
      %swap3A_217 = arith.constant 16 : index
      %swap3A_218 = tpu.vector_load %arg8[%swap3A_216, %swap3A_217] {strides = array<i32>} : memref<128x128xf32, #tpu.memory_space<vmem>>, vector<1x16xf32>,
      %swap3A_219 = vector.shape_cast %swap3A_218 : vector<1x16xf32> to vector<16xf32>
      %swap3A_220 = vector.shape_cast %broadcast_in_dim3A_7 : vector<16xf32> to vector<1x16xf32>
      tpu.vector_store %arg8[%swap3A_216, %swap3A_217], %swap3A_220 {strides = array<i32>} : memref<128x128xf32, #tpu.memory_space<vmem>>, vector<1x16xf32>,
      %swap3A_221 = arith.index_cast %scan3A_210 : i32 to index
      %swap3A_222 = arith.constant 32 : index
      %swap3A_223 = tpu.vector_load %arg8[%swap3A_221, %swap3A_222] {strides = array<i32>} : memref<128x128xf32, #tpu.memory_space<vmem>>, vector<1x16xf32>,
      %swap3A_224 = vector.shape_cast %swap3A_223 : vector<1x16xf32> to vector<16xf32>
      %swap3A_225 = vector.shape_cast %broadcast_in_dim3A_7 : vector<16xf32> to vector<1x16xf32>
      tpu.vector_store %arg8[%swap3A_221, %swap3A_222], %swap3A_225 {strides = array<i32>} : memref<128x128xf32, #tpu.memory_space<vmem>>, vector<1x16xf32>,
      %swap3A_226 = arith.index_cast %scan3A_210 : i32 to index
      %swap3A_227 = arith.constant 48 : index
      %swap3A_228 = tpu.vector_load %arg8[%swap3A_226, %swap3A_227] {strides = array<i32>} : memref<128x128xf32, #tpu.memory_space<vmem>>, vector<1x16xf32>,
      %swap3A_229 = vector.shape_cast %swap3A_228 : vector<1x16xf32> to vector<16xf32>
      %swap3A_230 = vector.shape_cast %broadcast_in_dim3A_7 : vector<16xf32> to vector<1x16xf32>
      tpu.vector_store %arg8[%swap3A_226, %swap3A_227], %swap3A_230 {strides = array<i32>} : memref<128x128xf32, #tpu.memory_space<vmem>>, vector<1x16xf32>,
      %swap3A_231 = arith.index_cast %scan3A_210 : i32 to index
      %swap3A_232 = arith.constant 64 : index
      %swap3A_233 = tpu.vector_load %arg8[%swap3A_231, %swap3A_232] {strides = array<i32>} : memref<128x128xf32, #tpu.memory_space<vmem>>, vector<1x16xf32>,
      %swap3A_234 = vector.shape_cast %swap3A_233 : vector<1x16xf32> to vector<16xf32>
      %swap3A_235 = vector.shape_cast %broadcast_in_dim3A_7 : vector<16xf32> to vector<1x16xf32>
      tpu.vector_store %arg8[%swap3A_231, %swap3A_232], %swap3A_235 {strides = array<i32>} : memref<128x128xf32, #tpu.memory_space<vmem>>, vector<1x16xf32>,
      %swap3A_236 = arith.index_cast %scan3A_210 : i32 to index
      %swap3A_237 = arith.constant 80 : index
      %swap3A_238 = tpu.vector_load %arg8[%swap3A_236, %swap3A_237] {strides = array<i32>} : memref<128x128xf32, #tpu.memory_space<vmem>>, vector<1x16xf32>,
      %swap3A_239 = vector.shape_cast %swap3A_238 : vector<1x16xf32> to vector<16xf32>
      %swap3A_240 = vector.shape_cast %broadcast_in_dim3A_7 : vector<16xf32> to vector<1x16xf32>
      tpu.vector_store %arg8[%swap3A_236, %swap3A_237], %swap3A_240 {strides = array<i32>} : memref<128x128xf32, #tpu.memory_space<vmem>>, vector<1x16xf32>,
      %swap3A_241 = arith.index_cast %scan3A_210 : i32 to index
      %swap3A_242 = arith.constant 96 : index
      %swap3A_243 = tpu.vector_load %arg8[%swap3A_241, %swap3A_242] {strides = array<i32>} : memref<128x128xf32, #tpu.memory_space<vmem>>, vector<1x16xf32>,
      %swap3A_244 = vector.shape_cast %swap3A_243 : vector<1x16xf32> to vector<16xf32>
      %swap3A_245 = vector.shape_cast %broadcast_in_dim3A_7 : vector<16xf32> to vector<1x16xf32>
      tpu.vector_store %arg8[%swap3A_241, %swap3A_242], %swap3A_245 {strides = array<i32>} : memref<128x128xf32, #tpu.memory_space<vmem>>, vector<1x16xf32>,
      %swap3A_246 = arith.index_cast %scan3A_210 : i32 to index
      %swap3A_247 = arith.constant 112 : index
      %swap3A_248 = tpu.vector_load %arg8[%swap3A_246, %swap3A_247] {strides = array<i32>} : memref<128x128xf32, #tpu.memory_space<vmem>>, vector<1x16xf32>,
      %swap3A_249 = vector.shape_cast %swap3A_248 : vector<1x16xf32> to vector<16xf32>
      %swap3A_250 = vector.shape_cast %broadcast_in_dim3A_7 : vector<16xf32> to vector<1x16xf32>
      tpu.vector_store %arg8[%swap3A_246, %swap3A_247], %swap3A_250 {strides = array<i32>} : memref<128x128xf32, #tpu.memory_space<vmem>>, vector<1x16xf32>,
    }
    %scan3A_12 = arith.constant 128 : i32
    %mul3A_13 = arith.constant 632 : i32
    %mul3A_14 = arith.muli %arg1, %mul3A_13 : i32
    %add3A_15 = arith.constant 0 : i32
    %add3A_16 = arith.addi %mul3A_14, %add3A_15 : i32
    "tpu.region"() ({
      %run_scoped3A = tpu.sem_alloc : memref<!tpu.dma_semaphore, #tpu.memory_space<semaphore_mem>>
      %dma_start3A_210 = arith.constant 0 : i32
      %dma_start3A_211 = arith.constant 0 : i32
      %dma_start3A_212 = tpu.memref_slice %arg8[%dma_start3A_210, %dma_start3A_211] : memref<128x128xf32, #tpu.memory_space<vmem>> -> memref<128x128xf32, #tpu.memory_space<vmem>>
      %dma_start3A_213 = arith.constant 0 : i32
      %dma_start3A_214 = tpu.memref_slice %arg10[%add3A_16, %dma_start3A_213] : memref<10112x128xf32, #tpu.memory_space<vmem_shared>> -> memref<128x128xf32, #tpu.memory_space<vmem_shared>>
      %dma_start3A_215 = arith.constant 0 : i32
      %dma_start3A_216 = tpu.memref_slice %arg10[%add3A_16, %dma_start3A_215] : memref<10112x128xf32, #tpu.memory_space<vmem_shared>> -> memref<128x128xf32, #tpu.memory_space<vmem_shared>>
      %dma_start3A_217 = arith.constant 0 : i32
      %dma_start3A_218 = arith.constant 0 : i32
      %dma_start3A_219 = tpu.memref_slice %arg8[%dma_start3A_217, %dma_start3A_218] : memref<128x128xf32, #tpu.memory_space<vmem>> -> memref<128x128xf32, #tpu.memory_space<vmem>>
      tpu.enqueue_dma source(%dma_start3A_219 : memref<128x128xf32, #tpu.memory_space<vmem>>) target(%dma_start3A_216 : memref<128x128xf32, #tpu.memory_space<vmem_shared>>) target_semaphore(%run_scoped3A : memref<!tpu.dma_semaphore, #tpu.memory_space<semaphore_mem>>)
      %dma_wait3A = arith.constant 0 : i32
      %dma_wait3A_220 = arith.constant 0 : i32
      %dma_wait3A_221 = tpu.memref_slice %arg8[%dma_wait3A, %dma_wait3A_220] : memref<128x128xf32, #tpu.memory_space<vmem>> -> memref<128x128xf32, #tpu.memory_space<vmem>>
      %dma_wait3A_222 = arith.constant 0 : i32
      %dma_wait3A_223 = tpu.memref_slice %arg10[%add3A_16, %dma_wait3A_222] : memref<10112x128xf32, #tpu.memory_space<vmem_shared>> -> memref<128x128xf32, #tpu.memory_space<vmem_shared>>
      %dma_wait3A_224 = arith.constant 0 : i32
      %dma_wait3A_225 = tpu.memref_slice %arg10[%add3A_16, %dma_wait3A_224] : memref<10112x128xf32, #tpu.memory_space<vmem_shared>> -> memref<128x128xf32, #tpu.memory_space<vmem_shared>>
      %dma_wait3A_226 = arith.constant 0 : i32
      %dma_wait3A_227 = arith.constant 0 : i32
      %dma_wait3A_228 = tpu.memref_slice %arg8[%dma_wait3A_226, %dma_wait3A_227] : memref<128x128xf32, #tpu.memory_space<vmem>> -> memref<128x128xf32, #tpu.memory_space<vmem>>
      tpu.wait_dma2 semaphore(%run_scoped3A : memref<!tpu.dma_semaphore, #tpu.memory_space<semaphore_mem>>) src(%dma_wait3A_228 : memref<128x128xf32, #tpu.memory_space<vmem>>) dst(%dma_wait3A_225 : memref<128x128xf32, #tpu.memory_space<vmem_shared>>)
      tpu.yield
    }) : () -> ()
    %mul3A_17 = arith.constant 632 : i32
    %mul3A_18 = arith.muli %arg1, %mul3A_17 : i32
    %add3A_19 = arith.constant 128 : i32
    %add3A_20 = arith.addi %mul3A_18, %add3A_19 : i32
    "tpu.region"() ({
      %run_scoped3A = tpu.sem_alloc : memref<!tpu.dma_semaphore, #tpu.memory_space<semaphore_mem>>
      %dma_start3A_210 = arith.constant 0 : i32
      %dma_start3A_211 = arith.constant 0 : i32
      %dma_start3A_212 = tpu.memref_slice %arg8[%dma_start3A_210, %dma_start3A_211] : memref<128x128xf32, #tpu.memory_space<vmem>> -> memref<128x128xf32, #tpu.memory_space<vmem>>
      %dma_start3A_213 = arith.constant 0 : i32
      %dma_start3A_214 = tpu.memref_slice %arg10[%add3A_20, %dma_start3A_213] : memref<10112x128xf32, #tpu.memory_space<vmem_shared>> -> memref<128x128xf32, #tpu.memory_space<vmem_shared>>
      %dma_start3A_215 = arith.constant 0 : i32
      %dma_start3A_216 = tpu.memref_slice %arg10[%add3A_20, %dma_start3A_215] : memref<10112x128xf32, #tpu.memory_space<vmem_shared>> -> memref<128x128xf32, #tpu.memory_space<vmem_shared>>
      %dma_start3A_217 = arith.constant 0 : i32
      %dma_start3A_218 = arith.constant 0 : i32
      %dma_start3A_219 = tpu.memref_slice %arg8[%dma_start3A_217, %dma_start3A_218] : memref<128x128xf32, #tpu.memory_space<vmem>> -> memref<128x128xf32, #tpu.memory_space<vmem>>
      tpu.enqueue_dma source(%dma_start3A_219 : memref<128x128xf32, #tpu.memory_space<vmem>>) target(%dma_start3A_216 : memref<128x128xf32, #tpu.memory_space<vmem_shared>>) target_semaphore(%run_scoped3A : memref<!tpu.dma_semaphore, #tpu.memory_space<semaphore_mem>>)
      %dma_wait3A = arith.constant 0 : i32
      %dma_wait3A_220 = arith.constant 0 : i32
      %dma_wait3A_221 = tpu.memref_slice %arg8[%dma_wait3A, %dma_wait3A_220] : memref<128x128xf32, #tpu.memory_space<vmem>> -> memref<128x128xf32, #tpu.memory_space<vmem>>
      %dma_wait3A_222 = arith.constant 0 : i32
      %dma_wait3A_223 = tpu.memref_slice %arg10[%add3A_20, %dma_wait3A_222] : memref<10112x128xf32, #tpu.memory_space<vmem_shared>> -> memref<128x128xf32, #tpu.memory_space<vmem_shared>>
      %dma_wait3A_224 = arith.constant 0 : i32
      %dma_wait3A_225 = tpu.memref_slice %arg10[%add3A_20, %dma_wait3A_224] : memref<10112x128xf32, #tpu.memory_space<vmem_shared>> -> memref<128x128xf32, #tpu.memory_space<vmem_shared>>
      %dma_wait3A_226 = arith.constant 0 : i32
      %dma_wait3A_227 = arith.constant 0 : i32
      %dma_wait3A_228 = tpu.memref_slice %arg8[%dma_wait3A_226, %dma_wait3A_227] : memref<128x128xf32, #tpu.memory_space<vmem>> -> memref<128x128xf32, #tpu.memory_space<vmem>>
      tpu.wait_dma2 semaphore(%run_scoped3A : memref<!tpu.dma_semaphore, #tpu.memory_space<semaphore_mem>>) src(%dma_wait3A_228 : memref<128x128xf32, #tpu.memory_space<vmem>>) dst(%dma_wait3A_225 : memref<128x128xf32, #tpu.memory_space<vmem_shared>>)
      tpu.yield
    }) : () -> ()
    %mul3A_21 = arith.constant 632 : i32
    %mul3A_22 = arith.muli %arg1, %mul3A_21 : i32
    %add3A_23 = arith.constant 256 : i32
    %add3A_24 = arith.addi %mul3A_22, %add3A_23 : i32
    "tpu.region"() ({
      %run_scoped3A = tpu.sem_alloc : memref<!tpu.dma_semaphore, #tpu.memory_space<semaphore_mem>>
      %dma_start3A_210 = arith.constant 0 : i32
      %dma_start3A_211 = arith.constant 0 : i32
      %dma_start3A_212 = tpu.memref_slice %arg8[%dma_start3A_210, %dma_start3A_211] : memref<128x128xf32, #tpu.memory_space<vmem>> -> memref<128x128xf32, #tpu.memory_space<vmem>>
      %dma_start3A_213 = arith.constant 0 : i32
      %dma_start3A_214 = tpu.memref_slice %arg10[%add3A_24, %dma_start3A_213] : memref<10112x128xf32, #tpu.memory_space<vmem_shared>> -> memref<128x128xf32, #tpu.memory_space<vmem_shared>>
      %dma_start3A_215 = arith.constant 0 : i32
      %dma_start3A_216 = tpu.memref_slice %arg10[%add3A_24, %dma_start3A_215] : memref<10112x128xf32, #tpu.memory_space<vmem_shared>> -> memref<128x128xf32, #tpu.memory_space<vmem_shared>>
      %dma_start3A_217 = arith.constant 0 : i32
      %dma_start3A_218 = arith.constant 0 : i32
      %dma_start3A_219 = tpu.memref_slice %arg8[%dma_start3A_217, %dma_start3A_218] : memref<128x128xf32, #tpu.memory_space<vmem>> -> memref<128x128xf32, #tpu.memory_space<vmem>>
      tpu.enqueue_dma source(%dma_start3A_219 : memref<128x128xf32, #tpu.memory_space<vmem>>) target(%dma_start3A_216 : memref<128x128xf32, #tpu.memory_space<vmem_shared>>) target_semaphore(%run_scoped3A : memref<!tpu.dma_semaphore, #tpu.memory_space<semaphore_mem>>)
      %dma_wait3A = arith.constant 0 : i32
      %dma_wait3A_220 = arith.constant 0 : i32
      %dma_wait3A_221 = tpu.memref_slice %arg8[%dma_wait3A, %dma_wait3A_220] : memref<128x128xf32, #tpu.memory_space<vmem>> -> memref<128x128xf32, #tpu.memory_space<vmem>>
      %dma_wait3A_222 = arith.constant 0 : i32
      %dma_wait3A_223 = tpu.memref_slice %arg10[%add3A_24, %dma_wait3A_222] : memref<10112x128xf32, #tpu.memory_space<vmem_shared>> -> memref<128x128xf32, #tpu.memory_space<vmem_shared>>
      %dma_wait3A_224 = arith.constant 0 : i32
      %dma_wait3A_225 = tpu.memref_slice %arg10[%add3A_24, %dma_wait3A_224] : memref<10112x128xf32, #tpu.memory_space<vmem_shared>> -> memref<128x128xf32, #tpu.memory_space<vmem_shared>>
      %dma_wait3A_226 = arith.constant 0 : i32
      %dma_wait3A_227 = arith.constant 0 : i32
      %dma_wait3A_228 = tpu.memref_slice %arg8[%dma_wait3A_226, %dma_wait3A_227] : memref<128x128xf32, #tpu.memory_space<vmem>> -> memref<128x128xf32, #tpu.memory_space<vmem>>
      tpu.wait_dma2 semaphore(%run_scoped3A : memref<!tpu.dma_semaphore, #tpu.memory_space<semaphore_mem>>) src(%dma_wait3A_228 : memref<128x128xf32, #tpu.memory_space<vmem>>) dst(%dma_wait3A_225 : memref<128x128xf32, #tpu.memory_space<vmem_shared>>)
      tpu.yield
    }) : () -> ()
    %mul3A_25 = arith.constant 632 : i32
    %mul3A_26 = arith.muli %arg1, %mul3A_25 : i32
    %add3A_27 = arith.constant 384 : i32
    %add3A_28 = arith.addi %mul3A_26, %add3A_27 : i32
    "tpu.region"() ({
      %run_scoped3A = tpu.sem_alloc : memref<!tpu.dma_semaphore, #tpu.memory_space<semaphore_mem>>
      %dma_start3A_210 = arith.constant 0 : i32
      %dma_start3A_211 = arith.constant 0 : i32
      %dma_start3A_212 = tpu.memref_slice %arg8[%dma_start3A_210, %dma_start3A_211] : memref<128x128xf32, #tpu.memory_space<vmem>> -> memref<128x128xf32, #tpu.memory_space<vmem>>
      %dma_start3A_213 = arith.constant 0 : i32
      %dma_start3A_214 = tpu.memref_slice %arg10[%add3A_28, %dma_start3A_213] : memref<10112x128xf32, #tpu.memory_space<vmem_shared>> -> memref<128x128xf32, #tpu.memory_space<vmem_shared>>
      %dma_start3A_215 = arith.constant 0 : i32
      %dma_start3A_216 = tpu.memref_slice %arg10[%add3A_28, %dma_start3A_215] : memref<10112x128xf32, #tpu.memory_space<vmem_shared>> -> memref<128x128xf32, #tpu.memory_space<vmem_shared>>
      %dma_start3A_217 = arith.constant 0 : i32
      %dma_start3A_218 = arith.constant 0 : i32
      %dma_start3A_219 = tpu.memref_slice %arg8[%dma_start3A_217, %dma_start3A_218] : memref<128x128xf32, #tpu.memory_space<vmem>> -> memref<128x128xf32, #tpu.memory_space<vmem>>
      tpu.enqueue_dma source(%dma_start3A_219 : memref<128x128xf32, #tpu.memory_space<vmem>>) target(%dma_start3A_216 : memref<128x128xf32, #tpu.memory_space<vmem_shared>>) target_semaphore(%run_scoped3A : memref<!tpu.dma_semaphore, #tpu.memory_space<semaphore_mem>>)
      %dma_wait3A = arith.constant 0 : i32
      %dma_wait3A_220 = arith.constant 0 : i32
      %dma_wait3A_221 = tpu.memref_slice %arg8[%dma_wait3A, %dma_wait3A_220] : memref<128x128xf32, #tpu.memory_space<vmem>> -> memref<128x128xf32, #tpu.memory_space<vmem>>
      %dma_wait3A_222 = arith.constant 0 : i32
      %dma_wait3A_223 = tpu.memref_slice %arg10[%add3A_28, %dma_wait3A_222] : memref<10112x128xf32, #tpu.memory_space<vmem_shared>> -> memref<128x128xf32, #tpu.memory_space<vmem_shared>>
      %dma_wait3A_224 = arith.constant 0 : i32
      %dma_wait3A_225 = tpu.memref_slice %arg10[%add3A_28, %dma_wait3A_224] : memref<10112x128xf32, #tpu.memory_space<vmem_shared>> -> memref<128x128xf32, #tpu.memory_space<vmem_shared>>
      %dma_wait3A_226 = arith.constant 0 : i32
      %dma_wait3A_227 = arith.constant 0 : i32
      %dma_wait3A_228 = tpu.memref_slice %arg8[%dma_wait3A_226, %dma_wait3A_227] : memref<128x128xf32, #tpu.memory_space<vmem>> -> memref<128x128xf32, #tpu.memory_space<vmem>>
      tpu.wait_dma2 semaphore(%run_scoped3A : memref<!tpu.dma_semaphore, #tpu.memory_space<semaphore_mem>>) src(%dma_wait3A_228 : memref<128x128xf32, #tpu.memory_space<vmem>>) dst(%dma_wait3A_225 : memref<128x128xf32, #tpu.memory_space<vmem_shared>>)
      tpu.yield
    }) : () -> ()
    %mul3A_29 = arith.constant 632 : i32
    %mul3A_30 = arith.muli %arg1, %mul3A_29 : i32
    %add3A_31 = arith.constant 512 : i32
    %add3A_32 = arith.addi %mul3A_30, %add3A_31 : i32
    "tpu.region"() ({
      %run_scoped3A = tpu.sem_alloc : memref<!tpu.dma_semaphore, #tpu.memory_space<semaphore_mem>>
      %dma_start3A_210 = arith.constant 0 : i32
      %dma_start3A_211 = arith.constant 0 : i32
      %dma_start3A_212 = tpu.memref_slice %arg8[%dma_start3A_210, %dma_start3A_211] : memref<128x128xf32, #tpu.memory_space<vmem>> -> memref<120x128xf32, #tpu.memory_space<vmem>>
      %dma_start3A_213 = arith.constant 0 : i32
      %dma_start3A_214 = tpu.memref_slice %arg10[%add3A_32, %dma_start3A_213] : memref<10112x128xf32, #tpu.memory_space<vmem_shared>> -> memref<120x128xf32, #tpu.memory_space<vmem_shared>>
      %dma_start3A_215 = arith.constant 0 : i32
      %dma_start3A_216 = tpu.memref_slice %arg10[%add3A_32, %dma_start3A_215] : memref<10112x128xf32, #tpu.memory_space<vmem_shared>> -> memref<120x128xf32, #tpu.memory_space<vmem_shared>>
      %dma_start3A_217 = arith.constant 0 : i32
      %dma_start3A_218 = arith.constant 0 : i32
      %dma_start3A_219 = tpu.memref_slice %arg8[%dma_start3A_217, %dma_start3A_218] : memref<128x128xf32, #tpu.memory_space<vmem>> -> memref<120x128xf32, #tpu.memory_space<vmem>>
      tpu.enqueue_dma source(%dma_start3A_219 : memref<120x128xf32, #tpu.memory_space<vmem>>) target(%dma_start3A_216 : memref<120x128xf32, #tpu.memory_space<vmem_shared>>) target_semaphore(%run_scoped3A : memref<!tpu.dma_semaphore, #tpu.memory_space<semaphore_mem>>)
      %dma_wait3A = arith.constant 0 : i32
      %dma_wait3A_220 = arith.constant 0 : i32
      %dma_wait3A_221 = tpu.memref_slice %arg8[%dma_wait3A, %dma_wait3A_220] : memref<128x128xf32, #tpu.memory_space<vmem>> -> memref<120x128xf32, #tpu.memory_space<vmem>>
      %dma_wait3A_222 = arith.constant 0 : i32
      %dma_wait3A_223 = tpu.memref_slice %arg10[%add3A_32, %dma_wait3A_222] : memref<10112x128xf32, #tpu.memory_space<vmem_shared>> -> memref<120x128xf32, #tpu.memory_space<vmem_shared>>
      %dma_wait3A_224 = arith.constant 0 : i32
      %dma_wait3A_225 = tpu.memref_slice %arg10[%add3A_32, %dma_wait3A_224] : memref<10112x128xf32, #tpu.memory_space<vmem_shared>> -> memref<120x128xf32, #tpu.memory_space<vmem_shared>>
      %dma_wait3A_226 = arith.constant 0 : i32
      %dma_wait3A_227 = arith.constant 0 : i32
      %dma_wait3A_228 = tpu.memref_slice %arg8[%dma_wait3A_226, %dma_wait3A_227] : memref<128x128xf32, #tpu.memory_space<vmem>> -> memref<120x128xf32, #tpu.memory_space<vmem>>
      tpu.wait_dma2 semaphore(%run_scoped3A : memref<!tpu.dma_semaphore, #tpu.memory_space<semaphore_mem>>) src(%dma_wait3A_228 : memref<120x128xf32, #tpu.memory_space<vmem>>) dst(%dma_wait3A_225 : memref<120x128xf32, #tpu.memory_space<vmem_shared>>)
      tpu.yield
    }) : () -> ()
    %barrier3A = arith.constant 0 : index
    tpu.barrier barrier_id(%barrier3A)
    %get3A = arith.constant 0 : index
    %get3A_33 = tpu.vector_load %arg5[%get3A] {strides = array<i32>} : memref<10240xi32, #tpu.memory_space<vmem>>, vector<16xi32>,
    %get3A_34 = vector.shape_cast %get3A_33 : vector<16xi32> to vector<16xi32>
    %and3A = arith.constant 65535 : i32
    %and3A_35 = vector.broadcast %and3A : i32 to vector<16xi32>
    %and3A_36 = arith.andi %get3A_34, %and3A_35 : vector<16xi32>
    %swap3A = arith.constant 0 : i32
    %swap3A_37 = arith.index_cast %swap3A : i32 to index
    %swap3A_38 = arith.constant 0 : index
    %swap3A_39 = tpu.vector_load %arg6[%swap3A_37, %swap3A_38] {strides = array<i32>} : memref<2x128xi32, #tpu.memory_space<vmem>>, vector<1x16xi32>,
    %swap3A_40 = vector.shape_cast %swap3A_39 : vector<1x16xi32> to vector<16xi32>
    %swap3A_41 = vector.shape_cast %and3A_36 : vector<16xi32> to vector<1x16xi32>
    tpu.vector_store %arg6[%swap3A_37, %swap3A_38], %swap3A_41 {strides = array<i32>} : memref<2x128xi32, #tpu.memory_space<vmem>>, vector<1x16xi32>,
    %shift_right_logical3A = arith.constant 16 : i32
    %shift_right_logical3A_42 = vector.broadcast %shift_right_logical3A : i32 to vector<16xi32>
    %shift_right_logical3A_43 = arith.shrui %get3A_34, %shift_right_logical3A_42 : vector<16xi32>
    %swap3A_44 = arith.constant 0 : i32
    %swap3A_45 = arith.index_cast %swap3A_44 : i32 to index
    %swap3A_46 = arith.constant 0 : index
    %swap3A_47 = tpu.vector_load %arg7[%swap3A_45, %swap3A_46] {strides = array<i32>} : memref<2x128xi32, #tpu.memory_space<vmem>>, vector<1x16xi32>,
    %swap3A_48 = vector.shape_cast %swap3A_47 : vector<1x16xi32> to vector<16xi32>
    %swap3A_49 = vector.shape_cast %shift_right_logical3A_43 : vector<16xi32> to vector<1x16xi32>
    tpu.vector_store %arg7[%swap3A_45, %swap3A_46], %swap3A_49 {strides = array<i32>} : memref<2x128xi32, #tpu.memory_space<vmem>>, vector<1x16xi32>,
    %get3A_50 = arith.constant 16 : index
    %get3A_51 = tpu.vector_load %arg5[%get3A_50] {strides = array<i32>} : memref<10240xi32, #tpu.memory_space<vmem>>, vector<16xi32>,
    %get3A_52 = vector.shape_cast %get3A_51 : vector<16xi32> to vector<16xi32>
    %and3A_53 = arith.constant 65535 : i32
    %and3A_54 = vector.broadcast %and3A_53 : i32 to vector<16xi32>
    %and3A_55 = arith.andi %get3A_52, %and3A_54 : vector<16xi32>
    %swap3A_56 = arith.constant 0 : i32
    %swap3A_57 = arith.index_cast %swap3A_56 : i32 to index
    %swap3A_58 = arith.constant 16 : index
    %swap3A_59 = tpu.vector_load %arg6[%swap3A_57, %swap3A_58] {strides = array<i32>} : memref<2x128xi32, #tpu.memory_space<vmem>>, vector<1x16xi32>,
    %swap3A_60 = vector.shape_cast %swap3A_59 : vector<1x16xi32> to vector<16xi32>
    %swap3A_61 = vector.shape_cast %and3A_55 : vector<16xi32> to vector<1x16xi32>
    tpu.vector_store %arg6[%swap3A_57, %swap3A_58], %swap3A_61 {strides = array<i32>} : memref<2x128xi32, #tpu.memory_space<vmem>>, vector<1x16xi32>,
    %shift_right_logical3A_62 = arith.constant 16 : i32
    %shift_right_logical3A_63 = vector.broadcast %shift_right_logical3A_62 : i32 to vector<16xi32>
    %shift_right_logical3A_64 = arith.shrui %get3A_52, %shift_right_logical3A_63 : vector<16xi32>
    %swap3A_65 = arith.constant 0 : i32
    %swap3A_66 = arith.index_cast %swap3A_65 : i32 to index
    %swap3A_67 = arith.constant 16 : index
    %swap3A_68 = tpu.vector_load %arg7[%swap3A_66, %swap3A_67] {strides = array<i32>} : memref<2x128xi32, #tpu.memory_space<vmem>>, vector<1x16xi32>,
    %swap3A_69 = vector.shape_cast %swap3A_68 : vector<1x16xi32> to vector<16xi32>
    %swap3A_70 = vector.shape_cast %shift_right_logical3A_64 : vector<16xi32> to vector<1x16xi32>
    tpu.vector_store %arg7[%swap3A_66, %swap3A_67], %swap3A_70 {strides = array<i32>} : memref<2x128xi32, #tpu.memory_space<vmem>>, vector<1x16xi32>,
    %get3A_71 = arith.constant 32 : index
    %get3A_72 = tpu.vector_load %arg5[%get3A_71] {strides = array<i32>} : memref<10240xi32, #tpu.memory_space<vmem>>, vector<16xi32>,
    %get3A_73 = vector.shape_cast %get3A_72 : vector<16xi32> to vector<16xi32>
    %and3A_74 = arith.constant 65535 : i32
    %and3A_75 = vector.broadcast %and3A_74 : i32 to vector<16xi32>
    %and3A_76 = arith.andi %get3A_73, %and3A_75 : vector<16xi32>
    %swap3A_77 = arith.constant 0 : i32
    %swap3A_78 = arith.index_cast %swap3A_77 : i32 to index
    %swap3A_79 = arith.constant 32 : index
    %swap3A_80 = tpu.vector_load %arg6[%swap3A_78, %swap3A_79] {strides = array<i32>} : memref<2x128xi32, #tpu.memory_space<vmem>>, vector<1x16xi32>,
    %swap3A_81 = vector.shape_cast %swap3A_80 : vector<1x16xi32> to vector<16xi32>
    %swap3A_82 = vector.shape_cast %and3A_76 : vector<16xi32> to vector<1x16xi32>
    tpu.vector_store %arg6[%swap3A_78, %swap3A_79], %swap3A_82 {strides = array<i32>} : memref<2x128xi32, #tpu.memory_space<vmem>>, vector<1x16xi32>,
    %shift_right_logical3A_83 = arith.constant 16 : i32
    %shift_right_logical3A_84 = vector.broadcast %shift_right_logical3A_83 : i32 to vector<16xi32>
    %shift_right_logical3A_85 = arith.shrui %get3A_73, %shift_right_logical3A_84 : vector<16xi32>
    %swap3A_86 = arith.constant 0 : i32
    %swap3A_87 = arith.index_cast %swap3A_86 : i32 to index
    %swap3A_88 = arith.constant 32 : index
    %swap3A_89 = tpu.vector_load %arg7[%swap3A_87, %swap3A_88] {strides = array<i32>} : memref<2x128xi32, #tpu.memory_space<vmem>>, vector<1x16xi32>,
    %swap3A_90 = vector.shape_cast %swap3A_89 : vector<1x16xi32> to vector<16xi32>
    %swap3A_91 = vector.shape_cast %shift_right_logical3A_85 : vector<16xi32> to vector<1x16xi32>
    tpu.vector_store %arg7[%swap3A_87, %swap3A_88], %swap3A_91 {strides = array<i32>} : memref<2x128xi32, #tpu.memory_space<vmem>>, vector<1x16xi32>,
    %get3A_92 = arith.constant 48 : index
    %get3A_93 = tpu.vector_load %arg5[%get3A_92] {strides = array<i32>} : memref<10240xi32, #tpu.memory_space<vmem>>, vector<16xi32>,
    %get3A_94 = vector.shape_cast %get3A_93 : vector<16xi32> to vector<16xi32>
    %and3A_95 = arith.constant 65535 : i32
    %and3A_96 = vector.broadcast %and3A_95 : i32 to vector<16xi32>
    %and3A_97 = arith.andi %get3A_94, %and3A_96 : vector<16xi32>
    %swap3A_98 = arith.constant 0 : i32
    %swap3A_99 = arith.index_cast %swap3A_98 : i32 to index
    %swap3A_100 = arith.constant 48 : index
    %swap3A_101 = tpu.vector_load %arg6[%swap3A_99, %swap3A_100] {strides = array<i32>} : memref<2x128xi32, #tpu.memory_space<vmem>>, vector<1x16xi32>,
    %swap3A_102 = vector.shape_cast %swap3A_101 : vector<1x16xi32> to vector<16xi32>
    %swap3A_103 = vector.shape_cast %and3A_97 : vector<16xi32> to vector<1x16xi32>
    tpu.vector_store %arg6[%swap3A_99, %swap3A_100], %swap3A_103 {strides = array<i32>} : memref<2x128xi32, #tpu.memory_space<vmem>>, vector<1x16xi32>,
    %shift_right_logical3A_104 = arith.constant 16 : i32
    %shift_right_logical3A_105 = vector.broadcast %shift_right_logical3A_104 : i32 to vector<16xi32>
    %shift_right_logical3A_106 = arith.shrui %get3A_94, %shift_right_logical3A_105 : vector<16xi32>
    %swap3A_107 = arith.constant 0 : i32
    %swap3A_108 = arith.index_cast %swap3A_107 : i32 to index
    %swap3A_109 = arith.constant 48 : index
    %swap3A_110 = tpu.vector_load %arg7[%swap3A_108, %swap3A_109] {strides = array<i32>} : memref<2x128xi32, #tpu.memory_space<vmem>>, vector<1x16xi32>,
    %swap3A_111 = vector.shape_cast %swap3A_110 : vector<1x16xi32> to vector<16xi32>
    %swap3A_112 = vector.shape_cast %shift_right_logical3A_106 : vector<16xi32> to vector<1x16xi32>
    tpu.vector_store %arg7[%swap3A_108, %swap3A_109], %swap3A_112 {strides = array<i32>} : memref<2x128xi32, #tpu.memory_space<vmem>>, vector<1x16xi32>,
    %get3A_113 = arith.constant 64 : index
    %get3A_114 = tpu.vector_load %arg5[%get3A_113] {strides = array<i32>} : memref<10240xi32, #tpu.memory_space<vmem>>, vector<16xi32>,
    %get3A_115 = vector.shape_cast %get3A_114 : vector<16xi32> to vector<16xi32>
    %and3A_116 = arith.constant 65535 : i32
    %and3A_117 = vector.broadcast %and3A_116 : i32 to vector<16xi32>
    %and3A_118 = arith.andi %get3A_115, %and3A_117 : vector<16xi32>
    %swap3A_119 = arith.constant 0 : i32
    %swap3A_120 = arith.index_cast %swap3A_119 : i32 to index
    %swap3A_121 = arith.constant 64 : index
    %swap3A_122 = tpu.vector_load %arg6[%swap3A_120, %swap3A_121] {strides = array<i32>} : memref<2x128xi32, #tpu.memory_space<vmem>>, vector<1x16xi32>,
    %swap3A_123 = vector.shape_cast %swap3A_122 : vector<1x16xi32> to vector<16xi32>
    %swap3A_124 = vector.shape_cast %and3A_118 : vector<16xi32> to vector<1x16xi32>
    tpu.vector_store %arg6[%swap3A_120, %swap3A_121], %swap3A_124 {strides = array<i32>} : memref<2x128xi32, #tpu.memory_space<vmem>>, vector<1x16xi32>,
    %shift_right_logical3A_125 = arith.constant 16 : i32
    %shift_right_logical3A_126 = vector.broadcast %shift_right_logical3A_125 : i32 to vector<16xi32>
    %shift_right_logical3A_127 = arith.shrui %get3A_115, %shift_right_logical3A_126 : vector<16xi32>
    %swap3A_128 = arith.constant 0 : i32
    %swap3A_129 = arith.index_cast %swap3A_128 : i32 to index
    %swap3A_130 = arith.constant 64 : index
    %swap3A_131 = tpu.vector_load %arg7[%swap3A_129, %swap3A_130] {strides = array<i32>} : memref<2x128xi32, #tpu.memory_space<vmem>>, vector<1x16xi32>,
    %swap3A_132 = vector.shape_cast %swap3A_131 : vector<1x16xi32> to vector<16xi32>
    %swap3A_133 = vector.shape_cast %shift_right_logical3A_127 : vector<16xi32> to vector<1x16xi32>
    tpu.vector_store %arg7[%swap3A_129, %swap3A_130], %swap3A_133 {strides = array<i32>} : memref<2x128xi32, #tpu.memory_space<vmem>>, vector<1x16xi32>,
    %get3A_134 = arith.constant 80 : index
    %get3A_135 = tpu.vector_load %arg5[%get3A_134] {strides = array<i32>} : memref<10240xi32, #tpu.memory_space<vmem>>, vector<16xi32>,
    %get3A_136 = vector.shape_cast %get3A_135 : vector<16xi32> to vector<16xi32>
    %and3A_137 = arith.constant 65535 : i32
    %and3A_138 = vector.broadcast %and3A_137 : i32 to vector<16xi32>
    %and3A_139 = arith.andi %get3A_136, %and3A_138 : vector<16xi32>
    %swap3A_140 = arith.constant 0 : i32
    %swap3A_141 = arith.index_cast %swap3A_140 : i32 to index
    %swap3A_142 = arith.constant 80 : index
    %swap3A_143 = tpu.vector_load %arg6[%swap3A_141, %swap3A_142] {strides = array<i32>} : memref<2x128xi32, #tpu.memory_space<vmem>>, vector<1x16xi32>,
    %swap3A_144 = vector.shape_cast %swap3A_143 : vector<1x16xi32> to vector<16xi32>
    %swap3A_145 = vector.shape_cast %and3A_139 : vector<16xi32> to vector<1x16xi32>
    tpu.vector_store %arg6[%swap3A_141, %swap3A_142], %swap3A_145 {strides = array<i32>} : memref<2x128xi32, #tpu.memory_space<vmem>>, vector<1x16xi32>,
    %shift_right_logical3A_146 = arith.constant 16 : i32
    %shift_right_logical3A_147 = vector.broadcast %shift_right_logical3A_146 : i32 to vector<16xi32>
    %shift_right_logical3A_148 = arith.shrui %get3A_136, %shift_right_logical3A_147 : vector<16xi32>
    %swap3A_149 = arith.constant 0 : i32
    %swap3A_150 = arith.index_cast %swap3A_149 : i32 to index
    %swap3A_151 = arith.constant 80 : index
    %swap3A_152 = tpu.vector_load %arg7[%swap3A_150, %swap3A_151] {strides = array<i32>} : memref<2x128xi32, #tpu.memory_space<vmem>>, vector<1x16xi32>,
    %swap3A_153 = vector.shape_cast %swap3A_152 : vector<1x16xi32> to vector<16xi32>
    %swap3A_154 = vector.shape_cast %shift_right_logical3A_148 : vector<16xi32> to vector<1x16xi32>
    tpu.vector_store %arg7[%swap3A_150, %swap3A_151], %swap3A_154 {strides = array<i32>} : memref<2x128xi32, #tpu.memory_space<vmem>>, vector<1x16xi32>,
    %get3A_155 = arith.constant 96 : index
    %get3A_156 = tpu.vector_load %arg5[%get3A_155] {strides = array<i32>} : memref<10240xi32, #tpu.memory_space<vmem>>, vector<16xi32>,
    %get3A_157 = vector.shape_cast %get3A_156 : vector<16xi32> to vector<16xi32>
    %and3A_158 = arith.constant 65535 : i32
    %and3A_159 = vector.broadcast %and3A_158 : i32 to vector<16xi32>
    %and3A_160 = arith.andi %get3A_157, %and3A_159 : vector<16xi32>
    %swap3A_161 = arith.constant 0 : i32
    %swap3A_162 = arith.index_cast %swap3A_161 : i32 to index
    %swap3A_163 = arith.constant 96 : index
    %swap3A_164 = tpu.vector_load %arg6[%swap3A_162, %swap3A_163] {strides = array<i32>} : memref<2x128xi32, #tpu.memory_space<vmem>>, vector<1x16xi32>,
    %swap3A_165 = vector.shape_cast %swap3A_164 : vector<1x16xi32> to vector<16xi32>
    %swap3A_166 = vector.shape_cast %and3A_160 : vector<16xi32> to vector<1x16xi32>
    tpu.vector_store %arg6[%swap3A_162, %swap3A_163], %swap3A_166 {strides = array<i32>} : memref<2x128xi32, #tpu.memory_space<vmem>>, vector<1x16xi32>,
    %shift_right_logical3A_167 = arith.constant 16 : i32
    %shift_right_logical3A_168 = vector.broadcast %shift_right_logical3A_167 : i32 to vector<16xi32>
    %shift_right_logical3A_169 = arith.shrui %get3A_157, %shift_right_logical3A_168 : vector<16xi32>
    %swap3A_170 = arith.constant 0 : i32
    %swap3A_171 = arith.index_cast %swap3A_170 : i32 to index
    %swap3A_172 = arith.constant 96 : index
    %swap3A_173 = tpu.vector_load %arg7[%swap3A_171, %swap3A_172] {strides = array<i32>} : memref<2x128xi32, #tpu.memory_space<vmem>>, vector<1x16xi32>,
    %swap3A_174 = vector.shape_cast %swap3A_173 : vector<1x16xi32> to vector<16xi32>
    %swap3A_175 = vector.shape_cast %shift_right_logical3A_169 : vector<16xi32> to vector<1x16xi32>
    tpu.vector_store %arg7[%swap3A_171, %swap3A_172], %swap3A_175 {strides = array<i32>} : memref<2x128xi32, #tpu.memory_space<vmem>>, vector<1x16xi32>,
    %get3A_176 = arith.constant 112 : index
    %get3A_177 = tpu.vector_load %arg5[%get3A_176] {strides = array<i32>} : memref<10240xi32, #tpu.memory_space<vmem>>, vector<16xi32>,
    %get3A_178 = vector.shape_cast %get3A_177 : vector<16xi32> to vector<16xi32>
    %and3A_179 = arith.constant 65535 : i32
    %and3A_180 = vector.broadcast %and3A_179 : i32 to vector<16xi32>
    %and3A_181 = arith.andi %get3A_178, %and3A_180 : vector<16xi32>
    %swap3A_182 = arith.constant 0 : i32
    %swap3A_183 = arith.index_cast %swap3A_182 : i32 to index
    %swap3A_184 = arith.constant 112 : index
    %swap3A_185 = tpu.vector_load %arg6[%swap3A_183, %swap3A_184] {strides = array<i32>} : memref<2x128xi32, #tpu.memory_space<vmem>>, vector<1x16xi32>,
    %swap3A_186 = vector.shape_cast %swap3A_185 : vector<1x16xi32> to vector<16xi32>
    %swap3A_187 = vector.shape_cast %and3A_181 : vector<16xi32> to vector<1x16xi32>
    tpu.vector_store %arg6[%swap3A_183, %swap3A_184], %swap3A_187 {strides = array<i32>} : memref<2x128xi32, #tpu.memory_space<vmem>>, vector<1x16xi32>,
    %shift_right_logical3A_188 = arith.constant 16 : i32
    %shift_right_logical3A_189 = vector.broadcast %shift_right_logical3A_188 : i32 to vector<16xi32>
    %shift_right_logical3A_190 = arith.shrui %get3A_178, %shift_right_logical3A_189 : vector<16xi32>
    %swap3A_191 = arith.constant 0 : i32
    %swap3A_192 = arith.index_cast %swap3A_191 : i32 to index
    %swap3A_193 = arith.constant 112 : index
    %swap3A_194 = tpu.vector_load %arg7[%swap3A_192, %swap3A_193] {strides = array<i32>} : memref<2x128xi32, #tpu.memory_space<vmem>>, vector<1x16xi32>,
    %swap3A_195 = vector.shape_cast %swap3A_194 : vector<1x16xi32> to vector<16xi32>
    %swap3A_196 = vector.shape_cast %shift_right_logical3A_190 : vector<16xi32> to vector<1x16xi32>
    tpu.vector_store %arg7[%swap3A_192, %swap3A_193], %swap3A_196 {strides = array<i32>} : memref<2x128xi32, #tpu.memory_space<vmem>>, vector<1x16xi32>,
    %dma_start3A = arith.constant 0 : i32
    %dma_start3A_197 = arith.constant 0 : i32
    %dma_start3A_198 = tpu.memref_slice %arg6[%dma_start3A, %dma_start3A_197] : memref<2x128xi32, #tpu.memory_space<vmem>> -> memref<1x128xi32, #tpu.memory_space<vmem>>
    %dma_start3A_199 = tpu.memref_squeeze %dma_start3A_198 : memref<1x128xi32, #tpu.memory_space<vmem>> -> memref<128xi32, #tpu.memory_space<vmem>>
    %dma_start3A_200 = arith.constant 0 : i32
    %dma_start3A_201 = arith.constant 0 : i32
    %dma_start3A_202 = tpu.memref_slice %arg2[%dma_start3A_200, %dma_start3A_201] : memref<10000x128xf32, #tpu.memory_space<hbm>> -> memref<10000x128xf32, #tpu.memory_space<hbm>>
    tpu.enqueue_indirect_dma source(%dma_start3A_202 : memref<10000x128xf32, #tpu.memory_space<hbm>>) target(%arg8 : memref<128x128xf32, #tpu.memory_space<vmem>>) offsets(%dma_start3A_199 : memref<128xi32, #tpu.memory_space<vmem>>) semaphore(%arg11 : memref<!tpu.dma_semaphore, #tpu.memory_space<semaphore_mem>>)
    %scan3A_203 = arith.constant 0 : i32
    %scan3A_204 = arith.constant 0 : i32
    %scan3A_205 = arith.constant 40 : i32
    %scan3A_206 = arith.addi %scan3A_204, %scan3A_205 : i32
    %scan3A_207 = arith.constant 1 : i32
    scf.for %scan3A_210 = %scan3A_204 to %scan3A_206 step %scan3A_207  : i32 {
      %mul3A_211 = arith.constant 2 : i32
      %mul3A_212 = arith.muli %mul3A_211, %scan3A_210 : i32
      %add3A_213 = arith.constant 1 : i32
      %add3A_214 = arith.addi %mul3A_212, %add3A_213 : i32
      %mul3A_215 = arith.constant 128 : i32
      %mul3A_216 = arith.muli %add3A_214, %mul3A_215 : i32
      %add3A_217 = arith.constant 0 : i32
      %add3A_218 = arith.addi %mul3A_216, %add3A_217 : i32
      %get3A_219 = arith.index_cast %add3A_218 : i32 to index
      %get3A_220 = tpu.vector_load %arg5[%get3A_219] {strides = array<i32>} : memref<10240xi32, #tpu.memory_space<vmem>>, vector<16xi32>,
      %get3A_221 = vector.shape_cast %get3A_220 : vector<16xi32> to vector<16xi32>
      %and3A_222 = arith.constant 65535 : i32
      %and3A_223 = vector.broadcast %and3A_222 : i32 to vector<16xi32>
      %and3A_224 = arith.andi %get3A_221, %and3A_223 : vector<16xi32>
      %swap3A_225 = arith.constant 1 : i32
      %swap3A_226 = arith.index_cast %swap3A_225 : i32 to index
      %swap3A_227 = arith.constant 0 : index
      %swap3A_228 = tpu.vector_load %arg6[%swap3A_226, %swap3A_227] {strides = array<i32>} : memref<2x128xi32, #tpu.memory_space<vmem>>, vector<1x16xi32>,
      %swap3A_229 = vector.shape_cast %swap3A_228 : vector<1x16xi32> to vector<16xi32>
      %swap3A_230 = vector.shape_cast %and3A_224 : vector<16xi32> to vector<1x16xi32>
      tpu.vector_store %arg6[%swap3A_226, %swap3A_227], %swap3A_230 {strides = array<i32>} : memref<2x128xi32, #tpu.memory_space<vmem>>, vector<1x16xi32>,
      %shift_right_logical3A_231 = arith.constant 16 : i32
      %shift_right_logical3A_232 = vector.broadcast %shift_right_logical3A_231 : i32 to vector<16xi32>
      %shift_right_logical3A_233 = arith.shrui %get3A_221, %shift_right_logical3A_232 : vector<16xi32>
      %swap3A_234 = arith.constant 1 : i32
      %swap3A_235 = arith.index_cast %swap3A_234 : i32 to index
      %swap3A_236 = arith.constant 0 : index
      %swap3A_237 = tpu.vector_load %arg7[%swap3A_235, %swap3A_236] {strides = array<i32>} : memref<2x128xi32, #tpu.memory_space<vmem>>, vector<1x16xi32>,
      %swap3A_238 = vector.shape_cast %swap3A_237 : vector<1x16xi32> to vector<16xi32>
      %swap3A_239 = vector.shape_cast %shift_right_logical3A_233 : vector<16xi32> to vector<1x16xi32>
      tpu.vector_store %arg7[%swap3A_235, %swap3A_236], %swap3A_239 {strides = array<i32>} : memref<2x128xi32, #tpu.memory_space<vmem>>, vector<1x16xi32>,
      %mul3A_240 = arith.constant 128 : i32
      %mul3A_241 = arith.muli %add3A_214, %mul3A_240 : i32
      %add3A_242 = arith.constant 16 : i32
      %add3A_243 = arith.addi %mul3A_241, %add3A_242 : i32
      %get3A_244 = arith.index_cast %add3A_243 : i32 to index
      %get3A_245 = tpu.vector_load %arg5[%get3A_244] {strides = array<i32>} : memref<10240xi32, #tpu.memory_space<vmem>>, vector<16xi32>,
      %get3A_246 = vector.shape_cast %get3A_245 : vector<16xi32> to vector<16xi32>
      %and3A_247 = arith.constant 65535 : i32
      %and3A_248 = vector.broadcast %and3A_247 : i32 to vector<16xi32>
      %and3A_249 = arith.andi %get3A_246, %and3A_248 : vector<16xi32>
      %swap3A_250 = arith.constant 1 : i32
      %swap3A_251 = arith.index_cast %swap3A_250 : i32 to index
      %swap3A_252 = arith.constant 16 : index
      %swap3A_253 = tpu.vector_load %arg6[%swap3A_251, %swap3A_252] {strides = array<i32>} : memref<2x128xi32, #tpu.memory_space<vmem>>, vector<1x16xi32>,
      %swap3A_254 = vector.shape_cast %swap3A_253 : vector<1x16xi32> to vector<16xi32>
      %swap3A_255 = vector.shape_cast %and3A_249 : vector<16xi32> to vector<1x16xi32>
      tpu.vector_store %arg6[%swap3A_251, %swap3A_252], %swap3A_255 {strides = array<i32>} : memref<2x128xi32, #tpu.memory_space<vmem>>, vector<1x16xi32>,
      %shift_right_logical3A_256 = arith.constant 16 : i32
      %shift_right_logical3A_257 = vector.broadcast %shift_right_logical3A_256 : i32 to vector<16xi32>
      %shift_right_logical3A_258 = arith.shrui %get3A_246, %shift_right_logical3A_257 : vector<16xi32>
      %swap3A_259 = arith.constant 1 : i32
      %swap3A_260 = arith.index_cast %swap3A_259 : i32 to index
      %swap3A_261 = arith.constant 16 : index
      %swap3A_262 = tpu.vector_load %arg7[%swap3A_260, %swap3A_261] {strides = array<i32>} : memref<2x128xi32, #tpu.memory_space<vmem>>, vector<1x16xi32>,
      %swap3A_263 = vector.shape_cast %swap3A_262 : vector<1x16xi32> to vector<16xi32>
      %swap3A_264 = vector.shape_cast %shift_right_logical3A_258 : vector<16xi32> to vector<1x16xi32>
      tpu.vector_store %arg7[%swap3A_260, %swap3A_261], %swap3A_264 {strides = array<i32>} : memref<2x128xi32, #tpu.memory_space<vmem>>, vector<1x16xi32>,
      %mul3A_265 = arith.constant 128 : i32
      %mul3A_266 = arith.muli %add3A_214, %mul3A_265 : i32
      %add3A_267 = arith.constant 32 : i32
      %add3A_268 = arith.addi %mul3A_266, %add3A_267 : i32
      %get3A_269 = arith.index_cast %add3A_268 : i32 to index
      %get3A_270 = tpu.vector_load %arg5[%get3A_269] {strides = array<i32>} : memref<10240xi32, #tpu.memory_space<vmem>>, vector<16xi32>,
      %get3A_271 = vector.shape_cast %get3A_270 : vector<16xi32> to vector<16xi32>
      %and3A_272 = arith.constant 65535 : i32
      %and3A_273 = vector.broadcast %and3A_272 : i32 to vector<16xi32>
      %and3A_274 = arith.andi %get3A_271, %and3A_273 : vector<16xi32>
      %swap3A_275 = arith.constant 1 : i32
      %swap3A_276 = arith.index_cast %swap3A_275 : i32 to index
      %swap3A_277 = arith.constant 32 : index
      %swap3A_278 = tpu.vector_load %arg6[%swap3A_276, %swap3A_277] {strides = array<i32>} : memref<2x128xi32, #tpu.memory_space<vmem>>, vector<1x16xi32>,
      %swap3A_279 = vector.shape_cast %swap3A_278 : vector<1x16xi32> to vector<16xi32>
      %swap3A_280 = vector.shape_cast %and3A_274 : vector<16xi32> to vector<1x16xi32>
      tpu.vector_store %arg6[%swap3A_276, %swap3A_277], %swap3A_280 {strides = array<i32>} : memref<2x128xi32, #tpu.memory_space<vmem>>, vector<1x16xi32>,
      %shift_right_logical3A_281 = arith.constant 16 : i32
      %shift_right_logical3A_282 = vector.broadcast %shift_right_logical3A_281 : i32 to vector<16xi32>
      %shift_right_logical3A_283 = arith.shrui %get3A_271, %shift_right_logical3A_282 : vector<16xi32>
      %swap3A_284 = arith.constant 1 : i32
      %swap3A_285 = arith.index_cast %swap3A_284 : i32 to index
      %swap3A_286 = arith.constant 32 : index
      %swap3A_287 = tpu.vector_load %arg7[%swap3A_285, %swap3A_286] {strides = array<i32>} : memref<2x128xi32, #tpu.memory_space<vmem>>, vector<1x16xi32>,
      %swap3A_288 = vector.shape_cast %swap3A_287 : vector<1x16xi32> to vector<16xi32>
      %swap3A_289 = vector.shape_cast %shift_right_logical3A_283 : vector<16xi32> to vector<1x16xi32>
      tpu.vector_store %arg7[%swap3A_285, %swap3A_286], %swap3A_289 {strides = array<i32>} : memref<2x128xi32, #tpu.memory_space<vmem>>, vector<1x16xi32>,
      %mul3A_290 = arith.constant 128 : i32
      %mul3A_291 = arith.muli %add3A_214, %mul3A_290 : i32
      %add3A_292 = arith.constant 48 : i32
      %add3A_293 = arith.addi %mul3A_291, %add3A_292 : i32
      %get3A_294 = arith.index_cast %add3A_293 : i32 to index
      %get3A_295 = tpu.vector_load %arg5[%get3A_294] {strides = array<i32>} : memref<10240xi32, #tpu.memory_space<vmem>>, vector<16xi32>,
      %get3A_296 = vector.shape_cast %get3A_295 : vector<16xi32> to vector<16xi32>
      %and3A_297 = arith.constant 65535 : i32
      %and3A_298 = vector.broadcast %and3A_297 : i32 to vector<16xi32>
      %and3A_299 = arith.andi %get3A_296, %and3A_298 : vector<16xi32>
      %swap3A_300 = arith.constant 1 : i32
      %swap3A_301 = arith.index_cast %swap3A_300 : i32 to index
      %swap3A_302 = arith.constant 48 : index
      %swap3A_303 = tpu.vector_load %arg6[%swap3A_301, %swap3A_302] {strides = array<i32>} : memref<2x128xi32, #tpu.memory_space<vmem>>, vector<1x16xi32>,
      %swap3A_304 = vector.shape_cast %swap3A_303 : vector<1x16xi32> to vector<16xi32>
      %swap3A_305 = vector.shape_cast %and3A_299 : vector<16xi32> to vector<1x16xi32>
      tpu.vector_store %arg6[%swap3A_301, %swap3A_302], %swap3A_305 {strides = array<i32>} : memref<2x128xi32, #tpu.memory_space<vmem>>, vector<1x16xi32>,
      %shift_right_logical3A_306 = arith.constant 16 : i32
      %shift_right_logical3A_307 = vector.broadcast %shift_right_logical3A_306 : i32 to vector<16xi32>
      %shift_right_logical3A_308 = arith.shrui %get3A_296, %shift_right_logical3A_307 : vector<16xi32>
      %swap3A_309 = arith.constant 1 : i32
      %swap3A_310 = arith.index_cast %swap3A_309 : i32 to index
      %swap3A_311 = arith.constant 48 : index
      %swap3A_312 = tpu.vector_load %arg7[%swap3A_310, %swap3A_311] {strides = array<i32>} : memref<2x128xi32, #tpu.memory_space<vmem>>, vector<1x16xi32>,
      %swap3A_313 = vector.shape_cast %swap3A_312 : vector<1x16xi32> to vector<16xi32>
      %swap3A_314 = vector.shape_cast %shift_right_logical3A_308 : vector<16xi32> to vector<1x16xi32>
      tpu.vector_store %arg7[%swap3A_310, %swap3A_311], %swap3A_314 {strides = array<i32>} : memref<2x128xi32, #tpu.memory_space<vmem>>, vector<1x16xi32>,
      %mul3A_315 = arith.constant 128 : i32
      %mul3A_316 = arith.muli %add3A_214, %mul3A_315 : i32
      %add3A_317 = arith.constant 64 : i32
      %add3A_318 = arith.addi %mul3A_316, %add3A_317 : i32
      %get3A_319 = arith.index_cast %add3A_318 : i32 to index
      %get3A_320 = tpu.vector_load %arg5[%get3A_319] {strides = array<i32>} : memref<10240xi32, #tpu.memory_space<vmem>>, vector<16xi32>,
      %get3A_321 = vector.shape_cast %get3A_320 : vector<16xi32> to vector<16xi32>
      %and3A_322 = arith.constant 65535 : i32
      %and3A_323 = vector.broadcast %and3A_322 : i32 to vector<16xi32>
      %and3A_324 = arith.andi %get3A_321, %and3A_323 : vector<16xi32>
      %swap3A_325 = arith.constant 1 : i32
      %swap3A_326 = arith.index_cast %swap3A_325 : i32 to index
      %swap3A_327 = arith.constant 64 : index
      %swap3A_328 = tpu.vector_load %arg6[%swap3A_326, %swap3A_327] {strides = array<i32>} : memref<2x128xi32, #tpu.memory_space<vmem>>, vector<1x16xi32>,
      %swap3A_329 = vector.shape_cast %swap3A_328 : vector<1x16xi32> to vector<16xi32>
      %swap3A_330 = vector.shape_cast %and3A_324 : vector<16xi32> to vector<1x16xi32>
      tpu.vector_store %arg6[%swap3A_326, %swap3A_327], %swap3A_330 {strides = array<i32>} : memref<2x128xi32, #tpu.memory_space<vmem>>, vector<1x16xi32>,
      %shift_right_logical3A_331 = arith.constant 16 : i32
      %shift_right_logical3A_332 = vector.broadcast %shift_right_logical3A_331 : i32 to vector<16xi32>
      %shift_right_logical3A_333 = arith.shrui %get3A_321, %shift_right_logical3A_332 : vector<16xi32>
      %swap3A_334 = arith.constant 1 : i32
      %swap3A_335 = arith.index_cast %swap3A_334 : i32 to index
      %swap3A_336 = arith.constant 64 : index
      %swap3A_337 = tpu.vector_load %arg7[%swap3A_335, %swap3A_336] {strides = array<i32>} : memref<2x128xi32, #tpu.memory_space<vmem>>, vector<1x16xi32>,
      %swap3A_338 = vector.shape_cast %swap3A_337 : vector<1x16xi32> to vector<16xi32>
      %swap3A_339 = vector.shape_cast %shift_right_logical3A_333 : vector<16xi32> to vector<1x16xi32>
      tpu.vector_store %arg7[%swap3A_335, %swap3A_336], %swap3A_339 {strides = array<i32>} : memref<2x128xi32, #tpu.memory_space<vmem>>, vector<1x16xi32>,
      %mul3A_340 = arith.constant 128 : i32
      %mul3A_341 = arith.muli %add3A_214, %mul3A_340 : i32
      %add3A_342 = arith.constant 80 : i32
      %add3A_343 = arith.addi %mul3A_341, %add3A_342 : i32
      %get3A_344 = arith.index_cast %add3A_343 : i32 to index
      %get3A_345 = tpu.vector_load %arg5[%get3A_344] {strides = array<i32>} : memref<10240xi32, #tpu.memory_space<vmem>>, vector<16xi32>,
      %get3A_346 = vector.shape_cast %get3A_345 : vector<16xi32> to vector<16xi32>
      %and3A_347 = arith.constant 65535 : i32
      %and3A_348 = vector.broadcast %and3A_347 : i32 to vector<16xi32>
      %and3A_349 = arith.andi %get3A_346, %and3A_348 : vector<16xi32>
      %swap3A_350 = arith.constant 1 : i32
      %swap3A_351 = arith.index_cast %swap3A_350 : i32 to index
      %swap3A_352 = arith.constant 80 : index
      %swap3A_353 = tpu.vector_load %arg6[%swap3A_351, %swap3A_352] {strides = array<i32>} : memref<2x128xi32, #tpu.memory_space<vmem>>, vector<1x16xi32>,
      %swap3A_354 = vector.shape_cast %swap3A_353 : vector<1x16xi32> to vector<16xi32>
      %swap3A_355 = vector.shape_cast %and3A_349 : vector<16xi32> to vector<1x16xi32>
      tpu.vector_store %arg6[%swap3A_351, %swap3A_352], %swap3A_355 {strides = array<i32>} : memref<2x128xi32, #tpu.memory_space<vmem>>, vector<1x16xi32>,
      %shift_right_logical3A_356 = arith.constant 16 : i32
      %shift_right_logical3A_357 = vector.broadcast %shift_right_logical3A_356 : i32 to vector<16xi32>
      %shift_right_logical3A_358 = arith.shrui %get3A_346, %shift_right_logical3A_357 : vector<16xi32>
      %swap3A_359 = arith.constant 1 : i32
      %swap3A_360 = arith.index_cast %swap3A_359 : i32 to index
      %swap3A_361 = arith.constant 80 : index
      %swap3A_362 = tpu.vector_load %arg7[%swap3A_360, %swap3A_361] {strides = array<i32>} : memref<2x128xi32, #tpu.memory_space<vmem>>, vector<1x16xi32>,
      %swap3A_363 = vector.shape_cast %swap3A_362 : vector<1x16xi32> to vector<16xi32>
      %swap3A_364 = vector.shape_cast %shift_right_logical3A_358 : vector<16xi32> to vector<1x16xi32>
      tpu.vector_store %arg7[%swap3A_360, %swap3A_361], %swap3A_364 {strides = array<i32>} : memref<2x128xi32, #tpu.memory_space<vmem>>, vector<1x16xi32>,
      %mul3A_365 = arith.constant 128 : i32
      %mul3A_366 = arith.muli %add3A_214, %mul3A_365 : i32
      %add3A_367 = arith.constant 96 : i32
      %add3A_368 = arith.addi %mul3A_366, %add3A_367 : i32
      %get3A_369 = arith.index_cast %add3A_368 : i32 to index
      %get3A_370 = tpu.vector_load %arg5[%get3A_369] {strides = array<i32>} : memref<10240xi32, #tpu.memory_space<vmem>>, vector<16xi32>,
      %get3A_371 = vector.shape_cast %get3A_370 : vector<16xi32> to vector<16xi32>
      %and3A_372 = arith.constant 65535 : i32
      %and3A_373 = vector.broadcast %and3A_372 : i32 to vector<16xi32>
      %and3A_374 = arith.andi %get3A_371, %and3A_373 : vector<16xi32>
      %swap3A_375 = arith.constant 1 : i32
      %swap3A_376 = arith.index_cast %swap3A_375 : i32 to index
      %swap3A_377 = arith.constant 96 : index
      %swap3A_378 = tpu.vector_load %arg6[%swap3A_376, %swap3A_377] {strides = array<i32>} : memref<2x128xi32, #tpu.memory_space<vmem>>, vector<1x16xi32>,
      %swap3A_379 = vector.shape_cast %swap3A_378 : vector<1x16xi32> to vector<16xi32>
      %swap3A_380 = vector.shape_cast %and3A_374 : vector<16xi32> to vector<1x16xi32>
      tpu.vector_store %arg6[%swap3A_376, %swap3A_377], %swap3A_380 {strides = array<i32>} : memref<2x128xi32, #tpu.memory_space<vmem>>, vector<1x16xi32>,
      %shift_right_logical3A_381 = arith.constant 16 : i32
      %shift_right_logical3A_382 = vector.broadcast %shift_right_logical3A_381 : i32 to vector<16xi32>
      %shift_right_logical3A_383 = arith.shrui %get3A_371, %shift_right_logical3A_382 : vector<16xi32>
      %swap3A_384 = arith.constant 1 : i32
      %swap3A_385 = arith.index_cast %swap3A_384 : i32 to index
      %swap3A_386 = arith.constant 96 : index
      %swap3A_387 = tpu.vector_load %arg7[%swap3A_385, %swap3A_386] {strides = array<i32>} : memref<2x128xi32, #tpu.memory_space<vmem>>, vector<1x16xi32>,
      %swap3A_388 = vector.shape_cast %swap3A_387 : vector<1x16xi32> to vector<16xi32>
      %swap3A_389 = vector.shape_cast %shift_right_logical3A_383 : vector<16xi32> to vector<1x16xi32>
      tpu.vector_store %arg7[%swap3A_385, %swap3A_386], %swap3A_389 {strides = array<i32>} : memref<2x128xi32, #tpu.memory_space<vmem>>, vector<1x16xi32>,
      %mul3A_390 = arith.constant 128 : i32
      %mul3A_391 = arith.muli %add3A_214, %mul3A_390 : i32
      %add3A_392 = arith.constant 112 : i32
      %add3A_393 = arith.addi %mul3A_391, %add3A_392 : i32
      %get3A_394 = arith.index_cast %add3A_393 : i32 to index
      %get3A_395 = tpu.vector_load %arg5[%get3A_394] {strides = array<i32>} : memref<10240xi32, #tpu.memory_space<vmem>>, vector<16xi32>,
      %get3A_396 = vector.shape_cast %get3A_395 : vector<16xi32> to vector<16xi32>
      %and3A_397 = arith.constant 65535 : i32
      %and3A_398 = vector.broadcast %and3A_397 : i32 to vector<16xi32>
      %and3A_399 = arith.andi %get3A_396, %and3A_398 : vector<16xi32>
      %swap3A_400 = arith.constant 1 : i32
      %swap3A_401 = arith.index_cast %swap3A_400 : i32 to index
      %swap3A_402 = arith.constant 112 : index
      %swap3A_403 = tpu.vector_load %arg6[%swap3A_401, %swap3A_402] {strides = array<i32>} : memref<2x128xi32, #tpu.memory_space<vmem>>, vector<1x16xi32>,
      %swap3A_404 = vector.shape_cast %swap3A_403 : vector<1x16xi32> to vector<16xi32>
      %swap3A_405 = vector.shape_cast %and3A_399 : vector<16xi32> to vector<1x16xi32>
      tpu.vector_store %arg6[%swap3A_401, %swap3A_402], %swap3A_405 {strides = array<i32>} : memref<2x128xi32, #tpu.memory_space<vmem>>, vector<1x16xi32>,
      %shift_right_logical3A_406 = arith.constant 16 : i32
      %shift_right_logical3A_407 = vector.broadcast %shift_right_logical3A_406 : i32 to vector<16xi32>
      %shift_right_logical3A_408 = arith.shrui %get3A_396, %shift_right_logical3A_407 : vector<16xi32>
      %swap3A_409 = arith.constant 1 : i32
      %swap3A_410 = arith.index_cast %swap3A_409 : i32 to index
      %swap3A_411 = arith.constant 112 : index
      %swap3A_412 = tpu.vector_load %arg7[%swap3A_410, %swap3A_411] {strides = array<i32>} : memref<2x128xi32, #tpu.memory_space<vmem>>, vector<1x16xi32>,
      %swap3A_413 = vector.shape_cast %swap3A_412 : vector<1x16xi32> to vector<16xi32>
      %swap3A_414 = vector.shape_cast %shift_right_logical3A_408 : vector<16xi32> to vector<1x16xi32>
      tpu.vector_store %arg7[%swap3A_410, %swap3A_411], %swap3A_414 {strides = array<i32>} : memref<2x128xi32, #tpu.memory_space<vmem>>, vector<1x16xi32>,
      %dma_start3A_415 = arith.constant 1 : i32
      %dma_start3A_416 = arith.constant 0 : i32
      %dma_start3A_417 = tpu.memref_slice %arg6[%dma_start3A_415, %dma_start3A_416] : memref<2x128xi32, #tpu.memory_space<vmem>> -> memref<1x128xi32, #tpu.memory_space<vmem>>
      %dma_start3A_418 = tpu.memref_squeeze %dma_start3A_417 : memref<1x128xi32, #tpu.memory_space<vmem>> -> memref<128xi32, #tpu.memory_space<vmem>>
      %dma_start3A_419 = arith.constant 0 : i32
      %dma_start3A_420 = arith.constant 0 : i32
      %dma_start3A_421 = tpu.memref_slice %arg2[%dma_start3A_419, %dma_start3A_420] : memref<10000x128xf32, #tpu.memory_space<hbm>> -> memref<10000x128xf32, #tpu.memory_space<hbm>>
      tpu.enqueue_indirect_dma source(%dma_start3A_421 : memref<10000x128xf32, #tpu.memory_space<hbm>>) target(%arg9 : memref<128x128xf32, #tpu.memory_space<vmem>>) offsets(%dma_start3A_418 : memref<128xi32, #tpu.memory_space<vmem>>) semaphore(%arg12 : memref<!tpu.dma_semaphore, #tpu.memory_space<semaphore_mem>>)
      %dma_wait3A = arith.constant 0 : i32
      %dma_wait3A_422 = arith.constant 0 : i32
      %dma_wait3A_423 = tpu.memref_slice %arg6[%dma_wait3A, %dma_wait3A_422] : memref<2x128xi32, #tpu.memory_space<vmem>> -> memref<1x128xi32, #tpu.memory_space<vmem>>
      %dma_wait3A_424 = tpu.memref_squeeze %dma_wait3A_423 : memref<1x128xi32, #tpu.memory_space<vmem>> -> memref<128xi32, #tpu.memory_space<vmem>>
      %dma_wait3A_425 = arith.constant 0 : i32
      %dma_wait3A_426 = arith.constant 0 : i32
      %dma_wait3A_427 = tpu.memref_slice %arg2[%dma_wait3A_425, %dma_wait3A_426] : memref<10000x128xf32, #tpu.memory_space<hbm>> -> memref<10000x128xf32, #tpu.memory_space<hbm>>
      tpu.wait_indirect_dma semaphore(%arg11 : memref<!tpu.dma_semaphore, #tpu.memory_space<semaphore_mem>>) src(%dma_wait3A_427 : memref<10000x128xf32, #tpu.memory_space<hbm>>) dst(%arg8 : memref<128x128xf32, #tpu.memory_space<vmem>>)
      %run_scoped3A = arith.constant 0 : i32
      "tpu.region"() ({
        %run_scoped3A_438 = tpu.sem_alloc : memref<!tpu.dma_semaphore, #tpu.memory_space<semaphore_mem>>
        %dma_start3A_439 = arith.constant 0 : i32
        %dma_start3A_440 = tpu.memref_slice %arg7[%run_scoped3A, %dma_start3A_439] : memref<2x128xi32, #tpu.memory_space<vmem>> -> memref<1x128xi32, #tpu.memory_space<vmem>>
        %dma_start3A_441 = tpu.memref_squeeze %dma_start3A_440 : memref<1x128xi32, #tpu.memory_space<vmem>> -> memref<128xi32, #tpu.memory_space<vmem>>
        %dma_start3A_442 = arith.constant 0 : i32
        %dma_start3A_443 = arith.constant 0 : i32
        %dma_start3A_444 = tpu.memref_slice %arg10[%dma_start3A_442, %dma_start3A_443] : memref<10112x128xf32, #tpu.memory_space<vmem_shared>> -> memref<10112x128xf32, #tpu.memory_space<vmem_shared>>
        tpu.enqueue_indirect_dma source(%arg8 : memref<128x128xf32, #tpu.memory_space<vmem>>) target(%dma_start3A_444 : memref<10112x128xf32, #tpu.memory_space<vmem_shared>>) offsets(%dma_start3A_441 : memref<128xi32, #tpu.memory_space<vmem>>) semaphore(%run_scoped3A_438 : memref<!tpu.dma_semaphore, #tpu.memory_space<semaphore_mem>>) {add = true}
        %dma_wait3A_445 = arith.constant 0 : i32
        %dma_wait3A_446 = tpu.memref_slice %arg7[%run_scoped3A, %dma_wait3A_445] : memref<2x128xi32, #tpu.memory_space<vmem>> -> memref<1x128xi32, #tpu.memory_space<vmem>>
        %dma_wait3A_447 = tpu.memref_squeeze %dma_wait3A_446 : memref<1x128xi32, #tpu.memory_space<vmem>> -> memref<128xi32, #tpu.memory_space<vmem>>
        %dma_wait3A_448 = arith.constant 0 : i32
        %dma_wait3A_449 = arith.constant 0 : i32
        %dma_wait3A_450 = tpu.memref_slice %arg10[%dma_wait3A_448, %dma_wait3A_449] : memref<10112x128xf32, #tpu.memory_space<vmem_shared>> -> memref<10112x128xf32, #tpu.memory_space<vmem_shared>>
        tpu.wait_indirect_dma semaphore(%run_scoped3A_438 : memref<!tpu.dma_semaphore, #tpu.memory_space<semaphore_mem>>) src(%arg8 : memref<128x128xf32, #tpu.memory_space<vmem>>) dst(%dma_wait3A_450 : memref<10112x128xf32, #tpu.memory_space<vmem_shared>>)
        tpu.yield
      }) : () -> ()
      %lt3A = arith.constant 39 : i32
      %lt3A_428 = arith.cmpi slt, %scan3A_210, %lt3A : i32
      %convert_element_type3A = arith.extui %lt3A_428 : i1 to i32
      %cond3A = arith.constant 0 : i32
      %cond3A_429 = arith.cmpi ne, %convert_element_type3A, %cond3A : i32
      scf.if %cond3A_429 {
        %add3A_438 = arith.constant 2 : i32
        %add3A_439 = arith.addi %mul3A_212, %add3A_438 : i32
        %mul3A_440 = arith.constant 128 : i32
        %mul3A_441 = arith.muli %add3A_439, %mul3A_440 : i32
        %add3A_442 = arith.constant 0 : i32
        %add3A_443 = arith.addi %mul3A_441, %add3A_442 : i32
        %get3A_444 = arith.index_cast %add3A_443 : i32 to index
        %get3A_445 = tpu.vector_load %arg5[%get3A_444] {strides = array<i32>} : memref<10240xi32, #tpu.memory_space<vmem>>, vector<16xi32>,
        %get3A_446 = vector.shape_cast %get3A_445 : vector<16xi32> to vector<16xi32>
        %and3A_447 = arith.constant 65535 : i32
        %and3A_448 = vector.broadcast %and3A_447 : i32 to vector<16xi32>
        %and3A_449 = arith.andi %get3A_446, %and3A_448 : vector<16xi32>
        %swap3A_450 = arith.constant 0 : i32
        %swap3A_451 = arith.index_cast %swap3A_450 : i32 to index
        %swap3A_452 = arith.constant 0 : index
        %swap3A_453 = tpu.vector_load %arg6[%swap3A_451, %swap3A_452] {strides = array<i32>} : memref<2x128xi32, #tpu.memory_space<vmem>>, vector<1x16xi32>,
        %swap3A_454 = vector.shape_cast %swap3A_453 : vector<1x16xi32> to vector<16xi32>
        %swap3A_455 = vector.shape_cast %and3A_449 : vector<16xi32> to vector<1x16xi32>
        tpu.vector_store %arg6[%swap3A_451, %swap3A_452], %swap3A_455 {strides = array<i32>} : memref<2x128xi32, #tpu.memory_space<vmem>>, vector<1x16xi32>,
        %shift_right_logical3A_456 = arith.constant 16 : i32
        %shift_right_logical3A_457 = vector.broadcast %shift_right_logical3A_456 : i32 to vector<16xi32>
        %shift_right_logical3A_458 = arith.shrui %get3A_446, %shift_right_logical3A_457 : vector<16xi32>
        %swap3A_459 = arith.constant 0 : i32
        %swap3A_460 = arith.index_cast %swap3A_459 : i32 to index
        %swap3A_461 = arith.constant 0 : index
        %swap3A_462 = tpu.vector_load %arg7[%swap3A_460, %swap3A_461] {strides = array<i32>} : memref<2x128xi32, #tpu.memory_space<vmem>>, vector<1x16xi32>,
        %swap3A_463 = vector.shape_cast %swap3A_462 : vector<1x16xi32> to vector<16xi32>
        %swap3A_464 = vector.shape_cast %shift_right_logical3A_458 : vector<16xi32> to vector<1x16xi32>
        tpu.vector_store %arg7[%swap3A_460, %swap3A_461], %swap3A_464 {strides = array<i32>} : memref<2x128xi32, #tpu.memory_space<vmem>>, vector<1x16xi32>,
        %mul3A_465 = arith.constant 128 : i32
        %mul3A_466 = arith.muli %add3A_439, %mul3A_465 : i32
        %add3A_467 = arith.constant 16 : i32
        %add3A_468 = arith.addi %mul3A_466, %add3A_467 : i32
        %get3A_469 = arith.index_cast %add3A_468 : i32 to index
        %get3A_470 = tpu.vector_load %arg5[%get3A_469] {strides = array<i32>} : memref<10240xi32, #tpu.memory_space<vmem>>, vector<16xi32>,
        %get3A_471 = vector.shape_cast %get3A_470 : vector<16xi32> to vector<16xi32>
        %and3A_472 = arith.constant 65535 : i32
        %and3A_473 = vector.broadcast %and3A_472 : i32 to vector<16xi32>
        %and3A_474 = arith.andi %get3A_471, %and3A_473 : vector<16xi32>
        %swap3A_475 = arith.constant 0 : i32
        %swap3A_476 = arith.index_cast %swap3A_475 : i32 to index
        %swap3A_477 = arith.constant 16 : index
        %swap3A_478 = tpu.vector_load %arg6[%swap3A_476, %swap3A_477] {strides = array<i32>} : memref<2x128xi32, #tpu.memory_space<vmem>>, vector<1x16xi32>,
        %swap3A_479 = vector.shape_cast %swap3A_478 : vector<1x16xi32> to vector<16xi32>
        %swap3A_480 = vector.shape_cast %and3A_474 : vector<16xi32> to vector<1x16xi32>
        tpu.vector_store %arg6[%swap3A_476, %swap3A_477], %swap3A_480 {strides = array<i32>} : memref<2x128xi32, #tpu.memory_space<vmem>>, vector<1x16xi32>,
        %shift_right_logical3A_481 = arith.constant 16 : i32
        %shift_right_logical3A_482 = vector.broadcast %shift_right_logical3A_481 : i32 to vector<16xi32>
        %shift_right_logical3A_483 = arith.shrui %get3A_471, %shift_right_logical3A_482 : vector<16xi32>
        %swap3A_484 = arith.constant 0 : i32
        %swap3A_485 = arith.index_cast %swap3A_484 : i32 to index
        %swap3A_486 = arith.constant 16 : index
        %swap3A_487 = tpu.vector_load %arg7[%swap3A_485, %swap3A_486] {strides = array<i32>} : memref<2x128xi32, #tpu.memory_space<vmem>>, vector<1x16xi32>,
        %swap3A_488 = vector.shape_cast %swap3A_487 : vector<1x16xi32> to vector<16xi32>
        %swap3A_489 = vector.shape_cast %shift_right_logical3A_483 : vector<16xi32> to vector<1x16xi32>
        tpu.vector_store %arg7[%swap3A_485, %swap3A_486], %swap3A_489 {strides = array<i32>} : memref<2x128xi32, #tpu.memory_space<vmem>>, vector<1x16xi32>,
        %mul3A_490 = arith.constant 128 : i32
        %mul3A_491 = arith.muli %add3A_439, %mul3A_490 : i32
        %add3A_492 = arith.constant 32 : i32
        %add3A_493 = arith.addi %mul3A_491, %add3A_492 : i32
        %get3A_494 = arith.index_cast %add3A_493 : i32 to index
        %get3A_495 = tpu.vector_load %arg5[%get3A_494] {strides = array<i32>} : memref<10240xi32, #tpu.memory_space<vmem>>, vector<16xi32>,
        %get3A_496 = vector.shape_cast %get3A_495 : vector<16xi32> to vector<16xi32>
        %and3A_497 = arith.constant 65535 : i32
        %and3A_498 = vector.broadcast %and3A_497 : i32 to vector<16xi32>
        %and3A_499 = arith.andi %get3A_496, %and3A_498 : vector<16xi32>
        %swap3A_500 = arith.constant 0 : i32
        %swap3A_501 = arith.index_cast %swap3A_500 : i32 to index
        %swap3A_502 = arith.constant 32 : index
        %swap3A_503 = tpu.vector_load %arg6[%swap3A_501, %swap3A_502] {strides = array<i32>} : memref<2x128xi32, #tpu.memory_space<vmem>>, vector<1x16xi32>,
        %swap3A_504 = vector.shape_cast %swap3A_503 : vector<1x16xi32> to vector<16xi32>
        %swap3A_505 = vector.shape_cast %and3A_499 : vector<16xi32> to vector<1x16xi32>
        tpu.vector_store %arg6[%swap3A_501, %swap3A_502], %swap3A_505 {strides = array<i32>} : memref<2x128xi32, #tpu.memory_space<vmem>>, vector<1x16xi32>,
        %shift_right_logical3A_506 = arith.constant 16 : i32
        %shift_right_logical3A_507 = vector.broadcast %shift_right_logical3A_506 : i32 to vector<16xi32>
        %shift_right_logical3A_508 = arith.shrui %get3A_496, %shift_right_logical3A_507 : vector<16xi32>
        %swap3A_509 = arith.constant 0 : i32
        %swap3A_510 = arith.index_cast %swap3A_509 : i32 to index
        %swap3A_511 = arith.constant 32 : index
        %swap3A_512 = tpu.vector_load %arg7[%swap3A_510, %swap3A_511] {strides = array<i32>} : memref<2x128xi32, #tpu.memory_space<vmem>>, vector<1x16xi32>,
        %swap3A_513 = vector.shape_cast %swap3A_512 : vector<1x16xi32> to vector<16xi32>
        %swap3A_514 = vector.shape_cast %shift_right_logical3A_508 : vector<16xi32> to vector<1x16xi32>
        tpu.vector_store %arg7[%swap3A_510, %swap3A_511], %swap3A_514 {strides = array<i32>} : memref<2x128xi32, #tpu.memory_space<vmem>>, vector<1x16xi32>,
        %mul3A_515 = arith.constant 128 : i32
        %mul3A_516 = arith.muli %add3A_439, %mul3A_515 : i32
        %add3A_517 = arith.constant 48 : i32
        %add3A_518 = arith.addi %mul3A_516, %add3A_517 : i32
        %get3A_519 = arith.index_cast %add3A_518 : i32 to index
        %get3A_520 = tpu.vector_load %arg5[%get3A_519] {strides = array<i32>} : memref<10240xi32, #tpu.memory_space<vmem>>, vector<16xi32>,
        %get3A_521 = vector.shape_cast %get3A_520 : vector<16xi32> to vector<16xi32>
        %and3A_522 = arith.constant 65535 : i32
        %and3A_523 = vector.broadcast %and3A_522 : i32 to vector<16xi32>
        %and3A_524 = arith.andi %get3A_521, %and3A_523 : vector<16xi32>
        %swap3A_525 = arith.constant 0 : i32
        %swap3A_526 = arith.index_cast %swap3A_525 : i32 to index
        %swap3A_527 = arith.constant 48 : index
        %swap3A_528 = tpu.vector_load %arg6[%swap3A_526, %swap3A_527] {strides = array<i32>} : memref<2x128xi32, #tpu.memory_space<vmem>>, vector<1x16xi32>,
        %swap3A_529 = vector.shape_cast %swap3A_528 : vector<1x16xi32> to vector<16xi32>
        %swap3A_530 = vector.shape_cast %and3A_524 : vector<16xi32> to vector<1x16xi32>
        tpu.vector_store %arg6[%swap3A_526, %swap3A_527], %swap3A_530 {strides = array<i32>} : memref<2x128xi32, #tpu.memory_space<vmem>>, vector<1x16xi32>,
        %shift_right_logical3A_531 = arith.constant 16 : i32
        %shift_right_logical3A_532 = vector.broadcast %shift_right_logical3A_531 : i32 to vector<16xi32>
        %shift_right_logical3A_533 = arith.shrui %get3A_521, %shift_right_logical3A_532 : vector<16xi32>
        %swap3A_534 = arith.constant 0 : i32
        %swap3A_535 = arith.index_cast %swap3A_534 : i32 to index
        %swap3A_536 = arith.constant 48 : index
        %swap3A_537 = tpu.vector_load %arg7[%swap3A_535, %swap3A_536] {strides = array<i32>} : memref<2x128xi32, #tpu.memory_space<vmem>>, vector<1x16xi32>,
        %swap3A_538 = vector.shape_cast %swap3A_537 : vector<1x16xi32> to vector<16xi32>
        %swap3A_539 = vector.shape_cast %shift_right_logical3A_533 : vector<16xi32> to vector<1x16xi32>
        tpu.vector_store %arg7[%swap3A_535, %swap3A_536], %swap3A_539 {strides = array<i32>} : memref<2x128xi32, #tpu.memory_space<vmem>>, vector<1x16xi32>,
        %mul3A_540 = arith.constant 128 : i32
        %mul3A_541 = arith.muli %add3A_439, %mul3A_540 : i32
        %add3A_542 = arith.constant 64 : i32
        %add3A_543 = arith.addi %mul3A_541, %add3A_542 : i32
        %get3A_544 = arith.index_cast %add3A_543 : i32 to index
        %get3A_545 = tpu.vector_load %arg5[%get3A_544] {strides = array<i32>} : memref<10240xi32, #tpu.memory_space<vmem>>, vector<16xi32>,
        %get3A_546 = vector.shape_cast %get3A_545 : vector<16xi32> to vector<16xi32>
        %and3A_547 = arith.constant 65535 : i32
        %and3A_548 = vector.broadcast %and3A_547 : i32 to vector<16xi32>
        %and3A_549 = arith.andi %get3A_546, %and3A_548 : vector<16xi32>
        %swap3A_550 = arith.constant 0 : i32
        %swap3A_551 = arith.index_cast %swap3A_550 : i32 to index
        %swap3A_552 = arith.constant 64 : index
        %swap3A_553 = tpu.vector_load %arg6[%swap3A_551, %swap3A_552] {strides = array<i32>} : memref<2x128xi32, #tpu.memory_space<vmem>>, vector<1x16xi32>,
        %swap3A_554 = vector.shape_cast %swap3A_553 : vector<1x16xi32> to vector<16xi32>
        %swap3A_555 = vector.shape_cast %and3A_549 : vector<16xi32> to vector<1x16xi32>
        tpu.vector_store %arg6[%swap3A_551, %swap3A_552], %swap3A_555 {strides = array<i32>} : memref<2x128xi32, #tpu.memory_space<vmem>>, vector<1x16xi32>,
        %shift_right_logical3A_556 = arith.constant 16 : i32
        %shift_right_logical3A_557 = vector.broadcast %shift_right_logical3A_556 : i32 to vector<16xi32>
        %shift_right_logical3A_558 = arith.shrui %get3A_546, %shift_right_logical3A_557 : vector<16xi32>
        %swap3A_559 = arith.constant 0 : i32
        %swap3A_560 = arith.index_cast %swap3A_559 : i32 to index
        %swap3A_561 = arith.constant 64 : index
        %swap3A_562 = tpu.vector_load %arg7[%swap3A_560, %swap3A_561] {strides = array<i32>} : memref<2x128xi32, #tpu.memory_space<vmem>>, vector<1x16xi32>,
        %swap3A_563 = vector.shape_cast %swap3A_562 : vector<1x16xi32> to vector<16xi32>
        %swap3A_564 = vector.shape_cast %shift_right_logical3A_558 : vector<16xi32> to vector<1x16xi32>
        tpu.vector_store %arg7[%swap3A_560, %swap3A_561], %swap3A_564 {strides = array<i32>} : memref<2x128xi32, #tpu.memory_space<vmem>>, vector<1x16xi32>,
        %mul3A_565 = arith.constant 128 : i32
        %mul3A_566 = arith.muli %add3A_439, %mul3A_565 : i32
        %add3A_567 = arith.constant 80 : i32
        %add3A_568 = arith.addi %mul3A_566, %add3A_567 : i32
        %get3A_569 = arith.index_cast %add3A_568 : i32 to index
        %get3A_570 = tpu.vector_load %arg5[%get3A_569] {strides = array<i32>} : memref<10240xi32, #tpu.memory_space<vmem>>, vector<16xi32>,
        %get3A_571 = vector.shape_cast %get3A_570 : vector<16xi32> to vector<16xi32>
        %and3A_572 = arith.constant 65535 : i32
        %and3A_573 = vector.broadcast %and3A_572 : i32 to vector<16xi32>
        %and3A_574 = arith.andi %get3A_571, %and3A_573 : vector<16xi32>
        %swap3A_575 = arith.constant 0 : i32
        %swap3A_576 = arith.index_cast %swap3A_575 : i32 to index
        %swap3A_577 = arith.constant 80 : index
        %swap3A_578 = tpu.vector_load %arg6[%swap3A_576, %swap3A_577] {strides = array<i32>} : memref<2x128xi32, #tpu.memory_space<vmem>>, vector<1x16xi32>,
        %swap3A_579 = vector.shape_cast %swap3A_578 : vector<1x16xi32> to vector<16xi32>
        %swap3A_580 = vector.shape_cast %and3A_574 : vector<16xi32> to vector<1x16xi32>
        tpu.vector_store %arg6[%swap3A_576, %swap3A_577], %swap3A_580 {strides = array<i32>} : memref<2x128xi32, #tpu.memory_space<vmem>>, vector<1x16xi32>,
        %shift_right_logical3A_581 = arith.constant 16 : i32
        %shift_right_logical3A_582 = vector.broadcast %shift_right_logical3A_581 : i32 to vector<16xi32>
        %shift_right_logical3A_583 = arith.shrui %get3A_571, %shift_right_logical3A_582 : vector<16xi32>
        %swap3A_584 = arith.constant 0 : i32
        %swap3A_585 = arith.index_cast %swap3A_584 : i32 to index
        %swap3A_586 = arith.constant 80 : index
        %swap3A_587 = tpu.vector_load %arg7[%swap3A_585, %swap3A_586] {strides = array<i32>} : memref<2x128xi32, #tpu.memory_space<vmem>>, vector<1x16xi32>,
        %swap3A_588 = vector.shape_cast %swap3A_587 : vector<1x16xi32> to vector<16xi32>
        %swap3A_589 = vector.shape_cast %shift_right_logical3A_583 : vector<16xi32> to vector<1x16xi32>
        tpu.vector_store %arg7[%swap3A_585, %swap3A_586], %swap3A_589 {strides = array<i32>} : memref<2x128xi32, #tpu.memory_space<vmem>>, vector<1x16xi32>,
        %mul3A_590 = arith.constant 128 : i32
        %mul3A_591 = arith.muli %add3A_439, %mul3A_590 : i32
        %add3A_592 = arith.constant 96 : i32
        %add3A_593 = arith.addi %mul3A_591, %add3A_592 : i32
        %get3A_594 = arith.index_cast %add3A_593 : i32 to index
        %get3A_595 = tpu.vector_load %arg5[%get3A_594] {strides = array<i32>} : memref<10240xi32, #tpu.memory_space<vmem>>, vector<16xi32>,
        %get3A_596 = vector.shape_cast %get3A_595 : vector<16xi32> to vector<16xi32>
        %and3A_597 = arith.constant 65535 : i32
        %and3A_598 = vector.broadcast %and3A_597 : i32 to vector<16xi32>
        %and3A_599 = arith.andi %get3A_596, %and3A_598 : vector<16xi32>
        %swap3A_600 = arith.constant 0 : i32
        %swap3A_601 = arith.index_cast %swap3A_600 : i32 to index
        %swap3A_602 = arith.constant 96 : index
        %swap3A_603 = tpu.vector_load %arg6[%swap3A_601, %swap3A_602] {strides = array<i32>} : memref<2x128xi32, #tpu.memory_space<vmem>>, vector<1x16xi32>,
        %swap3A_604 = vector.shape_cast %swap3A_603 : vector<1x16xi32> to vector<16xi32>
        %swap3A_605 = vector.shape_cast %and3A_599 : vector<16xi32> to vector<1x16xi32>
        tpu.vector_store %arg6[%swap3A_601, %swap3A_602], %swap3A_605 {strides = array<i32>} : memref<2x128xi32, #tpu.memory_space<vmem>>, vector<1x16xi32>,
        %shift_right_logical3A_606 = arith.constant 16 : i32
        %shift_right_logical3A_607 = vector.broadcast %shift_right_logical3A_606 : i32 to vector<16xi32>
        %shift_right_logical3A_608 = arith.shrui %get3A_596, %shift_right_logical3A_607 : vector<16xi32>
        %swap3A_609 = arith.constant 0 : i32
        %swap3A_610 = arith.index_cast %swap3A_609 : i32 to index
        %swap3A_611 = arith.constant 96 : index
        %swap3A_612 = tpu.vector_load %arg7[%swap3A_610, %swap3A_611] {strides = array<i32>} : memref<2x128xi32, #tpu.memory_space<vmem>>, vector<1x16xi32>,
        %swap3A_613 = vector.shape_cast %swap3A_612 : vector<1x16xi32> to vector<16xi32>
        %swap3A_614 = vector.shape_cast %shift_right_logical3A_608 : vector<16xi32> to vector<1x16xi32>
        tpu.vector_store %arg7[%swap3A_610, %swap3A_611], %swap3A_614 {strides = array<i32>} : memref<2x128xi32, #tpu.memory_space<vmem>>, vector<1x16xi32>,
        %mul3A_615 = arith.constant 128 : i32
        %mul3A_616 = arith.muli %add3A_439, %mul3A_615 : i32
        %add3A_617 = arith.constant 112 : i32
        %add3A_618 = arith.addi %mul3A_616, %add3A_617 : i32
        %get3A_619 = arith.index_cast %add3A_618 : i32 to index
        %get3A_620 = tpu.vector_load %arg5[%get3A_619] {strides = array<i32>} : memref<10240xi32, #tpu.memory_space<vmem>>, vector<16xi32>,
        %get3A_621 = vector.shape_cast %get3A_620 : vector<16xi32> to vector<16xi32>
        %and3A_622 = arith.constant 65535 : i32
        %and3A_623 = vector.broadcast %and3A_622 : i32 to vector<16xi32>
        %and3A_624 = arith.andi %get3A_621, %and3A_623 : vector<16xi32>
        %swap3A_625 = arith.constant 0 : i32
        %swap3A_626 = arith.index_cast %swap3A_625 : i32 to index
        %swap3A_627 = arith.constant 112 : index
        %swap3A_628 = tpu.vector_load %arg6[%swap3A_626, %swap3A_627] {strides = array<i32>} : memref<2x128xi32, #tpu.memory_space<vmem>>, vector<1x16xi32>,
        %swap3A_629 = vector.shape_cast %swap3A_628 : vector<1x16xi32> to vector<16xi32>
        %swap3A_630 = vector.shape_cast %and3A_624 : vector<16xi32> to vector<1x16xi32>
        tpu.vector_store %arg6[%swap3A_626, %swap3A_627], %swap3A_630 {strides = array<i32>} : memref<2x128xi32, #tpu.memory_space<vmem>>, vector<1x16xi32>,
        %shift_right_logical3A_631 = arith.constant 16 : i32
        %shift_right_logical3A_632 = vector.broadcast %shift_right_logical3A_631 : i32 to vector<16xi32>
        %shift_right_logical3A_633 = arith.shrui %get3A_621, %shift_right_logical3A_632 : vector<16xi32>
        %swap3A_634 = arith.constant 0 : i32
        %swap3A_635 = arith.index_cast %swap3A_634 : i32 to index
        %swap3A_636 = arith.constant 112 : index
        %swap3A_637 = tpu.vector_load %arg7[%swap3A_635, %swap3A_636] {strides = array<i32>} : memref<2x128xi32, #tpu.memory_space<vmem>>, vector<1x16xi32>,
        %swap3A_638 = vector.shape_cast %swap3A_637 : vector<1x16xi32> to vector<16xi32>
        %swap3A_639 = vector.shape_cast %shift_right_logical3A_633 : vector<16xi32> to vector<1x16xi32>
        tpu.vector_store %arg7[%swap3A_635, %swap3A_636], %swap3A_639 {strides = array<i32>} : memref<2x128xi32, #tpu.memory_space<vmem>>, vector<1x16xi32>,
        %dma_start3A_640 = arith.constant 0 : i32
        %dma_start3A_641 = arith.constant 0 : i32
        %dma_start3A_642 = tpu.memref_slice %arg6[%dma_start3A_640, %dma_start3A_641] : memref<2x128xi32, #tpu.memory_space<vmem>> -> memref<1x128xi32, #tpu.memory_space<vmem>>
        %dma_start3A_643 = tpu.memref_squeeze %dma_start3A_642 : memref<1x128xi32, #tpu.memory_space<vmem>> -> memref<128xi32, #tpu.memory_space<vmem>>
        %dma_start3A_644 = arith.constant 0 : i32
        %dma_start3A_645 = arith.constant 0 : i32
        %dma_start3A_646 = tpu.memref_slice %arg2[%dma_start3A_644, %dma_start3A_645] : memref<10000x128xf32, #tpu.memory_space<hbm>> -> memref<10000x128xf32, #tpu.memory_space<hbm>>
        tpu.enqueue_indirect_dma source(%dma_start3A_646 : memref<10000x128xf32, #tpu.memory_space<hbm>>) target(%arg8 : memref<128x128xf32, #tpu.memory_space<vmem>>) offsets(%dma_start3A_643 : memref<128xi32, #tpu.memory_space<vmem>>) semaphore(%arg11 : memref<!tpu.dma_semaphore, #tpu.memory_space<semaphore_mem>>)
      } else {
      }
      %dma_wait3A_430 = arith.constant 0 : i32
      %dma_wait3A_431 = arith.constant 0 : i32
      %dma_wait3A_432 = tpu.memref_slice %arg6[%dma_wait3A_430, %dma_wait3A_431] : memref<2x128xi32, #tpu.memory_space<vmem>> -> memref<1x128xi32, #tpu.memory_space<vmem>>
      %dma_wait3A_433 = tpu.memref_squeeze %dma_wait3A_432 : memref<1x128xi32, #tpu.memory_space<vmem>> -> memref<128xi32, #tpu.memory_space<vmem>>
      %dma_wait3A_434 = arith.constant 0 : i32
      %dma_wait3A_435 = arith.constant 0 : i32
      %dma_wait3A_436 = tpu.memref_slice %arg2[%dma_wait3A_434, %dma_wait3A_435] : memref<10000x128xf32, #tpu.memory_space<hbm>> -> memref<10000x128xf32, #tpu.memory_space<hbm>>
      tpu.wait_indirect_dma semaphore(%arg12 : memref<!tpu.dma_semaphore, #tpu.memory_space<semaphore_mem>>) src(%dma_wait3A_436 : memref<10000x128xf32, #tpu.memory_space<hbm>>) dst(%arg9 : memref<128x128xf32, #tpu.memory_space<vmem>>)
      %run_scoped3A_437 = arith.constant 1 : i32
      "tpu.region"() ({
        %run_scoped3A_438 = tpu.sem_alloc : memref<!tpu.dma_semaphore, #tpu.memory_space<semaphore_mem>>
        %dma_start3A_439 = arith.constant 0 : i32
        %dma_start3A_440 = tpu.memref_slice %arg7[%run_scoped3A_437, %dma_start3A_439] : memref<2x128xi32, #tpu.memory_space<vmem>> -> memref<1x128xi32, #tpu.memory_space<vmem>>
        %dma_start3A_441 = tpu.memref_squeeze %dma_start3A_440 : memref<1x128xi32, #tpu.memory_space<vmem>> -> memref<128xi32, #tpu.memory_space<vmem>>
        %dma_start3A_442 = arith.constant 0 : i32
        %dma_start3A_443 = arith.constant 0 : i32
        %dma_start3A_444 = tpu.memref_slice %arg10[%dma_start3A_442, %dma_start3A_443] : memref<10112x128xf32, #tpu.memory_space<vmem_shared>> -> memref<10112x128xf32, #tpu.memory_space<vmem_shared>>
        tpu.enqueue_indirect_dma source(%arg9 : memref<128x128xf32, #tpu.memory_space<vmem>>) target(%dma_start3A_444 : memref<10112x128xf32, #tpu.memory_space<vmem_shared>>) offsets(%dma_start3A_441 : memref<128xi32, #tpu.memory_space<vmem>>) semaphore(%run_scoped3A_438 : memref<!tpu.dma_semaphore, #tpu.memory_space<semaphore_mem>>) {add = true}
        %dma_wait3A_445 = arith.constant 0 : i32
        %dma_wait3A_446 = tpu.memref_slice %arg7[%run_scoped3A_437, %dma_wait3A_445] : memref<2x128xi32, #tpu.memory_space<vmem>> -> memref<1x128xi32, #tpu.memory_space<vmem>>
        %dma_wait3A_447 = tpu.memref_squeeze %dma_wait3A_446 : memref<1x128xi32, #tpu.memory_space<vmem>> -> memref<128xi32, #tpu.memory_space<vmem>>
        %dma_wait3A_448 = arith.constant 0 : i32
        %dma_wait3A_449 = arith.constant 0 : i32
        %dma_wait3A_450 = tpu.memref_slice %arg10[%dma_wait3A_448, %dma_wait3A_449] : memref<10112x128xf32, #tpu.memory_space<vmem_shared>> -> memref<10112x128xf32, #tpu.memory_space<vmem_shared>>
        tpu.wait_indirect_dma semaphore(%run_scoped3A_438 : memref<!tpu.dma_semaphore, #tpu.memory_space<semaphore_mem>>) src(%arg9 : memref<128x128xf32, #tpu.memory_space<vmem>>) dst(%dma_wait3A_450 : memref<10112x128xf32, #tpu.memory_space<vmem_shared>>)
        tpu.yield
      }) : () -> ()
    }
    %scan3A_208 = arith.constant 40 : i32
    %barrier3A_209 = arith.constant 0 : index
    tpu.barrier barrier_id(%barrier3A_209)
    "tpu.region"() ({
      %run_scoped3A = tpu.sem_alloc : memref<!tpu.dma_semaphore, #tpu.memory_space<semaphore_mem>>
      %dma_start3A_210 = arith.constant 0 : i32
      %dma_start3A_211 = tpu.memref_slice %arg4[%arg0, %mul3A_0, %dma_start3A_210] : memref<2x10112x128xf32, #tpu.memory_space<hbm>> -> memref<1x632x128xf32, #tpu.memory_space<hbm>>
      %dma_start3A_212 = tpu.memref_squeeze %dma_start3A_211 : memref<1x632x128xf32, #tpu.memory_space<hbm>> -> memref<632x128xf32, #tpu.memory_space<hbm>>
      %dma_start3A_213 = arith.constant 0 : i32
      %dma_start3A_214 = tpu.memref_slice %arg10[%mul3A_0, %dma_start3A_213] : memref<10112x128xf32, #tpu.memory_space<vmem_shared>> -> memref<632x128xf32, #tpu.memory_space<vmem_shared>>
      tpu.enqueue_dma source(%dma_start3A_214 : memref<632x128xf32, #tpu.memory_space<vmem_shared>>) target(%dma_start3A_212 : memref<632x128xf32, #tpu.memory_space<hbm>>) target_semaphore(%run_scoped3A : memref<!tpu.dma_semaphore, #tpu.memory_space<semaphore_mem>>)
      %dma_wait3A = arith.constant 0 : i32
      %dma_wait3A_215 = tpu.memref_slice %arg4[%arg0, %mul3A_0, %dma_wait3A] : memref<2x10112x128xf32, #tpu.memory_space<hbm>> -> memref<1x632x128xf32, #tpu.memory_space<hbm>>
      %dma_wait3A_216 = tpu.memref_squeeze %dma_wait3A_215 : memref<1x632x128xf32, #tpu.memory_space<hbm>> -> memref<632x128xf32, #tpu.memory_space<hbm>>
      %dma_wait3A_217 = arith.constant 0 : i32
      %dma_wait3A_218 = tpu.memref_slice %arg10[%mul3A_0, %dma_wait3A_217] : memref<10112x128xf32, #tpu.memory_space<vmem_shared>> -> memref<632x128xf32, #tpu.memory_space<vmem_shared>>
      tpu.wait_dma2 semaphore(%run_scoped3A : memref<!tpu.dma_semaphore, #tpu.memory_space<semaphore_mem>>) src(%dma_wait3A_218 : memref<632x128xf32, #tpu.memory_space<vmem_shared>>) dst(%dma_wait3A_216 : memref<632x128xf32, #tpu.memory_space<hbm>>)
      tpu.yield
    }) : () -> ()
    return
  }
}

module attributes {stable_mosaic.version = 14 : i64} {
  func.func @_tc_pack_body(%arg0: memref<2x320000xi32, #tpu.memory_space<vmem>>, %arg1: memref<320000xi32, #tpu.memory_space<vmem>>) attributes {dimension_semantics = [], scalar_prefetch = 0 : i64, scratch_operands = 0 : i64, tpu.core_type = #tpu.core_type<tc>} {
    %get3A = arith.constant 0 : index
    %get3A_0 = arith.constant 0 : index
    %get3A_1 = vector.load %arg0[%get3A, %get3A_0] : memref<2x320000xi32, #tpu.memory_space<vmem>>, vector<1x320000xi32>
    %get3A_2 = vector.shape_cast %get3A_1 : vector<1x320000xi32> to vector<320000xi32>
    %get3A_3 = arith.constant 1 : index
    %get3A_4 = arith.constant 0 : index
    %get3A_5 = vector.load %arg0[%get3A_3, %get3A_4] : memref<2x320000xi32, #tpu.memory_space<vmem>>, vector<1x320000xi32>
    %get3A_6 = vector.shape_cast %get3A_5 : vector<1x320000xi32> to vector<320000xi32>
    %shift_left3A = arith.constant 16 : i32
    %shift_left3A_7 = vector.broadcast %shift_left3A : i32 to vector<320000xi32>
    %shift_left3A_8 = arith.shli %get3A_6, %shift_left3A_7 : vector<320000xi32>
    %or3A = arith.ori %get3A_2, %shift_left3A_8 : vector<320000xi32>
    %swap3A = arith.constant 0 : index
    %swap3A_9 = vector.load %arg1[%swap3A] : memref<320000xi32, #tpu.memory_space<vmem>>, vector<320000xi32>
    tpu.vector_store %arg1[%swap3A], %or3A {strides = array<i32>} : memref<320000xi32, #tpu.memory_space<vmem>>, vector<320000xi32>,
    return
  }
}

module attributes {stable_mosaic.version = 14 : i64} {
  func.func @_tc_concat4_body(%arg0: memref<10000x32xf32, #tpu.memory_space<vmem>>, %arg1: memref<10000x32xf32, #tpu.memory_space<vmem>>, %arg2: memref<10000x32xf32, #tpu.memory_space<vmem>>, %arg3: memref<10000x32xf32, #tpu.memory_space<vmem>>, %arg4: memref<10000x128xf32, #tpu.memory_space<vmem>>) attributes {dimension_semantics = [], scalar_prefetch = 0 : i64, scratch_operands = 0 : i64, tpu.core_type = #tpu.core_type<tc>} {
    %get3A = arith.constant 0 : index
    %get3A_0 = arith.constant 0 : index
    %get3A_1 = vector.load %arg0[%get3A, %get3A_0] : memref<10000x32xf32, #tpu.memory_space<vmem>>, vector<10000x32xf32>
    %swap3A = arith.constant 0 : index
    %swap3A_2 = arith.constant 0 : index
    %swap3A_3 = vector.load %arg4[%swap3A, %swap3A_2] : memref<10000x128xf32, #tpu.memory_space<vmem>>, vector<10000x32xf32>
    tpu.vector_store %arg4[%swap3A, %swap3A_2], %get3A_1 {strides = array<i32>} : memref<10000x128xf32, #tpu.memory_space<vmem>>, vector<10000x32xf32>,
    %get3A_4 = arith.constant 0 : index
    %get3A_5 = arith.constant 0 : index
    %get3A_6 = vector.load %arg1[%get3A_4, %get3A_5] : memref<10000x32xf32, #tpu.memory_space<vmem>>, vector<10000x32xf32>
    %swap3A_7 = arith.constant 0 : index
    %swap3A_8 = arith.constant 32 : index
    %swap3A_9 = vector.load %arg4[%swap3A_7, %swap3A_8] : memref<10000x128xf32, #tpu.memory_space<vmem>>, vector<10000x32xf32>
    tpu.vector_store %arg4[%swap3A_7, %swap3A_8], %get3A_6 {strides = array<i32>} : memref<10000x128xf32, #tpu.memory_space<vmem>>, vector<10000x32xf32>,
    %get3A_10 = arith.constant 0 : index
    %get3A_11 = arith.constant 0 : index
    %get3A_12 = vector.load %arg2[%get3A_10, %get3A_11] : memref<10000x32xf32, #tpu.memory_space<vmem>>, vector<10000x32xf32>
    %swap3A_13 = arith.constant 0 : index
    %swap3A_14 = arith.constant 64 : index
    %swap3A_15 = vector.load %arg4[%swap3A_13, %swap3A_14] : memref<10000x128xf32, #tpu.memory_space<vmem>>, vector<10000x32xf32>
    tpu.vector_store %arg4[%swap3A_13, %swap3A_14], %get3A_12 {strides = array<i32>} : memref<10000x128xf32, #tpu.memory_space<vmem>>, vector<10000x32xf32>,
    %get3A_16 = arith.constant 0 : index
    %get3A_17 = arith.constant 0 : index
    %get3A_18 = vector.load %arg3[%get3A_16, %get3A_17] : memref<10000x32xf32, #tpu.memory_space<vmem>>, vector<10000x32xf32>
    %swap3A_19 = arith.constant 0 : index
    %swap3A_20 = arith.constant 96 : index
    %swap3A_21 = vector.load %arg4[%swap3A_19, %swap3A_20] : memref<10000x128xf32, #tpu.memory_space<vmem>>, vector<10000x32xf32>
    tpu.vector_store %arg4[%swap3A_19, %swap3A_20], %get3A_18 {strides = array<i32>} : memref<10000x128xf32, #tpu.memory_space<vmem>>, vector<10000x32xf32>,
    return
  }
}

module attributes {stable_mosaic.version = 14 : i64} {
  func.func @_tc_pre_body(%arg0: memref<10000x128xf32, #tpu.memory_space<vmem>>, %arg1: memref<128x128xf32, #tpu.memory_space<vmem>>, %arg2: memref<1x128xf32, #tpu.memory_space<vmem>>, %arg3: memref<10000x128xf32, #tpu.memory_space<vmem>>) attributes {dimension_semantics = [], scalar_prefetch = 0 : i64, scratch_operands = 0 : i64, tpu.core_type = #tpu.core_type<tc>} {
    %get3A = arith.constant 0 : index
    %get3A_0 = arith.constant 0 : index
    %get3A_1 = vector.load %arg0[%get3A, %get3A_0] : memref<10000x128xf32, #tpu.memory_space<vmem>>, vector<10000x128xf32>
    %get3A_2 = arith.constant 0 : index
    %get3A_3 = arith.constant 0 : index
    %get3A_4 = vector.load %arg1[%get3A_2, %get3A_3] : memref<128x128xf32, #tpu.memory_space<vmem>>, vector<128x128xf32>
    %dot_general3A = arith.constant dense<0.000000e+00> : vector<10000x128xf32>
    %dot_general3A_5 = tpu.matmul %get3A_1, %get3A_4, %dot_general3A {dimension_numbers = #tpu.dot_dimension_numbers<[1], [0], [0], [1], [0, 0, 1, 1], [], []>, transpose_lhs_hint = false} : vector<10000x128xf32>, vector<128x128xf32>, vector<10000x128xf32> -> vector<10000x128xf32>
    %get3A_6 = arith.constant 0 : index
    %get3A_7 = arith.constant 0 : index
    %get3A_8 = vector.load %arg2[%get3A_6, %get3A_7] : memref<1x128xf32, #tpu.memory_space<vmem>>, vector<1x128xf32>
    %add3A = vector.broadcast %get3A_8 : vector<1x128xf32> to vector<10000x128xf32>
    %add3A_9 = arith.addf %dot_general3A_5, %add3A : vector<10000x128xf32>
    %swap3A = arith.constant 0 : index
    %swap3A_10 = arith.constant 0 : index
    %swap3A_11 = vector.load %arg3[%swap3A, %swap3A_10] : memref<10000x128xf32, #tpu.memory_space<vmem>>, vector<10000x128xf32>
    tpu.vector_store %arg3[%swap3A, %swap3A_10], %add3A_9 {strides = array<i32>} : memref<10000x128xf32, #tpu.memory_space<vmem>>, vector<10000x128xf32>,
    return
  }
}

module attributes {stable_mosaic.version = 14 : i64} {
  func.func @_tc_post_body(%arg0: memref<2x10112x128xf32, #tpu.memory_space<vmem>>, %arg1: memref<10000x128xf32, #tpu.memory_space<vmem>>, %arg2: memref<2x10000x1xf32, #tpu.memory_space<vmem>>, %arg3: memref<128x128xf32, #tpu.memory_space<vmem>>, %arg4: memref<1x128xf32, #tpu.memory_space<vmem>>, %arg5: memref<1x128xf32, #tpu.memory_space<vmem>>, %arg6: memref<10000x128xf32, #tpu.memory_space<vmem>>) attributes {dimension_semantics = [], scalar_prefetch = 0 : i64, scratch_operands = 0 : i64, tpu.core_type = #tpu.core_type<tc>} {
    %get3A = arith.constant 0 : index
    %get3A_0 = arith.constant 0 : index
    %get3A_1 = arith.constant 0 : index
    %get3A_2 = vector.load %arg0[%get3A, %get3A_0, %get3A_1] : memref<2x10112x128xf32, #tpu.memory_space<vmem>>, vector<1x10000x128xf32>
    %get3A_3 = vector.shape_cast %get3A_2 : vector<1x10000x128xf32> to vector<10000x128xf32>
    %get3A_4 = arith.constant 1 : index
    %get3A_5 = arith.constant 0 : index
    %get3A_6 = arith.constant 0 : index
    %get3A_7 = vector.load %arg0[%get3A_4, %get3A_5, %get3A_6] : memref<2x10112x128xf32, #tpu.memory_space<vmem>>, vector<1x10000x128xf32>
    %get3A_8 = vector.shape_cast %get3A_7 : vector<1x10000x128xf32> to vector<10000x128xf32>
    %add3A = arith.addf %get3A_3, %get3A_8 : vector<10000x128xf32>
    %get3A_9 = arith.constant 0 : index
    %get3A_10 = arith.constant 0 : index
    %get3A_11 = arith.constant 0 : index
    %get3A_12 = vector.load %arg2[%get3A_9, %get3A_10, %get3A_11] : memref<2x10000x1xf32, #tpu.memory_space<vmem>>, vector<1x10000x1xf32>
    %get3A_13 = vector.shape_cast %get3A_12 : vector<1x10000x1xf32> to vector<10000x1xf32>
    %get3A_14 = arith.constant 1 : index
    %get3A_15 = arith.constant 0 : index
    %get3A_16 = arith.constant 0 : index
    %get3A_17 = vector.load %arg2[%get3A_14, %get3A_15, %get3A_16] : memref<2x10000x1xf32, #tpu.memory_space<vmem>>, vector<1x10000x1xf32>
    %get3A_18 = vector.shape_cast %get3A_17 : vector<1x10000x1xf32> to vector<10000x1xf32>
    %add3A_19 = arith.addf %get3A_13, %get3A_18 : vector<10000x1xf32>
    %max3A = arith.constant 1.000000e+00 : f32
    %max3A_20 = vector.broadcast %max3A : f32 to vector<10000x1xf32>
    %max3A_21 = arith.maximumf %add3A_19, %max3A_20 : vector<10000x1xf32>
    %div3A = vector.broadcast %max3A_21 : vector<10000x1xf32> to vector<10000x128xf32>
    %div3A_22 = arith.divf %add3A, %div3A : vector<10000x128xf32>
    %get3A_23 = arith.constant 0 : index
    %get3A_24 = arith.constant 0 : index
    %get3A_25 = vector.load %arg3[%get3A_23, %get3A_24] : memref<128x128xf32, #tpu.memory_space<vmem>>, vector<128x128xf32>
    %dot_general3A = arith.constant dense<0.000000e+00> : vector<10000x128xf32>
    %dot_general3A_26 = tpu.matmul %div3A_22, %get3A_25, %dot_general3A {dimension_numbers = #tpu.dot_dimension_numbers<[1], [0], [0], [1], [0, 0, 1, 1], [], []>, transpose_lhs_hint = false} : vector<10000x128xf32>, vector<128x128xf32>, vector<10000x128xf32> -> vector<10000x128xf32>
    %get3A_27 = arith.constant 0 : index
    %get3A_28 = arith.constant 0 : index
    %get3A_29 = vector.load %arg1[%get3A_27, %get3A_28] : memref<10000x128xf32, #tpu.memory_space<vmem>>, vector<10000x128xf32>
    %add3A_30 = arith.addf %dot_general3A_26, %get3A_29 : vector<10000x128xf32>
    %reduce_sum3A = arith.constant dense<0.000000e+00> : vector<128xf32>
    %reduce_sum3A_31 = vector.multi_reduction <add>, %add3A_30, %reduce_sum3A [0] : vector<10000x128xf32> to vector<128xf32>
    %broadcast_in_dim3A = vector.shape_cast %reduce_sum3A_31 : vector<128xf32> to vector<1x128xf32>
    %div3A_32 = arith.constant 1.000000e+04 : f32
    %div3A_33 = vector.broadcast %div3A_32 : f32 to vector<1x128xf32>
    %div3A_34 = arith.divf %broadcast_in_dim3A, %div3A_33 : vector<1x128xf32>
    %sub3A = vector.broadcast %div3A_34 : vector<1x128xf32> to vector<10000x128xf32>
    %sub3A_35 = arith.subf %add3A_30, %sub3A : vector<10000x128xf32>
    %integer_pow3A = arith.mulf %sub3A_35, %sub3A_35 : vector<10000x128xf32>
    %reduce_sum3A_36 = arith.constant dense<0.000000e+00> : vector<128xf32>
    %reduce_sum3A_37 = vector.multi_reduction <add>, %integer_pow3A, %reduce_sum3A_36 [0] : vector<10000x128xf32> to vector<128xf32>
    %broadcast_in_dim3A_38 = vector.shape_cast %reduce_sum3A_37 : vector<128xf32> to vector<1x128xf32>
    %div3A_39 = arith.constant 1.000000e+04 : f32
    %div3A_40 = vector.broadcast %div3A_39 : f32 to vector<1x128xf32>
    %div3A_41 = arith.divf %broadcast_in_dim3A_38, %div3A_40 : vector<1x128xf32>
    %sub3A_42 = vector.broadcast %div3A_34 : vector<1x128xf32> to vector<10000x128xf32>
    %sub3A_43 = arith.subf %add3A_30, %sub3A_42 : vector<10000x128xf32>
    %add3A_44 = arith.constant 9.99999974E-6 : f32
    %add3A_45 = vector.broadcast %add3A_44 : f32 to vector<1x128xf32>
    %add3A_46 = arith.addf %div3A_41, %add3A_45 : vector<1x128xf32>
    %rsqrt3A = math.rsqrt %add3A_46 : vector<1x128xf32>
    %mul3A = vector.broadcast %rsqrt3A : vector<1x128xf32> to vector<10000x128xf32>
    %mul3A_47 = arith.mulf %sub3A_43, %mul3A : vector<10000x128xf32>
    %get3A_48 = arith.constant 0 : index
    %get3A_49 = arith.constant 0 : index
    %get3A_50 = vector.load %arg4[%get3A_48, %get3A_49] : memref<1x128xf32, #tpu.memory_space<vmem>>, vector<1x128xf32>
    %mul3A_51 = vector.broadcast %get3A_50 : vector<1x128xf32> to vector<10000x128xf32>
    %mul3A_52 = arith.mulf %mul3A_47, %mul3A_51 : vector<10000x128xf32>
    %get3A_53 = arith.constant 0 : index
    %get3A_54 = arith.constant 0 : index
    %get3A_55 = vector.load %arg5[%get3A_53, %get3A_54] : memref<1x128xf32, #tpu.memory_space<vmem>>, vector<1x128xf32>
    %add3A_56 = vector.broadcast %get3A_55 : vector<1x128xf32> to vector<10000x128xf32>
    %add3A_57 = arith.addf %mul3A_52, %add3A_56 : vector<10000x128xf32>
    %max3A_58 = arith.constant 0.000000e+00 : f32
    %max3A_59 = vector.broadcast %max3A_58 : f32 to vector<10000x128xf32>
    %max3A_60 = arith.maximumf %add3A_57, %max3A_59 : vector<10000x128xf32>
    %swap3A = arith.constant 0 : index
    %swap3A_61 = arith.constant 0 : index
    %swap3A_62 = vector.load %arg6[%swap3A, %swap3A_61] : memref<10000x128xf32, #tpu.memory_space<vmem>>, vector<10000x128xf32>
    tpu.vector_store %arg6[%swap3A, %swap3A_61], %max3A_60 {strides = array<i32>} : memref<10000x128xf32, #tpu.memory_space<vmem>>, vector<10000x128xf32>,
    return
  }
}

module attributes {stable_mosaic.version = 14 : i64} {
  func.func @_tc_head_body(%arg0: memref<1280x1000xf32, #tpu.memory_space<vmem>>, %arg1: memref<1000x128xf32, #tpu.memory_space<vmem>>, %arg2: memref<1x128xf32, #tpu.memory_space<vmem>>, %arg3: memref<1x128xf32, #tpu.memory_space<vmem>>, %arg4: memref<1x1xf32, #tpu.memory_space<vmem>>, %arg5: memref<1x128xf32, #tpu.memory_space<vmem>>, %arg6: memref<1x128xf32, #tpu.memory_space<vmem>>, %arg7: memref<128x128xf32, #tpu.memory_space<vmem>>, %arg8: memref<1x128xf32, #tpu.memory_space<vmem>>, %arg9: memref<128x2xf32, #tpu.memory_space<vmem>>, %arg10: memref<1x2xf32, #tpu.memory_space<vmem>>, %arg11: memref<10x2xf32, #tpu.memory_space<vmem>>) attributes {dimension_semantics = [], scalar_prefetch = 0 : i64, scratch_operands = 0 : i64, tpu.core_type = #tpu.core_type<tc>} {
    %get3A = arith.constant 0 : index
    %get3A_0 = arith.constant 0 : index
    %get3A_1 = vector.load %arg0[%get3A, %get3A_0] : memref<1280x1000xf32, #tpu.memory_space<vmem>>, vector<1280x1000xf32>
    %get3A_2 = arith.constant 0 : index
    %get3A_3 = arith.constant 0 : index
    %get3A_4 = vector.load %arg1[%get3A_2, %get3A_3] : memref<1000x128xf32, #tpu.memory_space<vmem>>, vector<1000x128xf32>
    %dot_general3A = arith.constant dense<0.000000e+00> : vector<1280x128xf32>
    %dot_general3A_5 = tpu.matmul %get3A_1, %get3A_4, %dot_general3A {dimension_numbers = #tpu.dot_dimension_numbers<[1], [0], [0], [1], [0, 0, 1, 1], [], []>, transpose_lhs_hint = false} : vector<1280x1000xf32>, vector<1000x128xf32>, vector<1280x128xf32> -> vector<1280x128xf32>
    %get3A_6 = arith.constant 0 : index
    %get3A_7 = arith.constant 0 : index
    %get3A_8 = vector.load %arg2[%get3A_6, %get3A_7] : memref<1x128xf32, #tpu.memory_space<vmem>>, vector<1x128xf32>
    %add3A = vector.broadcast %get3A_8 : vector<1x128xf32> to vector<1280x128xf32>
    %add3A_9 = arith.addf %dot_general3A_5, %add3A : vector<1280x128xf32>
    %max3A = arith.constant 0.000000e+00 : f32
    %max3A_10 = vector.broadcast %max3A : f32 to vector<1280x128xf32>
    %max3A_11 = arith.maximumf %add3A_9, %max3A_10 : vector<1280x128xf32>
    %reshape3A = vector.shape_cast %max3A_11 : vector<1280x128xf32> to vector<10x128x128xf32>
    %get3A_12 = arith.constant 0 : index
    %get3A_13 = arith.constant 0 : index
    %get3A_14 = vector.load %arg3[%get3A_12, %get3A_13] : memref<1x128xf32, #tpu.memory_space<vmem>>, vector<1x128xf32>
    %get3A_15 = vector.shape_cast %get3A_14 : vector<1x128xf32> to vector<128xf32>
    %broadcast_in_dim3A = vector.shape_cast %get3A_15 : vector<128xf32> to vector<1x1x128xf32>
    %mul3A = vector.broadcast %broadcast_in_dim3A : vector<1x1x128xf32> to vector<10x128x128xf32>
    %mul3A_16 = arith.mulf %reshape3A, %mul3A : vector<10x128x128xf32>
    %reduce_sum3A = arith.constant dense<0.000000e+00> : vector<10x128xf32>
    %reduce_sum3A_17 = vector.multi_reduction <add>, %mul3A_16, %reduce_sum3A [2] : vector<10x128x128xf32> to vector<10x128xf32>
    %get3A_18 = arith.constant 0 : index
    %get3A_19 = arith.constant 0 : index
    %get3A_20 = vector.load %arg4[%get3A_18, %get3A_19] : memref<1x1xf32, #tpu.memory_space<vmem>>, vector<1x1xf32>
    %add3A_21 = vector.broadcast %get3A_20 : vector<1x1xf32> to vector<10x128xf32>
    %add3A_22 = arith.addf %reduce_sum3A_17, %add3A_21 : vector<10x128xf32>
    %reduce_sum3A_23 = arith.constant dense<0.000000e+00> : vector<128xf32>
    %reduce_sum3A_24 = vector.multi_reduction <add>, %add3A_22, %reduce_sum3A_23 [0] : vector<10x128xf32> to vector<128xf32>
    %broadcast_in_dim3A_25 = vector.shape_cast %reduce_sum3A_24 : vector<128xf32> to vector<1x128xf32>
    %div3A = arith.constant 1.000000e+01 : f32
    %div3A_26 = vector.broadcast %div3A : f32 to vector<1x128xf32>
    %div3A_27 = arith.divf %broadcast_in_dim3A_25, %div3A_26 : vector<1x128xf32>
    %sub3A = vector.broadcast %div3A_27 : vector<1x128xf32> to vector<10x128xf32>
    %sub3A_28 = arith.subf %add3A_22, %sub3A : vector<10x128xf32>
    %integer_pow3A = arith.mulf %sub3A_28, %sub3A_28 : vector<10x128xf32>
    %reduce_sum3A_29 = arith.constant dense<0.000000e+00> : vector<128xf32>
    %reduce_sum3A_30 = vector.multi_reduction <add>, %integer_pow3A, %reduce_sum3A_29 [0] : vector<10x128xf32> to vector<128xf32>
    %broadcast_in_dim3A_31 = vector.shape_cast %reduce_sum3A_30 : vector<128xf32> to vector<1x128xf32>
    %div3A_32 = arith.constant 1.000000e+01 : f32
    %div3A_33 = vector.broadcast %div3A_32 : f32 to vector<1x128xf32>
    %div3A_34 = arith.divf %broadcast_in_dim3A_31, %div3A_33 : vector<1x128xf32>
    %sub3A_35 = vector.broadcast %div3A_27 : vector<1x128xf32> to vector<10x128xf32>
    %sub3A_36 = arith.subf %add3A_22, %sub3A_35 : vector<10x128xf32>
    %add3A_37 = arith.constant 9.99999974E-6 : f32
    %add3A_38 = vector.broadcast %add3A_37 : f32 to vector<1x128xf32>
    %add3A_39 = arith.addf %div3A_34, %add3A_38 : vector<1x128xf32>
    %rsqrt3A = math.rsqrt %add3A_39 : vector<1x128xf32>
    %mul3A_40 = vector.broadcast %rsqrt3A : vector<1x128xf32> to vector<10x128xf32>
    %mul3A_41 = arith.mulf %sub3A_36, %mul3A_40 : vector<10x128xf32>
    %get3A_42 = arith.constant 0 : index
    %get3A_43 = arith.constant 0 : index
    %get3A_44 = vector.load %arg5[%get3A_42, %get3A_43] : memref<1x128xf32, #tpu.memory_space<vmem>>, vector<1x128xf32>
    %mul3A_45 = vector.broadcast %get3A_44 : vector<1x128xf32> to vector<10x128xf32>
    %mul3A_46 = arith.mulf %mul3A_41, %mul3A_45 : vector<10x128xf32>
    %get3A_47 = arith.constant 0 : index
    %get3A_48 = arith.constant 0 : index
    %get3A_49 = vector.load %arg6[%get3A_47, %get3A_48] : memref<1x128xf32, #tpu.memory_space<vmem>>, vector<1x128xf32>
    %add3A_50 = vector.broadcast %get3A_49 : vector<1x128xf32> to vector<10x128xf32>
    %add3A_51 = arith.addf %mul3A_46, %add3A_50 : vector<10x128xf32>
    %max3A_52 = arith.constant 0.000000e+00 : f32
    %max3A_53 = vector.broadcast %max3A_52 : f32 to vector<10x128xf32>
    %max3A_54 = arith.maximumf %add3A_51, %max3A_53 : vector<10x128xf32>
    %get3A_55 = arith.constant 0 : index
    %get3A_56 = arith.constant 0 : index
    %get3A_57 = vector.load %arg7[%get3A_55, %get3A_56] : memref<128x128xf32, #tpu.memory_space<vmem>>, vector<128x128xf32>
    %dot_general3A_58 = arith.constant dense<0.000000e+00> : vector<10x128xf32>
    %dot_general3A_59 = tpu.matmul %max3A_54, %get3A_57, %dot_general3A_58 {dimension_numbers = #tpu.dot_dimension_numbers<[1], [0], [0], [1], [0, 0, 1, 1], [], []>, transpose_lhs_hint = false} : vector<10x128xf32>, vector<128x128xf32>, vector<10x128xf32> -> vector<10x128xf32>
    %get3A_60 = arith.constant 0 : index
    %get3A_61 = arith.constant 0 : index
    %get3A_62 = vector.load %arg8[%get3A_60, %get3A_61] : memref<1x128xf32, #tpu.memory_space<vmem>>, vector<1x128xf32>
    %add3A_63 = vector.broadcast %get3A_62 : vector<1x128xf32> to vector<10x128xf32>
    %add3A_64 = arith.addf %dot_general3A_59, %add3A_63 : vector<10x128xf32>
    %max3A_65 = arith.constant 0.000000e+00 : f32
    %max3A_66 = vector.broadcast %max3A_65 : f32 to vector<10x128xf32>
    %max3A_67 = arith.maximumf %add3A_64, %max3A_66 : vector<10x128xf32>
    %get3A_68 = arith.constant 0 : index
    %get3A_69 = arith.constant 0 : index
    %get3A_70 = vector.load %arg9[%get3A_68, %get3A_69] : memref<128x2xf32, #tpu.memory_space<vmem>>, vector<128x2xf32>
    %dot_general3A_71 = arith.constant dense<0.000000e+00> : vector<10x2xf32>
    %dot_general3A_72 = tpu.matmul %max3A_67, %get3A_70, %dot_general3A_71 {dimension_numbers = #tpu.dot_dimension_numbers<[1], [0], [0], [1], [0, 0, 1, 1], [], []>, transpose_lhs_hint = false} : vector<10x128xf32>, vector<128x2xf32>, vector<10x2xf32> -> vector<10x2xf32>
    %get3A_73 = arith.constant 0 : index
    %get3A_74 = arith.constant 0 : index
    %get3A_75 = vector.load %arg10[%get3A_73, %get3A_74] : memref<1x2xf32, #tpu.memory_space<vmem>>, vector<1x2xf32>
    %add3A_76 = vector.broadcast %get3A_75 : vector<1x2xf32> to vector<10x2xf32>
    %add3A_77 = arith.addf %dot_general3A_72, %add3A_76 : vector<10x2xf32>
    %swap3A = arith.constant 0 : index
    %swap3A_78 = arith.constant 0 : index
    %swap3A_79 = vector.load %arg11[%swap3A, %swap3A_78] : memref<10x2xf32, #tpu.memory_space<vmem>>, vector<10x2xf32>
    tpu.vector_store %arg11[%swap3A, %swap3A_78], %add3A_77 {strides = array<i32>} : memref<10x2xf32, #tpu.memory_space<vmem>>, vector<10x2xf32>,
    return
  }
}

</mosaic_0001>

<sc_bundles>
// kernel: kernel.18.cloned.1.call-start
scs
__scs_entry_jumppad:
0x0: {  	(pc) =	sbr.rel $0x88, $3  }
0x1: {  	(tag) =	ssettag $0x0;
	lr =	simm.s32 $0x1  }
0x2: {  	[smem:$0x3F8D] =	sst lr;
	_ =	strace $0xD0000000  }
0x3: {  	_ = 	snop  }
0x4: {  	_ = 	snop  }
0x5: {  	_ = 	snop  }
0x6: {  	_ = 	snop  }
0x7: {  	_ = 	snop  }
__scs_overlays_trampoline_lowered:
0x8: {  	[smem:$0x3F9C] =	sst s0  }
0x9: {  	[smem:$0x3F9D] =	sst s1  }
0xa: {  	[smem:$0x3F9E] =	sst s2  }
0xb: {  	[smem:$0x3F9F] =	sst s3  }
0xc: {  	[smem:$0x3FA0] =	sst s4  }
0xd: {  	[smem:$0x3FA1] =	sst s5  }
0xe: {  	[smem:$0x3FA2] =	sst s6  }
0xf: {  	[smem:$0x3FA3] =	sst s7  }
0x10: {  	[smem:$0x3FA4] =	sst s8  }
0x11: {  	[smem:$0x3FA5] =	sst s9;
	s0 =	simm.s32 @!p0 $0x0  }
0x12: {  	s1 =	sld [smem:$0x3F8B];
	s0 =	simm.s32 @p0 $0x1  }
0x13: {  	[smem:$0x3FA6] =	sst s0;
	s0 =	simm.s32 @!p1 $0x0  }
0x14: {  	s2 =	sld [smem:$0x3F8A];
	s0 =	simm.s32 @p1 $0x1  }
0x15: {  	[smem:$0x3FA7] =	sst s0;
	s0 =	simm.s32 @!p2 $0x0  }
0x16: {  	s3 =	sld [smem:$0x3FDB];
	s0 =	simm.s32 @p2 $0x1  }
0x17: {  	s4 =	simm.s32 $0x1BF5;
	[smem:$0x3FA9] =	sst s0  }
0x18: {  	s0 =	sld [smem:$0x3F8C];
	_ =	swait.ge [sflag:s4], $0x0  }
0x19: {  	s7 =	sld [smem:$0x3F8D]  }
0x1a: {  	s8 =	sadd.s32 $0xFFFFE003, lr  }
0x1b: {  	s9 =	sadd.s32 $0xFFFFFEF7, lr;
	s5 =	simm.s32 $0xFFFFFFFF;
	p2 =	slt.u32 s8, $0xFFFFF086  }
0x1c: {  	p1 =	slt.u32 s9, $0xF7A;
	s5 =	simm.s32 @!p2 $0x0  }
0x1d: {  	s5 =	simm.s32 @p1 $0x1;
	p0 =	seq.s32 s7, s2  }
0x1e: {  	s7 =	smul.u32 @!p0 $0xF7A, s2;
	p2 =	seq.s32 @!p0 s5, $0x0  }
0x1f: {  	s9 =	smul.u32 $0xF7A, s1;
	s8 =	simm.s32 @!p0 $0x1BF5;
	p2 =	por !p2, p0  }
0x20: {  	[sflag:s8] =	ssyncset.s32 @!p0 $0xFFFFF086;
	s6 =	sadd.s32 @!p0 s3, s7;
	s7 =	simm.s32 @!p0 $0x108  }
0x21: {  	s3 =	sadd.s32 s3, s9;
	s6 =	sadd.s32 @!p0 $0x88, s6;
	s7 =	simm.s32 @p2 $0x1082  }
0x22: {  	[simem:s7], [sflag:s8] =	dma.local @!p0 [hbm:s6], $0xF7A  }
0x23: {  	s9 =	sor.u32 $0xD0000000, s2;
	s6 =	simm.s32 $0x108;
	_ =	swait.ge @!p0 [sflag:s8], $0x0  }
0x24: {  	s3 =	sadd.s32 $0x88, s3;
	s6 =	simm.s32 @!p1 $0x1082;
	[sflag:s4] =	ssyncset.s32 $0xFFFFF086  }
0x25: {  	[simem:s6], [sflag:s4] =	dma.local [hbm:s3], $0xF7A  }
0x26: {  	[smem:$0x3F8D] =	sst s1;
	(tag) =	ssettag s2;
	_ =	strace s9  }
0x27: {  	s1 =	sld [smem:$0x3F9D]  }
0x28: {  	s2 =	sld [smem:$0x3F9E]  }
0x29: {  	s4 =	sld [smem:$0x3FA0]  }
0x2a: {  	p0 =	seq.s32 s5, $0x0;
	s5 =	sld [smem:$0x3FA1]  }
0x2b: {  	s6 =	sld [smem:$0x3FA2]  }
0x2c: {  	s7 =	sld [smem:$0x3FA3]  }
0x2d: {  	s3 =	simm.s32 $0x108;
	s8 =	sld [smem:$0x3FA4]  }
0x2e: {  	s3 =	simm.s32 @!p0 $0x1082;
	s9 =	sld [smem:$0x3FA5]  }
0x2f: {  	lr =	sadd.s32 s0, s3;
	s0 =	sld [smem:$0x3F9C]  }
0x30: {  	s3 =	sld [smem:$0x3F9F]  }
0x31: {  	[smem:$0x3FA8] =	sst s10  }
0x32: {  	s10 =	sld [smem:$0x3FA6];
	_ =	sdelay $0x3  }
0x33: {  	p0 =	seq.s32 s10, $0x1;
	s10 =	sld [smem:$0x3FA8];
	_ =	sdelay $0x3  }
0x34: {  	[smem:$0x3FA8] =	sst s10  }
0x35: {  	s10 =	sld [smem:$0x3FA7];
	_ =	sdelay $0x3  }
0x36: {  	p1 =	seq.s32 s10, $0x1;
	s10 =	sld [smem:$0x3FA8];
	_ =	sdelay $0x3  }
0x37: {  	[smem:$0x3FA8] =	sst s10  }
0x38: {  	s10 =	sld [smem:$0x3FA9]  }
0x39: {  	_ = 	snop;
	(pc) =	sbr.ind lr, $3  }
0x3a: {  	_ = 	snop  }
0x3b: {  	_ = 	snop  }
0x3c: {  	p2 =	seq.s32 s10, $0x1;
	s10 =	sld [smem:$0x3FA8]  }
0x3d: {  	_ =	shalt  }
0x3e: {  	_ =	shalt  }
0x3f: {  	_ =	shalt  }
0x40: {  	_ =	shalt  }
0x41: {  	_ =	shalt  }
0x42: {  	_ =	shalt  }
0x43: {  	_ =	shalt  }
0x44: {  	_ =	shalt  }
0x45: {  	_ =	shalt  }
0x46: {  	_ =	shalt  }
0x47: {  	_ =	shalt  }
0x48: {  	_ =	shalt  }
0x49: {  	_ =	shalt  }
0x4a: {  	_ =	shalt  }
0x4b: {  	_ =	shalt  }
0x4c: {  	_ =	shalt  }
0x4d: {  	_ =	shalt  }
0x4e: {  	_ =	shalt  }
0x4f: {  	_ =	shalt  }
0x50: {  	_ =	shalt  }
0x51: {  	_ =	shalt  }
0x52: {  	_ =	shalt  }
0x53: {  	_ =	shalt  }
0x54: {  	_ =	shalt  }
0x55: {  	_ =	shalt  }
0x56: {  	_ =	shalt  }
0x57: {  	_ =	shalt  }
0x58: {  	_ =	shalt  }
0x59: {  	_ =	shalt  }
0x5a: {  	_ =	shalt  }
0x5b: {  	_ =	shalt  }
0x5c: {  	_ =	shalt  }
0x5d: {  	_ =	shalt  }
0x5e: {  	_ =	shalt  }
0x5f: {  	_ =	shalt  }
0x60: {  	_ =	shalt  }
0x61: {  	_ =	shalt  }
0x62: {  	_ =	shalt  }
0x63: {  	_ =	shalt  }
0x64: {  	_ =	shalt  }
0x65: {  	_ =	shalt  }
0x66: {  	_ =	shalt  }
0x67: {  	_ =	shalt  }
0x68: {  	_ =	shalt  }
0x69: {  	_ =	shalt  }
0x6a: {  	_ =	shalt  }
0x6b: {  	_ =	shalt  }
0x6c: {  	_ =	shalt  }
0x6d: {  	_ =	shalt  }
0x6e: {  	_ =	shalt  }
0x6f: {  	_ =	shalt  }
0x70: {  	_ =	shalt  }
0x71: {  	_ =	shalt  }
0x72: {  	_ =	shalt  }
0x73: {  	_ =	shalt  }
0x74: {  	_ =	shalt  }
0x75: {  	_ =	shalt  }
0x76: {  	_ =	shalt  }
0x77: {  	_ =	shalt  }
0x78: {  	_ =	shalt  }
0x79: {  	_ =	shalt  }
0x7a: {  	_ =	shalt  }
0x7b: {  	_ =	shalt  }
0x7c: {  	_ =	shalt  }
0x7d: {  	_ =	shalt  }
0x7e: {  	_ =	shalt  }
0x7f: {  	_ =	shalt  }
0x80: {  	_ =	shalt  }
0x81: {  	_ =	shalt  }
0x82: {  	_ =	shalt  }
0x83: {  	_ =	shalt  }
0x84: {  	_ =	shalt  }
0x85: {  	_ =	shalt  }
0x86: {  	_ =	shalt  }
0x87: {  	_ =	shalt  }
.Lfunc_end0:
.L_simem_size_0:
called_computation_lowered:
.L_overlay_start_0:
0x88: {  	s2 =	sld [smem:$0x3FD9]  }
0x89: {  	s3 =	sld [smem:$0x3FFE];
	_ =	sdelay $0x1  }
0x8a: {  	s1 =	srdreg.scid  }
0x8b: {  	s0 =	sand.u32 $0x1, s1  }
0x8c: {  	s16 =	sshll.u32 s0, $0xA;
	s2 =	sadd.s32 s3, s2  }
0x8d: {  	s2 =	sadd.s32 s2, s16  }
0x8e: {  	[smem:$0x3FB4] =	sst s2  }
0x8f: {  	_ = 	snop  }
0x90: {  	(tm) =	ssettm $0x1  }
0x91: {  	s17 =	sld [smem:$0x3FFB];
	_ =	sdelay $0x3  }
0x92: {  	_ =	strace s17  }
0x93: {  	s2 =	sld [smem:$0x3FFC];
	_ =	sdelay $0x3  }
0x94: {  	_ =	strace s2  }
0x95: {  	s2 =	sld [smem:$0x3FFD];
	_ =	sdelay $0x3  }
0x96: {  	_ =	strace s2  }
0x97: {  	_ =	strace $0x8FFFFFFF  }
0x98: {  	s18 =	sld [smem:$0x3FDB];
	_ =	sdelay $0x1  }
0x99: {  	s19 =	simm.s32 $_scs_section_size  }
0x9a: {  	s4 =	simm.s32 $_size__tile_overlayer_lowered;
	s5 =	simm.s32 $_tile_overlayer_lowered  }
0x9b: {  	s22 =	simm.s32 $0x1BFF;
	s21 =	sshll.u32 s5, $0x1;
	s2 =	sadd.s32 s19, s18  }
0x9c: {  	s6 =	simm.s32 $0x0;
	s20 =	sshll.u32 s4, $0x1;
	s4 =	sadd.s32 s21, s2  }
0x9d: {  	[timem:s6], [sflag:s22] =	dma.local [hbm:s4], s20  }
0x9e: {  	_ =	swait.ge [sflag:s22], s20  }
0x9f: {  	s3 =	ssub.s32 $0x0, s20;
	[sflag:s22] =	ssyncset.done $0x0  }
0xa0: {  	[sflag:s22] =	ssyncadd.s32 s3;
	_ =	sdelay $0x1  }
0xa1: {  	s23 =	simm.s32 $0x1B8B  }
0xa2: {  	_ =	swait.ge [sflag:s23], $0x1  }
0xa3: {  	[sflag:s23] =	ssyncset.done $0x0  }
0xa4: {  	s25 =	simm.s32 $0x1B8E;
	s24 =	sld [smem:$0x3FFE];
	[sflag:s23] =	ssyncadd.s32 $0xFFFFFFFF  }
0xa5: {  	s26 =	simm.s32 $execute0_lowered;
	[smem:$0x3FD2] =	sst s25  }
0xa6: {  	s4 =	sshll.u32 s26, $0x1;
	_ =	strace $0x80000046;
	[dreg:$0x1] =	wrdreg $0xFFFFFFFF  }
0xa7: {  	s28 =	simm.s32 $_size_execute0_lowered;
	s2 =	sadd.s32 s2, s4;
	[dreg:$0x0] =	wrdreg $0x0  }
0xa8: {  	s4 =	sshll.u32 s28, $0x1;
	[dreg:$0x2] =	wrdreg s2  }
0xa9: {  	[dreg:$0x3] =	wrdreg s4  }
0xaa: {  	[dreg:$0x4] =	wrdreg $0xC0  }
0xab: {  	_ =	task [dreg:s6], $0x5FFFF  }
0xac: {  	[dreg:$0x1] =	wrdreg $0xFFFFFFFF  }
0xad: {  	[dreg:$0x0] =	wrdreg $0x60  }
0xae: {  	[dreg:$0x2] =	wrdreg s24  }
0xaf: {  	[dreg:$0x3] =	wrdreg $0x30800  }
0xb0: {  	[dreg:$0x4] =	wrdreg $0x9  }
0xb1: {  	_ =	task.clear_ibuf [dreg:s6], $0x5FFFF;
	_ =	strace $0x90000046  }
0xb2: {  	s29 =	simm.s32 $0x9;
	_ =	strace $0x80000048  }
0xb3: {  	_ =	swait.ge [sflag:s29], $0x1  }
0xb4: {  	[sflag:s29] =	ssyncadd.s32 $0xFFFFFFFF  }
0xb5: {  	_ =	strace $0x90000048  }
0xb6: {  	_ =	sfence  }
0xb7: {  	s30 =	sld [smem:$0x0];
	_ =	sdelay $0x2  }
0xb8: {  	s31 =	sshll.u32 s1, $0xD;
	s1 =	sshrl.u32 s1, $0x2  }
0xb9: {  	s3 =	sand.u32 $0x4000, s31;
	s1 =	sadd.s32 s1, s30  }
0xba: {  	s0 =	sor.u32 s3, s0;
	s1 =	sshll.u32 s1, $0x11  }
0xbb: {  	s0 =	sor.u32 s1, s0  }
0xbc: {  	s0 =	sadd.s32 $0x8F2B, s0  }
0xbd: {  	[sflag:s0] =	ssyncadd.remote.s32 $0x1  }
0xbe: {  	_ =	sfence.sel $0xFFFF  }
0xbf: {  	[dreg:$0x0] =	wrdreg $0xFFFFFFFF;
	(pc) =	sbr.abs _section_cstart, $3  }
0xc0: {  	[dreg:$0x1] =	wrdreg $0xFFFFFFFF  }
0xc1: {  	_ =	task.clear_ibuf [dreg:s6], $0x2FFFF;
	_ =	strace $0x9FFFFFFF  }
0xc2: {  	(tm) =	ssettm $0x7FFFFFFF  }
0xc3: {  	_ =	shalt  }
tec
execute0_lowered:
.L_overlay_start_1:
0x0: {  	(tag) =	ssettag $0x1  }
0x1: {  	s0 =	srdreg.scid;
	s6 =	rddreg [dreg:$0x0]  }
0x2: {  	s2 =	rddreg [dreg:$0x1];
	s3 =	simm.s32 $0x0;
	s12 =	simm.s32 $0x2880  }
0x3: {  	s13 =	simm.s32 $0x80;
	s4 =	sand.u32 $0x1, s0;
	s0 =	stileid.u32  }
0x4: {  	s14 =	simm.s32 $0x2800;
	s15 =	simm.s32 $0x0;
	s7 =	smul.u32 $0x2780, s0  }
0x5: {  	[smem:$0x7FF] =	sst s3;
	s1 =	sshll.u32 s4, $0x4;
	s8 =	smul.u32 $0x27800, s4  }
0x6: {  	s29 =	ssub.s32 $0x2, s4;
	s4 =	sadd.s32 $0xF200, s6;
	s1 =	sor.u32 s0, s1  }
0x7: {  	s31 =	sshll.u32 s0, $0x6;
	s11 =	sshrl.u32 s29, $0x1;
	s5 =	smul.u32 $0x500, s1  }
0x8: {  	s1 =	rddreg [dreg:$0x2];
	_ =	strace $0x80000047;
	s28 =	sadd.s32 s7, s8  }
0x9: {  	s8 =	ssub.s32 s29, s11;
	s30 =	sadd.s32 s7, s2;
	s10 =	sshrl.u32 s28, $0x3  }
0xa: {  	s8 =	smax.u32 s8, $0x1;
	s11 =	sshrl.u32 s30, $0x3;
	s9 =	sadd.s32 s5, s6  }
0xb: {  	s5 =	sadd.s32 $0xF800, s6;
	s10 =	sadd.s32 s10, s6;
	s6 =	sadd.s32 $0x5200, s9  }
0xc: {  	s7 =	sadd.s32 $0xFA00, s10;
	s9 =	simm.s32 $0x1;
	s10 =	sor.u32 $0x1C01, s31  }
.LBB2_1:
0xd: {  	[tilespmem:s3], [sflag:$0x1] =	stream.linear.gather [hbm4b:s6+s3], $0x2800, $0x38;
	[tilespmem:$0x5800] =	vst v63  }
0xe: {  	_ =	swait.ge [sflag:s9], $0x2800  }
0xf: {  	[sflag:s9] =	ssyncset.done $0x0  }
0x10: {  	[sflag:s9] =	ssyncadd.s32 $0xFFFFD800  }
0x11: {  	[spmem:s11], [sflag:s10] =	dma.local [hbm:s4], $0x4F0  }
0x12: {  	_ =	swait.ge [sflag:s9], $0x4F0  }
0x13: {  	[sflag:s9] =	ssyncset.done $0x0  }
0x14: {  	[sflag:s9] =	ssyncadd.s32 $0xFFFFFB10  }
0x15: {  	[tilespmem:s12], [sflag:$0x1] =	stream.linear.gather [hbm4b:s5+s3], $0x800, $0x38;
	[tilespmem:$0x5800] =	vst v63  }
0x16: {  	_ =	swait.ge [sflag:s9], $0x800  }
0x17: {  	[sflag:s9] =	ssyncset.done $0x0  }
0x18: {  	[sflag:s9] =	ssyncadd.s32 $0xFFFFF800  }
0x19: {  	s16 =	simm.s32 $0x0;
	[bflag:$0x0] =	sbarrier.arrive $0xFFFF  }
0x1a: {  	v0 =	vld [tilespmem:s16+$0x0];
	_ =	sdelay $0x4  }
0x1b: {  	v0 =	vshrl.u32 v0, $0x10  }
0x1c: {  	[tilespmem:$0x2800] =	vst v0  }
0x1d: {  	v0 =	vld [tilespmem:s16+$0x10];
	_ =	sdelay $0x4  }
0x1e: {  	v0 =	vshrl.u32 v0, $0x10  }
0x1f: {  	[tilespmem:$0x2810] =	vst v0  }
0x20: {  	v0 =	vld [tilespmem:s16+$0x20];
	_ =	sdelay $0x4  }
0x21: {  	v0 =	vshrl.u32 v0, $0x10  }
0x22: {  	[tilespmem:$0x2820] =	vst v0  }
0x23: {  	v0 =	vld [tilespmem:s16+$0x30];
	_ =	sdelay $0x4  }
0x24: {  	v0 =	vshrl.u32 v0, $0x10  }
0x25: {  	[tilespmem:$0x2830] =	vst v0  }
0x26: {  	v0 =	vld [tilespmem:s16+$0x40];
	_ =	sdelay $0x4  }
0x27: {  	v0 =	vshrl.u32 v0, $0x10  }
0x28: {  	[tilespmem:$0x2840] =	vst v0  }
0x29: {  	v0 =	vld [tilespmem:s16+$0x50];
	_ =	sdelay $0x4  }
0x2a: {  	v0 =	vshrl.u32 v0, $0x10  }
0x2b: {  	[tilespmem:$0x2850] =	vst v0  }
0x2c: {  	v0 =	vld [tilespmem:s16+$0x60];
	_ =	sdelay $0x4  }
0x2d: {  	v0 =	vshrl.u32 v0, $0x10  }
0x2e: {  	[tilespmem:$0x2860] =	vst v0  }
0x2f: {  	v0 =	vld [tilespmem:s16+$0x70];
	_ =	sdelay $0x4  }
0x30: {  	v0 =	vshrl.u32 v0, $0x10  }
0x31: {  	[tilespmem:$0x2870] =	vst v0  }
0x32: {  	[spmem:s2] =	stream.indirect.scatter.add.f32 [tilespmem:s12], [sflag:$0x1], $0x10, s14, s13, $0xb8;
	[tilespmem:$0x5800] =	vst v63  }
0x33: {  	_ =	swait.ge [sflag:s9], $0x800  }
0x34: {  	s19 =	simm.s32 $0x400;
	s16 =	simm.s32 $0x200;
	[sflag:s9] =	ssyncset.done $0x0  }
.LBB2_2:
0x35: {  	s18 =	sshra.s32 s16, $0x2  }
0x36: {  	[sflag:s9] =	ssyncadd.s32 $0xFFFFF800;
	s16 =	smov.u32 s19;
	s17 =	sadd.s32 $0x200, s19  }
0x37: {  	p0 =	sne.s32 s19, $0x9E00;
	v0 =	vld [tilespmem:s18+$0x0];
	_ =	sdelay $0x4  }
0x38: {  	v0 =	vshrl.u32 v0, $0x10  }
0x39: {  	[tilespmem:$0x2800] =	vst v0  }
0x3a: {  	v0 =	vld [tilespmem:s18+$0x10];
	_ =	sdelay $0x4  }
0x3b: {  	v0 =	vshrl.u32 v0, $0x10  }
0x3c: {  	[tilespmem:$0x2810] =	vst v0  }
0x3d: {  	v0 =	vld [tilespmem:s18+$0x20];
	_ =	sdelay $0x4  }
0x3e: {  	v0 =	vshrl.u32 v0, $0x10  }
0x3f: {  	[tilespmem:$0x2820] =	vst v0  }
0x40: {  	v0 =	vld [tilespmem:s18+$0x30];
	_ =	sdelay $0x4  }
0x41: {  	v0 =	vshrl.u32 v0, $0x10  }
0x42: {  	[tilespmem:$0x2830] =	vst v0  }
0x43: {  	v0 =	vld [tilespmem:s18+$0x40];
	_ =	sdelay $0x4  }
0x44: {  	v0 =	vshrl.u32 v0, $0x10  }
0x45: {  	[tilespmem:$0x2840] =	vst v0  }
0x46: {  	v0 =	vld [tilespmem:s18+$0x50];
	_ =	sdelay $0x4  }
0x47: {  	v0 =	vshrl.u32 v0, $0x10  }
0x48: {  	[tilespmem:$0x2850] =	vst v0  }
0x49: {  	v0 =	vld [tilespmem:s18+$0x60];
	_ =	sdelay $0x4  }
0x4a: {  	v0 =	vshrl.u32 v0, $0x10  }
0x4b: {  	[tilespmem:$0x2860] =	vst v0  }
0x4c: {  	v0 =	vld [tilespmem:s18+$0x70];
	_ =	sdelay $0x4  }
.Ltmp0:
0x4d: {  	v0 =	vshrl.u32 v0, $0x10;
	(pc) =	sbr.rel @p0 .LBB2_2-.Ltmp0, $4  }
0x4e: {  	[tilespmem:$0x2870] =	vst v0  }
0x4f: {  	[spmem:s2] =	stream.indirect.scatter.add.f32 [tilespmem:s12], [sflag:$0x1], $0x10, s14, s13, $0xb8;
	[tilespmem:$0x5800] =	vst v63  }
0x50: {  	_ =	swait.ge [sflag:s9], $0x800  }
0x51: {  	s19 =	smov.u32 s17;
	[sflag:s9] =	ssyncset.done $0x0  }
0x52: {  	s16 =	sshra.s32 s16, $0x2;
	[sflag:s9] =	ssyncadd.s32 $0xFFFFF800  }
0x53: {  	v0 =	vld [tilespmem:s16+$0x0];
	_ =	sdelay $0x4  }
0x54: {  	v0 =	vshrl.u32 v0, $0x10  }
0x55: {  	[tilespmem:$0x2800] =	vst v0  }
0x56: {  	v0 =	vld [tilespmem:s16+$0x10];
	_ =	sdelay $0x4  }
0x57: {  	v0 =	vshrl.u32 v0, $0x10  }
0x58: {  	[tilespmem:$0x2810] =	vst v0  }
0x59: {  	v0 =	vld [tilespmem:s16+$0x20];
	_ =	sdelay $0x4  }
0x5a: {  	v0 =	vshrl.u32 v0, $0x10  }
0x5b: {  	[tilespmem:$0x2820] =	vst v0  }
0x5c: {  	v0 =	vld [tilespmem:s16+$0x30];
	_ =	sdelay $0x4  }
0x5d: {  	v0 =	vshrl.u32 v0, $0x10  }
0x5e: {  	[tilespmem:$0x2830] =	vst v0  }
0x5f: {  	v0 =	vld [tilespmem:s16+$0x40];
	_ =	sdelay $0x4  }
0x60: {  	v0 =	vshrl.u32 v0, $0x10  }
0x61: {  	[tilespmem:$0x2840] =	vst v0  }
0x62: {  	v0 =	vld [tilespmem:s16+$0x50];
	_ =	sdelay $0x4  }
0x63: {  	v0 =	vshrl.u32 v0, $0x10  }
0x64: {  	[tilespmem:$0x2850] =	vst v0  }
0x65: {  	v0 =	vld [tilespmem:s16+$0x60];
	_ =	sdelay $0x4  }
0x66: {  	v0 =	vshrl.u32 v0, $0x10  }
0x67: {  	[tilespmem:$0x2860] =	vst v0  }
0x68: {  	v0 =	vld [tilespmem:s16+$0x70];
	_ =	sdelay $0x4  }
0x69: {  	v0 =	vshrl.u32 v0, $0x10  }
0x6a: {  	[tilespmem:$0x2870] =	vst v0  }
0x6b: {  	[spmem:s2] =	stream.indirect.scatter.add.f32 [tilespmem:s12], [sflag:$0x1], $0x10, s14, s13, $0xb8;
	[tilespmem:$0x5800] =	vst v63  }
0x6c: {  	_ =	swait.ge [sflag:s9], $0x800  }
0x6d: {  	s15 =	sadd.s32 $0x1, s15;
	[sflag:s9] =	ssyncset.done $0x0  }
0x6e: {  	p0 =	sne.s32 s15, s8;
	[sflag:s9] =	ssyncadd.s32 $0xFFFFF800  }
.Ltmp1:
0x6f: {  	[bflag:$0x0] =	sbarrier.arrive $0xFFFF;
	(pc) =	sbr.rel @p0 .LBB2_1-.Ltmp1, $4  }
0x70: {  	[hbm:s7], [sflag:s10] =	dma.local [spmem:s11], $0x4F0  }
0x71: {  	_ =	swait.ge [sflag:s9], $0x4F0  }
0x72: {  	[sflag:s9] =	ssyncset.done $0x0  }
0x73: {  	[sflag:s9] =	ssyncadd.s32 $0xFFFFFB10  }
0x74: {  	_ =	sfence.sel $0x180000  }
0x75: {  	[bflag:$0x0] =	sbarrier.arrive $0xFFFF  }
0x76: {  	p0 =	sne.s32 s0, $0x0;
	_ =	strace $0x90000047  }
0x77: {  	s0 =	sadd.s32 @!p0 $0x100000, s1;
	[bflag:$0x2] =	sbarrier.arrive $0xFFFF  }
0x78: {  	[sflag:s0] =	ssyncadd.tile.s32 @!p0 $0x1;
	_ =	shalt  }
.Lfunc_end2:
_tile_overlayer_lowered:
.L_overlay_start_2:
0x79: {  	(tag) =	ssettag $0x2  }
0x7a: {  	s0 =	rddreg [dreg:$0x0];
	s2 =	stileid.u32  }
0x7b: {  	s1 =	rddreg [dreg:$0x1];
	p0 =	sne.s32 s2, $0x0  }
0x7c: {  	s3 =	rddreg [dreg:$0x2];
	[bflag:$0x3] =	sbarrier.arrive $0xFFFF;
	s2 =	simm.s32 @!p0 $0x1C01  }
0x7d: {  	[timem:s3], [sflag:s2] =	dma.local @!p0 [hbm:s0], s1  }
0x7e: {  	s0 =	simm.s32 @!p0 $0x1  }
0x7f: {  	_ =	swait.ge @!p0 [sflag:s0], s1  }
0x80: {  	s1 =	ssub.s32 @!p0 $0x0, s1;
	[sflag:s0] =	ssyncset.done @!p0 $0x0  }
0x81: {  	[sflag:s0] =	ssyncadd.s32 @!p0 s1  }
0x82: {  	[bflag:$0x3] =	sbarrier.arrive $0xFFFF  }
0x83: {  	_ =	shalt  }

// kernel: kernel.21.cloned.1.call-start
scs
__scs_entry_jumppad:
0x0: {  	(pc) =	sbr.rel $0x88, $3  }
0x1: {  	(tag) =	ssettag $0x0;
	lr =	simm.s32 $0x1  }
0x2: {  	[smem:$0x3F8D] =	sst lr;
	_ =	strace $0xD0000000  }
0x3: {  	_ = 	snop  }
0x4: {  	_ = 	snop  }
0x5: {  	_ = 	snop  }
0x6: {  	_ = 	snop  }
0x7: {  	_ = 	snop  }
__scs_overlays_trampoline_lowered:
0x8: {  	[smem:$0x3F9C] =	sst s0  }
0x9: {  	[smem:$0x3F9D] =	sst s1  }
0xa: {  	[smem:$0x3F9E] =	sst s2  }
0xb: {  	[smem:$0x3F9F] =	sst s3  }
0xc: {  	[smem:$0x3FA0] =	sst s4  }
0xd: {  	[smem:$0x3FA1] =	sst s5  }
0xe: {  	[smem:$0x3FA2] =	sst s6  }
0xf: {  	[smem:$0x3FA3] =	sst s7  }
0x10: {  	[smem:$0x3FA4] =	sst s8  }
0x11: {  	[smem:$0x3FA5] =	sst s9;
	s0 =	simm.s32 @!p0 $0x0  }
0x12: {  	s1 =	sld [smem:$0x3F8B];
	s0 =	simm.s32 @p0 $0x1  }
0x13: {  	[smem:$0x3FA6] =	sst s0;
	s0 =	simm.s32 @!p1 $0x0  }
0x14: {  	s2 =	sld [smem:$0x3F8A];
	s0 =	simm.s32 @p1 $0x1  }
0x15: {  	[smem:$0x3FA7] =	sst s0;
	s0 =	simm.s32 @!p2 $0x0  }
0x16: {  	s3 =	sld [smem:$0x3FDB];
	s0 =	simm.s32 @p2 $0x1  }
0x17: {  	s4 =	simm.s32 $0x1BF5;
	[smem:$0x3FA9] =	sst s0  }
0x18: {  	s0 =	sld [smem:$0x3F8C];
	_ =	swait.ge [sflag:s4], $0x0  }
0x19: {  	s7 =	sld [smem:$0x3F8D]  }
0x1a: {  	s8 =	sadd.s32 $0xFFFFE003, lr  }
0x1b: {  	s9 =	sadd.s32 $0xFFFFFEF7, lr;
	s5 =	simm.s32 $0xFFFFFFFF;
	p2 =	slt.u32 s8, $0xFFFFF086  }
0x1c: {  	p1 =	slt.u32 s9, $0xF7A;
	s5 =	simm.s32 @!p2 $0x0  }
0x1d: {  	s5 =	simm.s32 @p1 $0x1;
	p0 =	seq.s32 s7, s2  }
0x1e: {  	s7 =	smul.u32 @!p0 $0xF7A, s2;
	p2 =	seq.s32 @!p0 s5, $0x0  }
0x1f: {  	s9 =	smul.u32 $0xF7A, s1;
	s8 =	simm.s32 @!p0 $0x1BF5;
	p2 =	por !p2, p0  }
0x20: {  	[sflag:s8] =	ssyncset.s32 @!p0 $0xFFFFF086;
	s6 =	sadd.s32 @!p0 s3, s7;
	s7 =	simm.s32 @!p0 $0x108  }
0x21: {  	s3 =	sadd.s32 s3, s9;
	s6 =	sadd.s32 @!p0 $0x88, s6;
	s7 =	simm.s32 @p2 $0x1082  }
0x22: {  	[simem:s7], [sflag:s8] =	dma.local @!p0 [hbm:s6], $0xF7A  }
0x23: {  	s9 =	sor.u32 $0xD0000000, s2;
	s6 =	simm.s32 $0x108;
	_ =	swait.ge @!p0 [sflag:s8], $0x0  }
0x24: {  	s3 =	sadd.s32 $0x88, s3;
	s6 =	simm.s32 @!p1 $0x1082;
	[sflag:s4] =	ssyncset.s32 $0xFFFFF086  }
0x25: {  	[simem:s6], [sflag:s4] =	dma.local [hbm:s3], $0xF7A  }
0x26: {  	[smem:$0x3F8D] =	sst s1;
	(tag) =	ssettag s2;
	_ =	strace s9  }
0x27: {  	s1 =	sld [smem:$0x3F9D]  }
0x28: {  	s2 =	sld [smem:$0x3F9E]  }
0x29: {  	s4 =	sld [smem:$0x3FA0]  }
0x2a: {  	p0 =	seq.s32 s5, $0x0;
	s5 =	sld [smem:$0x3FA1]  }
0x2b: {  	s6 =	sld [smem:$0x3FA2]  }
0x2c: {  	s7 =	sld [smem:$0x3FA3]  }
0x2d: {  	s3 =	simm.s32 $0x108;
	s8 =	sld [smem:$0x3FA4]  }
0x2e: {  	s3 =	simm.s32 @!p0 $0x1082;
	s9 =	sld [smem:$0x3FA5]  }
0x2f: {  	lr =	sadd.s32 s0, s3;
	s0 =	sld [smem:$0x3F9C]  }
0x30: {  	s3 =	sld [smem:$0x3F9F]  }
0x31: {  	[smem:$0x3FA8] =	sst s10  }
0x32: {  	s10 =	sld [smem:$0x3FA6];
	_ =	sdelay $0x3  }
0x33: {  	p0 =	seq.s32 s10, $0x1;
	s10 =	sld [smem:$0x3FA8];
	_ =	sdelay $0x3  }
0x34: {  	[smem:$0x3FA8] =	sst s10  }
0x35: {  	s10 =	sld [smem:$0x3FA7];
	_ =	sdelay $0x3  }
0x36: {  	p1 =	seq.s32 s10, $0x1;
	s10 =	sld [smem:$0x3FA8];
	_ =	sdelay $0x3  }
0x37: {  	[smem:$0x3FA8] =	sst s10  }
0x38: {  	s10 =	sld [smem:$0x3FA9]  }
0x39: {  	_ = 	snop;
	(pc) =	sbr.ind lr, $3  }
0x3a: {  	_ = 	snop  }
0x3b: {  	_ = 	snop  }
0x3c: {  	p2 =	seq.s32 s10, $0x1;
	s10 =	sld [smem:$0x3FA8]  }
0x3d: {  	_ =	shalt  }
0x3e: {  	_ =	shalt  }
0x3f: {  	_ =	shalt  }
0x40: {  	_ =	shalt  }
0x41: {  	_ =	shalt  }
0x42: {  	_ =	shalt  }
0x43: {  	_ =	shalt  }
0x44: {  	_ =	shalt  }
0x45: {  	_ =	shalt  }
0x46: {  	_ =	shalt  }
0x47: {  	_ =	shalt  }
0x48: {  	_ =	shalt  }
0x49: {  	_ =	shalt  }
0x4a: {  	_ =	shalt  }
0x4b: {  	_ =	shalt  }
0x4c: {  	_ =	shalt  }
0x4d: {  	_ =	shalt  }
0x4e: {  	_ =	shalt  }
0x4f: {  	_ =	shalt  }
0x50: {  	_ =	shalt  }
0x51: {  	_ =	shalt  }
0x52: {  	_ =	shalt  }
0x53: {  	_ =	shalt  }
0x54: {  	_ =	shalt  }
0x55: {  	_ =	shalt  }
0x56: {  	_ =	shalt  }
0x57: {  	_ =	shalt  }
0x58: {  	_ =	shalt  }
0x59: {  	_ =	shalt  }
0x5a: {  	_ =	shalt  }
0x5b: {  	_ =	shalt  }
0x5c: {  	_ =	shalt  }
0x5d: {  	_ =	shalt  }
0x5e: {  	_ =	shalt  }
0x5f: {  	_ =	shalt  }
0x60: {  	_ =	shalt  }
0x61: {  	_ =	shalt  }
0x62: {  	_ =	shalt  }
0x63: {  	_ =	shalt  }
0x64: {  	_ =	shalt  }
0x65: {  	_ =	shalt  }
0x66: {  	_ =	shalt  }
0x67: {  	_ =	shalt  }
0x68: {  	_ =	shalt  }
0x69: {  	_ =	shalt  }
0x6a: {  	_ =	shalt  }
0x6b: {  	_ =	shalt  }
0x6c: {  	_ =	shalt  }
0x6d: {  	_ =	shalt  }
0x6e: {  	_ =	shalt  }
0x6f: {  	_ =	shalt  }
0x70: {  	_ =	shalt  }
0x71: {  	_ =	shalt  }
0x72: {  	_ =	shalt  }
0x73: {  	_ =	shalt  }
0x74: {  	_ =	shalt  }
0x75: {  	_ =	shalt  }
0x76: {  	_ =	shalt  }
0x77: {  	_ =	shalt  }
0x78: {  	_ =	shalt  }
0x79: {  	_ =	shalt  }
0x7a: {  	_ =	shalt  }
0x7b: {  	_ =	shalt  }
0x7c: {  	_ =	shalt  }
0x7d: {  	_ =	shalt  }
0x7e: {  	_ =	shalt  }
0x7f: {  	_ =	shalt  }
0x80: {  	_ =	shalt  }
0x81: {  	_ =	shalt  }
0x82: {  	_ =	shalt  }
0x83: {  	_ =	shalt  }
0x84: {  	_ =	shalt  }
0x85: {  	_ =	shalt  }
0x86: {  	_ =	shalt  }
0x87: {  	_ =	shalt  }
.Lfunc_end0:
.L_simem_size_0:
called_computation.1_lowered:
.L_overlay_start_0:
0x88: {  	s2 =	sld [smem:$0x3FD9]  }
0x89: {  	s3 =	sld [smem:$0x3FFE];
	_ =	sdelay $0x1  }
0x8a: {  	s1 =	srdreg.scid  }
0x8b: {  	s0 =	sand.u32 $0x1, s1  }
0x8c: {  	s17 =	sshll.u32 s0, $0xA;
	s2 =	sadd.s32 s3, s2  }
0x8d: {  	s2 =	sadd.s32 s2, s17  }
0x8e: {  	[smem:$0x3FB4] =	sst s2  }
0x8f: {  	_ = 	snop  }
0x90: {  	(tm) =	ssettm $0x1  }
0x91: {  	s18 =	sld [smem:$0x3FFB];
	_ =	sdelay $0x3  }
0x92: {  	_ =	strace s18  }
0x93: {  	s2 =	sld [smem:$0x3FFC];
	_ =	sdelay $0x3  }
0x94: {  	_ =	strace s2  }
0x95: {  	s2 =	sld [smem:$0x3FFD];
	_ =	sdelay $0x3  }
0x96: {  	_ =	strace s2  }
0x97: {  	_ =	strace $0x8FFFFFFF  }
0x98: {  	s19 =	sld [smem:$0x3FDB];
	_ =	sdelay $0x1  }
0x99: {  	s20 =	simm.s32 $_scs_section_size  }
0x9a: {  	s4 =	simm.s32 $_size__tile_overlayer_lowered;
	s5 =	simm.s32 $_tile_overlayer_lowered  }
0x9b: {  	s6 =	simm.s32 $0x1BFF;
	s21 =	sshll.u32 s5, $0x1;
	s3 =	sadd.s32 s20, s19  }
0x9c: {  	s22 =	simm.s32 $0x0;
	s4 =	sshll.u32 s4, $0x1;
	s5 =	sadd.s32 s21, s3  }
0x9d: {  	[timem:s22], [sflag:s6] =	dma.local [hbm:s5], s4  }
0x9e: {  	_ =	swait.ge [sflag:s6], s4  }
0x9f: {  	s4 =	ssub.s32 $0x0, s4;
	[sflag:s6] =	ssyncset.done $0x0  }
0xa0: {  	[sflag:s6] =	ssyncadd.s32 s4;
	_ =	sdelay $0x1  }
0xa1: {  	s23 =	simm.s32 $0x1B8B  }
0xa2: {  	_ =	swait.ge [sflag:s23], $0x1  }
0xa3: {  	[sflag:s23] =	ssyncset.done $0x0  }
0xa4: {  	[sflag:s23] =	ssyncadd.s32 $0xFFFFFFFF  }
0xa5: {  	s4 =	sld [smem:$0x0]  }
0xa6: {  	s5 =	sand.u32 $0xFFFFFFFE, s1  }
0xa7: {  	p0 =	sne.s32 s1, s5  }
0xa8: {  	s5 =	sshll.u32 @p0 s5, $0xE  }
0xa9: {  	s5 =	sadd.s32 @p0 $0x11B8D, s5;
	s6 =	sshll.u32 @p0 s4, $0x11  }
0xaa: {  	s5 =	sor.u32 @p0 s6, s5  }
0xab: {  	[sflag:s5] =	ssyncadd.remote.s32 @p0 $0x1;
	_ =	sdelay $0x1  }
0xac: {  	s5 =	simm.s32 @p0 $0x1B8D  }
0xad: {  	_ =	swait.eq @p0 [sflag:s5], $0x1  }
0xae: {  	[sflag:s5] =	ssyncadd.s32 @p0 $0xFFFFFFFF  }
0xaf: {  	s6 =	sshll.u32 @!p0 s1, $0xE  }
0xb0: {  	s6 =	sor.u32 @!p0 $0x4000, s6;
	s5 =	simm.s32 @!p0 $0x1B8D  }
0xb1: {  	s4 =	sshll.u32 @!p0 s4, $0x11;
	s6 =	sadd.s32 @!p0 $0x11B8D, s6;
	_ =	swait.eq @!p0 [sflag:s5], $0x1  }
0xb2: {  	s4 =	sor.u32 @!p0 s4, s6;
	[sflag:s5] =	ssyncadd.s32 @!p0 $0xFFFFFFFF  }
0xb3: {  	s25 =	simm.s32 $0x1B8E;
	s24 =	sld [smem:$0x3FFE];
	[sflag:s4] =	ssyncadd.remote.s32 @!p0 $0x1  }
0xb4: {  	s26 =	simm.s32 $execute0_lowered;
	[smem:$0x3FD2] =	sst s25  }
0xb5: {  	s5 =	sshll.u32 s26, $0x1;
	_ =	strace $0x80000049;
	[dreg:$0x1] =	wrdreg $0xFFFFFFFF  }
0xb6: {  	s28 =	simm.s32 $_size_execute0_lowered;
	s3 =	sadd.s32 s3, s5;
	[dreg:$0x0] =	wrdreg $0x0  }
0xb7: {  	s5 =	sshll.u32 s28, $0x1;
	[dreg:$0x2] =	wrdreg s3  }
0xb8: {  	[dreg:$0x3] =	wrdreg s5  }
0xb9: {  	[dreg:$0x4] =	wrdreg $0xC0  }
0xba: {  	_ =	task [dreg:s22], $0x5FFFF  }
0xbb: {  	[dreg:$0x1] =	wrdreg $0xFFFFFFFF  }
0xbc: {  	[dreg:$0x0] =	wrdreg $0x60  }
0xbd: {  	[dreg:$0x2] =	wrdreg s24  }
0xbe: {  	[dreg:$0x3] =	wrdreg $0xAA000  }
0xbf: {  	[dreg:$0x4] =	wrdreg $0xA  }
0xc0: {  	_ =	task.clear_ibuf [dreg:s22], $0x5FFFF;
	_ =	strace $0x90000049  }
0xc1: {  	s29 =	simm.s32 $0xA;
	_ =	strace $0x8000004B  }
0xc2: {  	_ =	swait.ge [sflag:s29], $0x1  }
0xc3: {  	[sflag:s29] =	ssyncadd.s32 $0xFFFFFFFF  }
0xc4: {  	_ =	strace $0x9000004B  }
0xc5: {  	_ =	sfence  }
0xc6: {  	s30 =	sld [smem:$0x0];
	_ =	sdelay $0x2  }
0xc7: {  	s31 =	sshll.u32 s1, $0xD;
	s1 =	sshrl.u32 s1, $0x2  }
0xc8: {  	s4 =	sand.u32 $0x4000, s31;
	s1 =	sadd.s32 s1, s30  }
0xc9: {  	s0 =	sor.u32 s4, s0;
	s1 =	sshll.u32 s1, $0x11  }
0xca: {  	s0 =	sor.u32 s1, s0  }
0xcb: {  	s0 =	sadd.s32 $0x8F2B, s0  }
0xcc: {  	[sflag:s0] =	ssyncadd.remote.s32 $0x1  }
0xcd: {  	_ =	sfence.sel $0xFFFF  }
0xce: {  	[dreg:$0x0] =	wrdreg $0xFFFFFFFF;
	(pc) =	sbr.abs _section_cstart, $3  }
0xcf: {  	[dreg:$0x1] =	wrdreg $0xFFFFFFFF  }
0xd0: {  	_ =	task.clear_ibuf [dreg:s22], $0x2FFFF;
	_ =	strace $0x9FFFFFFF  }
0xd1: {  	(tm) =	ssettm $0x7FFFFFFF  }
tec
execute0_lowered:
.L_overlay_start_1:
0x0: {  	(tag) =	ssettag $0x1  }
0x1: {  	s6 =	rddreg [dreg:$0x0]  }
0x2: {  	s0 =	srdreg.scid;
	s2 =	rddreg [dreg:$0x1]  }
0x3: {  	s3 =	simm.s32 $0x0;
	s13 =	simm.s32 $0x3;
	s14 =	simm.s32 $0x2A00  }
0x4: {  	s15 =	simm.s32 $0x80;
	s16 =	simm.s32 $0x2800;
	s17 =	simm.s32 $0x2880  }
0x5: {  	s18 =	simm.s32 $0x6A00;
	s19 =	simm.s32 $0x1;
	s20 =	simm.s32 $0x2900  }
0x6: {  	s21 =	simm.s32 $0x2;
	s22 =	simm.s32 $0x2980;
	s5 =	sand.u32 $0x1, s0  }
0x7: {  	s24 =	simm.s32 $0x0;
	s0 =	stileid.u32;
	s8 =	smul.u32 $0x13C000, s5  }
0x8: {  	[smem:$0x7FF] =	sst s3;
	s4 =	sadd.s32 $0x19800, s6;
	s9 =	smul.u32 $0x13C00, s0  }
0x9: {  	s1 =	sshll.u32 s5, $0x4;
	s10 =	smul.u32 $0x4F000, s0;
	s29 =	ssub.s32 $0x2, s5  }
0xa: {  	s23 =	sshll.u32 s0, $0x6;
	s1 =	sor.u32 s0, s1;
	s31 =	sshrl.u32 s29, $0x1  }
0xb: {  	s23 =	sor.u32 $0x1C03, s23;
	s7 =	smul.u32 $0x500, s1;
	s1 =	rddreg [dreg:$0x2]  }
0xc: {  	_ =	strace $0x8000004A;
	s8 =	sadd.s32 s9, s8;
	s30 =	sshrl.u32 s10, $0x2  }
0xd: {  	s12 =	ssub.s32 s29, s31;
	s8 =	sshrl.u32 s8, $0x3;
	s5 =	sadd.s32 s30, s2  }
0xe: {  	s12 =	smax.u32 s12, $0x1;
	s7 =	sadd.s32 s7, s6;
	s11 =	sadd.s32 s8, s6  }
0xf: {  	s8 =	sadd.s32 $0x8000, s5;
	s9 =	sadd.s32 $0xC000, s5;
	s10 =	sadd.s32 $0x10000, s5  }
0x10: {  	v0 =	vimm.f32 $0.0e+00;
	s6 =	sadd.s32 $0x5200, s7;
	s7 =	sadd.s32 $0x4000, s5;
	s11 =	sadd.s32 $0x40A00, s11  }
.LBB2_1:
0x11: {  	[tilespmem:s3], [sflag:$0x3] =	stream.linear.gather [hbm4b:s6+s3], $0x2800, $0x38;
	[tilespmem:$0x1E600] =	vst v63  }
0x12: {  	_ =	swait.ge [sflag:s13], $0x2800  }
0x13: {  	[sflag:s13] =	ssyncset.done $0x0  }
0x14: {  	s25 =	simm.s32 $0x0;
	s26 =	simm.s32 $0x200;
	[sflag:s13] =	ssyncadd.s32 $0xFFFFD800  }
.LBB2_2:
0x15: {  	p0 =	sne.s32 s26, $0xFE00;
	[tilespmem:s25+$0x2A70] =	vst v0  }
0x16: {  	[tilespmem:s25+$0x2A00] =	vst v0  }
0x17: {  	[tilespmem:s25+$0x2A10] =	vst v0  }
.Ltmp0:
0x18: {  	[tilespmem:s25+$0x2A20] =	vst v0;
	(pc) =	sbr.rel @p0 .LBB2_2-.Ltmp0, $4  }
0x19: {  	[tilespmem:s25+$0x2A30] =	vst v0  }
0x1a: {  	[tilespmem:s25+$0x2A40] =	vst v0  }
0x1b: {  	[tilespmem:s25+$0x2A50] =	vst v0  }
0x1c: {  	[tilespmem:s25+$0x2A60] =	vst v0;
	s25 =	sshra.s32 s26, $0x2;
	s26 =	sadd.s32 $0x200, s26  }
0x1d: {  	[tilespmem:s25+$0x2A70] =	vst v0  }
0x1e: {  	[tilespmem:s25+$0x2A00] =	vst v0  }
0x1f: {  	[tilespmem:s25+$0x2A10] =	vst v0  }
0x20: {  	[tilespmem:s25+$0x2A20] =	vst v0  }
0x21: {  	[tilespmem:s25+$0x2A30] =	vst v0  }
0x22: {  	[tilespmem:s25+$0x2A40] =	vst v0  }
0x23: {  	[tilespmem:s25+$0x2A50] =	vst v0  }
0x24: {  	[tilespmem:s25+$0x2A60] =	vst v0  }
0x25: {  	[spmem:s5] =	stream.linear.scatter [tilespmem:s14], [sflag:$0x3], $0x4000, $0x38;
	[tilespmem:$0x1E600] =	vst v63  }
0x26: {  	_ =	swait.ge [sflag:s13], $0x4000  }
0x27: {  	[sflag:s13] =	ssyncset.done $0x0  }
0x28: {  	[sflag:s13] =	ssyncadd.s32 $0xFFFFC000  }
0x29: {  	[spmem:s7] =	stream.linear.scatter [tilespmem:s14], [sflag:$0x3], $0x4000, $0x38;
	[tilespmem:$0x1E600] =	vst v63  }
0x2a: {  	_ =	swait.ge [sflag:s13], $0x4000  }
0x2b: {  	[sflag:s13] =	ssyncset.done $0x0  }
0x2c: {  	[sflag:s13] =	ssyncadd.s32 $0xFFFFC000  }
0x2d: {  	[spmem:s8] =	stream.linear.scatter [tilespmem:s14], [sflag:$0x3], $0x4000, $0x38;
	[tilespmem:$0x1E600] =	vst v63  }
0x2e: {  	_ =	swait.ge [sflag:s13], $0x4000  }
0x2f: {  	[sflag:s13] =	ssyncset.done $0x0  }
0x30: {  	[sflag:s13] =	ssyncadd.s32 $0xFFFFC000  }
0x31: {  	[spmem:s9] =	stream.linear.scatter [tilespmem:s14], [sflag:$0x3], $0x4000, $0x38;
	[tilespmem:$0x1E600] =	vst v63  }
0x32: {  	_ =	swait.ge [sflag:s13], $0x4000  }
0x33: {  	[sflag:s13] =	ssyncset.done $0x0  }
0x34: {  	[sflag:s13] =	ssyncadd.s32 $0xFFFFC000  }
0x35: {  	[spmem:s10] =	stream.linear.scatter [tilespmem:s14], [sflag:$0x3], $0x3C00, $0x38;
	[tilespmem:$0x1E600] =	vst v63  }
0x36: {  	_ =	swait.ge [sflag:s13], $0x3C00  }
0x37: {  	[sflag:s13] =	ssyncset.done $0x0  }
0x38: {  	[sflag:s13] =	ssyncadd.s32 $0xFFFFC400  }
0x39: {  	[bflag:$0x0] =	sbarrier.arrive $0xFFFF  }
0x3a: {  	v1 =	vld [tilespmem:$0x0];
	_ =	sdelay $0x1  }
0x3b: {  	v2 =	vld [tilespmem:$0x10];
	_ =	sdelay $0x1  }
0x3c: {  	v3 =	vld [tilespmem:$0x20]  }
0x3d: {  	v4 =	vand.u32 $0xFFFF, v1  }
0x3e: {  	v62 =	vld [tilespmem:$0x30];
	v1 =	vshrl.u32 v1, $0x10;
	[tilespmem:$0x2800] =	vst v4  }
0x3f: {  	[tilespmem:$0x2900] =	vst v1;
	v1 =	vand.u32 $0xFFFF, v2  }
0x40: {  	[tilespmem:$0x2810] =	vst v1;
	v1 =	vshrl.u32 v2, $0x10;
	v2 =	vld [tilespmem:$0x40]  }
0x41: {  	[tilespmem:$0x2910] =	vst v1;
	v1 =	vand.u32 $0xFFFF, v3  }
0x42: {  	[tilespmem:$0x2820] =	vst v1;
	v1 =	vshrl.u32 v3, $0x10;
	v3 =	vld [tilespmem:$0x50]  }
0x43: {  	[tilespmem:$0x2920] =	vst v1;
	v1 =	vand.u32 $0xFFFF, v62  }
0x44: {  	v63 =	vld [tilespmem:$0x60];
	[tilespmem:$0x2830] =	vst v1;
	v1 =	vshrl.u32 v62, $0x10  }
0x45: {  	[tilespmem:$0x2930] =	vst v1;
	v1 =	vand.u32 $0xFFFF, v2  }
0x46: {  	[tilespmem:$0x2840] =	vst v1;
	v1 =	vshrl.u32 v2, $0x10;
	v2 =	vld [tilespmem:$0x70]  }
0x47: {  	[tilespmem:$0x2940] =	vst v1;
	v1 =	vand.u32 $0xFFFF, v3  }
0x48: {  	[tilespmem:$0x2850] =	vst v1;
	v1 =	vshrl.u32 v3, $0x10  }
0x49: {  	[tilespmem:$0x2950] =	vst v1;
	v1 =	vand.u32 $0xFFFF, v63  }
0x4a: {  	[tilespmem:$0x2860] =	vst v1;
	v1 =	vshrl.u32 v63, $0x10  }
0x4b: {  	[tilespmem:$0x2960] =	vst v1;
	v1 =	vand.u32 $0xFFFF, v2  }
0x4c: {  	[tilespmem:$0x2870] =	vst v1;
	v1 =	vshrl.u32 v2, $0x10  }
0x4d: {  	s28 =	simm.s32 $0x0;
	[tilespmem:$0x2970] =	vst v1  }
0x4e: {  	[tilespmem:s14], [sflag:$0x1] =	stream.indirect.gather [hbm4b:s4+s15], $0x80, s16, s15, $0xb8;
	[tilespmem:$0x1E600] =	vst v63  }
0x4f: {  	v1 =	vld [tilespmem:s28+$0x80];
	_ =	sdelay $0x4  }
0x50: {  	v2 =	vand.u32 $0xFFFF, v1  }
0x51: {  	v1 =	vshrl.u32 v1, $0x10;
	[tilespmem:$0x2880] =	vst v2  }
0x52: {  	[tilespmem:$0x2980] =	vst v1  }
0x53: {  	v1 =	vld [tilespmem:s28+$0x90];
	_ =	sdelay $0x4  }
0x54: {  	v2 =	vand.u32 $0xFFFF, v1  }
0x55: {  	v1 =	vshrl.u32 v1, $0x10;
	[tilespmem:$0x2890] =	vst v2  }
0x56: {  	[tilespmem:$0x2990] =	vst v1  }
0x57: {  	v1 =	vld [tilespmem:s28+$0xA0];
	_ =	sdelay $0x4  }
0x58: {  	v2 =	vand.u32 $0xFFFF, v1  }
0x59: {  	v1 =	vshrl.u32 v1, $0x10;
	[tilespmem:$0x28A0] =	vst v2  }
0x5a: {  	[tilespmem:$0x29A0] =	vst v1  }
0x5b: {  	v1 =	vld [tilespmem:s28+$0xB0];
	_ =	sdelay $0x4  }
0x5c: {  	v2 =	vand.u32 $0xFFFF, v1  }
0x5d: {  	v1 =	vshrl.u32 v1, $0x10;
	[tilespmem:$0x28B0] =	vst v2  }
0x5e: {  	[tilespmem:$0x29B0] =	vst v1  }
0x5f: {  	v1 =	vld [tilespmem:s28+$0xC0];
	_ =	sdelay $0x4  }
0x60: {  	v2 =	vand.u32 $0xFFFF, v1  }
0x61: {  	v1 =	vshrl.u32 v1, $0x10;
	[tilespmem:$0x28C0] =	vst v2  }
0x62: {  	[tilespmem:$0x29C0] =	vst v1  }
0x63: {  	v1 =	vld [tilespmem:s28+$0xD0];
	_ =	sdelay $0x4  }
0x64: {  	v2 =	vand.u32 $0xFFFF, v1  }
0x65: {  	v1 =	vshrl.u32 v1, $0x10;
	[tilespmem:$0x28D0] =	vst v2  }
0x66: {  	[tilespmem:$0x29D0] =	vst v1  }
0x67: {  	v1 =	vld [tilespmem:s28+$0xE0];
	_ =	sdelay $0x4  }
0x68: {  	v2 =	vand.u32 $0xFFFF, v1  }
0x69: {  	v1 =	vshrl.u32 v1, $0x10;
	[tilespmem:$0x28E0] =	vst v2  }
0x6a: {  	[tilespmem:$0x29E0] =	vst v1  }
0x6b: {  	v1 =	vld [tilespmem:s28+$0xF0];
	_ =	sdelay $0x4  }
0x6c: {  	v2 =	vand.u32 $0xFFFF, v1  }
0x6d: {  	v1 =	vshrl.u32 v1, $0x10;
	[tilespmem:$0x28F0] =	vst v2  }
0x6e: {  	[tilespmem:$0x29F0] =	vst v1  }
0x6f: {  	[tilespmem:s18], [sflag:$0x2] =	stream.indirect.gather [hbm4b:s4+s15], $0x80, s17, s15, $0xb8;
	[tilespmem:$0x1E600] =	vst v63  }
0x70: {  	_ =	swait.ge [sflag:s19], $0x4000  }
0x71: {  	[sflag:s19] =	ssyncset.done $0x0  }
0x72: {  	[sflag:s19] =	ssyncadd.s32 $0xFFFFC000  }
0x73: {  	[spmem:s2] =	stream.indirect.scatter.add.f32 [tilespmem:s14], [sflag:$0x3], $0x80, s20, s15, $0xb8;
	[tilespmem:$0x1E600] =	vst v63  }
0x74: {  	_ =	swait.ge [sflag:s13], $0x4000  }
0x75: {  	p1 =	por $0x0, $0x0;
	[sflag:s13] =	ssyncset.done $0x0  }
0x76: {  	s26 =	simm.s32 @!p1 $0x0;
	[sflag:s13] =	ssyncadd.s32 $0xFFFFC000  }
0x77: {  	v1 =	vld @!p1 [tilespmem:s26+$0x100];
	_ =	sdelay $0x4  }
0x78: {  	v2 =	vand.u32 @!p1 $0xFFFF, v1  }
0x79: {  	v1 =	vshrl.u32 @!p1 v1, $0x10;
	[tilespmem:$0x2800] =	vst @!p1 v2  }
0x7a: {  	[tilespmem:$0x2900] =	vst @!p1 v1  }
0x7b: {  	v1 =	vld @!p1 [tilespmem:s26+$0x110];
	_ =	sdelay $0x4  }
0x7c: {  	v2 =	vand.u32 @!p1 $0xFFFF, v1  }
0x7d: {  	v1 =	vshrl.u32 @!p1 v1, $0x10;
	[tilespmem:$0x2810] =	vst @!p1 v2  }
0x7e: {  	[tilespmem:$0x2910] =	vst @!p1 v1  }
0x7f: {  	v1 =	vld @!p1 [tilespmem:s26+$0x120];
	_ =	sdelay $0x4  }
0x80: {  	v2 =	vand.u32 @!p1 $0xFFFF, v1  }
0x81: {  	v1 =	vshrl.u32 @!p1 v1, $0x10;
	[tilespmem:$0x2820] =	vst @!p1 v2  }
0x82: {  	[tilespmem:$0x2920] =	vst @!p1 v1  }
0x83: {  	v1 =	vld @!p1 [tilespmem:s26+$0x130];
	_ =	sdelay $0x4  }
0x84: {  	v2 =	vand.u32 @!p1 $0xFFFF, v1  }
0x85: {  	v1 =	vshrl.u32 @!p1 v1, $0x10;
	[tilespmem:$0x2830] =	vst @!p1 v2  }
0x86: {  	[tilespmem:$0x2930] =	vst @!p1 v1  }
0x87: {  	v1 =	vld @!p1 [tilespmem:s26+$0x140];
	_ =	sdelay $0x4  }
0x88: {  	v2 =	vand.u32 @!p1 $0xFFFF, v1  }
0x89: {  	v1 =	vshrl.u32 @!p1 v1, $0x10;
	[tilespmem:$0x2840] =	vst @!p1 v2  }
0x8a: {  	[tilespmem:$0x2940] =	vst @!p1 v1  }
0x8b: {  	v1 =	vld @!p1 [tilespmem:s26+$0x150];
	_ =	sdelay $0x4  }
0x8c: {  	v2 =	vand.u32 @!p1 $0xFFFF, v1  }
0x8d: {  	v1 =	vshrl.u32 @!p1 v1, $0x10;
	[tilespmem:$0x2850] =	vst @!p1 v2  }
0x8e: {  	[tilespmem:$0x2950] =	vst @!p1 v1  }
0x8f: {  	v1 =	vld @!p1 [tilespmem:s26+$0x160];
	_ =	sdelay $0x4  }
0x90: {  	s25 =	simm.s32 $0x400;
	v2 =	vand.u32 @!p1 $0xFFFF, v1  }
0x91: {  	s29 =	simm.s32 @!p1 $0x80;
	s30 =	simm.s32 @!p1 $0x2800;
	s31 =	simm.s32 @!p1 $0x2A00;
	v1 =	vshrl.u32 @!p1 v1, $0x10;
	[tilespmem:$0x2860] =	vst @!p1 v2  }
.LBB2_4:
0x92: {  	[tilespmem:$0x2960] =	vst @!p1 v1;
	s28 =	smov.u32 s25;
	s25 =	sadd.s32 $0x400, s25  }
0x93: {  	p0 =	sne.s32 s25, $0xA000;
	v1 =	vld @!p1 [tilespmem:s26+$0x170];
	_ =	sdelay $0x4  }
0x94: {  	v2 =	vand.u32 @!p1 $0xFFFF, v1;
	v1 =	vshrl.u32 @!p1 v1, $0x10  }
0x95: {  	[tilespmem:$0x2870] =	vst @!p1 v2  }
0x96: {  	[tilespmem:$0x2970] =	vst @!p1 v1  }
0x97: {  	[tilespmem:s31], [sflag:$0x1] =	stream.indirect.gather @!p1 [hbm4b:s4+s29], $0x80, s30, s29, $0xb8;
	[tilespmem:$0x1E600] =	vst v63  }
0x98: {  	_ =	swait.ge [sflag:s21], $0x4000  }
0x99: {  	[sflag:s21] =	ssyncset.done $0x0  }
0x9a: {  	[sflag:s21] =	ssyncadd.s32 $0xFFFFC000  }
0x9b: {  	[spmem:s2] =	stream.indirect.scatter.add.f32 [tilespmem:s18], [sflag:$0x3], $0x80, s22, s15, $0xb8;
	[tilespmem:$0x1E600] =	vst v63  }
0x9c: {  	_ =	swait.ge [sflag:s13], $0x4000  }
0x9d: {  	[sflag:s13] =	ssyncset.done $0x0  }
0x9e: {  	s26 =	sshra.s32 s28, $0x2;
	[sflag:s13] =	ssyncadd.s32 $0xFFFFC000  }
0x9f: {  	v1 =	vld [tilespmem:s26+$0x80];
	_ =	sdelay $0x4  }
0xa0: {  	v2 =	vand.u32 $0xFFFF, v1;
	v1 =	vshrl.u32 v1, $0x10  }
0xa1: {  	[tilespmem:$0x2880] =	vst v2  }
0xa2: {  	[tilespmem:$0x2980] =	vst v1  }
0xa3: {  	v1 =	vld [tilespmem:s26+$0x90];
	_ =	sdelay $0x4  }
0xa4: {  	v2 =	vand.u32 $0xFFFF, v1;
	v1 =	vshrl.u32 v1, $0x10  }
0xa5: {  	[tilespmem:$0x2890] =	vst v2  }
0xa6: {  	[tilespmem:$0x2990] =	vst v1  }
0xa7: {  	v1 =	vld [tilespmem:s26+$0xA0];
	_ =	sdelay $0x4  }
0xa8: {  	v2 =	vand.u32 $0xFFFF, v1;
	v1 =	vshrl.u32 v1, $0x10  }
0xa9: {  	[tilespmem:$0x28A0] =	vst v2  }
0xaa: {  	[tilespmem:$0x29A0] =	vst v1  }
0xab: {  	v1 =	vld [tilespmem:s26+$0xB0];
	_ =	sdelay $0x4  }
0xac: {  	v2 =	vand.u32 $0xFFFF, v1;
	v1 =	vshrl.u32 v1, $0x10  }
0xad: {  	[tilespmem:$0x28B0] =	vst v2  }
0xae: {  	[tilespmem:$0x29B0] =	vst v1  }
0xaf: {  	v1 =	vld [tilespmem:s26+$0xC0];
	_ =	sdelay $0x4  }
0xb0: {  	v2 =	vand.u32 $0xFFFF, v1;
	v1 =	vshrl.u32 v1, $0x10  }
0xb1: {  	[tilespmem:$0x28C0] =	vst v2  }
0xb2: {  	[tilespmem:$0x29C0] =	vst v1  }
0xb3: {  	v1 =	vld [tilespmem:s26+$0xD0];
	_ =	sdelay $0x4  }
0xb4: {  	v2 =	vand.u32 $0xFFFF, v1;
	v1 =	vshrl.u32 v1, $0x10  }
0xb5: {  	[tilespmem:$0x28D0] =	vst v2  }
0xb6: {  	[tilespmem:$0x29D0] =	vst v1  }
0xb7: {  	v1 =	vld [tilespmem:s26+$0xE0];
	_ =	sdelay $0x4  }
0xb8: {  	v2 =	vand.u32 $0xFFFF, v1;
	v1 =	vshrl.u32 v1, $0x10  }
0xb9: {  	[tilespmem:$0x28E0] =	vst v2  }
0xba: {  	[tilespmem:$0x29E0] =	vst v1  }
0xbb: {  	v1 =	vld [tilespmem:s26+$0xF0];
	_ =	sdelay $0x4  }
0xbc: {  	v2 =	vand.u32 $0xFFFF, v1;
	v1 =	vshrl.u32 v1, $0x10  }
0xbd: {  	p1 =	seq.s32 s28, $0x9C00;
	[tilespmem:$0x28F0] =	vst v2  }
0xbe: {  	s26 =	sshra.s32 @!p1 s28, $0x2;
	[tilespmem:$0x29F0] =	vst v1  }
0xbf: {  	[tilespmem:s18], [sflag:$0x2] =	stream.indirect.gather [hbm4b:s4+s15], $0x80, s17, s15, $0xb8;
	[tilespmem:$0x1E600] =	vst v63  }
0xc0: {  	_ =	swait.ge [sflag:s19], $0x4000  }
0xc1: {  	[sflag:s19] =	ssyncset.done $0x0  }
0xc2: {  	[sflag:s19] =	ssyncadd.s32 $0xFFFFC000  }
0xc3: {  	[spmem:s2] =	stream.indirect.scatter.add.f32 [tilespmem:s14], [sflag:$0x3], $0x80, s20, s15, $0xb8;
	[tilespmem:$0x1E600] =	vst v63  }
0xc4: {  	_ =	swait.ge [sflag:s13], $0x4000  }
0xc5: {  	[sflag:s13] =	ssyncset.done $0x0  }
0xc6: {  	[sflag:s13] =	ssyncadd.s32 $0xFFFFC000  }
0xc7: {  	v1 =	vld @!p1 [tilespmem:s26+$0x100];
	_ =	sdelay $0x4  }
0xc8: {  	v2 =	vand.u32 @!p1 $0xFFFF, v1;
	v1 =	vshrl.u32 @!p1 v1, $0x10  }
0xc9: {  	[tilespmem:$0x2800] =	vst @!p1 v2  }
0xca: {  	[tilespmem:$0x2900] =	vst @!p1 v1  }
0xcb: {  	v1 =	vld @!p1 [tilespmem:s26+$0x110];
	_ =	sdelay $0x4  }
0xcc: {  	v2 =	vand.u32 @!p1 $0xFFFF, v1;
	v1 =	vshrl.u32 @!p1 v1, $0x10  }
0xcd: {  	[tilespmem:$0x2810] =	vst @!p1 v2  }
0xce: {  	[tilespmem:$0x2910] =	vst @!p1 v1  }
0xcf: {  	v1 =	vld @!p1 [tilespmem:s26+$0x120];
	_ =	sdelay $0x4  }
0xd0: {  	v2 =	vand.u32 @!p1 $0xFFFF, v1;
	v1 =	vshrl.u32 @!p1 v1, $0x10  }
0xd1: {  	[tilespmem:$0x2820] =	vst @!p1 v2  }
0xd2: {  	[tilespmem:$0x2920] =	vst @!p1 v1  }
0xd3: {  	v1 =	vld @!p1 [tilespmem:s26+$0x130];
	_ =	sdelay $0x4  }
0xd4: {  	v2 =	vand.u32 @!p1 $0xFFFF, v1;
	v1 =	vshrl.u32 @!p1 v1, $0x10  }
0xd5: {  	[tilespmem:$0x2830] =	vst @!p1 v2  }
0xd6: {  	[tilespmem:$0x2930] =	vst @!p1 v1  }
0xd7: {  	v1 =	vld @!p1 [tilespmem:s26+$0x140];
	_ =	sdelay $0x4  }
0xd8: {  	v2 =	vand.u32 @!p1 $0xFFFF, v1;
	v1 =	vshrl.u32 @!p1 v1, $0x10  }
0xd9: {  	[tilespmem:$0x2840] =	vst @!p1 v2  }
0xda: {  	[tilespmem:$0x2940] =	vst @!p1 v1  }
0xdb: {  	v1 =	vld @!p1 [tilespmem:s26+$0x150];
	_ =	sdelay $0x4  }
0xdc: {  	v2 =	vand.u32 @!p1 $0xFFFF, v1;
	v1 =	vshrl.u32 @!p1 v1, $0x10  }
0xdd: {  	[tilespmem:$0x2850] =	vst @!p1 v2  }
0xde: {  	s29 =	simm.s32 @!p1 $0x80;
	s30 =	simm.s32 @!p1 $0x2800;
	s31 =	simm.s32 @!p1 $0x2A00;
	[tilespmem:$0x2950] =	vst @!p1 v1  }
0xdf: {  	v1 =	vld @!p1 [tilespmem:s26+$0x160];
	_ =	sdelay $0x1  }
.Ltmp1:
0xe0: {  	(pc) =	sbr.rel @p0 .LBB2_4-.Ltmp1, $3  }
0xe1: {  	_ =	sdelay $0x1  }
0xe2: {  	v2 =	vand.u32 @!p1 $0xFFFF, v1;
	v1 =	vshrl.u32 @!p1 v1, $0x10  }
0xe3: {  	[tilespmem:$0x2860] =	vst @!p1 v2  }
0xe4: {  	[tilespmem:$0x2960] =	vst @!p1 v1  }
0xe5: {  	v1 =	vld @!p1 [tilespmem:s26+$0x170];
	_ =	sdelay $0x4  }
0xe6: {  	v2 =	vand.u32 @!p1 $0xFFFF, v1  }
0xe7: {  	v1 =	vshrl.u32 @!p1 v1, $0x10;
	[tilespmem:$0x2870] =	vst @!p1 v2  }
0xe8: {  	[tilespmem:$0x2970] =	vst @!p1 v1  }
0xe9: {  	[tilespmem:s31], [sflag:$0x1] =	stream.indirect.gather @!p1 [hbm4b:s4+s29], $0x80, s30, s29, $0xb8;
	[tilespmem:$0x1E600] =	vst v63  }
0xea: {  	_ =	swait.ge [sflag:s21], $0x4000  }
0xeb: {  	[sflag:s21] =	ssyncset.done $0x0  }
0xec: {  	[sflag:s21] =	ssyncadd.s32 $0xFFFFC000  }
0xed: {  	[spmem:s2] =	stream.indirect.scatter.add.f32 [tilespmem:s18], [sflag:$0x3], $0x80, s22, s15, $0xb8;
	[tilespmem:$0x1E600] =	vst v63  }
0xee: {  	_ =	swait.ge [sflag:s13], $0x4000  }
0xef: {  	s24 =	sadd.s32 $0x1, s24;
	[sflag:s13] =	ssyncset.done $0x0  }
0xf0: {  	p0 =	sne.s32 s24, s12;
	[sflag:s13] =	ssyncadd.s32 $0xFFFFC000  }
.Ltmp2:
0xf1: {  	s25 =	sshrl.u32 s5, $0x3;
	[bflag:$0x0] =	sbarrier.arrive $0xFFFF;
	(pc) =	sbr.rel @p0 .LBB2_1-.Ltmp2, $4  }
0xf2: {  	[hbm:s11], [sflag:s23] =	dma.local [spmem:s25], $0x2780  }
0xf3: {  	_ =	swait.ge [sflag:s13], $0x2780  }
0xf4: {  	[sflag:s13] =	ssyncset.done $0x0  }
0xf5: {  	[sflag:s13] =	ssyncadd.s32 $0xFFFFD880  }
0xf6: {  	_ =	sfence.sel $0x180000  }
0xf7: {  	[bflag:$0x0] =	sbarrier.arrive $0xFFFF  }
0xf8: {  	p0 =	sne.s32 s0, $0x0;
	_ =	strace $0x9000004A  }
0xf9: {  	s0 =	sadd.s32 @!p0 $0x100000, s1;
	[bflag:$0x2] =	sbarrier.arrive $0xFFFF  }
0xfa: {  	[sflag:s0] =	ssyncadd.tile.s32 @!p0 $0x1;
	_ =	shalt  }
.Lfunc_end2:
_tile_overlayer_lowered:
.L_overlay_start_2:
0xfb: {  	(tag) =	ssettag $0x2  }
0xfc: {  	s0 =	rddreg [dreg:$0x0];
	s2 =	stileid.u32  }
0xfd: {  	s1 =	rddreg [dreg:$0x1];
	p0 =	sne.s32 s2, $0x0  }
0xfe: {  	s3 =	rddreg [dreg:$0x2];
	[bflag:$0x3] =	sbarrier.arrive $0xFFFF;
	s2 =	simm.s32 @!p0 $0x1C03  }
0xff: {  	[timem:s3], [sflag:s2] =	dma.local @!p0 [hbm:s0], s1  }
0x100: {  	s0 =	simm.s32 @!p0 $0x3  }
0x101: {  	_ =	swait.ge @!p0 [sflag:s0], s1  }
0x102: {  	s1 =	ssub.s32 @!p0 $0x0, s1;
	[sflag:s0] =	ssyncset.done @!p0 $0x0  }
0x103: {  	[sflag:s0] =	ssyncadd.s32 @!p0 s1  }
0x104: {  	[bflag:$0x3] =	sbarrier.arrive $0xFFFF  }
0x105: {  	_ =	shalt  }

// kernel: kernel.24.cloned.1.call-start
scs
__scs_entry_jumppad:
0x0: {  	(pc) =	sbr.rel $0x88, $3  }
0x1: {  	(tag) =	ssettag $0x0;
	lr =	simm.s32 $0x1  }
0x2: {  	[smem:$0x3F8D] =	sst lr;
	_ =	strace $0xD0000000  }
0x3: {  	_ = 	snop  }
0x4: {  	_ = 	snop  }
0x5: {  	_ = 	snop  }
0x6: {  	_ = 	snop  }
0x7: {  	_ = 	snop  }
__scs_overlays_trampoline_lowered:
0x8: {  	[smem:$0x3F9C] =	sst s0  }
0x9: {  	[smem:$0x3F9D] =	sst s1  }
0xa: {  	[smem:$0x3F9E] =	sst s2  }
0xb: {  	[smem:$0x3F9F] =	sst s3  }
0xc: {  	[smem:$0x3FA0] =	sst s4  }
0xd: {  	[smem:$0x3FA1] =	sst s5  }
0xe: {  	[smem:$0x3FA2] =	sst s6  }
0xf: {  	[smem:$0x3FA3] =	sst s7  }
0x10: {  	[smem:$0x3FA4] =	sst s8  }
0x11: {  	[smem:$0x3FA5] =	sst s9;
	s0 =	simm.s32 @!p0 $0x0  }
0x12: {  	s1 =	sld [smem:$0x3F8B];
	s0 =	simm.s32 @p0 $0x1  }
0x13: {  	[smem:$0x3FA6] =	sst s0;
	s0 =	simm.s32 @!p1 $0x0  }
0x14: {  	s2 =	sld [smem:$0x3F8A];
	s0 =	simm.s32 @p1 $0x1  }
0x15: {  	[smem:$0x3FA7] =	sst s0;
	s0 =	simm.s32 @!p2 $0x0  }
0x16: {  	s3 =	sld [smem:$0x3FDB];
	s0 =	simm.s32 @p2 $0x1  }
0x17: {  	s4 =	simm.s32 $0x1BF5;
	[smem:$0x3FA9] =	sst s0  }
0x18: {  	s0 =	sld [smem:$0x3F8C];
	_ =	swait.ge [sflag:s4], $0x0  }
0x19: {  	s7 =	sld [smem:$0x3F8D]  }
0x1a: {  	s8 =	sadd.s32 $0xFFFFE003, lr  }
0x1b: {  	s9 =	sadd.s32 $0xFFFFFEF7, lr;
	s5 =	simm.s32 $0xFFFFFFFF;
	p2 =	slt.u32 s8, $0xFFFFF086  }
0x1c: {  	p1 =	slt.u32 s9, $0xF7A;
	s5 =	simm.s32 @!p2 $0x0  }
0x1d: {  	s5 =	simm.s32 @p1 $0x1;
	p0 =	seq.s32 s7, s2  }
0x1e: {  	s7 =	smul.u32 @!p0 $0xF7A, s2;
	p2 =	seq.s32 @!p0 s5, $0x0  }
0x1f: {  	s9 =	smul.u32 $0xF7A, s1;
	s8 =	simm.s32 @!p0 $0x1BF5;
	p2 =	por !p2, p0  }
0x20: {  	[sflag:s8] =	ssyncset.s32 @!p0 $0xFFFFF086;
	s6 =	sadd.s32 @!p0 s3, s7;
	s7 =	simm.s32 @!p0 $0x108  }
0x21: {  	s3 =	sadd.s32 s3, s9;
	s6 =	sadd.s32 @!p0 $0x88, s6;
	s7 =	simm.s32 @p2 $0x1082  }
0x22: {  	[simem:s7], [sflag:s8] =	dma.local @!p0 [hbm:s6], $0xF7A  }
0x23: {  	s9 =	sor.u32 $0xD0000000, s2;
	s6 =	simm.s32 $0x108;
	_ =	swait.ge @!p0 [sflag:s8], $0x0  }
0x24: {  	s3 =	sadd.s32 $0x88, s3;
	s6 =	simm.s32 @!p1 $0x1082;
	[sflag:s4] =	ssyncset.s32 $0xFFFFF086  }
0x25: {  	[simem:s6], [sflag:s4] =	dma.local [hbm:s3], $0xF7A  }
0x26: {  	[smem:$0x3F8D] =	sst s1;
	(tag) =	ssettag s2;
	_ =	strace s9  }
0x27: {  	s1 =	sld [smem:$0x3F9D]  }
0x28: {  	s2 =	sld [smem:$0x3F9E]  }
0x29: {  	s4 =	sld [smem:$0x3FA0]  }
0x2a: {  	p0 =	seq.s32 s5, $0x0;
	s5 =	sld [smem:$0x3FA1]  }
0x2b: {  	s6 =	sld [smem:$0x3FA2]  }
0x2c: {  	s7 =	sld [smem:$0x3FA3]  }
0x2d: {  	s3 =	simm.s32 $0x108;
	s8 =	sld [smem:$0x3FA4]  }
0x2e: {  	s3 =	simm.s32 @!p0 $0x1082;
	s9 =	sld [smem:$0x3FA5]  }
0x2f: {  	lr =	sadd.s32 s0, s3;
	s0 =	sld [smem:$0x3F9C]  }
0x30: {  	s3 =	sld [smem:$0x3F9F]  }
0x31: {  	[smem:$0x3FA8] =	sst s10  }
0x32: {  	s10 =	sld [smem:$0x3FA6];
	_ =	sdelay $0x3  }
0x33: {  	p0 =	seq.s32 s10, $0x1;
	s10 =	sld [smem:$0x3FA8];
	_ =	sdelay $0x3  }
0x34: {  	[smem:$0x3FA8] =	sst s10  }
0x35: {  	s10 =	sld [smem:$0x3FA7];
	_ =	sdelay $0x3  }
0x36: {  	p1 =	seq.s32 s10, $0x1;
	s10 =	sld [smem:$0x3FA8];
	_ =	sdelay $0x3  }
0x37: {  	[smem:$0x3FA8] =	sst s10  }
0x38: {  	s10 =	sld [smem:$0x3FA9]  }
0x39: {  	_ = 	snop;
	(pc) =	sbr.ind lr, $3  }
0x3a: {  	_ = 	snop  }
0x3b: {  	_ = 	snop  }
0x3c: {  	p2 =	seq.s32 s10, $0x1;
	s10 =	sld [smem:$0x3FA8]  }
0x3d: {  	_ =	shalt  }
0x3e: {  	_ =	shalt  }
0x3f: {  	_ =	shalt  }
0x40: {  	_ =	shalt  }
0x41: {  	_ =	shalt  }
0x42: {  	_ =	shalt  }
0x43: {  	_ =	shalt  }
0x44: {  	_ =	shalt  }
0x45: {  	_ =	shalt  }
0x46: {  	_ =	shalt  }
0x47: {  	_ =	shalt  }
0x48: {  	_ =	shalt  }
0x49: {  	_ =	shalt  }
0x4a: {  	_ =	shalt  }
0x4b: {  	_ =	shalt  }
0x4c: {  	_ =	shalt  }
0x4d: {  	_ =	shalt  }
0x4e: {  	_ =	shalt  }
0x4f: {  	_ =	shalt  }
0x50: {  	_ =	shalt  }
0x51: {  	_ =	shalt  }
0x52: {  	_ =	shalt  }
0x53: {  	_ =	shalt  }
0x54: {  	_ =	shalt  }
0x55: {  	_ =	shalt  }
0x56: {  	_ =	shalt  }
0x57: {  	_ =	shalt  }
0x58: {  	_ =	shalt  }
0x59: {  	_ =	shalt  }
0x5a: {  	_ =	shalt  }
0x5b: {  	_ =	shalt  }
0x5c: {  	_ =	shalt  }
0x5d: {  	_ =	shalt  }
0x5e: {  	_ =	shalt  }
0x5f: {  	_ =	shalt  }
0x60: {  	_ =	shalt  }
0x61: {  	_ =	shalt  }
0x62: {  	_ =	shalt  }
0x63: {  	_ =	shalt  }
0x64: {  	_ =	shalt  }
0x65: {  	_ =	shalt  }
0x66: {  	_ =	shalt  }
0x67: {  	_ =	shalt  }
0x68: {  	_ =	shalt  }
0x69: {  	_ =	shalt  }
0x6a: {  	_ =	shalt  }
0x6b: {  	_ =	shalt  }
0x6c: {  	_ =	shalt  }
0x6d: {  	_ =	shalt  }
0x6e: {  	_ =	shalt  }
0x6f: {  	_ =	shalt  }
0x70: {  	_ =	shalt  }
0x71: {  	_ =	shalt  }
0x72: {  	_ =	shalt  }
0x73: {  	_ =	shalt  }
0x74: {  	_ =	shalt  }
0x75: {  	_ =	shalt  }
0x76: {  	_ =	shalt  }
0x77: {  	_ =	shalt  }
0x78: {  	_ =	shalt  }
0x79: {  	_ =	shalt  }
0x7a: {  	_ =	shalt  }
0x7b: {  	_ =	shalt  }
0x7c: {  	_ =	shalt  }
0x7d: {  	_ =	shalt  }
0x7e: {  	_ =	shalt  }
0x7f: {  	_ =	shalt  }
0x80: {  	_ =	shalt  }
0x81: {  	_ =	shalt  }
0x82: {  	_ =	shalt  }
0x83: {  	_ =	shalt  }
0x84: {  	_ =	shalt  }
0x85: {  	_ =	shalt  }
0x86: {  	_ =	shalt  }
0x87: {  	_ =	shalt  }
.Lfunc_end0:
.L_simem_size_0:
called_computation.2_lowered:
.L_overlay_start_0:
0x88: {  	s2 =	sld [smem:$0x3FD9]  }
0x89: {  	s3 =	sld [smem:$0x3FFE];
	_ =	sdelay $0x1  }
0x8a: {  	s1 =	srdreg.scid  }
0x8b: {  	s0 =	sand.u32 $0x1, s1  }
0x8c: {  	s16 =	sshll.u32 s0, $0xA;
	s2 =	sadd.s32 s3, s2  }
0x8d: {  	s2 =	sadd.s32 s2, s16  }
0x8e: {  	[smem:$0x3FB4] =	sst s2  }
0x8f: {  	_ = 	snop  }
0x90: {  	(tm) =	ssettm $0x1  }
0x91: {  	s17 =	sld [smem:$0x3FFB];
	_ =	sdelay $0x3  }
0x92: {  	_ =	strace s17  }
0x93: {  	s2 =	sld [smem:$0x3FFC];
	_ =	sdelay $0x3  }
0x94: {  	_ =	strace s2  }
0x95: {  	s2 =	sld [smem:$0x3FFD];
	_ =	sdelay $0x3  }
0x96: {  	_ =	strace s2  }
0x97: {  	_ =	strace $0x8FFFFFFF  }
0x98: {  	s18 =	sld [smem:$0x3FDB];
	_ =	sdelay $0x1  }
0x99: {  	s19 =	simm.s32 $_scs_section_size  }
0x9a: {  	s4 =	simm.s32 $_size__tile_overlayer_lowered;
	s5 =	simm.s32 $_tile_overlayer_lowered  }
0x9b: {  	s22 =	simm.s32 $0x1BFF;
	s21 =	sshll.u32 s5, $0x1;
	s2 =	sadd.s32 s19, s18  }
0x9c: {  	s6 =	simm.s32 $0x0;
	s20 =	sshll.u32 s4, $0x1;
	s4 =	sadd.s32 s21, s2  }
0x9d: {  	[timem:s6], [sflag:s22] =	dma.local [hbm:s4], s20  }
0x9e: {  	_ =	swait.ge [sflag:s22], s20  }
0x9f: {  	s3 =	ssub.s32 $0x0, s20;
	[sflag:s22] =	ssyncset.done $0x0  }
0xa0: {  	[sflag:s22] =	ssyncadd.s32 s3;
	_ =	sdelay $0x1  }
0xa1: {  	s23 =	simm.s32 $0x1B8B  }
0xa2: {  	_ =	swait.ge [sflag:s23], $0x1  }
0xa3: {  	[sflag:s23] =	ssyncset.done $0x0  }
0xa4: {  	s25 =	simm.s32 $0x1B8E;
	s24 =	sld [smem:$0x3FFE];
	[sflag:s23] =	ssyncadd.s32 $0xFFFFFFFF  }
0xa5: {  	s26 =	simm.s32 $execute0_lowered;
	[smem:$0x3FD2] =	sst s25  }
0xa6: {  	s4 =	sshll.u32 s26, $0x1;
	_ =	strace $0x8000004C;
	[dreg:$0x1] =	wrdreg $0xFFFFFFFF  }
0xa7: {  	s28 =	simm.s32 $_size_execute0_lowered;
	s2 =	sadd.s32 s2, s4;
	[dreg:$0x0] =	wrdreg $0x0  }
0xa8: {  	s4 =	sshll.u32 s28, $0x1;
	[dreg:$0x2] =	wrdreg s2  }
0xa9: {  	[dreg:$0x3] =	wrdreg s4  }
0xaa: {  	[dreg:$0x4] =	wrdreg $0xC0  }
0xab: {  	_ =	task [dreg:s6], $0x5FFFF  }
0xac: {  	[dreg:$0x1] =	wrdreg $0xFFFFFFFF  }
0xad: {  	[dreg:$0x0] =	wrdreg $0x60  }
0xae: {  	[dreg:$0x2] =	wrdreg s24  }
0xaf: {  	[dreg:$0x3] =	wrdreg $0xAA000  }
0xb0: {  	[dreg:$0x4] =	wrdreg $0x9  }
0xb1: {  	_ =	task.clear_ibuf [dreg:s6], $0x5FFFF;
	_ =	strace $0x9000004C  }
0xb2: {  	s29 =	simm.s32 $0x9;
	_ =	strace $0x8000004E  }
0xb3: {  	_ =	swait.ge [sflag:s29], $0x1  }
0xb4: {  	[sflag:s29] =	ssyncadd.s32 $0xFFFFFFFF  }
0xb5: {  	_ =	strace $0x9000004E  }
0xb6: {  	_ =	sfence  }
0xb7: {  	s30 =	sld [smem:$0x0];
	_ =	sdelay $0x2  }
0xb8: {  	s31 =	sshll.u32 s1, $0xD;
	s1 =	sshrl.u32 s1, $0x2  }
0xb9: {  	s3 =	sand.u32 $0x4000, s31;
	s1 =	sadd.s32 s1, s30  }
0xba: {  	s0 =	sor.u32 s3, s0;
	s1 =	sshll.u32 s1, $0x11  }
0xbb: {  	s0 =	sor.u32 s1, s0  }
0xbc: {  	s0 =	sadd.s32 $0x8F2B, s0  }
0xbd: {  	[sflag:s0] =	ssyncadd.remote.s32 $0x1  }
0xbe: {  	_ =	sfence.sel $0xFFFF  }
0xbf: {  	[dreg:$0x0] =	wrdreg $0xFFFFFFFF;
	(pc) =	sbr.abs _section_cstart, $3  }
0xc0: {  	[dreg:$0x1] =	wrdreg $0xFFFFFFFF  }
0xc1: {  	_ =	task.clear_ibuf [dreg:s6], $0x2FFFF;
	_ =	strace $0x9FFFFFFF  }
0xc2: {  	(tm) =	ssettm $0x7FFFFFFF  }
0xc3: {  	_ =	shalt  }
tec
execute0_lowered:
.L_overlay_start_1:
0x0: {  	(tag) =	ssettag $0x1  }
0x1: {  	s6 =	rddreg [dreg:$0x0]  }
0x2: {  	s0 =	srdreg.scid;
	s2 =	rddreg [dreg:$0x1]  }
0x3: {  	s3 =	simm.s32 $0x0;
	s13 =	simm.s32 $0x3;
	s14 =	simm.s32 $0x2A00  }
0x4: {  	s15 =	simm.s32 $0x80;
	s16 =	simm.s32 $0x2800;
	s17 =	simm.s32 $0x2880  }
0x5: {  	s18 =	simm.s32 $0x6A00;
	s19 =	simm.s32 $0x1;
	s20 =	simm.s32 $0x2900  }
0x6: {  	s21 =	simm.s32 $0x2;
	s22 =	simm.s32 $0x2980;
	s5 =	sand.u32 $0x1, s0  }
0x7: {  	s24 =	simm.s32 $0x0;
	s0 =	stileid.u32;
	s8 =	smul.u32 $0x13C000, s5  }
0x8: {  	[smem:$0x7FF] =	sst s3;
	s4 =	sadd.s32 $0xF200, s6;
	s9 =	smul.u32 $0x13C00, s0  }
0x9: {  	s1 =	sshll.u32 s5, $0x4;
	s10 =	smul.u32 $0x4F000, s0;
	s29 =	ssub.s32 $0x2, s5  }
0xa: {  	s23 =	sshll.u32 s0, $0x6;
	s1 =	sor.u32 s0, s1;
	s31 =	sshrl.u32 s29, $0x1  }
0xb: {  	s23 =	sor.u32 $0x1C03, s23;
	s7 =	smul.u32 $0x500, s1;
	s1 =	rddreg [dreg:$0x2]  }
0xc: {  	_ =	strace $0x8000004D;
	s8 =	sadd.s32 s9, s8;
	s30 =	sshrl.u32 s10, $0x2  }
0xd: {  	s12 =	ssub.s32 s29, s31;
	s8 =	sshrl.u32 s8, $0x3;
	s5 =	sadd.s32 s30, s2  }
0xe: {  	s12 =	smax.u32 s12, $0x1;
	s7 =	sadd.s32 s7, s6;
	s11 =	sadd.s32 s8, s6  }
0xf: {  	s8 =	sadd.s32 $0x8000, s5;
	s9 =	sadd.s32 $0xC000, s5;
	s10 =	sadd.s32 $0x10000, s5  }
0x10: {  	v0 =	vimm.f32 $0.0e+00;
	s6 =	sadd.s32 $0x5200, s7;
	s7 =	sadd.s32 $0x4000, s5;
	s11 =	sadd.s32 $0x36400, s11  }
.LBB2_1:
0x11: {  	[tilespmem:s3], [sflag:$0x3] =	stream.linear.gather [hbm4b:s6+s3], $0x2800, $0x38;
	[tilespmem:$0x1E600] =	vst v63  }
0x12: {  	_ =	swait.ge [sflag:s13], $0x2800  }
0x13: {  	[sflag:s13] =	ssyncset.done $0x0  }
0x14: {  	s25 =	simm.s32 $0x0;
	s26 =	simm.s32 $0x200;
	[sflag:s13] =	ssyncadd.s32 $0xFFFFD800  }
.LBB2_2:
0x15: {  	p0 =	sne.s32 s26, $0xFE00;
	[tilespmem:s25+$0x2A70] =	vst v0  }
0x16: {  	[tilespmem:s25+$0x2A00] =	vst v0  }
0x17: {  	[tilespmem:s25+$0x2A10] =	vst v0  }
.Ltmp0:
0x18: {  	[tilespmem:s25+$0x2A20] =	vst v0;
	(pc) =	sbr.rel @p0 .LBB2_2-.Ltmp0, $4  }
0x19: {  	[tilespmem:s25+$0x2A30] =	vst v0  }
0x1a: {  	[tilespmem:s25+$0x2A40] =	vst v0  }
0x1b: {  	[tilespmem:s25+$0x2A50] =	vst v0  }
0x1c: {  	[tilespmem:s25+$0x2A60] =	vst v0;
	s25 =	sshra.s32 s26, $0x2;
	s26 =	sadd.s32 $0x200, s26  }
0x1d: {  	[tilespmem:s25+$0x2A70] =	vst v0  }
0x1e: {  	[tilespmem:s25+$0x2A00] =	vst v0  }
0x1f: {  	[tilespmem:s25+$0x2A10] =	vst v0  }
0x20: {  	[tilespmem:s25+$0x2A20] =	vst v0  }
0x21: {  	[tilespmem:s25+$0x2A30] =	vst v0  }
0x22: {  	[tilespmem:s25+$0x2A40] =	vst v0  }
0x23: {  	[tilespmem:s25+$0x2A50] =	vst v0  }
0x24: {  	[tilespmem:s25+$0x2A60] =	vst v0  }
0x25: {  	[spmem:s5] =	stream.linear.scatter [tilespmem:s14], [sflag:$0x3], $0x4000, $0x38;
	[tilespmem:$0x1E600] =	vst v63  }
0x26: {  	_ =	swait.ge [sflag:s13], $0x4000  }
0x27: {  	[sflag:s13] =	ssyncset.done $0x0  }
0x28: {  	[sflag:s13] =	ssyncadd.s32 $0xFFFFC000  }
0x29: {  	[spmem:s7] =	stream.linear.scatter [tilespmem:s14], [sflag:$0x3], $0x4000, $0x38;
	[tilespmem:$0x1E600] =	vst v63  }
0x2a: {  	_ =	swait.ge [sflag:s13], $0x4000  }
0x2b: {  	[sflag:s13] =	ssyncset.done $0x0  }
0x2c: {  	[sflag:s13] =	ssyncadd.s32 $0xFFFFC000  }
0x2d: {  	[spmem:s8] =	stream.linear.scatter [tilespmem:s14], [sflag:$0x3], $0x4000, $0x38;
	[tilespmem:$0x1E600] =	vst v63  }
0x2e: {  	_ =	swait.ge [sflag:s13], $0x4000  }
0x2f: {  	[sflag:s13] =	ssyncset.done $0x0  }
0x30: {  	[sflag:s13] =	ssyncadd.s32 $0xFFFFC000  }
0x31: {  	[spmem:s9] =	stream.linear.scatter [tilespmem:s14], [sflag:$0x3], $0x4000, $0x38;
	[tilespmem:$0x1E600] =	vst v63  }
0x32: {  	_ =	swait.ge [sflag:s13], $0x4000  }
0x33: {  	[sflag:s13] =	ssyncset.done $0x0  }
0x34: {  	[sflag:s13] =	ssyncadd.s32 $0xFFFFC000  }
0x35: {  	[spmem:s10] =	stream.linear.scatter [tilespmem:s14], [sflag:$0x3], $0x3C00, $0x38;
	[tilespmem:$0x1E600] =	vst v63  }
0x36: {  	_ =	swait.ge [sflag:s13], $0x3C00  }
0x37: {  	[sflag:s13] =	ssyncset.done $0x0  }
0x38: {  	[sflag:s13] =	ssyncadd.s32 $0xFFFFC400  }
0x39: {  	[bflag:$0x0] =	sbarrier.arrive $0xFFFF  }
0x3a: {  	v1 =	vld [tilespmem:$0x0];
	_ =	sdelay $0x1  }
0x3b: {  	v2 =	vld [tilespmem:$0x10];
	_ =	sdelay $0x1  }
0x3c: {  	v3 =	vld [tilespmem:$0x20]  }
0x3d: {  	v4 =	vand.u32 $0xFFFF, v1  }
0x3e: {  	v62 =	vld [tilespmem:$0x30];
	v1 =	vshrl.u32 v1, $0x10;
	[tilespmem:$0x2800] =	vst v4  }
0x3f: {  	[tilespmem:$0x2900] =	vst v1;
	v1 =	vand.u32 $0xFFFF, v2  }
0x40: {  	[tilespmem:$0x2810] =	vst v1;
	v1 =	vshrl.u32 v2, $0x10;
	v2 =	vld [tilespmem:$0x40]  }
0x41: {  	[tilespmem:$0x2910] =	vst v1;
	v1 =	vand.u32 $0xFFFF, v3  }
0x42: {  	[tilespmem:$0x2820] =	vst v1;
	v1 =	vshrl.u32 v3, $0x10;
	v3 =	vld [tilespmem:$0x50]  }
0x43: {  	[tilespmem:$0x2920] =	vst v1;
	v1 =	vand.u32 $0xFFFF, v62  }
0x44: {  	v63 =	vld [tilespmem:$0x60];
	[tilespmem:$0x2830] =	vst v1;
	v1 =	vshrl.u32 v62, $0x10  }
0x45: {  	[tilespmem:$0x2930] =	vst v1;
	v1 =	vand.u32 $0xFFFF, v2  }
0x46: {  	[tilespmem:$0x2840] =	vst v1;
	v1 =	vshrl.u32 v2, $0x10;
	v2 =	vld [tilespmem:$0x70]  }
0x47: {  	[tilespmem:$0x2940] =	vst v1;
	v1 =	vand.u32 $0xFFFF, v3  }
0x48: {  	[tilespmem:$0x2850] =	vst v1;
	v1 =	vshrl.u32 v3, $0x10  }
0x49: {  	[tilespmem:$0x2950] =	vst v1;
	v1 =	vand.u32 $0xFFFF, v63  }
0x4a: {  	[tilespmem:$0x2860] =	vst v1;
	v1 =	vshrl.u32 v63, $0x10  }
0x4b: {  	[tilespmem:$0x2960] =	vst v1;
	v1 =	vand.u32 $0xFFFF, v2  }
0x4c: {  	[tilespmem:$0x2870] =	vst v1;
	v1 =	vshrl.u32 v2, $0x10  }
0x4d: {  	s28 =	simm.s32 $0x0;
	[tilespmem:$0x2970] =	vst v1  }
0x4e: {  	[tilespmem:s14], [sflag:$0x1] =	stream.indirect.gather [hbm4b:s4+s15], $0x80, s16, s15, $0xb8;
	[tilespmem:$0x1E600] =	vst v63  }
0x4f: {  	v1 =	vld [tilespmem:s28+$0x80];
	_ =	sdelay $0x4  }
0x50: {  	v2 =	vand.u32 $0xFFFF, v1  }
0x51: {  	v1 =	vshrl.u32 v1, $0x10;
	[tilespmem:$0x2880] =	vst v2  }
0x52: {  	[tilespmem:$0x2980] =	vst v1  }
0x53: {  	v1 =	vld [tilespmem:s28+$0x90];
	_ =	sdelay $0x4  }
0x54: {  	v2 =	vand.u32 $0xFFFF, v1  }
0x55: {  	v1 =	vshrl.u32 v1, $0x10;
	[tilespmem:$0x2890] =	vst v2  }
0x56: {  	[tilespmem:$0x2990] =	vst v1  }
0x57: {  	v1 =	vld [tilespmem:s28+$0xA0];
	_ =	sdelay $0x4  }
0x58: {  	v2 =	vand.u32 $0xFFFF, v1  }
0x59: {  	v1 =	vshrl.u32 v1, $0x10;
	[tilespmem:$0x28A0] =	vst v2  }
0x5a: {  	[tilespmem:$0x29A0] =	vst v1  }
0x5b: {  	v1 =	vld [tilespmem:s28+$0xB0];
	_ =	sdelay $0x4  }
0x5c: {  	v2 =	vand.u32 $0xFFFF, v1  }
0x5d: {  	v1 =	vshrl.u32 v1, $0x10;
	[tilespmem:$0x28B0] =	vst v2  }
0x5e: {  	[tilespmem:$0x29B0] =	vst v1  }
0x5f: {  	v1 =	vld [tilespmem:s28+$0xC0];
	_ =	sdelay $0x4  }
0x60: {  	v2 =	vand.u32 $0xFFFF, v1  }
0x61: {  	v1 =	vshrl.u32 v1, $0x10;
	[tilespmem:$0x28C0] =	vst v2  }
0x62: {  	[tilespmem:$0x29C0] =	vst v1  }
0x63: {  	v1 =	vld [tilespmem:s28+$0xD0];
	_ =	sdelay $0x4  }
0x64: {  	v2 =	vand.u32 $0xFFFF, v1  }
0x65: {  	v1 =	vshrl.u32 v1, $0x10;
	[tilespmem:$0x28D0] =	vst v2  }
0x66: {  	[tilespmem:$0x29D0] =	vst v1  }
0x67: {  	v1 =	vld [tilespmem:s28+$0xE0];
	_ =	sdelay $0x4  }
0x68: {  	v2 =	vand.u32 $0xFFFF, v1  }
0x69: {  	v1 =	vshrl.u32 v1, $0x10;
	[tilespmem:$0x28E0] =	vst v2  }
0x6a: {  	[tilespmem:$0x29E0] =	vst v1  }
0x6b: {  	v1 =	vld [tilespmem:s28+$0xF0];
	_ =	sdelay $0x4  }
0x6c: {  	v2 =	vand.u32 $0xFFFF, v1  }
0x6d: {  	v1 =	vshrl.u32 v1, $0x10;
	[tilespmem:$0x28F0] =	vst v2  }
0x6e: {  	[tilespmem:$0x29F0] =	vst v1  }
0x6f: {  	[tilespmem:s18], [sflag:$0x2] =	stream.indirect.gather [hbm4b:s4+s15], $0x80, s17, s15, $0xb8;
	[tilespmem:$0x1E600] =	vst v63  }
0x70: {  	_ =	swait.ge [sflag:s19], $0x4000  }
0x71: {  	[sflag:s19] =	ssyncset.done $0x0  }
0x72: {  	[sflag:s19] =	ssyncadd.s32 $0xFFFFC000  }
0x73: {  	[spmem:s2] =	stream.indirect.scatter.add.f32 [tilespmem:s14], [sflag:$0x3], $0x80, s20, s15, $0xb8;
	[tilespmem:$0x1E600] =	vst v63  }
0x74: {  	_ =	swait.ge [sflag:s13], $0x4000  }
0x75: {  	p1 =	por $0x0, $0x0;
	[sflag:s13] =	ssyncset.done $0x0  }
0x76: {  	s26 =	simm.s32 @!p1 $0x0;
	[sflag:s13] =	ssyncadd.s32 $0xFFFFC000  }
0x77: {  	v1 =	vld @!p1 [tilespmem:s26+$0x100];
	_ =	sdelay $0x4  }
0x78: {  	v2 =	vand.u32 @!p1 $0xFFFF, v1  }
0x79: {  	v1 =	vshrl.u32 @!p1 v1, $0x10;
	[tilespmem:$0x2800] =	vst @!p1 v2  }
0x7a: {  	[tilespmem:$0x2900] =	vst @!p1 v1  }
0x7b: {  	v1 =	vld @!p1 [tilespmem:s26+$0x110];
	_ =	sdelay $0x4  }
0x7c: {  	v2 =	vand.u32 @!p1 $0xFFFF, v1  }
0x7d: {  	v1 =	vshrl.u32 @!p1 v1, $0x10;
	[tilespmem:$0x2810] =	vst @!p1 v2  }
0x7e: {  	[tilespmem:$0x2910] =	vst @!p1 v1  }
0x7f: {  	v1 =	vld @!p1 [tilespmem:s26+$0x120];
	_ =	sdelay $0x4  }
0x80: {  	v2 =	vand.u32 @!p1 $0xFFFF, v1  }
0x81: {  	v1 =	vshrl.u32 @!p1 v1, $0x10;
	[tilespmem:$0x2820] =	vst @!p1 v2  }
0x82: {  	[tilespmem:$0x2920] =	vst @!p1 v1  }
0x83: {  	v1 =	vld @!p1 [tilespmem:s26+$0x130];
	_ =	sdelay $0x4  }
0x84: {  	v2 =	vand.u32 @!p1 $0xFFFF, v1  }
0x85: {  	v1 =	vshrl.u32 @!p1 v1, $0x10;
	[tilespmem:$0x2830] =	vst @!p1 v2  }
0x86: {  	[tilespmem:$0x2930] =	vst @!p1 v1  }
0x87: {  	v1 =	vld @!p1 [tilespmem:s26+$0x140];
	_ =	sdelay $0x4  }
0x88: {  	v2 =	vand.u32 @!p1 $0xFFFF, v1  }
0x89: {  	v1 =	vshrl.u32 @!p1 v1, $0x10;
	[tilespmem:$0x2840] =	vst @!p1 v2  }
0x8a: {  	[tilespmem:$0x2940] =	vst @!p1 v1  }
0x8b: {  	v1 =	vld @!p1 [tilespmem:s26+$0x150];
	_ =	sdelay $0x4  }
0x8c: {  	v2 =	vand.u32 @!p1 $0xFFFF, v1  }
0x8d: {  	v1 =	vshrl.u32 @!p1 v1, $0x10;
	[tilespmem:$0x2850] =	vst @!p1 v2  }
0x8e: {  	[tilespmem:$0x2950] =	vst @!p1 v1  }
0x8f: {  	v1 =	vld @!p1 [tilespmem:s26+$0x160];
	_ =	sdelay $0x4  }
0x90: {  	s25 =	simm.s32 $0x400;
	v2 =	vand.u32 @!p1 $0xFFFF, v1  }
0x91: {  	s29 =	simm.s32 @!p1 $0x80;
	s30 =	simm.s32 @!p1 $0x2800;
	s31 =	simm.s32 @!p1 $0x2A00;
	v1 =	vshrl.u32 @!p1 v1, $0x10;
	[tilespmem:$0x2860] =	vst @!p1 v2  }
.LBB2_4:
0x92: {  	[tilespmem:$0x2960] =	vst @!p1 v1;
	s28 =	smov.u32 s25;
	s25 =	sadd.s32 $0x400, s25  }
0x93: {  	p0 =	sne.s32 s25, $0xA000;
	v1 =	vld @!p1 [tilespmem:s26+$0x170];
	_ =	sdelay $0x4  }
0x94: {  	v2 =	vand.u32 @!p1 $0xFFFF, v1;
	v1 =	vshrl.u32 @!p1 v1, $0x10  }
0x95: {  	[tilespmem:$0x2870] =	vst @!p1 v2  }
0x96: {  	[tilespmem:$0x2970] =	vst @!p1 v1  }
0x97: {  	[tilespmem:s31], [sflag:$0x1] =	stream.indirect.gather @!p1 [hbm4b:s4+s29], $0x80, s30, s29, $0xb8;
	[tilespmem:$0x1E600] =	vst v63  }
0x98: {  	_ =	swait.ge [sflag:s21], $0x4000  }
0x99: {  	[sflag:s21] =	ssyncset.done $0x0  }
0x9a: {  	[sflag:s21] =	ssyncadd.s32 $0xFFFFC000  }
0x9b: {  	[spmem:s2] =	stream.indirect.scatter.add.f32 [tilespmem:s18], [sflag:$0x3], $0x80, s22, s15, $0xb8;
	[tilespmem:$0x1E600] =	vst v63  }
0x9c: {  	_ =	swait.ge [sflag:s13], $0x4000  }
0x9d: {  	[sflag:s13] =	ssyncset.done $0x0  }
0x9e: {  	s26 =	sshra.s32 s28, $0x2;
	[sflag:s13] =	ssyncadd.s32 $0xFFFFC000  }
0x9f: {  	v1 =	vld [tilespmem:s26+$0x80];
	_ =	sdelay $0x4  }
0xa0: {  	v2 =	vand.u32 $0xFFFF, v1;
	v1 =	vshrl.u32 v1, $0x10  }
0xa1: {  	[tilespmem:$0x2880] =	vst v2  }
0xa2: {  	[tilespmem:$0x2980] =	vst v1  }
0xa3: {  	v1 =	vld [tilespmem:s26+$0x90];
	_ =	sdelay $0x4  }
0xa4: {  	v2 =	vand.u32 $0xFFFF, v1;
	v1 =	vshrl.u32 v1, $0x10  }
0xa5: {  	[tilespmem:$0x2890] =	vst v2  }
0xa6: {  	[tilespmem:$0x2990] =	vst v1  }
0xa7: {  	v1 =	vld [tilespmem:s26+$0xA0];
	_ =	sdelay $0x4  }
0xa8: {  	v2 =	vand.u32 $0xFFFF, v1;
	v1 =	vshrl.u32 v1, $0x10  }
0xa9: {  	[tilespmem:$0x28A0] =	vst v2  }
0xaa: {  	[tilespmem:$0x29A0] =	vst v1  }
0xab: {  	v1 =	vld [tilespmem:s26+$0xB0];
	_ =	sdelay $0x4  }
0xac: {  	v2 =	vand.u32 $0xFFFF, v1;
	v1 =	vshrl.u32 v1, $0x10  }
0xad: {  	[tilespmem:$0x28B0] =	vst v2  }
0xae: {  	[tilespmem:$0x29B0] =	vst v1  }
0xaf: {  	v1 =	vld [tilespmem:s26+$0xC0];
	_ =	sdelay $0x4  }
0xb0: {  	v2 =	vand.u32 $0xFFFF, v1;
	v1 =	vshrl.u32 v1, $0x10  }
0xb1: {  	[tilespmem:$0x28C0] =	vst v2  }
0xb2: {  	[tilespmem:$0x29C0] =	vst v1  }
0xb3: {  	v1 =	vld [tilespmem:s26+$0xD0];
	_ =	sdelay $0x4  }
0xb4: {  	v2 =	vand.u32 $0xFFFF, v1;
	v1 =	vshrl.u32 v1, $0x10  }
0xb5: {  	[tilespmem:$0x28D0] =	vst v2  }
0xb6: {  	[tilespmem:$0x29D0] =	vst v1  }
0xb7: {  	v1 =	vld [tilespmem:s26+$0xE0];
	_ =	sdelay $0x4  }
0xb8: {  	v2 =	vand.u32 $0xFFFF, v1;
	v1 =	vshrl.u32 v1, $0x10  }
0xb9: {  	[tilespmem:$0x28E0] =	vst v2  }
0xba: {  	[tilespmem:$0x29E0] =	vst v1  }
0xbb: {  	v1 =	vld [tilespmem:s26+$0xF0];
	_ =	sdelay $0x4  }
0xbc: {  	v2 =	vand.u32 $0xFFFF, v1;
	v1 =	vshrl.u32 v1, $0x10  }
0xbd: {  	p1 =	seq.s32 s28, $0x9C00;
	[tilespmem:$0x28F0] =	vst v2  }
0xbe: {  	s26 =	sshra.s32 @!p1 s28, $0x2;
	[tilespmem:$0x29F0] =	vst v1  }
0xbf: {  	[tilespmem:s18], [sflag:$0x2] =	stream.indirect.gather [hbm4b:s4+s15], $0x80, s17, s15, $0xb8;
	[tilespmem:$0x1E600] =	vst v63  }
0xc0: {  	_ =	swait.ge [sflag:s19], $0x4000  }
0xc1: {  	[sflag:s19] =	ssyncset.done $0x0  }
0xc2: {  	[sflag:s19] =	ssyncadd.s32 $0xFFFFC000  }
0xc3: {  	[spmem:s2] =	stream.indirect.scatter.add.f32 [tilespmem:s14], [sflag:$0x3], $0x80, s20, s15, $0xb8;
	[tilespmem:$0x1E600] =	vst v63  }
0xc4: {  	_ =	swait.ge [sflag:s13], $0x4000  }
0xc5: {  	[sflag:s13] =	ssyncset.done $0x0  }
0xc6: {  	[sflag:s13] =	ssyncadd.s32 $0xFFFFC000  }
0xc7: {  	v1 =	vld @!p1 [tilespmem:s26+$0x100];
	_ =	sdelay $0x4  }
0xc8: {  	v2 =	vand.u32 @!p1 $0xFFFF, v1;
	v1 =	vshrl.u32 @!p1 v1, $0x10  }
0xc9: {  	[tilespmem:$0x2800] =	vst @!p1 v2  }
0xca: {  	[tilespmem:$0x2900] =	vst @!p1 v1  }
0xcb: {  	v1 =	vld @!p1 [tilespmem:s26+$0x110];
	_ =	sdelay $0x4  }
0xcc: {  	v2 =	vand.u32 @!p1 $0xFFFF, v1;
	v1 =	vshrl.u32 @!p1 v1, $0x10  }
0xcd: {  	[tilespmem:$0x2810] =	vst @!p1 v2  }
0xce: {  	[tilespmem:$0x2910] =	vst @!p1 v1  }
0xcf: {  	v1 =	vld @!p1 [tilespmem:s26+$0x120];
	_ =	sdelay $0x4  }
0xd0: {  	v2 =	vand.u32 @!p1 $0xFFFF, v1;
	v1 =	vshrl.u32 @!p1 v1, $0x10  }
0xd1: {  	[tilespmem:$0x2820] =	vst @!p1 v2  }
0xd2: {  	[tilespmem:$0x2920] =	vst @!p1 v1  }
0xd3: {  	v1 =	vld @!p1 [tilespmem:s26+$0x130];
	_ =	sdelay $0x4  }
0xd4: {  	v2 =	vand.u32 @!p1 $0xFFFF, v1;
	v1 =	vshrl.u32 @!p1 v1, $0x10  }
0xd5: {  	[tilespmem:$0x2830] =	vst @!p1 v2  }
0xd6: {  	[tilespmem:$0x2930] =	vst @!p1 v1  }
0xd7: {  	v1 =	vld @!p1 [tilespmem:s26+$0x140];
	_ =	sdelay $0x4  }
0xd8: {  	v2 =	vand.u32 @!p1 $0xFFFF, v1;
	v1 =	vshrl.u32 @!p1 v1, $0x10  }
0xd9: {  	[tilespmem:$0x2840] =	vst @!p1 v2  }
0xda: {  	[tilespmem:$0x2940] =	vst @!p1 v1  }
0xdb: {  	v1 =	vld @!p1 [tilespmem:s26+$0x150];
	_ =	sdelay $0x4  }
0xdc: {  	v2 =	vand.u32 @!p1 $0xFFFF, v1;
	v1 =	vshrl.u32 @!p1 v1, $0x10  }
0xdd: {  	[tilespmem:$0x2850] =	vst @!p1 v2  }
0xde: {  	s29 =	simm.s32 @!p1 $0x80;
	s30 =	simm.s32 @!p1 $0x2800;
	s31 =	simm.s32 @!p1 $0x2A00;
	[tilespmem:$0x2950] =	vst @!p1 v1  }
0xdf: {  	v1 =	vld @!p1 [tilespmem:s26+$0x160];
	_ =	sdelay $0x1  }
.Ltmp1:
0xe0: {  	(pc) =	sbr.rel @p0 .LBB2_4-.Ltmp1, $3  }
0xe1: {  	_ =	sdelay $0x1  }
0xe2: {  	v2 =	vand.u32 @!p1 $0xFFFF, v1;
	v1 =	vshrl.u32 @!p1 v1, $0x10  }
0xe3: {  	[tilespmem:$0x2860] =	vst @!p1 v2  }
0xe4: {  	[tilespmem:$0x2960] =	vst @!p1 v1  }
0xe5: {  	v1 =	vld @!p1 [tilespmem:s26+$0x170];
	_ =	sdelay $0x4  }
0xe6: {  	v2 =	vand.u32 @!p1 $0xFFFF, v1  }
0xe7: {  	v1 =	vshrl.u32 @!p1 v1, $0x10;
	[tilespmem:$0x2870] =	vst @!p1 v2  }
0xe8: {  	[tilespmem:$0x2970] =	vst @!p1 v1  }
0xe9: {  	[tilespmem:s31], [sflag:$0x1] =	stream.indirect.gather @!p1 [hbm4b:s4+s29], $0x80, s30, s29, $0xb8;
	[tilespmem:$0x1E600] =	vst v63  }
0xea: {  	_ =	swait.ge [sflag:s21], $0x4000  }
0xeb: {  	[sflag:s21] =	ssyncset.done $0x0  }
0xec: {  	[sflag:s21] =	ssyncadd.s32 $0xFFFFC000  }
0xed: {  	[spmem:s2] =	stream.indirect.scatter.add.f32 [tilespmem:s18], [sflag:$0x3], $0x80, s22, s15, $0xb8;
	[tilespmem:$0x1E600] =	vst v63  }
0xee: {  	_ =	swait.ge [sflag:s13], $0x4000  }
0xef: {  	s24 =	sadd.s32 $0x1, s24;
	[sflag:s13] =	ssyncset.done $0x0  }
0xf0: {  	p0 =	sne.s32 s24, s12;
	[sflag:s13] =	ssyncadd.s32 $0xFFFFC000  }
.Ltmp2:
0xf1: {  	s25 =	sshrl.u32 s5, $0x3;
	[bflag:$0x0] =	sbarrier.arrive $0xFFFF;
	(pc) =	sbr.rel @p0 .LBB2_1-.Ltmp2, $4  }
0xf2: {  	[hbm:s11], [sflag:s23] =	dma.local [spmem:s25], $0x2780  }
0xf3: {  	_ =	swait.ge [sflag:s13], $0x2780  }
0xf4: {  	[sflag:s13] =	ssyncset.done $0x0  }
0xf5: {  	[sflag:s13] =	ssyncadd.s32 $0xFFFFD880  }
0xf6: {  	_ =	sfence.sel $0x180000  }
0xf7: {  	[bflag:$0x0] =	sbarrier.arrive $0xFFFF  }
0xf8: {  	p0 =	sne.s32 s0, $0x0;
	_ =	strace $0x9000004D  }
0xf9: {  	s0 =	sadd.s32 @!p0 $0x100000, s1;
	[bflag:$0x2] =	sbarrier.arrive $0xFFFF  }
0xfa: {  	[sflag:s0] =	ssyncadd.tile.s32 @!p0 $0x1;
	_ =	shalt  }
.Lfunc_end2:
_tile_overlayer_lowered:
.L_overlay_start_2:
0xfb: {  	(tag) =	ssettag $0x2  }
0xfc: {  	s0 =	rddreg [dreg:$0x0];
	s2 =	stileid.u32  }
0xfd: {  	s1 =	rddreg [dreg:$0x1];
	p0 =	sne.s32 s2, $0x0  }
0xfe: {  	s3 =	rddreg [dreg:$0x2];
	[bflag:$0x3] =	sbarrier.arrive $0xFFFF;
	s2 =	simm.s32 @!p0 $0x1C03  }
0xff: {  	[timem:s3], [sflag:s2] =	dma.local @!p0 [hbm:s0], s1  }
0x100: {  	s0 =	simm.s32 @!p0 $0x3  }
0x101: {  	_ =	swait.ge @!p0 [sflag:s0], s1  }
0x102: {  	s1 =	ssub.s32 @!p0 $0x0, s1;
	[sflag:s0] =	ssyncset.done @!p0 $0x0  }
0x103: {  	[sflag:s0] =	ssyncadd.s32 @!p0 s1  }
0x104: {  	[bflag:$0x3] =	sbarrier.arrive $0xFFFF  }
0x105: {  	_ =	shalt  }

// kernel: kernel.27.cloned.1.call-start
scs
__scs_entry_jumppad:
0x0: {  	(pc) =	sbr.rel $0x88, $3  }
0x1: {  	(tag) =	ssettag $0x0;
	lr =	simm.s32 $0x1  }
0x2: {  	[smem:$0x3F8D] =	sst lr;
	_ =	strace $0xD0000000  }
0x3: {  	_ = 	snop  }
0x4: {  	_ = 	snop  }
0x5: {  	_ = 	snop  }
0x6: {  	_ = 	snop  }
0x7: {  	_ = 	snop  }
__scs_overlays_trampoline_lowered:
0x8: {  	[smem:$0x3F9C] =	sst s0  }
0x9: {  	[smem:$0x3F9D] =	sst s1  }
0xa: {  	[smem:$0x3F9E] =	sst s2  }
0xb: {  	[smem:$0x3F9F] =	sst s3  }
0xc: {  	[smem:$0x3FA0] =	sst s4  }
0xd: {  	[smem:$0x3FA1] =	sst s5  }
0xe: {  	[smem:$0x3FA2] =	sst s6  }
0xf: {  	[smem:$0x3FA3] =	sst s7  }
0x10: {  	[smem:$0x3FA4] =	sst s8  }
0x11: {  	[smem:$0x3FA5] =	sst s9;
	s0 =	simm.s32 @!p0 $0x0  }
0x12: {  	s1 =	sld [smem:$0x3F8B];
	s0 =	simm.s32 @p0 $0x1  }
0x13: {  	[smem:$0x3FA6] =	sst s0;
	s0 =	simm.s32 @!p1 $0x0  }
0x14: {  	s2 =	sld [smem:$0x3F8A];
	s0 =	simm.s32 @p1 $0x1  }
0x15: {  	[smem:$0x3FA7] =	sst s0;
	s0 =	simm.s32 @!p2 $0x0  }
0x16: {  	s3 =	sld [smem:$0x3FDB];
	s0 =	simm.s32 @p2 $0x1  }
0x17: {  	s4 =	simm.s32 $0x1BF5;
	[smem:$0x3FA9] =	sst s0  }
0x18: {  	s0 =	sld [smem:$0x3F8C];
	_ =	swait.ge [sflag:s4], $0x0  }
0x19: {  	s7 =	sld [smem:$0x3F8D]  }
0x1a: {  	s8 =	sadd.s32 $0xFFFFE003, lr  }
0x1b: {  	s9 =	sadd.s32 $0xFFFFFEF7, lr;
	s5 =	simm.s32 $0xFFFFFFFF;
	p2 =	slt.u32 s8, $0xFFFFF086  }
0x1c: {  	p1 =	slt.u32 s9, $0xF7A;
	s5 =	simm.s32 @!p2 $0x0  }
0x1d: {  	s5 =	simm.s32 @p1 $0x1;
	p0 =	seq.s32 s7, s2  }
0x1e: {  	s7 =	smul.u32 @!p0 $0xF7A, s2;
	p2 =	seq.s32 @!p0 s5, $0x0  }
0x1f: {  	s9 =	smul.u32 $0xF7A, s1;
	s8 =	simm.s32 @!p0 $0x1BF5;
	p2 =	por !p2, p0  }
0x20: {  	[sflag:s8] =	ssyncset.s32 @!p0 $0xFFFFF086;
	s6 =	sadd.s32 @!p0 s3, s7;
	s7 =	simm.s32 @!p0 $0x108  }
0x21: {  	s3 =	sadd.s32 s3, s9;
	s6 =	sadd.s32 @!p0 $0x88, s6;
	s7 =	simm.s32 @p2 $0x1082  }
0x22: {  	[simem:s7], [sflag:s8] =	dma.local @!p0 [hbm:s6], $0xF7A  }
0x23: {  	s9 =	sor.u32 $0xD0000000, s2;
	s6 =	simm.s32 $0x108;
	_ =	swait.ge @!p0 [sflag:s8], $0x0  }
0x24: {  	s3 =	sadd.s32 $0x88, s3;
	s6 =	simm.s32 @!p1 $0x1082;
	[sflag:s4] =	ssyncset.s32 $0xFFFFF086  }
0x25: {  	[simem:s6], [sflag:s4] =	dma.local [hbm:s3], $0xF7A  }
0x26: {  	[smem:$0x3F8D] =	sst s1;
	(tag) =	ssettag s2;
	_ =	strace s9  }
0x27: {  	s1 =	sld [smem:$0x3F9D]  }
0x28: {  	s2 =	sld [smem:$0x3F9E]  }
0x29: {  	s4 =	sld [smem:$0x3FA0]  }
0x2a: {  	p0 =	seq.s32 s5, $0x0;
	s5 =	sld [smem:$0x3FA1]  }
0x2b: {  	s6 =	sld [smem:$0x3FA2]  }
0x2c: {  	s7 =	sld [smem:$0x3FA3]  }
0x2d: {  	s3 =	simm.s32 $0x108;
	s8 =	sld [smem:$0x3FA4]  }
0x2e: {  	s3 =	simm.s32 @!p0 $0x1082;
	s9 =	sld [smem:$0x3FA5]  }
0x2f: {  	lr =	sadd.s32 s0, s3;
	s0 =	sld [smem:$0x3F9C]  }
0x30: {  	s3 =	sld [smem:$0x3F9F]  }
0x31: {  	[smem:$0x3FA8] =	sst s10  }
0x32: {  	s10 =	sld [smem:$0x3FA6];
	_ =	sdelay $0x3  }
0x33: {  	p0 =	seq.s32 s10, $0x1;
	s10 =	sld [smem:$0x3FA8];
	_ =	sdelay $0x3  }
0x34: {  	[smem:$0x3FA8] =	sst s10  }
0x35: {  	s10 =	sld [smem:$0x3FA7];
	_ =	sdelay $0x3  }
0x36: {  	p1 =	seq.s32 s10, $0x1;
	s10 =	sld [smem:$0x3FA8];
	_ =	sdelay $0x3  }
0x37: {  	[smem:$0x3FA8] =	sst s10  }
0x38: {  	s10 =	sld [smem:$0x3FA9]  }
0x39: {  	_ = 	snop;
	(pc) =	sbr.ind lr, $3  }
0x3a: {  	_ = 	snop  }
0x3b: {  	_ = 	snop  }
0x3c: {  	p2 =	seq.s32 s10, $0x1;
	s10 =	sld [smem:$0x3FA8]  }
0x3d: {  	_ =	shalt  }
0x3e: {  	_ =	shalt  }
0x3f: {  	_ =	shalt  }
0x40: {  	_ =	shalt  }
0x41: {  	_ =	shalt  }
0x42: {  	_ =	shalt  }
0x43: {  	_ =	shalt  }
0x44: {  	_ =	shalt  }
0x45: {  	_ =	shalt  }
0x46: {  	_ =	shalt  }
0x47: {  	_ =	shalt  }
0x48: {  	_ =	shalt  }
0x49: {  	_ =	shalt  }
0x4a: {  	_ =	shalt  }
0x4b: {  	_ =	shalt  }
0x4c: {  	_ =	shalt  }
0x4d: {  	_ =	shalt  }
0x4e: {  	_ =	shalt  }
0x4f: {  	_ =	shalt  }
0x50: {  	_ =	shalt  }
0x51: {  	_ =	shalt  }
0x52: {  	_ =	shalt  }
0x53: {  	_ =	shalt  }
0x54: {  	_ =	shalt  }
0x55: {  	_ =	shalt  }
0x56: {  	_ =	shalt  }
0x57: {  	_ =	shalt  }
0x58: {  	_ =	shalt  }
0x59: {  	_ =	shalt  }
0x5a: {  	_ =	shalt  }
0x5b: {  	_ =	shalt  }
0x5c: {  	_ =	shalt  }
0x5d: {  	_ =	shalt  }
0x5e: {  	_ =	shalt  }
0x5f: {  	_ =	shalt  }
0x60: {  	_ =	shalt  }
0x61: {  	_ =	shalt  }
0x62: {  	_ =	shalt  }
0x63: {  	_ =	shalt  }
0x64: {  	_ =	shalt  }
0x65: {  	_ =	shalt  }
0x66: {  	_ =	shalt  }
0x67: {  	_ =	shalt  }
0x68: {  	_ =	shalt  }
0x69: {  	_ =	shalt  }
0x6a: {  	_ =	shalt  }
0x6b: {  	_ =	shalt  }
0x6c: {  	_ =	shalt  }
0x6d: {  	_ =	shalt  }
0x6e: {  	_ =	shalt  }
0x6f: {  	_ =	shalt  }
0x70: {  	_ =	shalt  }
0x71: {  	_ =	shalt  }
0x72: {  	_ =	shalt  }
0x73: {  	_ =	shalt  }
0x74: {  	_ =	shalt  }
0x75: {  	_ =	shalt  }
0x76: {  	_ =	shalt  }
0x77: {  	_ =	shalt  }
0x78: {  	_ =	shalt  }
0x79: {  	_ =	shalt  }
0x7a: {  	_ =	shalt  }
0x7b: {  	_ =	shalt  }
0x7c: {  	_ =	shalt  }
0x7d: {  	_ =	shalt  }
0x7e: {  	_ =	shalt  }
0x7f: {  	_ =	shalt  }
0x80: {  	_ =	shalt  }
0x81: {  	_ =	shalt  }
0x82: {  	_ =	shalt  }
0x83: {  	_ =	shalt  }
0x84: {  	_ =	shalt  }
0x85: {  	_ =	shalt  }
0x86: {  	_ =	shalt  }
0x87: {  	_ =	shalt  }
.Lfunc_end0:
.L_simem_size_0:
called_computation.3_lowered:
.L_overlay_start_0:
0x88: {  	s2 =	sld [smem:$0x3FD9]  }
0x89: {  	s3 =	sld [smem:$0x3FFE];
	_ =	sdelay $0x1  }
0x8a: {  	s1 =	srdreg.scid  }
0x8b: {  	s0 =	sand.u32 $0x1, s1  }
0x8c: {  	s16 =	sshll.u32 s0, $0xA;
	s2 =	sadd.s32 s3, s2  }
0x8d: {  	s2 =	sadd.s32 s2, s16  }
0x8e: {  	[smem:$0x3FB4] =	sst s2  }
0x8f: {  	_ = 	snop  }
0x90: {  	(tm) =	ssettm $0x1  }
0x91: {  	s17 =	sld [smem:$0x3FFB];
	_ =	sdelay $0x3  }
0x92: {  	_ =	strace s17  }
0x93: {  	s2 =	sld [smem:$0x3FFC];
	_ =	sdelay $0x3  }
0x94: {  	_ =	strace s2  }
0x95: {  	s2 =	sld [smem:$0x3FFD];
	_ =	sdelay $0x3  }
0x96: {  	_ =	strace s2  }
0x97: {  	_ =	strace $0x8FFFFFFF  }
0x98: {  	s18 =	sld [smem:$0x3FDB];
	_ =	sdelay $0x1  }
0x99: {  	s19 =	simm.s32 $_scs_section_size  }
0x9a: {  	s4 =	simm.s32 $_size__tile_overlayer_lowered;
	s5 =	simm.s32 $_tile_overlayer_lowered  }
0x9b: {  	s22 =	simm.s32 $0x1BFF;
	s21 =	sshll.u32 s5, $0x1;
	s2 =	sadd.s32 s19, s18  }
0x9c: {  	s6 =	simm.s32 $0x0;
	s20 =	sshll.u32 s4, $0x1;
	s4 =	sadd.s32 s21, s2  }
0x9d: {  	[timem:s6], [sflag:s22] =	dma.local [hbm:s4], s20  }
0x9e: {  	_ =	swait.ge [sflag:s22], s20  }
0x9f: {  	s3 =	ssub.s32 $0x0, s20;
	[sflag:s22] =	ssyncset.done $0x0  }
0xa0: {  	[sflag:s22] =	ssyncadd.s32 s3;
	_ =	sdelay $0x1  }
0xa1: {  	s23 =	simm.s32 $0x1B8B  }
0xa2: {  	_ =	swait.ge [sflag:s23], $0x1  }
0xa3: {  	[sflag:s23] =	ssyncset.done $0x0  }
0xa4: {  	s25 =	simm.s32 $0x1B8E;
	s24 =	sld [smem:$0x3FFE];
	[sflag:s23] =	ssyncadd.s32 $0xFFFFFFFF  }
0xa5: {  	s26 =	simm.s32 $execute0_lowered;
	[smem:$0x3FD2] =	sst s25  }
0xa6: {  	s4 =	sshll.u32 s26, $0x1;
	_ =	strace $0x8000004F;
	[dreg:$0x1] =	wrdreg $0xFFFFFFFF  }
0xa7: {  	s28 =	simm.s32 $_size_execute0_lowered;
	s2 =	sadd.s32 s2, s4;
	[dreg:$0x0] =	wrdreg $0x0  }
0xa8: {  	s4 =	sshll.u32 s28, $0x1;
	[dreg:$0x2] =	wrdreg s2  }
0xa9: {  	[dreg:$0x3] =	wrdreg s4  }
0xaa: {  	[dreg:$0x4] =	wrdreg $0xC0  }
0xab: {  	_ =	task [dreg:s6], $0x5FFFF  }
0xac: {  	[dreg:$0x1] =	wrdreg $0xFFFFFFFF  }
0xad: {  	[dreg:$0x0] =	wrdreg $0x60  }
0xae: {  	[dreg:$0x2] =	wrdreg s24  }
0xaf: {  	[dreg:$0x3] =	wrdreg $0xAA000  }
0xb0: {  	[dreg:$0x4] =	wrdreg $0x9  }
0xb1: {  	_ =	task.clear_ibuf [dreg:s6], $0x5FFFF;
	_ =	strace $0x9000004F  }
0xb2: {  	s29 =	simm.s32 $0x9;
	_ =	strace $0x80000051  }
0xb3: {  	_ =	swait.ge [sflag:s29], $0x1  }
0xb4: {  	[sflag:s29] =	ssyncadd.s32 $0xFFFFFFFF  }
0xb5: {  	_ =	strace $0x90000051  }
0xb6: {  	_ =	sfence  }
0xb7: {  	s30 =	sld [smem:$0x0];
	_ =	sdelay $0x2  }
0xb8: {  	s31 =	sshll.u32 s1, $0xD;
	s1 =	sshrl.u32 s1, $0x2  }
0xb9: {  	s3 =	sand.u32 $0x4000, s31;
	s1 =	sadd.s32 s1, s30  }
0xba: {  	s0 =	sor.u32 s3, s0;
	s1 =	sshll.u32 s1, $0x11  }
0xbb: {  	s0 =	sor.u32 s1, s0  }
0xbc: {  	s0 =	sadd.s32 $0x8F2B, s0  }
0xbd: {  	[sflag:s0] =	ssyncadd.remote.s32 $0x1  }
0xbe: {  	_ =	sfence.sel $0xFFFF  }
0xbf: {  	[dreg:$0x0] =	wrdreg $0xFFFFFFFF;
	(pc) =	sbr.abs _section_cstart, $3  }
0xc0: {  	[dreg:$0x1] =	wrdreg $0xFFFFFFFF  }
0xc1: {  	_ =	task.clear_ibuf [dreg:s6], $0x2FFFF;
	_ =	strace $0x9FFFFFFF  }
0xc2: {  	(tm) =	ssettm $0x7FFFFFFF  }
0xc3: {  	_ =	shalt  }
tec
execute0_lowered:
.L_overlay_start_1:
0x0: {  	(tag) =	ssettag $0x1  }
0x1: {  	s6 =	rddreg [dreg:$0x0]  }
0x2: {  	s0 =	srdreg.scid;
	s2 =	rddreg [dreg:$0x1]  }
0x3: {  	s3 =	simm.s32 $0x0;
	s13 =	simm.s32 $0x3;
	s14 =	simm.s32 $0x2A00  }
0x4: {  	s15 =	simm.s32 $0x80;
	s16 =	simm.s32 $0x2800;
	s17 =	simm.s32 $0x2880  }
0x5: {  	s18 =	simm.s32 $0x6A00;
	s19 =	simm.s32 $0x1;
	s20 =	simm.s32 $0x2900  }
0x6: {  	s21 =	simm.s32 $0x2;
	s22 =	simm.s32 $0x2980;
	s5 =	sand.u32 $0x1, s0  }
0x7: {  	s24 =	simm.s32 $0x0;
	s0 =	stileid.u32;
	s8 =	smul.u32 $0x13C000, s5  }
0x8: {  	[smem:$0x7FF] =	sst s3;
	s4 =	sadd.s32 $0xF200, s6;
	s9 =	smul.u32 $0x13C00, s0  }
0x9: {  	s1 =	sshll.u32 s5, $0x4;
	s10 =	smul.u32 $0x4F000, s0;
	s29 =	ssub.s32 $0x2, s5  }
0xa: {  	s23 =	sshll.u32 s0, $0x6;
	s1 =	sor.u32 s0, s1;
	s31 =	sshrl.u32 s29, $0x1  }
0xb: {  	s23 =	sor.u32 $0x1C03, s23;
	s7 =	smul.u32 $0x500, s1;
	s1 =	rddreg [dreg:$0x2]  }
0xc: {  	_ =	strace $0x80000050;
	s8 =	sadd.s32 s9, s8;
	s30 =	sshrl.u32 s10, $0x2  }
0xd: {  	s12 =	ssub.s32 s29, s31;
	s8 =	sshrl.u32 s8, $0x3;
	s5 =	sadd.s32 s30, s2  }
0xe: {  	s12 =	smax.u32 s12, $0x1;
	s7 =	sadd.s32 s7, s6;
	s11 =	sadd.s32 s8, s6  }
0xf: {  	s8 =	sadd.s32 $0x8000, s5;
	s9 =	sadd.s32 $0xC000, s5;
	s10 =	sadd.s32 $0x10000, s5  }
0x10: {  	v0 =	vimm.f32 $0.0e+00;
	s6 =	sadd.s32 $0x5200, s7;
	s7 =	sadd.s32 $0x4000, s5;
	s11 =	sadd.s32 $0x36400, s11  }
.LBB2_1:
0x11: {  	[tilespmem:s3], [sflag:$0x3] =	stream.linear.gather [hbm4b:s6+s3], $0x2800, $0x38;
	[tilespmem:$0x1E600] =	vst v63  }
0x12: {  	_ =	swait.ge [sflag:s13], $0x2800  }
0x13: {  	[sflag:s13] =	ssyncset.done $0x0  }
0x14: {  	s25 =	simm.s32 $0x0;
	s26 =	simm.s32 $0x200;
	[sflag:s13] =	ssyncadd.s32 $0xFFFFD800  }
.LBB2_2:
0x15: {  	p0 =	sne.s32 s26, $0xFE00;
	[tilespmem:s25+$0x2A70] =	vst v0  }
0x16: {  	[tilespmem:s25+$0x2A00] =	vst v0  }
0x17: {  	[tilespmem:s25+$0x2A10] =	vst v0  }
.Ltmp0:
0x18: {  	[tilespmem:s25+$0x2A20] =	vst v0;
	(pc) =	sbr.rel @p0 .LBB2_2-.Ltmp0, $4  }
0x19: {  	[tilespmem:s25+$0x2A30] =	vst v0  }
0x1a: {  	[tilespmem:s25+$0x2A40] =	vst v0  }
0x1b: {  	[tilespmem:s25+$0x2A50] =	vst v0  }
0x1c: {  	[tilespmem:s25+$0x2A60] =	vst v0;
	s25 =	sshra.s32 s26, $0x2;
	s26 =	sadd.s32 $0x200, s26  }
0x1d: {  	[tilespmem:s25+$0x2A70] =	vst v0  }
0x1e: {  	[tilespmem:s25+$0x2A00] =	vst v0  }
0x1f: {  	[tilespmem:s25+$0x2A10] =	vst v0  }
0x20: {  	[tilespmem:s25+$0x2A20] =	vst v0  }
0x21: {  	[tilespmem:s25+$0x2A30] =	vst v0  }
0x22: {  	[tilespmem:s25+$0x2A40] =	vst v0  }
0x23: {  	[tilespmem:s25+$0x2A50] =	vst v0  }
0x24: {  	[tilespmem:s25+$0x2A60] =	vst v0  }
0x25: {  	[spmem:s5] =	stream.linear.scatter [tilespmem:s14], [sflag:$0x3], $0x4000, $0x38;
	[tilespmem:$0x1E600] =	vst v63  }
0x26: {  	_ =	swait.ge [sflag:s13], $0x4000  }
0x27: {  	[sflag:s13] =	ssyncset.done $0x0  }
0x28: {  	[sflag:s13] =	ssyncadd.s32 $0xFFFFC000  }
0x29: {  	[spmem:s7] =	stream.linear.scatter [tilespmem:s14], [sflag:$0x3], $0x4000, $0x38;
	[tilespmem:$0x1E600] =	vst v63  }
0x2a: {  	_ =	swait.ge [sflag:s13], $0x4000  }
0x2b: {  	[sflag:s13] =	ssyncset.done $0x0  }
0x2c: {  	[sflag:s13] =	ssyncadd.s32 $0xFFFFC000  }
0x2d: {  	[spmem:s8] =	stream.linear.scatter [tilespmem:s14], [sflag:$0x3], $0x4000, $0x38;
	[tilespmem:$0x1E600] =	vst v63  }
0x2e: {  	_ =	swait.ge [sflag:s13], $0x4000  }
0x2f: {  	[sflag:s13] =	ssyncset.done $0x0  }
0x30: {  	[sflag:s13] =	ssyncadd.s32 $0xFFFFC000  }
0x31: {  	[spmem:s9] =	stream.linear.scatter [tilespmem:s14], [sflag:$0x3], $0x4000, $0x38;
	[tilespmem:$0x1E600] =	vst v63  }
0x32: {  	_ =	swait.ge [sflag:s13], $0x4000  }
0x33: {  	[sflag:s13] =	ssyncset.done $0x0  }
0x34: {  	[sflag:s13] =	ssyncadd.s32 $0xFFFFC000  }
0x35: {  	[spmem:s10] =	stream.linear.scatter [tilespmem:s14], [sflag:$0x3], $0x3C00, $0x38;
	[tilespmem:$0x1E600] =	vst v63  }
0x36: {  	_ =	swait.ge [sflag:s13], $0x3C00  }
0x37: {  	[sflag:s13] =	ssyncset.done $0x0  }
0x38: {  	[sflag:s13] =	ssyncadd.s32 $0xFFFFC400  }
0x39: {  	[bflag:$0x0] =	sbarrier.arrive $0xFFFF  }
0x3a: {  	v1 =	vld [tilespmem:$0x0];
	_ =	sdelay $0x1  }
0x3b: {  	v2 =	vld [tilespmem:$0x10];
	_ =	sdelay $0x1  }
0x3c: {  	v3 =	vld [tilespmem:$0x20]  }
0x3d: {  	v4 =	vand.u32 $0xFFFF, v1  }
0x3e: {  	v62 =	vld [tilespmem:$0x30];
	v1 =	vshrl.u32 v1, $0x10;
	[tilespmem:$0x2800] =	vst v4  }
0x3f: {  	[tilespmem:$0x2900] =	vst v1;
	v1 =	vand.u32 $0xFFFF, v2  }
0x40: {  	[tilespmem:$0x2810] =	vst v1;
	v1 =	vshrl.u32 v2, $0x10;
	v2 =	vld [tilespmem:$0x40]  }
0x41: {  	[tilespmem:$0x2910] =	vst v1;
	v1 =	vand.u32 $0xFFFF, v3  }
0x42: {  	[tilespmem:$0x2820] =	vst v1;
	v1 =	vshrl.u32 v3, $0x10;
	v3 =	vld [tilespmem:$0x50]  }
0x43: {  	[tilespmem:$0x2920] =	vst v1;
	v1 =	vand.u32 $0xFFFF, v62  }
0x44: {  	v63 =	vld [tilespmem:$0x60];
	[tilespmem:$0x2830] =	vst v1;
	v1 =	vshrl.u32 v62, $0x10  }
0x45: {  	[tilespmem:$0x2930] =	vst v1;
	v1 =	vand.u32 $0xFFFF, v2  }
0x46: {  	[tilespmem:$0x2840] =	vst v1;
	v1 =	vshrl.u32 v2, $0x10;
	v2 =	vld [tilespmem:$0x70]  }
0x47: {  	[tilespmem:$0x2940] =	vst v1;
	v1 =	vand.u32 $0xFFFF, v3  }
0x48: {  	[tilespmem:$0x2850] =	vst v1;
	v1 =	vshrl.u32 v3, $0x10  }
0x49: {  	[tilespmem:$0x2950] =	vst v1;
	v1 =	vand.u32 $0xFFFF, v63  }
0x4a: {  	[tilespmem:$0x2860] =	vst v1;
	v1 =	vshrl.u32 v63, $0x10  }
0x4b: {  	[tilespmem:$0x2960] =	vst v1;
	v1 =	vand.u32 $0xFFFF, v2  }
0x4c: {  	[tilespmem:$0x2870] =	vst v1;
	v1 =	vshrl.u32 v2, $0x10  }
0x4d: {  	s28 =	simm.s32 $0x0;
	[tilespmem:$0x2970] =	vst v1  }
0x4e: {  	[tilespmem:s14], [sflag:$0x1] =	stream.indirect.gather [hbm4b:s4+s15], $0x80, s16, s15, $0xb8;
	[tilespmem:$0x1E600] =	vst v63  }
0x4f: {  	v1 =	vld [tilespmem:s28+$0x80];
	_ =	sdelay $0x4  }
0x50: {  	v2 =	vand.u32 $0xFFFF, v1  }
0x51: {  	v1 =	vshrl.u32 v1, $0x10;
	[tilespmem:$0x2880] =	vst v2  }
0x52: {  	[tilespmem:$0x2980] =	vst v1  }
0x53: {  	v1 =	vld [tilespmem:s28+$0x90];
	_ =	sdelay $0x4  }
0x54: {  	v2 =	vand.u32 $0xFFFF, v1  }
0x55: {  	v1 =	vshrl.u32 v1, $0x10;
	[tilespmem:$0x2890] =	vst v2  }
0x56: {  	[tilespmem:$0x2990] =	vst v1  }
0x57: {  	v1 =	vld [tilespmem:s28+$0xA0];
	_ =	sdelay $0x4  }
0x58: {  	v2 =	vand.u32 $0xFFFF, v1  }
0x59: {  	v1 =	vshrl.u32 v1, $0x10;
	[tilespmem:$0x28A0] =	vst v2  }
0x5a: {  	[tilespmem:$0x29A0] =	vst v1  }
0x5b: {  	v1 =	vld [tilespmem:s28+$0xB0];
	_ =	sdelay $0x4  }
0x5c: {  	v2 =	vand.u32 $0xFFFF, v1  }
0x5d: {  	v1 =	vshrl.u32 v1, $0x10;
	[tilespmem:$0x28B0] =	vst v2  }
0x5e: {  	[tilespmem:$0x29B0] =	vst v1  }
0x5f: {  	v1 =	vld [tilespmem:s28+$0xC0];
	_ =	sdelay $0x4  }
0x60: {  	v2 =	vand.u32 $0xFFFF, v1  }
0x61: {  	v1 =	vshrl.u32 v1, $0x10;
	[tilespmem:$0x28C0] =	vst v2  }
0x62: {  	[tilespmem:$0x29C0] =	vst v1  }
0x63: {  	v1 =	vld [tilespmem:s28+$0xD0];
	_ =	sdelay $0x4  }
0x64: {  	v2 =	vand.u32 $0xFFFF, v1  }
0x65: {  	v1 =	vshrl.u32 v1, $0x10;
	[tilespmem:$0x28D0] =	vst v2  }
0x66: {  	[tilespmem:$0x29D0] =	vst v1  }
0x67: {  	v1 =	vld [tilespmem:s28+$0xE0];
	_ =	sdelay $0x4  }
0x68: {  	v2 =	vand.u32 $0xFFFF, v1  }
0x69: {  	v1 =	vshrl.u32 v1, $0x10;
	[tilespmem:$0x28E0] =	vst v2  }
0x6a: {  	[tilespmem:$0x29E0] =	vst v1  }
0x6b: {  	v1 =	vld [tilespmem:s28+$0xF0];
	_ =	sdelay $0x4  }
0x6c: {  	v2 =	vand.u32 $0xFFFF, v1  }
0x6d: {  	v1 =	vshrl.u32 v1, $0x10;
	[tilespmem:$0x28F0] =	vst v2  }
0x6e: {  	[tilespmem:$0x29F0] =	vst v1  }
0x6f: {  	[tilespmem:s18], [sflag:$0x2] =	stream.indirect.gather [hbm4b:s4+s15], $0x80, s17, s15, $0xb8;
	[tilespmem:$0x1E600] =	vst v63  }
0x70: {  	_ =	swait.ge [sflag:s19], $0x4000  }
0x71: {  	[sflag:s19] =	ssyncset.done $0x0  }
0x72: {  	[sflag:s19] =	ssyncadd.s32 $0xFFFFC000  }
0x73: {  	[spmem:s2] =	stream.indirect.scatter.add.f32 [tilespmem:s14], [sflag:$0x3], $0x80, s20, s15, $0xb8;
	[tilespmem:$0x1E600] =	vst v63  }
0x74: {  	_ =	swait.ge [sflag:s13], $0x4000  }
0x75: {  	p1 =	por $0x0, $0x0;
	[sflag:s13] =	ssyncset.done $0x0  }
0x76: {  	s26 =	simm.s32 @!p1 $0x0;
	[sflag:s13] =	ssyncadd.s32 $0xFFFFC000  }
0x77: {  	v1 =	vld @!p1 [tilespmem:s26+$0x100];
	_ =	sdelay $0x4  }
0x78: {  	v2 =	vand.u32 @!p1 $0xFFFF, v1  }
0x79: {  	v1 =	vshrl.u32 @!p1 v1, $0x10;
	[tilespmem:$0x2800] =	vst @!p1 v2  }
0x7a: {  	[tilespmem:$0x2900] =	vst @!p1 v1  }
0x7b: {  	v1 =	vld @!p1 [tilespmem:s26+$0x110];
	_ =	sdelay $0x4  }
0x7c: {  	v2 =	vand.u32 @!p1 $0xFFFF, v1  }
0x7d: {  	v1 =	vshrl.u32 @!p1 v1, $0x10;
	[tilespmem:$0x2810] =	vst @!p1 v2  }
0x7e: {  	[tilespmem:$0x2910] =	vst @!p1 v1  }
0x7f: {  	v1 =	vld @!p1 [tilespmem:s26+$0x120];
	_ =	sdelay $0x4  }
0x80: {  	v2 =	vand.u32 @!p1 $0xFFFF, v1  }
0x81: {  	v1 =	vshrl.u32 @!p1 v1, $0x10;
	[tilespmem:$0x2820] =	vst @!p1 v2  }
0x82: {  	[tilespmem:$0x2920] =	vst @!p1 v1  }
0x83: {  	v1 =	vld @!p1 [tilespmem:s26+$0x130];
	_ =	sdelay $0x4  }
0x84: {  	v2 =	vand.u32 @!p1 $0xFFFF, v1  }
0x85: {  	v1 =	vshrl.u32 @!p1 v1, $0x10;
	[tilespmem:$0x2830] =	vst @!p1 v2  }
0x86: {  	[tilespmem:$0x2930] =	vst @!p1 v1  }
0x87: {  	v1 =	vld @!p1 [tilespmem:s26+$0x140];
	_ =	sdelay $0x4  }
0x88: {  	v2 =	vand.u32 @!p1 $0xFFFF, v1  }
0x89: {  	v1 =	vshrl.u32 @!p1 v1, $0x10;
	[tilespmem:$0x2840] =	vst @!p1 v2  }
0x8a: {  	[tilespmem:$0x2940] =	vst @!p1 v1  }
0x8b: {  	v1 =	vld @!p1 [tilespmem:s26+$0x150];
	_ =	sdelay $0x4  }
0x8c: {  	v2 =	vand.u32 @!p1 $0xFFFF, v1  }
0x8d: {  	v1 =	vshrl.u32 @!p1 v1, $0x10;
	[tilespmem:$0x2850] =	vst @!p1 v2  }
0x8e: {  	[tilespmem:$0x2950] =	vst @!p1 v1  }
0x8f: {  	v1 =	vld @!p1 [tilespmem:s26+$0x160];
	_ =	sdelay $0x4  }
0x90: {  	s25 =	simm.s32 $0x400;
	v2 =	vand.u32 @!p1 $0xFFFF, v1  }
0x91: {  	s29 =	simm.s32 @!p1 $0x80;
	s30 =	simm.s32 @!p1 $0x2800;
	s31 =	simm.s32 @!p1 $0x2A00;
	v1 =	vshrl.u32 @!p1 v1, $0x10;
	[tilespmem:$0x2860] =	vst @!p1 v2  }
.LBB2_4:
0x92: {  	[tilespmem:$0x2960] =	vst @!p1 v1;
	s28 =	smov.u32 s25;
	s25 =	sadd.s32 $0x400, s25  }
0x93: {  	p0 =	sne.s32 s25, $0xA000;
	v1 =	vld @!p1 [tilespmem:s26+$0x170];
	_ =	sdelay $0x4  }
0x94: {  	v2 =	vand.u32 @!p1 $0xFFFF, v1;
	v1 =	vshrl.u32 @!p1 v1, $0x10  }
0x95: {  	[tilespmem:$0x2870] =	vst @!p1 v2  }
0x96: {  	[tilespmem:$0x2970] =	vst @!p1 v1  }
0x97: {  	[tilespmem:s31], [sflag:$0x1] =	stream.indirect.gather @!p1 [hbm4b:s4+s29], $0x80, s30, s29, $0xb8;
	[tilespmem:$0x1E600] =	vst v63  }
0x98: {  	_ =	swait.ge [sflag:s21], $0x4000  }
0x99: {  	[sflag:s21] =	ssyncset.done $0x0  }
0x9a: {  	[sflag:s21] =	ssyncadd.s32 $0xFFFFC000  }
0x9b: {  	[spmem:s2] =	stream.indirect.scatter.add.f32 [tilespmem:s18], [sflag:$0x3], $0x80, s22, s15, $0xb8;
	[tilespmem:$0x1E600] =	vst v63  }
0x9c: {  	_ =	swait.ge [sflag:s13], $0x4000  }
0x9d: {  	[sflag:s13] =	ssyncset.done $0x0  }
0x9e: {  	s26 =	sshra.s32 s28, $0x2;
	[sflag:s13] =	ssyncadd.s32 $0xFFFFC000  }
0x9f: {  	v1 =	vld [tilespmem:s26+$0x80];
	_ =	sdelay $0x4  }
0xa0: {  	v2 =	vand.u32 $0xFFFF, v1;
	v1 =	vshrl.u32 v1, $0x10  }
0xa1: {  	[tilespmem:$0x2880] =	vst v2  }
0xa2: {  	[tilespmem:$0x2980] =	vst v1  }
0xa3: {  	v1 =	vld [tilespmem:s26+$0x90];
	_ =	sdelay $0x4  }
0xa4: {  	v2 =	vand.u32 $0xFFFF, v1;
	v1 =	vshrl.u32 v1, $0x10  }
0xa5: {  	[tilespmem:$0x2890] =	vst v2  }
0xa6: {  	[tilespmem:$0x2990] =	vst v1  }
0xa7: {  	v1 =	vld [tilespmem:s26+$0xA0];
	_ =	sdelay $0x4  }
0xa8: {  	v2 =	vand.u32 $0xFFFF, v1;
	v1 =	vshrl.u32 v1, $0x10  }
0xa9: {  	[tilespmem:$0x28A0] =	vst v2  }
0xaa: {  	[tilespmem:$0x29A0] =	vst v1  }
0xab: {  	v1 =	vld [tilespmem:s26+$0xB0];
	_ =	sdelay $0x4  }
0xac: {  	v2 =	vand.u32 $0xFFFF, v1;
	v1 =	vshrl.u32 v1, $0x10  }
0xad: {  	[tilespmem:$0x28B0] =	vst v2  }
0xae: {  	[tilespmem:$0x29B0] =	vst v1  }
0xaf: {  	v1 =	vld [tilespmem:s26+$0xC0];
	_ =	sdelay $0x4  }
0xb0: {  	v2 =	vand.u32 $0xFFFF, v1;
	v1 =	vshrl.u32 v1, $0x10  }
0xb1: {  	[tilespmem:$0x28C0] =	vst v2  }
0xb2: {  	[tilespmem:$0x29C0] =	vst v1  }
0xb3: {  	v1 =	vld [tilespmem:s26+$0xD0];
	_ =	sdelay $0x4  }
0xb4: {  	v2 =	vand.u32 $0xFFFF, v1;
	v1 =	vshrl.u32 v1, $0x10  }
0xb5: {  	[tilespmem:$0x28D0] =	vst v2  }
0xb6: {  	[tilespmem:$0x29D0] =	vst v1  }
0xb7: {  	v1 =	vld [tilespmem:s26+$0xE0];
	_ =	sdelay $0x4  }
0xb8: {  	v2 =	vand.u32 $0xFFFF, v1;
	v1 =	vshrl.u32 v1, $0x10  }
0xb9: {  	[tilespmem:$0x28E0] =	vst v2  }
0xba: {  	[tilespmem:$0x29E0] =	vst v1  }
0xbb: {  	v1 =	vld [tilespmem:s26+$0xF0];
	_ =	sdelay $0x4  }
0xbc: {  	v2 =	vand.u32 $0xFFFF, v1;
	v1 =	vshrl.u32 v1, $0x10  }
0xbd: {  	p1 =	seq.s32 s28, $0x9C00;
	[tilespmem:$0x28F0] =	vst v2  }
0xbe: {  	s26 =	sshra.s32 @!p1 s28, $0x2;
	[tilespmem:$0x29F0] =	vst v1  }
0xbf: {  	[tilespmem:s18], [sflag:$0x2] =	stream.indirect.gather [hbm4b:s4+s15], $0x80, s17, s15, $0xb8;
	[tilespmem:$0x1E600] =	vst v63  }
0xc0: {  	_ =	swait.ge [sflag:s19], $0x4000  }
0xc1: {  	[sflag:s19] =	ssyncset.done $0x0  }
0xc2: {  	[sflag:s19] =	ssyncadd.s32 $0xFFFFC000  }
0xc3: {  	[spmem:s2] =	stream.indirect.scatter.add.f32 [tilespmem:s14], [sflag:$0x3], $0x80, s20, s15, $0xb8;
	[tilespmem:$0x1E600] =	vst v63  }
0xc4: {  	_ =	swait.ge [sflag:s13], $0x4000  }
0xc5: {  	[sflag:s13] =	ssyncset.done $0x0  }
0xc6: {  	[sflag:s13] =	ssyncadd.s32 $0xFFFFC000  }
0xc7: {  	v1 =	vld @!p1 [tilespmem:s26+$0x100];
	_ =	sdelay $0x4  }
0xc8: {  	v2 =	vand.u32 @!p1 $0xFFFF, v1;
	v1 =	vshrl.u32 @!p1 v1, $0x10  }
0xc9: {  	[tilespmem:$0x2800] =	vst @!p1 v2  }
0xca: {  	[tilespmem:$0x2900] =	vst @!p1 v1  }
0xcb: {  	v1 =	vld @!p1 [tilespmem:s26+$0x110];
	_ =	sdelay $0x4  }
0xcc: {  	v2 =	vand.u32 @!p1 $0xFFFF, v1;
	v1 =	vshrl.u32 @!p1 v1, $0x10  }
0xcd: {  	[tilespmem:$0x2810] =	vst @!p1 v2  }
0xce: {  	[tilespmem:$0x2910] =	vst @!p1 v1  }
0xcf: {  	v1 =	vld @!p1 [tilespmem:s26+$0x120];
	_ =	sdelay $0x4  }
0xd0: {  	v2 =	vand.u32 @!p1 $0xFFFF, v1;
	v1 =	vshrl.u32 @!p1 v1, $0x10  }
0xd1: {  	[tilespmem:$0x2820] =	vst @!p1 v2  }
0xd2: {  	[tilespmem:$0x2920] =	vst @!p1 v1  }
0xd3: {  	v1 =	vld @!p1 [tilespmem:s26+$0x130];
	_ =	sdelay $0x4  }
0xd4: {  	v2 =	vand.u32 @!p1 $0xFFFF, v1;
	v1 =	vshrl.u32 @!p1 v1, $0x10  }
0xd5: {  	[tilespmem:$0x2830] =	vst @!p1 v2  }
0xd6: {  	[tilespmem:$0x2930] =	vst @!p1 v1  }
0xd7: {  	v1 =	vld @!p1 [tilespmem:s26+$0x140];
	_ =	sdelay $0x4  }
0xd8: {  	v2 =	vand.u32 @!p1 $0xFFFF, v1;
	v1 =	vshrl.u32 @!p1 v1, $0x10  }
0xd9: {  	[tilespmem:$0x2840] =	vst @!p1 v2  }
0xda: {  	[tilespmem:$0x2940] =	vst @!p1 v1  }
0xdb: {  	v1 =	vld @!p1 [tilespmem:s26+$0x150];
	_ =	sdelay $0x4  }
0xdc: {  	v2 =	vand.u32 @!p1 $0xFFFF, v1;
	v1 =	vshrl.u32 @!p1 v1, $0x10  }
0xdd: {  	[tilespmem:$0x2850] =	vst @!p1 v2  }
0xde: {  	s29 =	simm.s32 @!p1 $0x80;
	s30 =	simm.s32 @!p1 $0x2800;
	s31 =	simm.s32 @!p1 $0x2A00;
	[tilespmem:$0x2950] =	vst @!p1 v1  }
0xdf: {  	v1 =	vld @!p1 [tilespmem:s26+$0x160];
	_ =	sdelay $0x1  }
.Ltmp1:
0xe0: {  	(pc) =	sbr.rel @p0 .LBB2_4-.Ltmp1, $3  }
0xe1: {  	_ =	sdelay $0x1  }
0xe2: {  	v2 =	vand.u32 @!p1 $0xFFFF, v1;
	v1 =	vshrl.u32 @!p1 v1, $0x10  }
0xe3: {  	[tilespmem:$0x2860] =	vst @!p1 v2  }
0xe4: {  	[tilespmem:$0x2960] =	vst @!p1 v1  }
0xe5: {  	v1 =	vld @!p1 [tilespmem:s26+$0x170];
	_ =	sdelay $0x4  }
0xe6: {  	v2 =	vand.u32 @!p1 $0xFFFF, v1  }
0xe7: {  	v1 =	vshrl.u32 @!p1 v1, $0x10;
	[tilespmem:$0x2870] =	vst @!p1 v2  }
0xe8: {  	[tilespmem:$0x2970] =	vst @!p1 v1  }
0xe9: {  	[tilespmem:s31], [sflag:$0x1] =	stream.indirect.gather @!p1 [hbm4b:s4+s29], $0x80, s30, s29, $0xb8;
	[tilespmem:$0x1E600] =	vst v63  }
0xea: {  	_ =	swait.ge [sflag:s21], $0x4000  }
0xeb: {  	[sflag:s21] =	ssyncset.done $0x0  }
0xec: {  	[sflag:s21] =	ssyncadd.s32 $0xFFFFC000  }
0xed: {  	[spmem:s2] =	stream.indirect.scatter.add.f32 [tilespmem:s18], [sflag:$0x3], $0x80, s22, s15, $0xb8;
	[tilespmem:$0x1E600] =	vst v63  }
0xee: {  	_ =	swait.ge [sflag:s13], $0x4000  }
0xef: {  	s24 =	sadd.s32 $0x1, s24;
	[sflag:s13] =	ssyncset.done $0x0  }
0xf0: {  	p0 =	sne.s32 s24, s12;
	[sflag:s13] =	ssyncadd.s32 $0xFFFFC000  }
.Ltmp2:
0xf1: {  	s25 =	sshrl.u32 s5, $0x3;
	[bflag:$0x0] =	sbarrier.arrive $0xFFFF;
	(pc) =	sbr.rel @p0 .LBB2_1-.Ltmp2, $4  }
0xf2: {  	[hbm:s11], [sflag:s23] =	dma.local [spmem:s25], $0x2780  }
0xf3: {  	_ =	swait.ge [sflag:s13], $0x2780  }
0xf4: {  	[sflag:s13] =	ssyncset.done $0x0  }
0xf5: {  	[sflag:s13] =	ssyncadd.s32 $0xFFFFD880  }
0xf6: {  	_ =	sfence.sel $0x180000  }
0xf7: {  	[bflag:$0x0] =	sbarrier.arrive $0xFFFF  }
0xf8: {  	p0 =	sne.s32 s0, $0x0;
	_ =	strace $0x90000050  }
0xf9: {  	s0 =	sadd.s32 @!p0 $0x100000, s1;
	[bflag:$0x2] =	sbarrier.arrive $0xFFFF  }
0xfa: {  	[sflag:s0] =	ssyncadd.tile.s32 @!p0 $0x1;
	_ =	shalt  }
.Lfunc_end2:
_tile_overlayer_lowered:
.L_overlay_start_2:
0xfb: {  	(tag) =	ssettag $0x2  }
0xfc: {  	s0 =	rddreg [dreg:$0x0];
	s2 =	stileid.u32  }
0xfd: {  	s1 =	rddreg [dreg:$0x1];
	p0 =	sne.s32 s2, $0x0  }
0xfe: {  	s3 =	rddreg [dreg:$0x2];
	[bflag:$0x3] =	sbarrier.arrive $0xFFFF;
	s2 =	simm.s32 @!p0 $0x1C03  }
0xff: {  	[timem:s3], [sflag:s2] =	dma.local @!p0 [hbm:s0], s1  }
0x100: {  	s0 =	simm.s32 @!p0 $0x3  }
0x101: {  	_ =	swait.ge @!p0 [sflag:s0], s1  }
0x102: {  	s1 =	ssub.s32 @!p0 $0x0, s1;
	[sflag:s0] =	ssyncset.done @!p0 $0x0  }
0x103: {  	[sflag:s0] =	ssyncadd.s32 @!p0 s1  }
0x104: {  	[bflag:$0x3] =	sbarrier.arrive $0xFFFF  }
0x105: {  	_ =	shalt  }

// kernel: kernel.30.cloned.1.call-start
scs
__scs_entry_jumppad:
0x0: {  	(pc) =	sbr.rel $0x88, $3  }
0x1: {  	(tag) =	ssettag $0x0;
	lr =	simm.s32 $0x1  }
0x2: {  	[smem:$0x3F8D] =	sst lr;
	_ =	strace $0xD0000000  }
0x3: {  	_ = 	snop  }
0x4: {  	_ = 	snop  }
0x5: {  	_ = 	snop  }
0x6: {  	_ = 	snop  }
0x7: {  	_ = 	snop  }
__scs_overlays_trampoline_lowered:
0x8: {  	[smem:$0x3F9C] =	sst s0  }
0x9: {  	[smem:$0x3F9D] =	sst s1  }
0xa: {  	[smem:$0x3F9E] =	sst s2  }
0xb: {  	[smem:$0x3F9F] =	sst s3  }
0xc: {  	[smem:$0x3FA0] =	sst s4  }
0xd: {  	[smem:$0x3FA1] =	sst s5  }
0xe: {  	[smem:$0x3FA2] =	sst s6  }
0xf: {  	[smem:$0x3FA3] =	sst s7  }
0x10: {  	[smem:$0x3FA4] =	sst s8  }
0x11: {  	[smem:$0x3FA5] =	sst s9;
	s0 =	simm.s32 @!p0 $0x0  }
0x12: {  	s1 =	sld [smem:$0x3F8B];
	s0 =	simm.s32 @p0 $0x1  }
0x13: {  	[smem:$0x3FA6] =	sst s0;
	s0 =	simm.s32 @!p1 $0x0  }
0x14: {  	s2 =	sld [smem:$0x3F8A];
	s0 =	simm.s32 @p1 $0x1  }
0x15: {  	[smem:$0x3FA7] =	sst s0;
	s0 =	simm.s32 @!p2 $0x0  }
0x16: {  	s3 =	sld [smem:$0x3FDB];
	s0 =	simm.s32 @p2 $0x1  }
0x17: {  	s4 =	simm.s32 $0x1BF5;
	[smem:$0x3FA9] =	sst s0  }
0x18: {  	s0 =	sld [smem:$0x3F8C];
	_ =	swait.ge [sflag:s4], $0x0  }
0x19: {  	s7 =	sld [smem:$0x3F8D]  }
0x1a: {  	s8 =	sadd.s32 $0xFFFFE003, lr  }
0x1b: {  	s9 =	sadd.s32 $0xFFFFFEF7, lr;
	s5 =	simm.s32 $0xFFFFFFFF;
	p2 =	slt.u32 s8, $0xFFFFF086  }
0x1c: {  	p1 =	slt.u32 s9, $0xF7A;
	s5 =	simm.s32 @!p2 $0x0  }
0x1d: {  	s5 =	simm.s32 @p1 $0x1;
	p0 =	seq.s32 s7, s2  }
0x1e: {  	s7 =	smul.u32 @!p0 $0xF7A, s2;
	p2 =	seq.s32 @!p0 s5, $0x0  }
0x1f: {  	s9 =	smul.u32 $0xF7A, s1;
	s8 =	simm.s32 @!p0 $0x1BF5;
	p2 =	por !p2, p0  }
0x20: {  	[sflag:s8] =	ssyncset.s32 @!p0 $0xFFFFF086;
	s6 =	sadd.s32 @!p0 s3, s7;
	s7 =	simm.s32 @!p0 $0x108  }
0x21: {  	s3 =	sadd.s32 s3, s9;
	s6 =	sadd.s32 @!p0 $0x88, s6;
	s7 =	simm.s32 @p2 $0x1082  }
0x22: {  	[simem:s7], [sflag:s8] =	dma.local @!p0 [hbm:s6], $0xF7A  }
0x23: {  	s9 =	sor.u32 $0xD0000000, s2;
	s6 =	simm.s32 $0x108;
	_ =	swait.ge @!p0 [sflag:s8], $0x0  }
0x24: {  	s3 =	sadd.s32 $0x88, s3;
	s6 =	simm.s32 @!p1 $0x1082;
	[sflag:s4] =	ssyncset.s32 $0xFFFFF086  }
0x25: {  	[simem:s6], [sflag:s4] =	dma.local [hbm:s3], $0xF7A  }
0x26: {  	[smem:$0x3F8D] =	sst s1;
	(tag) =	ssettag s2;
	_ =	strace s9  }
0x27: {  	s1 =	sld [smem:$0x3F9D]  }
0x28: {  	s2 =	sld [smem:$0x3F9E]  }
0x29: {  	s4 =	sld [smem:$0x3FA0]  }
0x2a: {  	p0 =	seq.s32 s5, $0x0;
	s5 =	sld [smem:$0x3FA1]  }
0x2b: {  	s6 =	sld [smem:$0x3FA2]  }
0x2c: {  	s7 =	sld [smem:$0x3FA3]  }
0x2d: {  	s3 =	simm.s32 $0x108;
	s8 =	sld [smem:$0x3FA4]  }
0x2e: {  	s3 =	simm.s32 @!p0 $0x1082;
	s9 =	sld [smem:$0x3FA5]  }
0x2f: {  	lr =	sadd.s32 s0, s3;
	s0 =	sld [smem:$0x3F9C]  }
0x30: {  	s3 =	sld [smem:$0x3F9F]  }
0x31: {  	[smem:$0x3FA8] =	sst s10  }
0x32: {  	s10 =	sld [smem:$0x3FA6];
	_ =	sdelay $0x3  }
0x33: {  	p0 =	seq.s32 s10, $0x1;
	s10 =	sld [smem:$0x3FA8];
	_ =	sdelay $0x3  }
0x34: {  	[smem:$0x3FA8] =	sst s10  }
0x35: {  	s10 =	sld [smem:$0x3FA7];
	_ =	sdelay $0x3  }
0x36: {  	p1 =	seq.s32 s10, $0x1;
	s10 =	sld [smem:$0x3FA8];
	_ =	sdelay $0x3  }
0x37: {  	[smem:$0x3FA8] =	sst s10  }
0x38: {  	s10 =	sld [smem:$0x3FA9]  }
0x39: {  	_ = 	snop;
	(pc) =	sbr.ind lr, $3  }
0x3a: {  	_ = 	snop  }
0x3b: {  	_ = 	snop  }
0x3c: {  	p2 =	seq.s32 s10, $0x1;
	s10 =	sld [smem:$0x3FA8]  }
0x3d: {  	_ =	shalt  }
0x3e: {  	_ =	shalt  }
0x3f: {  	_ =	shalt  }
0x40: {  	_ =	shalt  }
0x41: {  	_ =	shalt  }
0x42: {  	_ =	shalt  }
0x43: {  	_ =	shalt  }
0x44: {  	_ =	shalt  }
0x45: {  	_ =	shalt  }
0x46: {  	_ =	shalt  }
0x47: {  	_ =	shalt  }
0x48: {  	_ =	shalt  }
0x49: {  	_ =	shalt  }
0x4a: {  	_ =	shalt  }
0x4b: {  	_ =	shalt  }
0x4c: {  	_ =	shalt  }
0x4d: {  	_ =	shalt  }
0x4e: {  	_ =	shalt  }
0x4f: {  	_ =	shalt  }
0x50: {  	_ =	shalt  }
0x51: {  	_ =	shalt  }
0x52: {  	_ =	shalt  }
0x53: {  	_ =	shalt  }
0x54: {  	_ =	shalt  }
0x55: {  	_ =	shalt  }
0x56: {  	_ =	shalt  }
0x57: {  	_ =	shalt  }
0x58: {  	_ =	shalt  }
0x59: {  	_ =	shalt  }
0x5a: {  	_ =	shalt  }
0x5b: {  	_ =	shalt  }
0x5c: {  	_ =	shalt  }
0x5d: {  	_ =	shalt  }
0x5e: {  	_ =	shalt  }
0x5f: {  	_ =	shalt  }
0x60: {  	_ =	shalt  }
0x61: {  	_ =	shalt  }
0x62: {  	_ =	shalt  }
0x63: {  	_ =	shalt  }
0x64: {  	_ =	shalt  }
0x65: {  	_ =	shalt  }
0x66: {  	_ =	shalt  }
0x67: {  	_ =	shalt  }
0x68: {  	_ =	shalt  }
0x69: {  	_ =	shalt  }
0x6a: {  	_ =	shalt  }
0x6b: {  	_ =	shalt  }
0x6c: {  	_ =	shalt  }
0x6d: {  	_ =	shalt  }
0x6e: {  	_ =	shalt  }
0x6f: {  	_ =	shalt  }
0x70: {  	_ =	shalt  }
0x71: {  	_ =	shalt  }
0x72: {  	_ =	shalt  }
0x73: {  	_ =	shalt  }
0x74: {  	_ =	shalt  }
0x75: {  	_ =	shalt  }
0x76: {  	_ =	shalt  }
0x77: {  	_ =	shalt  }
0x78: {  	_ =	shalt  }
0x79: {  	_ =	shalt  }
0x7a: {  	_ =	shalt  }
0x7b: {  	_ =	shalt  }
0x7c: {  	_ =	shalt  }
0x7d: {  	_ =	shalt  }
0x7e: {  	_ =	shalt  }
0x7f: {  	_ =	shalt  }
0x80: {  	_ =	shalt  }
0x81: {  	_ =	shalt  }
0x82: {  	_ =	shalt  }
0x83: {  	_ =	shalt  }
0x84: {  	_ =	shalt  }
0x85: {  	_ =	shalt  }
0x86: {  	_ =	shalt  }
0x87: {  	_ =	shalt  }
.Lfunc_end0:
.L_simem_size_0:
called_computation.4_lowered:
.L_overlay_start_0:
0x88: {  	s2 =	sld [smem:$0x3FD9]  }
0x89: {  	s3 =	sld [smem:$0x3FFE];
	_ =	sdelay $0x1  }
0x8a: {  	s1 =	srdreg.scid  }
0x8b: {  	s0 =	sand.u32 $0x1, s1  }
0x8c: {  	s16 =	sshll.u32 s0, $0xA;
	s2 =	sadd.s32 s3, s2  }
0x8d: {  	s2 =	sadd.s32 s2, s16  }
0x8e: {  	[smem:$0x3FB4] =	sst s2  }
0x8f: {  	_ = 	snop  }
0x90: {  	(tm) =	ssettm $0x1  }
0x91: {  	s17 =	sld [smem:$0x3FFB];
	_ =	sdelay $0x3  }
0x92: {  	_ =	strace s17  }
0x93: {  	s2 =	sld [smem:$0x3FFC];
	_ =	sdelay $0x3  }
0x94: {  	_ =	strace s2  }
0x95: {  	s2 =	sld [smem:$0x3FFD];
	_ =	sdelay $0x3  }
0x96: {  	_ =	strace s2  }
0x97: {  	_ =	strace $0x8FFFFFFF  }
0x98: {  	s18 =	sld [smem:$0x3FDB];
	_ =	sdelay $0x1  }
0x99: {  	s19 =	simm.s32 $_scs_section_size  }
0x9a: {  	s4 =	simm.s32 $_size__tile_overlayer_lowered;
	s5 =	simm.s32 $_tile_overlayer_lowered  }
0x9b: {  	s22 =	simm.s32 $0x1BFF;
	s21 =	sshll.u32 s5, $0x1;
	s2 =	sadd.s32 s19, s18  }
0x9c: {  	s6 =	simm.s32 $0x0;
	s20 =	sshll.u32 s4, $0x1;
	s4 =	sadd.s32 s21, s2  }
0x9d: {  	[timem:s6], [sflag:s22] =	dma.local [hbm:s4], s20  }
0x9e: {  	_ =	swait.ge [sflag:s22], s20  }
0x9f: {  	s3 =	ssub.s32 $0x0, s20;
	[sflag:s22] =	ssyncset.done $0x0  }
0xa0: {  	[sflag:s22] =	ssyncadd.s32 s3;
	_ =	sdelay $0x1  }
0xa1: {  	s23 =	simm.s32 $0x1B8B  }
0xa2: {  	_ =	swait.ge [sflag:s23], $0x1  }
0xa3: {  	[sflag:s23] =	ssyncset.done $0x0  }
0xa4: {  	s25 =	simm.s32 $0x1B8E;
	s24 =	sld [smem:$0x3FFE];
	[sflag:s23] =	ssyncadd.s32 $0xFFFFFFFF  }
0xa5: {  	s26 =	simm.s32 $execute0_lowered;
	[smem:$0x3FD2] =	sst s25  }
0xa6: {  	s4 =	sshll.u32 s26, $0x1;
	_ =	strace $0x80000052;
	[dreg:$0x1] =	wrdreg $0xFFFFFFFF  }
0xa7: {  	s28 =	simm.s32 $_size_execute0_lowered;
	s2 =	sadd.s32 s2, s4;
	[dreg:$0x0] =	wrdreg $0x0  }
0xa8: {  	s4 =	sshll.u32 s28, $0x1;
	[dreg:$0x2] =	wrdreg s2  }
0xa9: {  	[dreg:$0x3] =	wrdreg s4  }
0xaa: {  	[dreg:$0x4] =	wrdreg $0xC0  }
0xab: {  	_ =	task [dreg:s6], $0x5FFFF  }
0xac: {  	[dreg:$0x1] =	wrdreg $0xFFFFFFFF  }
0xad: {  	[dreg:$0x0] =	wrdreg $0x60  }
0xae: {  	[dreg:$0x2] =	wrdreg s24  }
0xaf: {  	[dreg:$0x3] =	wrdreg $0xAA000  }
0xb0: {  	[dreg:$0x4] =	wrdreg $0x9  }
0xb1: {  	_ =	task.clear_ibuf [dreg:s6], $0x5FFFF;
	_ =	strace $0x90000052  }
0xb2: {  	s29 =	simm.s32 $0x9;
	_ =	strace $0x80000054  }
0xb3: {  	_ =	swait.ge [sflag:s29], $0x1  }
0xb4: {  	[sflag:s29] =	ssyncadd.s32 $0xFFFFFFFF  }
0xb5: {  	_ =	strace $0x90000054  }
0xb6: {  	_ =	sfence  }
0xb7: {  	s30 =	sld [smem:$0x0];
	_ =	sdelay $0x2  }
0xb8: {  	s31 =	sshll.u32 s1, $0xD;
	s1 =	sshrl.u32 s1, $0x2  }
0xb9: {  	s3 =	sand.u32 $0x4000, s31;
	s1 =	sadd.s32 s1, s30  }
0xba: {  	s0 =	sor.u32 s3, s0;
	s1 =	sshll.u32 s1, $0x11  }
0xbb: {  	s0 =	sor.u32 s1, s0  }
0xbc: {  	s0 =	sadd.s32 $0x8F2B, s0  }
0xbd: {  	[sflag:s0] =	ssyncadd.remote.s32 $0x1  }
0xbe: {  	_ =	sfence.sel $0xFFFF  }
0xbf: {  	[dreg:$0x0] =	wrdreg $0xFFFFFFFF;
	(pc) =	sbr.abs _section_cstart, $3  }
0xc0: {  	[dreg:$0x1] =	wrdreg $0xFFFFFFFF  }
0xc1: {  	_ =	task.clear_ibuf [dreg:s6], $0x2FFFF;
	_ =	strace $0x9FFFFFFF  }
0xc2: {  	(tm) =	ssettm $0x7FFFFFFF  }
0xc3: {  	_ =	shalt  }
tec
execute0_lowered:
.L_overlay_start_1:
0x0: {  	(tag) =	ssettag $0x1  }
0x1: {  	s6 =	rddreg [dreg:$0x0]  }
0x2: {  	s0 =	srdreg.scid;
	s2 =	rddreg [dreg:$0x1]  }
0x3: {  	s3 =	simm.s32 $0x0;
	s13 =	simm.s32 $0x3;
	s14 =	simm.s32 $0x2A00  }
0x4: {  	s15 =	simm.s32 $0x80;
	s16 =	simm.s32 $0x2800;
	s17 =	simm.s32 $0x2880  }
0x5: {  	s18 =	simm.s32 $0x6A00;
	s19 =	simm.s32 $0x1;
	s20 =	simm.s32 $0x2900  }
0x6: {  	s21 =	simm.s32 $0x2;
	s22 =	simm.s32 $0x2980;
	s5 =	sand.u32 $0x1, s0  }
0x7: {  	s24 =	simm.s32 $0x0;
	s0 =	stileid.u32;
	s8 =	smul.u32 $0x13C000, s5  }
0x8: {  	[smem:$0x7FF] =	sst s3;
	s4 =	sadd.s32 $0xF200, s6;
	s9 =	smul.u32 $0x13C00, s0  }
0x9: {  	s1 =	sshll.u32 s5, $0x4;
	s10 =	smul.u32 $0x4F000, s0;
	s29 =	ssub.s32 $0x2, s5  }
0xa: {  	s23 =	sshll.u32 s0, $0x6;
	s1 =	sor.u32 s0, s1;
	s31 =	sshrl.u32 s29, $0x1  }
0xb: {  	s23 =	sor.u32 $0x1C03, s23;
	s7 =	smul.u32 $0x500, s1;
	s1 =	rddreg [dreg:$0x2]  }
0xc: {  	_ =	strace $0x80000053;
	s8 =	sadd.s32 s9, s8;
	s30 =	sshrl.u32 s10, $0x2  }
0xd: {  	s12 =	ssub.s32 s29, s31;
	s8 =	sshrl.u32 s8, $0x3;
	s5 =	sadd.s32 s30, s2  }
0xe: {  	s12 =	smax.u32 s12, $0x1;
	s7 =	sadd.s32 s7, s6;
	s11 =	sadd.s32 s8, s6  }
0xf: {  	s8 =	sadd.s32 $0x8000, s5;
	s9 =	sadd.s32 $0xC000, s5;
	s10 =	sadd.s32 $0x10000, s5  }
0x10: {  	v0 =	vimm.f32 $0.0e+00;
	s6 =	sadd.s32 $0x5200, s7;
	s7 =	sadd.s32 $0x4000, s5;
	s11 =	sadd.s32 $0x36400, s11  }
.LBB2_1:
0x11: {  	[tilespmem:s3], [sflag:$0x3] =	stream.linear.gather [hbm4b:s6+s3], $0x2800, $0x38;
	[tilespmem:$0x1E600] =	vst v63  }
0x12: {  	_ =	swait.ge [sflag:s13], $0x2800  }
0x13: {  	[sflag:s13] =	ssyncset.done $0x0  }
0x14: {  	s25 =	simm.s32 $0x0;
	s26 =	simm.s32 $0x200;
	[sflag:s13] =	ssyncadd.s32 $0xFFFFD800  }
.LBB2_2:
0x15: {  	p0 =	sne.s32 s26, $0xFE00;
	[tilespmem:s25+$0x2A70] =	vst v0  }
0x16: {  	[tilespmem:s25+$0x2A00] =	vst v0  }
0x17: {  	[tilespmem:s25+$0x2A10] =	vst v0  }
.Ltmp0:
0x18: {  	[tilespmem:s25+$0x2A20] =	vst v0;
	(pc) =	sbr.rel @p0 .LBB2_2-.Ltmp0, $4  }
0x19: {  	[tilespmem:s25+$0x2A30] =	vst v0  }
0x1a: {  	[tilespmem:s25+$0x2A40] =	vst v0  }
0x1b: {  	[tilespmem:s25+$0x2A50] =	vst v0  }
0x1c: {  	[tilespmem:s25+$0x2A60] =	vst v0;
	s25 =	sshra.s32 s26, $0x2;
	s26 =	sadd.s32 $0x200, s26  }
0x1d: {  	[tilespmem:s25+$0x2A70] =	vst v0  }
0x1e: {  	[tilespmem:s25+$0x2A00] =	vst v0  }
0x1f: {  	[tilespmem:s25+$0x2A10] =	vst v0  }
0x20: {  	[tilespmem:s25+$0x2A20] =	vst v0  }
0x21: {  	[tilespmem:s25+$0x2A30] =	vst v0  }
0x22: {  	[tilespmem:s25+$0x2A40] =	vst v0  }
0x23: {  	[tilespmem:s25+$0x2A50] =	vst v0  }
0x24: {  	[tilespmem:s25+$0x2A60] =	vst v0  }
0x25: {  	[spmem:s5] =	stream.linear.scatter [tilespmem:s14], [sflag:$0x3], $0x4000, $0x38;
	[tilespmem:$0x1E600] =	vst v63  }
0x26: {  	_ =	swait.ge [sflag:s13], $0x4000  }
0x27: {  	[sflag:s13] =	ssyncset.done $0x0  }
0x28: {  	[sflag:s13] =	ssyncadd.s32 $0xFFFFC000  }
0x29: {  	[spmem:s7] =	stream.linear.scatter [tilespmem:s14], [sflag:$0x3], $0x4000, $0x38;
	[tilespmem:$0x1E600] =	vst v63  }
0x2a: {  	_ =	swait.ge [sflag:s13], $0x4000  }
0x2b: {  	[sflag:s13] =	ssyncset.done $0x0  }
0x2c: {  	[sflag:s13] =	ssyncadd.s32 $0xFFFFC000  }
0x2d: {  	[spmem:s8] =	stream.linear.scatter [tilespmem:s14], [sflag:$0x3], $0x4000, $0x38;
	[tilespmem:$0x1E600] =	vst v63  }
0x2e: {  	_ =	swait.ge [sflag:s13], $0x4000  }
0x2f: {  	[sflag:s13] =	ssyncset.done $0x0  }
0x30: {  	[sflag:s13] =	ssyncadd.s32 $0xFFFFC000  }
0x31: {  	[spmem:s9] =	stream.linear.scatter [tilespmem:s14], [sflag:$0x3], $0x4000, $0x38;
	[tilespmem:$0x1E600] =	vst v63  }
0x32: {  	_ =	swait.ge [sflag:s13], $0x4000  }
0x33: {  	[sflag:s13] =	ssyncset.done $0x0  }
0x34: {  	[sflag:s13] =	ssyncadd.s32 $0xFFFFC000  }
0x35: {  	[spmem:s10] =	stream.linear.scatter [tilespmem:s14], [sflag:$0x3], $0x3C00, $0x38;
	[tilespmem:$0x1E600] =	vst v63  }
0x36: {  	_ =	swait.ge [sflag:s13], $0x3C00  }
0x37: {  	[sflag:s13] =	ssyncset.done $0x0  }
0x38: {  	[sflag:s13] =	ssyncadd.s32 $0xFFFFC400  }
0x39: {  	[bflag:$0x0] =	sbarrier.arrive $0xFFFF  }
0x3a: {  	v1 =	vld [tilespmem:$0x0];
	_ =	sdelay $0x1  }
0x3b: {  	v2 =	vld [tilespmem:$0x10];
	_ =	sdelay $0x1  }
0x3c: {  	v3 =	vld [tilespmem:$0x20]  }
0x3d: {  	v4 =	vand.u32 $0xFFFF, v1  }
0x3e: {  	v62 =	vld [tilespmem:$0x30];
	v1 =	vshrl.u32 v1, $0x10;
	[tilespmem:$0x2800] =	vst v4  }
0x3f: {  	[tilespmem:$0x2900] =	vst v1;
	v1 =	vand.u32 $0xFFFF, v2  }
0x40: {  	[tilespmem:$0x2810] =	vst v1;
	v1 =	vshrl.u32 v2, $0x10;
	v2 =	vld [tilespmem:$0x40]  }
0x41: {  	[tilespmem:$0x2910] =	vst v1;
	v1 =	vand.u32 $0xFFFF, v3  }
0x42: {  	[tilespmem:$0x2820] =	vst v1;
	v1 =	vshrl.u32 v3, $0x10;
	v3 =	vld [tilespmem:$0x50]  }
0x43: {  	[tilespmem:$0x2920] =	vst v1;
	v1 =	vand.u32 $0xFFFF, v62  }
0x44: {  	v63 =	vld [tilespmem:$0x60];
	[tilespmem:$0x2830] =	vst v1;
	v1 =	vshrl.u32 v62, $0x10  }
0x45: {  	[tilespmem:$0x2930] =	vst v1;
	v1 =	vand.u32 $0xFFFF, v2  }
0x46: {  	[tilespmem:$0x2840] =	vst v1;
	v1 =	vshrl.u32 v2, $0x10;
	v2 =	vld [tilespmem:$0x70]  }
0x47: {  	[tilespmem:$0x2940] =	vst v1;
	v1 =	vand.u32 $0xFFFF, v3  }
0x48: {  	[tilespmem:$0x2850] =	vst v1;
	v1 =	vshrl.u32 v3, $0x10  }
0x49: {  	[tilespmem:$0x2950] =	vst v1;
	v1 =	vand.u32 $0xFFFF, v63  }
0x4a: {  	[tilespmem:$0x2860] =	vst v1;
	v1 =	vshrl.u32 v63, $0x10  }
0x4b: {  	[tilespmem:$0x2960] =	vst v1;
	v1 =	vand.u32 $0xFFFF, v2  }
0x4c: {  	[tilespmem:$0x2870] =	vst v1;
	v1 =	vshrl.u32 v2, $0x10  }
0x4d: {  	s28 =	simm.s32 $0x0;
	[tilespmem:$0x2970] =	vst v1  }
0x4e: {  	[tilespmem:s14], [sflag:$0x1] =	stream.indirect.gather [hbm4b:s4+s15], $0x80, s16, s15, $0xb8;
	[tilespmem:$0x1E600] =	vst v63  }
0x4f: {  	v1 =	vld [tilespmem:s28+$0x80];
	_ =	sdelay $0x4  }
0x50: {  	v2 =	vand.u32 $0xFFFF, v1  }
0x51: {  	v1 =	vshrl.u32 v1, $0x10;
	[tilespmem:$0x2880] =	vst v2  }
0x52: {  	[tilespmem:$0x2980] =	vst v1  }
0x53: {  	v1 =	vld [tilespmem:s28+$0x90];
	_ =	sdelay $0x4  }
0x54: {  	v2 =	vand.u32 $0xFFFF, v1  }
0x55: {  	v1 =	vshrl.u32 v1, $0x10;
	[tilespmem:$0x2890] =	vst v2  }
0x56: {  	[tilespmem:$0x2990] =	vst v1  }
0x57: {  	v1 =	vld [tilespmem:s28+$0xA0];
	_ =	sdelay $0x4  }
0x58: {  	v2 =	vand.u32 $0xFFFF, v1  }
0x59: {  	v1 =	vshrl.u32 v1, $0x10;
	[tilespmem:$0x28A0] =	vst v2  }
0x5a: {  	[tilespmem:$0x29A0] =	vst v1  }
0x5b: {  	v1 =	vld [tilespmem:s28+$0xB0];
	_ =	sdelay $0x4  }
0x5c: {  	v2 =	vand.u32 $0xFFFF, v1  }
0x5d: {  	v1 =	vshrl.u32 v1, $0x10;
	[tilespmem:$0x28B0] =	vst v2  }
0x5e: {  	[tilespmem:$0x29B0] =	vst v1  }
0x5f: {  	v1 =	vld [tilespmem:s28+$0xC0];
	_ =	sdelay $0x4  }
0x60: {  	v2 =	vand.u32 $0xFFFF, v1  }
0x61: {  	v1 =	vshrl.u32 v1, $0x10;
	[tilespmem:$0x28C0] =	vst v2  }
0x62: {  	[tilespmem:$0x29C0] =	vst v1  }
0x63: {  	v1 =	vld [tilespmem:s28+$0xD0];
	_ =	sdelay $0x4  }
0x64: {  	v2 =	vand.u32 $0xFFFF, v1  }
0x65: {  	v1 =	vshrl.u32 v1, $0x10;
	[tilespmem:$0x28D0] =	vst v2  }
0x66: {  	[tilespmem:$0x29D0] =	vst v1  }
0x67: {  	v1 =	vld [tilespmem:s28+$0xE0];
	_ =	sdelay $0x4  }
0x68: {  	v2 =	vand.u32 $0xFFFF, v1  }
0x69: {  	v1 =	vshrl.u32 v1, $0x10;
	[tilespmem:$0x28E0] =	vst v2  }
0x6a: {  	[tilespmem:$0x29E0] =	vst v1  }
0x6b: {  	v1 =	vld [tilespmem:s28+$0xF0];
	_ =	sdelay $0x4  }
0x6c: {  	v2 =	vand.u32 $0xFFFF, v1  }
0x6d: {  	v1 =	vshrl.u32 v1, $0x10;
	[tilespmem:$0x28F0] =	vst v2  }
0x6e: {  	[tilespmem:$0x29F0] =	vst v1  }
0x6f: {  	[tilespmem:s18], [sflag:$0x2] =	stream.indirect.gather [hbm4b:s4+s15], $0x80, s17, s15, $0xb8;
	[tilespmem:$0x1E600] =	vst v63  }
0x70: {  	_ =	swait.ge [sflag:s19], $0x4000  }
0x71: {  	[sflag:s19] =	ssyncset.done $0x0  }
0x72: {  	[sflag:s19] =	ssyncadd.s32 $0xFFFFC000  }
0x73: {  	[spmem:s2] =	stream.indirect.scatter.add.f32 [tilespmem:s14], [sflag:$0x3], $0x80, s20, s15, $0xb8;
	[tilespmem:$0x1E600] =	vst v63  }
0x74: {  	_ =	swait.ge [sflag:s13], $0x4000  }
0x75: {  	p1 =	por $0x0, $0x0;
	[sflag:s13] =	ssyncset.done $0x0  }
0x76: {  	s26 =	simm.s32 @!p1 $0x0;
	[sflag:s13] =	ssyncadd.s32 $0xFFFFC000  }
0x77: {  	v1 =	vld @!p1 [tilespmem:s26+$0x100];
	_ =	sdelay $0x4  }
0x78: {  	v2 =	vand.u32 @!p1 $0xFFFF, v1  }
0x79: {  	v1 =	vshrl.u32 @!p1 v1, $0x10;
	[tilespmem:$0x2800] =	vst @!p1 v2  }
0x7a: {  	[tilespmem:$0x2900] =	vst @!p1 v1  }
0x7b: {  	v1 =	vld @!p1 [tilespmem:s26+$0x110];
	_ =	sdelay $0x4  }
0x7c: {  	v2 =	vand.u32 @!p1 $0xFFFF, v1  }
0x7d: {  	v1 =	vshrl.u32 @!p1 v1, $0x10;
	[tilespmem:$0x2810] =	vst @!p1 v2  }
0x7e: {  	[tilespmem:$0x2910] =	vst @!p1 v1  }
0x7f: {  	v1 =	vld @!p1 [tilespmem:s26+$0x120];
	_ =	sdelay $0x4  }
0x80: {  	v2 =	vand.u32 @!p1 $0xFFFF, v1  }
0x81: {  	v1 =	vshrl.u32 @!p1 v1, $0x10;
	[tilespmem:$0x2820] =	vst @!p1 v2  }
0x82: {  	[tilespmem:$0x2920] =	vst @!p1 v1  }
0x83: {  	v1 =	vld @!p1 [tilespmem:s26+$0x130];
	_ =	sdelay $0x4  }
0x84: {  	v2 =	vand.u32 @!p1 $0xFFFF, v1  }
0x85: {  	v1 =	vshrl.u32 @!p1 v1, $0x10;
	[tilespmem:$0x2830] =	vst @!p1 v2  }
0x86: {  	[tilespmem:$0x2930] =	vst @!p1 v1  }
0x87: {  	v1 =	vld @!p1 [tilespmem:s26+$0x140];
	_ =	sdelay $0x4  }
0x88: {  	v2 =	vand.u32 @!p1 $0xFFFF, v1  }
0x89: {  	v1 =	vshrl.u32 @!p1 v1, $0x10;
	[tilespmem:$0x2840] =	vst @!p1 v2  }
0x8a: {  	[tilespmem:$0x2940] =	vst @!p1 v1  }
0x8b: {  	v1 =	vld @!p1 [tilespmem:s26+$0x150];
	_ =	sdelay $0x4  }
0x8c: {  	v2 =	vand.u32 @!p1 $0xFFFF, v1  }
0x8d: {  	v1 =	vshrl.u32 @!p1 v1, $0x10;
	[tilespmem:$0x2850] =	vst @!p1 v2  }
0x8e: {  	[tilespmem:$0x2950] =	vst @!p1 v1  }
0x8f: {  	v1 =	vld @!p1 [tilespmem:s26+$0x160];
	_ =	sdelay $0x4  }
0x90: {  	s25 =	simm.s32 $0x400;
	v2 =	vand.u32 @!p1 $0xFFFF, v1  }
0x91: {  	s29 =	simm.s32 @!p1 $0x80;
	s30 =	simm.s32 @!p1 $0x2800;
	s31 =	simm.s32 @!p1 $0x2A00;
	v1 =	vshrl.u32 @!p1 v1, $0x10;
	[tilespmem:$0x2860] =	vst @!p1 v2  }
.LBB2_4:
0x92: {  	[tilespmem:$0x2960] =	vst @!p1 v1;
	s28 =	smov.u32 s25;
	s25 =	sadd.s32 $0x400, s25  }
0x93: {  	p0 =	sne.s32 s25, $0xA000;
	v1 =	vld @!p1 [tilespmem:s26+$0x170];
	_ =	sdelay $0x4  }
0x94: {  	v2 =	vand.u32 @!p1 $0xFFFF, v1;
	v1 =	vshrl.u32 @!p1 v1, $0x10  }
0x95: {  	[tilespmem:$0x2870] =	vst @!p1 v2  }
0x96: {  	[tilespmem:$0x2970] =	vst @!p1 v1  }
0x97: {  	[tilespmem:s31], [sflag:$0x1] =	stream.indirect.gather @!p1 [hbm4b:s4+s29], $0x80, s30, s29, $0xb8;
	[tilespmem:$0x1E600] =	vst v63  }
0x98: {  	_ =	swait.ge [sflag:s21], $0x4000  }
0x99: {  	[sflag:s21] =	ssyncset.done $0x0  }
0x9a: {  	[sflag:s21] =	ssyncadd.s32 $0xFFFFC000  }
0x9b: {  	[spmem:s2] =	stream.indirect.scatter.add.f32 [tilespmem:s18], [sflag:$0x3], $0x80, s22, s15, $0xb8;
	[tilespmem:$0x1E600] =	vst v63  }
0x9c: {  	_ =	swait.ge [sflag:s13], $0x4000  }
0x9d: {  	[sflag:s13] =	ssyncset.done $0x0  }
0x9e: {  	s26 =	sshra.s32 s28, $0x2;
	[sflag:s13] =	ssyncadd.s32 $0xFFFFC000  }
0x9f: {  	v1 =	vld [tilespmem:s26+$0x80];
	_ =	sdelay $0x4  }
0xa0: {  	v2 =	vand.u32 $0xFFFF, v1;
	v1 =	vshrl.u32 v1, $0x10  }
0xa1: {  	[tilespmem:$0x2880] =	vst v2  }
0xa2: {  	[tilespmem:$0x2980] =	vst v1  }
0xa3: {  	v1 =	vld [tilespmem:s26+$0x90];
	_ =	sdelay $0x4  }
0xa4: {  	v2 =	vand.u32 $0xFFFF, v1;
	v1 =	vshrl.u32 v1, $0x10  }
0xa5: {  	[tilespmem:$0x2890] =	vst v2  }
0xa6: {  	[tilespmem:$0x2990] =	vst v1  }
0xa7: {  	v1 =	vld [tilespmem:s26+$0xA0];
	_ =	sdelay $0x4  }
0xa8: {  	v2 =	vand.u32 $0xFFFF, v1;
	v1 =	vshrl.u32 v1, $0x10  }
0xa9: {  	[tilespmem:$0x28A0] =	vst v2  }
0xaa: {  	[tilespmem:$0x29A0] =	vst v1  }
0xab: {  	v1 =	vld [tilespmem:s26+$0xB0];
	_ =	sdelay $0x4  }
0xac: {  	v2 =	vand.u32 $0xFFFF, v1;
	v1 =	vshrl.u32 v1, $0x10  }
0xad: {  	[tilespmem:$0x28B0] =	vst v2  }
0xae: {  	[tilespmem:$0x29B0] =	vst v1  }
0xaf: {  	v1 =	vld [tilespmem:s26+$0xC0];
	_ =	sdelay $0x4  }
0xb0: {  	v2 =	vand.u32 $0xFFFF, v1;
	v1 =	vshrl.u32 v1, $0x10  }
0xb1: {  	[tilespmem:$0x28C0] =	vst v2  }
0xb2: {  	[tilespmem:$0x29C0] =	vst v1  }
0xb3: {  	v1 =	vld [tilespmem:s26+$0xD0];
	_ =	sdelay $0x4  }
0xb4: {  	v2 =	vand.u32 $0xFFFF, v1;
	v1 =	vshrl.u32 v1, $0x10  }
0xb5: {  	[tilespmem:$0x28D0] =	vst v2  }
0xb6: {  	[tilespmem:$0x29D0] =	vst v1  }
0xb7: {  	v1 =	vld [tilespmem:s26+$0xE0];
	_ =	sdelay $0x4  }
0xb8: {  	v2 =	vand.u32 $0xFFFF, v1;
	v1 =	vshrl.u32 v1, $0x10  }
0xb9: {  	[tilespmem:$0x28E0] =	vst v2  }
0xba: {  	[tilespmem:$0x29E0] =	vst v1  }
0xbb: {  	v1 =	vld [tilespmem:s26+$0xF0];
	_ =	sdelay $0x4  }
0xbc: {  	v2 =	vand.u32 $0xFFFF, v1;
	v1 =	vshrl.u32 v1, $0x10  }
0xbd: {  	p1 =	seq.s32 s28, $0x9C00;
	[tilespmem:$0x28F0] =	vst v2  }
0xbe: {  	s26 =	sshra.s32 @!p1 s28, $0x2;
	[tilespmem:$0x29F0] =	vst v1  }
0xbf: {  	[tilespmem:s18], [sflag:$0x2] =	stream.indirect.gather [hbm4b:s4+s15], $0x80, s17, s15, $0xb8;
	[tilespmem:$0x1E600] =	vst v63  }
0xc0: {  	_ =	swait.ge [sflag:s19], $0x4000  }
0xc1: {  	[sflag:s19] =	ssyncset.done $0x0  }
0xc2: {  	[sflag:s19] =	ssyncadd.s32 $0xFFFFC000  }
0xc3: {  	[spmem:s2] =	stream.indirect.scatter.add.f32 [tilespmem:s14], [sflag:$0x3], $0x80, s20, s15, $0xb8;
	[tilespmem:$0x1E600] =	vst v63  }
0xc4: {  	_ =	swait.ge [sflag:s13], $0x4000  }
0xc5: {  	[sflag:s13] =	ssyncset.done $0x0  }
0xc6: {  	[sflag:s13] =	ssyncadd.s32 $0xFFFFC000  }
0xc7: {  	v1 =	vld @!p1 [tilespmem:s26+$0x100];
	_ =	sdelay $0x4  }
0xc8: {  	v2 =	vand.u32 @!p1 $0xFFFF, v1;
	v1 =	vshrl.u32 @!p1 v1, $0x10  }
0xc9: {  	[tilespmem:$0x2800] =	vst @!p1 v2  }
0xca: {  	[tilespmem:$0x2900] =	vst @!p1 v1  }
0xcb: {  	v1 =	vld @!p1 [tilespmem:s26+$0x110];
	_ =	sdelay $0x4  }
0xcc: {  	v2 =	vand.u32 @!p1 $0xFFFF, v1;
	v1 =	vshrl.u32 @!p1 v1, $0x10  }
0xcd: {  	[tilespmem:$0x2810] =	vst @!p1 v2  }
0xce: {  	[tilespmem:$0x2910] =	vst @!p1 v1  }
0xcf: {  	v1 =	vld @!p1 [tilespmem:s26+$0x120];
	_ =	sdelay $0x4  }
0xd0: {  	v2 =	vand.u32 @!p1 $0xFFFF, v1;
	v1 =	vshrl.u32 @!p1 v1, $0x10  }
0xd1: {  	[tilespmem:$0x2820] =	vst @!p1 v2  }
0xd2: {  	[tilespmem:$0x2920] =	vst @!p1 v1  }
0xd3: {  	v1 =	vld @!p1 [tilespmem:s26+$0x130];
	_ =	sdelay $0x4  }
0xd4: {  	v2 =	vand.u32 @!p1 $0xFFFF, v1;
	v1 =	vshrl.u32 @!p1 v1, $0x10  }
0xd5: {  	[tilespmem:$0x2830] =	vst @!p1 v2  }
0xd6: {  	[tilespmem:$0x2930] =	vst @!p1 v1  }
0xd7: {  	v1 =	vld @!p1 [tilespmem:s26+$0x140];
	_ =	sdelay $0x4  }
0xd8: {  	v2 =	vand.u32 @!p1 $0xFFFF, v1;
	v1 =	vshrl.u32 @!p1 v1, $0x10  }
0xd9: {  	[tilespmem:$0x2840] =	vst @!p1 v2  }
0xda: {  	[tilespmem:$0x2940] =	vst @!p1 v1  }
0xdb: {  	v1 =	vld @!p1 [tilespmem:s26+$0x150];
	_ =	sdelay $0x4  }
0xdc: {  	v2 =	vand.u32 @!p1 $0xFFFF, v1;
	v1 =	vshrl.u32 @!p1 v1, $0x10  }
0xdd: {  	[tilespmem:$0x2850] =	vst @!p1 v2  }
0xde: {  	s29 =	simm.s32 @!p1 $0x80;
	s30 =	simm.s32 @!p1 $0x2800;
	s31 =	simm.s32 @!p1 $0x2A00;
	[tilespmem:$0x2950] =	vst @!p1 v1  }
0xdf: {  	v1 =	vld @!p1 [tilespmem:s26+$0x160];
	_ =	sdelay $0x1  }
.Ltmp1:
0xe0: {  	(pc) =	sbr.rel @p0 .LBB2_4-.Ltmp1, $3  }
0xe1: {  	_ =	sdelay $0x1  }
0xe2: {  	v2 =	vand.u32 @!p1 $0xFFFF, v1;
	v1 =	vshrl.u32 @!p1 v1, $0x10  }
0xe3: {  	[tilespmem:$0x2860] =	vst @!p1 v2  }
0xe4: {  	[tilespmem:$0x2960] =	vst @!p1 v1  }
0xe5: {  	v1 =	vld @!p1 [tilespmem:s26+$0x170];
	_ =	sdelay $0x4  }
0xe6: {  	v2 =	vand.u32 @!p1 $0xFFFF, v1  }
0xe7: {  	v1 =	vshrl.u32 @!p1 v1, $0x10;
	[tilespmem:$0x2870] =	vst @!p1 v2  }
0xe8: {  	[tilespmem:$0x2970] =	vst @!p1 v1  }
0xe9: {  	[tilespmem:s31], [sflag:$0x1] =	stream.indirect.gather @!p1 [hbm4b:s4+s29], $0x80, s30, s29, $0xb8;
	[tilespmem:$0x1E600] =	vst v63  }
0xea: {  	_ =	swait.ge [sflag:s21], $0x4000  }
0xeb: {  	[sflag:s21] =	ssyncset.done $0x0  }
0xec: {  	[sflag:s21] =	ssyncadd.s32 $0xFFFFC000  }
0xed: {  	[spmem:s2] =	stream.indirect.scatter.add.f32 [tilespmem:s18], [sflag:$0x3], $0x80, s22, s15, $0xb8;
	[tilespmem:$0x1E600] =	vst v63  }
0xee: {  	_ =	swait.ge [sflag:s13], $0x4000  }
0xef: {  	s24 =	sadd.s32 $0x1, s24;
	[sflag:s13] =	ssyncset.done $0x0  }
0xf0: {  	p0 =	sne.s32 s24, s12;
	[sflag:s13] =	ssyncadd.s32 $0xFFFFC000  }
.Ltmp2:
0xf1: {  	s25 =	sshrl.u32 s5, $0x3;
	[bflag:$0x0] =	sbarrier.arrive $0xFFFF;
	(pc) =	sbr.rel @p0 .LBB2_1-.Ltmp2, $4  }
0xf2: {  	[hbm:s11], [sflag:s23] =	dma.local [spmem:s25], $0x2780  }
0xf3: {  	_ =	swait.ge [sflag:s13], $0x2780  }
0xf4: {  	[sflag:s13] =	ssyncset.done $0x0  }
0xf5: {  	[sflag:s13] =	ssyncadd.s32 $0xFFFFD880  }
0xf6: {  	_ =	sfence.sel $0x180000  }
0xf7: {  	[bflag:$0x0] =	sbarrier.arrive $0xFFFF  }
0xf8: {  	p0 =	sne.s32 s0, $0x0;
	_ =	strace $0x90000053  }
0xf9: {  	s0 =	sadd.s32 @!p0 $0x100000, s1;
	[bflag:$0x2] =	sbarrier.arrive $0xFFFF  }
0xfa: {  	[sflag:s0] =	ssyncadd.tile.s32 @!p0 $0x1;
	_ =	shalt  }
.Lfunc_end2:
_tile_overlayer_lowered:
.L_overlay_start_2:
0xfb: {  	(tag) =	ssettag $0x2  }
0xfc: {  	s0 =	rddreg [dreg:$0x0];
	s2 =	stileid.u32  }
0xfd: {  	s1 =	rddreg [dreg:$0x1];
	p0 =	sne.s32 s2, $0x0  }
0xfe: {  	s3 =	rddreg [dreg:$0x2];
	[bflag:$0x3] =	sbarrier.arrive $0xFFFF;
	s2 =	simm.s32 @!p0 $0x1C03  }
0xff: {  	[timem:s3], [sflag:s2] =	dma.local @!p0 [hbm:s0], s1  }
0x100: {  	s0 =	simm.s32 @!p0 $0x3  }
0x101: {  	_ =	swait.ge @!p0 [sflag:s0], s1  }
0x102: {  	s1 =	ssub.s32 @!p0 $0x0, s1;
	[sflag:s0] =	ssyncset.done @!p0 $0x0  }
0x103: {  	[sflag:s0] =	ssyncadd.s32 @!p0 s1  }
0x104: {  	[bflag:$0x3] =	sbarrier.arrive $0xFFFF  }
0x105: {  	_ =	shalt  }

</sc_bundles>
